<compile_context>
chip_gen: v7x
topology: tpu7x:2x2x1
jax: 0.10.2.dev20260603
libtpu: 0.0.44.dev20260713+nightly
codegen_flags: <defaults>
</compile_context>

<pallas_src>
import functools

import jax
import jax.numpy as jnp
from jax import lax
from jax.experimental import pallas as pl
from jax.experimental.pallas import tpu as pltpu
from jax.experimental.pallas import tpu_sc as plsc

NUM_CORES = 2
NUM_SUBCORES = 16
NUM_TILES = NUM_CORES * NUM_SUBCORES
LANES = 16

NUM_DIMS = 5
PAIR_TILES = 12
SINGLE_TILES = 8
CHUNK = 7680
UNROLL = 16


def _sc_edge_dot_body(xcols, ei, out, col0, col1, sbuf0, sbuf1, dbuf0,
                      dbuf1, accbuf, ssem, dsem, *, n_chunks, tail, np_rows):
    sbufs = (sbuf0, sbuf1)
    dbufs = (dbuf0, dbuf1)
    wid = lax.axis_index("s") * NUM_CORES + lax.axis_index("c")
    accbuf[...] = jnp.zeros((LANES,), jnp.float32)

    def edge_copies(base, slot, size):
        return (
            pltpu.make_async_copy(ei.at[pl.ds(0, 1), pl.ds(base, size)],
                                  sbufs[slot].at[:, pl.ds(0, size)],
                                  ssem.at[slot]),
            pltpu.make_async_copy(ei.at[pl.ds(1, 1), pl.ds(base, size)],
                                  dbufs[slot].at[:, pl.ds(0, size)],
                                  dsem.at[slot]),
        )

    def start(base, slot, size=CHUNK):
        for cp in edge_copies(base, slot, size):
            cp.start()

    def wait(base, slot, size=CHUNK):
        for cp in edge_copies(base, slot, size):
            cp.wait()

    def compute(slot, acc, cols, mask, n_edges=CHUNK):
        sb = sbufs[slot]
        db = dbufs[slot]

        @plsc.parallel_loop(0, n_edges, step=LANES, unroll=UNROLL, carry=acc)
        def vec_loop(off, a):
            sv = sb[0, pl.ds(off, LANES)]
            tv = db[0, pl.ds(off, LANES)]
            for col in cols:
                a = a + (plsc.load_gather(col, [sv], mask=mask)
                         * plsc.load_gather(col, [tv], mask=mask))
            return a

        return vec_loop

    def run_class(rank, stride, col_loads):
        cols = tuple(ref for _, ref in col_loads)
        ones = jnp.full((LANES,), True)
        start(rank * CHUNK, 0)
        for coff, ref in col_loads:
            pltpu.sync_copy(xcols.at[pl.ds(coff * np_rows, np_rows)], ref)
        npairs = (n_chunks - rank + 2 * stride - 1) // (2 * stride)

        @pl.loop(0, npairs, init_carry=jnp.zeros((LANES,), jnp.float32))
        def pair_loop(j, acc):
            c0 = rank + j * 2 * stride
            c1 = c0 + stride
            v1 = c1 < n_chunks
            m1 = jnp.broadcast_to(v1, (LANES,))

            @pl.when(v1)
            def _():
                start(c1 * CHUNK, 1)

            wait(c0 * CHUNK, 0)
            acc = compute(0, acc, cols, ones)
            c2 = c0 + 2 * stride

            @pl.when(c2 < n_chunks)
            def _():
                start(c2 * CHUNK, 0)

            @pl.when(v1)
            def _():
                wait(c1 * CHUNK, 1)

            acc2 = compute(1, acc, cols, m1)
            return jnp.where(m1, acc2, acc)

        acc = pair_loop
        if tail:
            @pl.when(rank == 0)
            def _():
                base = n_chunks * CHUNK
                start(base, 0, tail)
                wait(base, 0, tail)
                accbuf[...] = compute(0, acc, cols, ones, n_edges=tail)

            @pl.when(rank != 0)
            def _():
                accbuf[...] = acc
        else:
            accbuf[...] = acc

    @pl.when(wid < PAIR_TILES)
    def _():
        run_class(wid, PAIR_TILES, ((0, col0), (1, col1)))

    @pl.when((wid >= PAIR_TILES) & (wid < 2 * PAIR_TILES))
    def _():
        run_class(wid - PAIR_TILES, PAIR_TILES, ((2, col0), (3, col1)))

    @pl.when(wid >= 2 * PAIR_TILES)
    def _():
        run_class(wid - 2 * PAIR_TILES, SINGLE_TILES, ((4, col0),))

    pltpu.sync_copy(accbuf, out.at[wid])


def _finish_body(p_ref, w_ref, o_ref):
    o_ref[0] = jnp.sum(p_ref[...]) * w_ref[0]


def kernel(x, edge_index, W1, b1, W2, b2, w):
    n = x.shape[0]
    e = edge_index.shape[1]
    np_rows = ((n + LANES - 1) // LANES) * LANES
    n_chunks = e // CHUNK
    tail = e - n_chunks * CHUNK
    assert tail % LANES == 0, "tail remainder lanes not implemented"

    xcols = jnp.pad(x.astype(jnp.float32).T,
                    ((0, 0), (0, np_rows - n))).reshape(-1)
    ei = edge_index.astype(jnp.int32)

    sc_call = pl.kernel(
        functools.partial(_sc_edge_dot_body, n_chunks=n_chunks, tail=tail,
                          np_rows=np_rows),
        out_type=jax.ShapeDtypeStruct((NUM_TILES, LANES), jnp.float32),
        mesh=plsc.VectorSubcoreMesh(core_axis_name="c", subcore_axis_name="s"),
        compiler_params=pltpu.CompilerParams(needs_layout_passes=False),
        scratch_types=[
            pltpu.VMEM((np_rows,), jnp.float32),
            pltpu.VMEM((np_rows,), jnp.float32),
            pltpu.VMEM((1, CHUNK), jnp.int32),
            pltpu.VMEM((1, CHUNK), jnp.int32),
            pltpu.VMEM((1, CHUNK), jnp.int32),
            pltpu.VMEM((1, CHUNK), jnp.int32),
            pltpu.VMEM((LANES,), jnp.float32),
            pltpu.SemaphoreType.DMA((2,)),
            pltpu.SemaphoreType.DMA((2,)),
        ],
    )
    partials = sc_call(xcols, ei)

    finish = pl.pallas_call(
        _finish_body,
        out_shape=jax.ShapeDtypeStruct((1,), jnp.float32),
        in_specs=[
            pl.BlockSpec(memory_space=pltpu.VMEM),
            pl.BlockSpec(memory_space=pltpu.SMEM),
        ],
        out_specs=pl.BlockSpec(memory_space=pltpu.SMEM),
    )
    return finish(partials, w.astype(jnp.float32))

# --- scband reference (transcript-rebuilt; emitter-appended) ---
"""Pipeline reference for scband-gnn-22247930593288 (READ-ONLY COPY).

The authoritative reference and input builder live on the scoring server;
editing this copy changes nothing except your own understanding.
"""

import jax, jax.numpy as jnp
import numpy as np

N_NODES = 50000
N_EDGES = 3200000
D_IN = 5
D_HID = 64


def gcn_conv(x, edge_index, W, b, n_nodes):
    # GCNConv: add self loops, symmetric normalization, linear transform, scatter-add aggregate
    src = edge_index[0]
    dst = edge_index[1]
    loop = jnp.arange(n_nodes, dtype=src.dtype)
    src = jnp.concatenate([src, loop])
    dst = jnp.concatenate([dst, loop])
    deg = jnp.zeros((n_nodes,), x.dtype).at[dst].add(1.0)
    dinv = jnp.where(deg > 0, 1.0 / jnp.sqrt(deg), 0.0)
    norm = dinv[src] * dinv[dst]
    xw = x @ W
    msgs = xw[src] * norm[:, None]
    out = jnp.zeros((n_nodes, W.shape[1]), x.dtype).at[dst].add(msgs)
    return out + b


def setup_inputs(seed: int = 0):
    key = jax.random.key(seed)
    ks = jax.random.split(key, 7)
    x = jax.random.normal(ks[0], (N_NODES, D_IN), dtype=jnp.float32)
    edge_index = jax.random.randint(ks[1], (2, N_EDGES), 0, N_NODES, dtype=jnp.int32)
    W1 = jax.random.normal(ks[2], (D_IN, D_HID), dtype=jnp.float32) * 0.1
    b1 = jnp.zeros((D_HID,), dtype=jnp.float32)
    W2 = jax.random.normal(ks[3], (D_HID, D_IN), dtype=jnp.float32) * 0.1
    b2 = jnp.zeros((D_IN,), dtype=jnp.float32)
    w = jax.random.uniform(ks[4], (1,), dtype=jnp.float32)
    return {"x": x, "edge_index": edge_index, "W1": W1, "b1": b1, "W2": W2, "b2": b2, "w": w}


def reference(x, edge_index, W1, b1, W2, b2, w):
    n_nodes = x.shape[0]
    # conv1 -> conv2 (result assigned to local x in original, but the original
    # module's final loop reads data1.x, i.e. the ORIGINAL node features).
    h = gcn_conv(x, edge_index, W1, b1, n_nodes)
    h = gcn_conv(h, edge_index, W2, b2, n_nodes)
    # per-graph sum over edges of dot(x[src], x[tgt]) on original features
    src = edge_index[0]
    dst = edge_index[1]
    s = jnp.sum(jnp.sum(x[src] * x[dst], axis=1))
    out = s[None] * w  # single graph in batch -> shape [1]
    return out

if __name__ == "__main__":
    import jax
    _d = setup_inputs()
    print(jax.jit(kernel)(*tuple(_d.values())))

</pallas_src>

<mosaic_0001>
#map = affine_map<(d0, d1) -> (0)>
#map1 = affine_map<(d0, d1) -> (0, 0)>
module attributes {stable_mosaic.version = 14 : i64} {
  func.func @_sc_edge_dot_body(%arg0: i32, %arg1: i32, %arg2: memref<250000xf32, #tpu.memory_space<hbm>>, %arg3: memref<2x3200000xi32, #tpu.memory_space<hbm>>, %arg4: memref<32x16xf32, #tpu.memory_space<hbm>>, %arg5: memref<50000xf32, #tpu.memory_space<vmem>>, %arg6: memref<50000xf32, #tpu.memory_space<vmem>>, %arg7: memref<1x7680xi32, #tpu.memory_space<vmem>>, %arg8: memref<1x7680xi32, #tpu.memory_space<vmem>>, %arg9: memref<1x7680xi32, #tpu.memory_space<vmem>>, %arg10: memref<1x7680xi32, #tpu.memory_space<vmem>>, %arg11: memref<16xf32, #tpu.memory_space<vmem>>, %arg12: memref<2x!tpu.dma_semaphore, #tpu.memory_space<semaphore_mem>>, %arg13: memref<2x!tpu.dma_semaphore, #tpu.memory_space<semaphore_mem>>) attributes {dimension_semantics = [#tpu.dimension_semantics<core_parallel>, #tpu.dimension_semantics<subcore_parallel>], iteration_bounds = array<i64: 2, 16>, scalar_prefetch = 0 : i64, scratch_operands = 9 : i64, tpu.core_type = #tpu.core_type<sc_vector_subcore>, window_params = [{transform_indices = #map}, {transform_indices = #map1}, {transform_indices = #map1}]} {
    %mul3A = arith.constant 2 : i32
    %mul3A_0 = arith.muli %arg1, %mul3A : i32
    %add3A = arith.addi %mul3A_0, %arg0 : i32
    %broadcast_in_dim3A = arith.constant 0.000000e+00 : f32
    %broadcast_in_dim3A_1 = vector.broadcast %broadcast_in_dim3A : f32 to vector<16xf32>
    %swap3A = arith.constant 0 : index
    %swap3A_2 = tpu.vector_load %arg11[%swap3A] {strides = array<i32>} : memref<16xf32, #tpu.memory_space<vmem>>, vector<16xf32>,
    tpu.vector_store %arg11[%swap3A], %broadcast_in_dim3A_1 {strides = array<i32>} : memref<16xf32, #tpu.memory_space<vmem>>, vector<16xf32>,
    %lt3A = arith.constant 12 : i32
    %lt3A_3 = arith.cmpi slt, %add3A, %lt3A : i32
    %convert_element_type3A = arith.extui %lt3A_3 : i1 to i32
    %cond3A = arith.constant 0 : i32
    %cond3A_4 = arith.cmpi ne, %convert_element_type3A, %cond3A : i32
    scf.if %cond3A_4 {
      %broadcast_in_dim3A_16 = arith.constant true
      %broadcast_in_dim3A_17 = vector.broadcast %broadcast_in_dim3A_16 : i1 to vector<16xi1>
      %mul3A_18 = arith.constant 7680 : i32
      %mul3A_19 = arith.muli %add3A, %mul3A_18 : i32
      %dma_start3A = arith.constant 0 : i32
      %dma_start3A_20 = arith.constant 0 : i32
      %dma_start3A_21 = arith.constant 0 : i32
      %dma_start3A_22 = tpu.memref_slice %arg7[%dma_start3A_20, %dma_start3A_21] : memref<1x7680xi32, #tpu.memory_space<vmem>> -> memref<1x7680xi32, #tpu.memory_space<vmem>>
      %dma_start3A_23 = arith.constant 0 : i32
      %dma_start3A_24 = tpu.memref_slice %arg3[%dma_start3A_23, %mul3A_19] : memref<2x3200000xi32, #tpu.memory_space<hbm>> -> memref<1x7680xi32, #tpu.memory_space<hbm>>
      %dma_start3A_25 = tpu.memref_slice %arg12[%dma_start3A] : memref<2x!tpu.dma_semaphore, #tpu.memory_space<semaphore_mem>> -> memref<1x!tpu.dma_semaphore, #tpu.memory_space<semaphore_mem>>
      %dma_start3A_26 = tpu.memref_squeeze %dma_start3A_25 : memref<1x!tpu.dma_semaphore, #tpu.memory_space<semaphore_mem>> -> memref<!tpu.dma_semaphore, #tpu.memory_space<semaphore_mem>>
      %dma_start3A_27 = arith.constant 0 : i32
      %dma_start3A_28 = arith.constant 0 : i32
      %dma_start3A_29 = tpu.memref_slice %arg7[%dma_start3A_27, %dma_start3A_28] : memref<1x7680xi32, #tpu.memory_space<vmem>> -> memref<1x7680xi32, #tpu.memory_space<vmem>>
      %dma_start3A_30 = arith.constant 0 : i32
      %dma_start3A_31 = tpu.memref_slice %arg3[%dma_start3A_30, %mul3A_19] : memref<2x3200000xi32, #tpu.memory_space<hbm>> -> memref<1x7680xi32, #tpu.memory_space<hbm>>
      tpu.enqueue_dma source(%dma_start3A_31 : memref<1x7680xi32, #tpu.memory_space<hbm>>) target(%dma_start3A_29 : memref<1x7680xi32, #tpu.memory_space<vmem>>) target_semaphore(%dma_start3A_26 : memref<!tpu.dma_semaphore, #tpu.memory_space<semaphore_mem>>)
      %dma_start3A_32 = arith.constant 0 : i32
      %dma_start3A_33 = arith.constant 0 : i32
      %dma_start3A_34 = arith.constant 0 : i32
      %dma_start3A_35 = tpu.memref_slice %arg9[%dma_start3A_33, %dma_start3A_34] : memref<1x7680xi32, #tpu.memory_space<vmem>> -> memref<1x7680xi32, #tpu.memory_space<vmem>>
      %dma_start3A_36 = arith.constant 1 : i32
      %dma_start3A_37 = tpu.memref_slice %arg3[%dma_start3A_36, %mul3A_19] : memref<2x3200000xi32, #tpu.memory_space<hbm>> -> memref<1x7680xi32, #tpu.memory_space<hbm>>
      %dma_start3A_38 = tpu.memref_slice %arg13[%dma_start3A_32] : memref<2x!tpu.dma_semaphore, #tpu.memory_space<semaphore_mem>> -> memref<1x!tpu.dma_semaphore, #tpu.memory_space<semaphore_mem>>
      %dma_start3A_39 = tpu.memref_squeeze %dma_start3A_38 : memref<1x!tpu.dma_semaphore, #tpu.memory_space<semaphore_mem>> -> memref<!tpu.dma_semaphore, #tpu.memory_space<semaphore_mem>>
      %dma_start3A_40 = arith.constant 0 : i32
      %dma_start3A_41 = arith.constant 0 : i32
      %dma_start3A_42 = tpu.memref_slice %arg9[%dma_start3A_40, %dma_start3A_41] : memref<1x7680xi32, #tpu.memory_space<vmem>> -> memref<1x7680xi32, #tpu.memory_space<vmem>>
      %dma_start3A_43 = arith.constant 1 : i32
      %dma_start3A_44 = tpu.memref_slice %arg3[%dma_start3A_43, %mul3A_19] : memref<2x3200000xi32, #tpu.memory_space<hbm>> -> memref<1x7680xi32, #tpu.memory_space<hbm>>
      tpu.enqueue_dma source(%dma_start3A_44 : memref<1x7680xi32, #tpu.memory_space<hbm>>) target(%dma_start3A_42 : memref<1x7680xi32, #tpu.memory_space<vmem>>) target_semaphore(%dma_start3A_39 : memref<!tpu.dma_semaphore, #tpu.memory_space<semaphore_mem>>)
      "tpu.region"() ({
        %run_scoped3A = tpu.sem_alloc : memref<!tpu.dma_semaphore, #tpu.memory_space<semaphore_mem>>
        %dma_start3A_99 = arith.constant 0 : i32
        %dma_start3A_100 = tpu.memref_slice %arg2[%dma_start3A_99] : memref<250000xf32, #tpu.memory_space<hbm>> -> memref<50000xf32, #tpu.memory_space<hbm>>
        %dma_start3A_101 = arith.constant 0 : i32
        %dma_start3A_102 = tpu.memref_slice %arg2[%dma_start3A_101] : memref<250000xf32, #tpu.memory_space<hbm>> -> memref<50000xf32, #tpu.memory_space<hbm>>
        tpu.enqueue_dma source(%dma_start3A_102 : memref<50000xf32, #tpu.memory_space<hbm>>) target(%arg5 : memref<50000xf32, #tpu.memory_space<vmem>>) target_semaphore(%run_scoped3A : memref<!tpu.dma_semaphore, #tpu.memory_space<semaphore_mem>>)
        %dma_wait3A = arith.constant 0 : i32
        %dma_wait3A_103 = tpu.memref_slice %arg2[%dma_wait3A] : memref<250000xf32, #tpu.memory_space<hbm>> -> memref<50000xf32, #tpu.memory_space<hbm>>
        %dma_wait3A_104 = arith.constant 0 : i32
        %dma_wait3A_105 = tpu.memref_slice %arg2[%dma_wait3A_104] : memref<250000xf32, #tpu.memory_space<hbm>> -> memref<50000xf32, #tpu.memory_space<hbm>>
        tpu.wait_dma2 semaphore(%run_scoped3A : memref<!tpu.dma_semaphore, #tpu.memory_space<semaphore_mem>>) src(%dma_wait3A_105 : memref<50000xf32, #tpu.memory_space<hbm>>) dst(%arg5 : memref<50000xf32, #tpu.memory_space<vmem>>)
        tpu.yield
      }) : () -> ()
      "tpu.region"() ({
        %run_scoped3A = tpu.sem_alloc : memref<!tpu.dma_semaphore, #tpu.memory_space<semaphore_mem>>
        %dma_start3A_99 = arith.constant 50000 : i32
        %dma_start3A_100 = tpu.memref_slice %arg2[%dma_start3A_99] : memref<250000xf32, #tpu.memory_space<hbm>> -> memref<50000xf32, #tpu.memory_space<hbm>>
        %dma_start3A_101 = arith.constant 50000 : i32
        %dma_start3A_102 = tpu.memref_slice %arg2[%dma_start3A_101] : memref<250000xf32, #tpu.memory_space<hbm>> -> memref<50000xf32, #tpu.memory_space<hbm>>
        tpu.enqueue_dma source(%dma_start3A_102 : memref<50000xf32, #tpu.memory_space<hbm>>) target(%arg6 : memref<50000xf32, #tpu.memory_space<vmem>>) target_semaphore(%run_scoped3A : memref<!tpu.dma_semaphore, #tpu.memory_space<semaphore_mem>>)
        %dma_wait3A = arith.constant 50000 : i32
        %dma_wait3A_103 = tpu.memref_slice %arg2[%dma_wait3A] : memref<250000xf32, #tpu.memory_space<hbm>> -> memref<50000xf32, #tpu.memory_space<hbm>>
        %dma_wait3A_104 = arith.constant 50000 : i32
        %dma_wait3A_105 = tpu.memref_slice %arg2[%dma_wait3A_104] : memref<250000xf32, #tpu.memory_space<hbm>> -> memref<50000xf32, #tpu.memory_space<hbm>>
        tpu.wait_dma2 semaphore(%run_scoped3A : memref<!tpu.dma_semaphore, #tpu.memory_space<semaphore_mem>>) src(%dma_wait3A_105 : memref<50000xf32, #tpu.memory_space<hbm>>) dst(%arg6 : memref<50000xf32, #tpu.memory_space<vmem>>)
        tpu.yield
      }) : () -> ()
      %sub3A = arith.constant 416 : i32
      %sub3A_45 = arith.subi %sub3A, %add3A : i32
      %add3A_46 = arith.constant 24 : i32
      %add3A_47 = arith.addi %sub3A_45, %add3A_46 : i32
      %sub3A_48 = arith.constant 1 : i32
      %sub3A_49 = arith.subi %add3A_47, %sub3A_48 : i32
      %jit3A = arith.constant 24 : i32
      %div3A = arith.divsi %sub3A_49, %jit3A : i32
      %sign3A = arith.constant 0 : i32
      %sign3A_50 = arith.cmpi sgt, %sub3A_49, %sign3A : i32
      %sign3A_51 = arith.extui %sign3A_50 : i1 to i32
      %sign3A_52 = arith.constant 0 : i32
      %sign3A_53 = arith.cmpi slt, %sub3A_49, %sign3A_52 : i32
      %sign3A_54 = arith.extui %sign3A_53 : i1 to i32
      %sign3A_55 = arith.subi %sign3A_51, %sign3A_54 : i32
      %sign3A_56 = arith.constant 0 : i32
      %sign3A_57 = arith.cmpi sgt, %jit3A, %sign3A_56 : i32
      %sign3A_58 = arith.extui %sign3A_57 : i1 to i32
      %sign3A_59 = arith.constant 0 : i32
      %sign3A_60 = arith.cmpi slt, %jit3A, %sign3A_59 : i32
      %sign3A_61 = arith.extui %sign3A_60 : i1 to i32
      %sign3A_62 = arith.subi %sign3A_58, %sign3A_61 : i32
      %ne3A = arith.cmpi ne, %sign3A_55, %sign3A_62 : i32
      %rem3A = arith.remsi %sub3A_49, %jit3A : i32
      %ne3A_63 = arith.constant 0 : i32
      %ne3A_64 = arith.cmpi ne, %rem3A, %ne3A_63 : i32
      %and3A_65 = arith.andi %ne3A, %ne3A_64 : i1
      %sub3A_66 = arith.constant 1 : i32
      %sub3A_67 = arith.subi %div3A, %sub3A_66 : i32
      %select_n3A = arith.select %and3A_65, %sub3A_67, %div3A : i32
      %broadcast_in_dim3A_68 = arith.constant 0.000000e+00 : f32
      %broadcast_in_dim3A_69 = vector.broadcast %broadcast_in_dim3A_68 : f32 to vector<16xf32>
      %sub3A_70 = arith.constant 0 : i32
      %sub3A_71 = arith.subi %select_n3A, %sub3A_70 : i32
      %sub3A_72 = arith.constant 1 : i32
      %sub3A_73 = arith.constant 1 : i32
      %sub3A_74 = arith.subi %sub3A_72, %sub3A_73 : i32
      %add3A_75 = arith.addi %sub3A_71, %sub3A_74 : i32
      %div3A_76 = arith.constant 1 : i32
      %div3A_77 = arith.divsi %add3A_75, %div3A_76 : i32
      %while3A = arith.constant 1 : i32
      %while3A_78 = arith.constant 0 : i32
      %while3A_79 = arith.constant 0 : i32
      %while3A_80 = arith.subi %div3A_77, %while3A_79 : i32
      %while3A_81 = arith.addi %while3A_79, %while3A_80 : i32
      %while3A_82 = arith.constant 1 : i32
      %while3A_83 = arith.divsi %while3A_80, %while3A_82 : i32
      %while3A_84 = arith.muli %while3A_83, %while3A_82 : i32
      %while3A_85 = arith.addi %while3A_79, %while3A_84 : i32
      %while3A_86 = arith.constant 1 : i32
      %while3A_87 = scf.for %while3A_99 = %while3A_79 to %while3A_85 step %while3A_86 iter_args(%while3A_100 = %broadcast_in_dim3A_69) -> (vector<16xf32>)  : i32 {
        %mul3A_101 = arith.muli %while3A_99, %while3A : i32
        %add3A_102 = arith.addi %while3A_78, %mul3A_101 : i32
        %mul3A_103 = arith.constant 2 : i32
        %mul3A_104 = arith.muli %add3A_102, %mul3A_103 : i32
        %mul3A_105 = arith.constant 12 : i32
        %mul3A_106 = arith.muli %mul3A_104, %mul3A_105 : i32
        %add3A_107 = arith.addi %add3A, %mul3A_106 : i32
        %add3A_108 = arith.constant 12 : i32
        %add3A_109 = arith.addi %add3A_107, %add3A_108 : i32
        %lt3A_110 = arith.constant 416 : i32
        %lt3A_111 = arith.cmpi slt, %add3A_109, %lt3A_110 : i32
        %broadcast_in_dim3A_112 = vector.broadcast %lt3A_111 : i1 to vector<16xi1>
        %convert_element_type3A_113 = arith.extui %lt3A_111 : i1 to i32
        %cond3A_114 = arith.constant 0 : i32
        %cond3A_115 = arith.cmpi ne, %convert_element_type3A_113, %cond3A_114 : i32
        scf.if %cond3A_115 {
          %mul3A_161 = arith.constant 7680 : i32
          %mul3A_162 = arith.muli %add3A_109, %mul3A_161 : i32
          %dma_start3A_163 = arith.constant 1 : i32
          %dma_start3A_164 = arith.constant 0 : i32
          %dma_start3A_165 = arith.constant 0 : i32
          %dma_start3A_166 = tpu.memref_slice %arg8[%dma_start3A_164, %dma_start3A_165] : memref<1x7680xi32, #tpu.memory_space<vmem>> -> memref<1x7680xi32, #tpu.memory_space<vmem>>
          %dma_start3A_167 = arith.constant 0 : i32
          %dma_start3A_168 = tpu.memref_slice %arg3[%dma_start3A_167, %mul3A_162] : memref<2x3200000xi32, #tpu.memory_space<hbm>> -> memref<1x7680xi32, #tpu.memory_space<hbm>>
          %dma_start3A_169 = tpu.memref_slice %arg12[%dma_start3A_163] : memref<2x!tpu.dma_semaphore, #tpu.memory_space<semaphore_mem>> -> memref<1x!tpu.dma_semaphore, #tpu.memory_space<semaphore_mem>>
          %dma_start3A_170 = tpu.memref_squeeze %dma_start3A_169 : memref<1x!tpu.dma_semaphore, #tpu.memory_space<semaphore_mem>> -> memref<!tpu.dma_semaphore, #tpu.memory_space<semaphore_mem>>
          %dma_start3A_171 = arith.constant 0 : i32
          %dma_start3A_172 = arith.constant 0 : i32
          %dma_start3A_173 = tpu.memref_slice %arg8[%dma_start3A_171, %dma_start3A_172] : memref<1x7680xi32, #tpu.memory_space<vmem>> -> memref<1x7680xi32, #tpu.memory_space<vmem>>
          %dma_start3A_174 = arith.constant 0 : i32
          %dma_start3A_175 = tpu.memref_slice %arg3[%dma_start3A_174, %mul3A_162] : memref<2x3200000xi32, #tpu.memory_space<hbm>> -> memref<1x7680xi32, #tpu.memory_space<hbm>>
          tpu.enqueue_dma source(%dma_start3A_175 : memref<1x7680xi32, #tpu.memory_space<hbm>>) target(%dma_start3A_173 : memref<1x7680xi32, #tpu.memory_space<vmem>>) target_semaphore(%dma_start3A_170 : memref<!tpu.dma_semaphore, #tpu.memory_space<semaphore_mem>>)
          %dma_start3A_176 = arith.constant 1 : i32
          %dma_start3A_177 = arith.constant 0 : i32
          %dma_start3A_178 = arith.constant 0 : i32
          %dma_start3A_179 = tpu.memref_slice %arg10[%dma_start3A_177, %dma_start3A_178] : memref<1x7680xi32, #tpu.memory_space<vmem>> -> memref<1x7680xi32, #tpu.memory_space<vmem>>
          %dma_start3A_180 = arith.constant 1 : i32
          %dma_start3A_181 = tpu.memref_slice %arg3[%dma_start3A_180, %mul3A_162] : memref<2x3200000xi32, #tpu.memory_space<hbm>> -> memref<1x7680xi32, #tpu.memory_space<hbm>>
          %dma_start3A_182 = tpu.memref_slice %arg13[%dma_start3A_176] : memref<2x!tpu.dma_semaphore, #tpu.memory_space<semaphore_mem>> -> memref<1x!tpu.dma_semaphore, #tpu.memory_space<semaphore_mem>>
          %dma_start3A_183 = tpu.memref_squeeze %dma_start3A_182 : memref<1x!tpu.dma_semaphore, #tpu.memory_space<semaphore_mem>> -> memref<!tpu.dma_semaphore, #tpu.memory_space<semaphore_mem>>
          %dma_start3A_184 = arith.constant 0 : i32
          %dma_start3A_185 = arith.constant 0 : i32
          %dma_start3A_186 = tpu.memref_slice %arg10[%dma_start3A_184, %dma_start3A_185] : memref<1x7680xi32, #tpu.memory_space<vmem>> -> memref<1x7680xi32, #tpu.memory_space<vmem>>
          %dma_start3A_187 = arith.constant 1 : i32
          %dma_start3A_188 = tpu.memref_slice %arg3[%dma_start3A_187, %mul3A_162] : memref<2x3200000xi32, #tpu.memory_space<hbm>> -> memref<1x7680xi32, #tpu.memory_space<hbm>>
          tpu.enqueue_dma source(%dma_start3A_188 : memref<1x7680xi32, #tpu.memory_space<hbm>>) target(%dma_start3A_186 : memref<1x7680xi32, #tpu.memory_space<vmem>>) target_semaphore(%dma_start3A_183 : memref<!tpu.dma_semaphore, #tpu.memory_space<semaphore_mem>>)
        } else {
        }
        %mul3A_116 = arith.constant 7680 : i32
        %mul3A_117 = arith.muli %add3A_107, %mul3A_116 : i32
        %dma_wait3A = arith.constant 0 : i32
        %dma_wait3A_118 = arith.constant 0 : i32
        %dma_wait3A_119 = arith.constant 0 : i32
        %dma_wait3A_120 = tpu.memref_slice %arg7[%dma_wait3A_118, %dma_wait3A_119] : memref<1x7680xi32, #tpu.memory_space<vmem>> -> memref<1x7680xi32, #tpu.memory_space<vmem>>
        %dma_wait3A_121 = arith.constant 0 : i32
        %dma_wait3A_122 = tpu.memref_slice %arg3[%dma_wait3A_121, %mul3A_117] : memref<2x3200000xi32, #tpu.memory_space<hbm>> -> memref<1x7680xi32, #tpu.memory_space<hbm>>
        %dma_wait3A_123 = tpu.memref_slice %arg12[%dma_wait3A] : memref<2x!tpu.dma_semaphore, #tpu.memory_space<semaphore_mem>> -> memref<1x!tpu.dma_semaphore, #tpu.memory_space<semaphore_mem>>
        %dma_wait3A_124 = tpu.memref_squeeze %dma_wait3A_123 : memref<1x!tpu.dma_semaphore, #tpu.memory_space<semaphore_mem>> -> memref<!tpu.dma_semaphore, #tpu.memory_space<semaphore_mem>>
        %dma_wait3A_125 = arith.constant 0 : i32
        %dma_wait3A_126 = arith.constant 0 : i32
        %dma_wait3A_127 = tpu.memref_slice %arg7[%dma_wait3A_125, %dma_wait3A_126] : memref<1x7680xi32, #tpu.memory_space<vmem>> -> memref<1x7680xi32, #tpu.memory_space<vmem>>
        %dma_wait3A_128 = arith.constant 0 : i32
        %dma_wait3A_129 = tpu.memref_slice %arg3[%dma_wait3A_128, %mul3A_117] : memref<2x3200000xi32, #tpu.memory_space<hbm>> -> memref<1x7680xi32, #tpu.memory_space<hbm>>
        tpu.wait_dma2 semaphore(%dma_wait3A_124 : memref<!tpu.dma_semaphore, #tpu.memory_space<semaphore_mem>>) src(%dma_wait3A_129 : memref<1x7680xi32, #tpu.memory_space<hbm>>) dst(%dma_wait3A_127 : memref<1x7680xi32, #tpu.memory_space<vmem>>)
        %dma_wait3A_130 = arith.constant 0 : i32
        %dma_wait3A_131 = arith.constant 0 : i32
        %dma_wait3A_132 = arith.constant 0 : i32
        %dma_wait3A_133 = tpu.memref_slice %arg9[%dma_wait3A_131, %dma_wait3A_132] : memref<1x7680xi32, #tpu.memory_space<vmem>> -> memref<1x7680xi32, #tpu.memory_space<vmem>>
        %dma_wait3A_134 = arith.constant 1 : i32
        %dma_wait3A_135 = tpu.memref_slice %arg3[%dma_wait3A_134, %mul3A_117] : memref<2x3200000xi32, #tpu.memory_space<hbm>> -> memref<1x7680xi32, #tpu.memory_space<hbm>>
        %dma_wait3A_136 = tpu.memref_slice %arg13[%dma_wait3A_130] : memref<2x!tpu.dma_semaphore, #tpu.memory_space<semaphore_mem>> -> memref<1x!tpu.dma_semaphore, #tpu.memory_space<semaphore_mem>>
        %dma_wait3A_137 = tpu.memref_squeeze %dma_wait3A_136 : memref<1x!tpu.dma_semaphore, #tpu.memory_space<semaphore_mem>> -> memref<!tpu.dma_semaphore, #tpu.memory_space<semaphore_mem>>
        %dma_wait3A_138 = arith.constant 0 : i32
        %dma_wait3A_139 = arith.constant 0 : i32
        %dma_wait3A_140 = tpu.memref_slice %arg9[%dma_wait3A_138, %dma_wait3A_139] : memref<1x7680xi32, #tpu.memory_space<vmem>> -> memref<1x7680xi32, #tpu.memory_space<vmem>>
        %dma_wait3A_141 = arith.constant 1 : i32
        %dma_wait3A_142 = tpu.memref_slice %arg3[%dma_wait3A_141, %mul3A_117] : memref<2x3200000xi32, #tpu.memory_space<hbm>> -> memref<1x7680xi32, #tpu.memory_space<hbm>>
        tpu.wait_dma2 semaphore(%dma_wait3A_137 : memref<!tpu.dma_semaphore, #tpu.memory_space<semaphore_mem>>) src(%dma_wait3A_142 : memref<1x7680xi32, #tpu.memory_space<hbm>>) dst(%dma_wait3A_140 : memref<1x7680xi32, #tpu.memory_space<vmem>>)
        %parallel_loop3A = arith.constant 0 : i32
        %parallel_loop3A_143 = arith.constant 7680 : i32
        %parallel_loop3A_144 = arith.constant 16 : i32
        %parallel_loop3A_145 = scf.for %parallel_loop3A_161 = %parallel_loop3A to %parallel_loop3A_143 step %parallel_loop3A_144 iter_args(%parallel_loop3A_162 = %while3A_100) -> (vector<16xf32>)  : i32 {
          %parallel_loop3A_163 = arith.constant 0 : i32
          %parallel_loop3A_164 = arith.index_cast %parallel_loop3A_163 : i32 to index
          %parallel_loop3A_165 = arith.index_cast %parallel_loop3A_161 : i32 to index
          %parallel_loop3A_166 = tpu.vector_load %arg7[%parallel_loop3A_164, %parallel_loop3A_165] {strides = array<i32>} : memref<1x7680xi32, #tpu.memory_space<vmem>>, vector<16xi32>,
          %parallel_loop3A_167 = arith.constant 0 : i32
          %parallel_loop3A_168 = arith.index_cast %parallel_loop3A_167 : i32 to index
          %parallel_loop3A_169 = arith.index_cast %parallel_loop3A_161 : i32 to index
          %parallel_loop3A_170 = tpu.vector_load %arg9[%parallel_loop3A_168, %parallel_loop3A_169] {strides = array<i32>} : memref<1x7680xi32, #tpu.memory_space<vmem>>, vector<16xi32>,
          %parallel_loop3A_171 = tpu.vector_load_idx %arg5[%parallel_loop3A_166] masked %broadcast_in_dim3A_17 : memref<50000xf32, #tpu.memory_space<vmem>>[vector<16xi32>], vector<16xf32>, vector<16xi1>
          %parallel_loop3A_172 = tpu.vector_load_idx %arg5[%parallel_loop3A_170] masked %broadcast_in_dim3A_17 : memref<50000xf32, #tpu.memory_space<vmem>>[vector<16xi32>], vector<16xf32>, vector<16xi1>
          %parallel_loop3A_173 = arith.mulf %parallel_loop3A_171, %parallel_loop3A_172 : vector<16xf32>
          %parallel_loop3A_174 = arith.addf %parallel_loop3A_162, %parallel_loop3A_173 : vector<16xf32>
          %parallel_loop3A_175 = tpu.vector_load_idx %arg6[%parallel_loop3A_166] masked %broadcast_in_dim3A_17 : memref<50000xf32, #tpu.memory_space<vmem>>[vector<16xi32>], vector<16xf32>, vector<16xi1>
          %parallel_loop3A_176 = tpu.vector_load_idx %arg6[%parallel_loop3A_170] masked %broadcast_in_dim3A_17 : memref<50000xf32, #tpu.memory_space<vmem>>[vector<16xi32>], vector<16xf32>, vector<16xi1>
          %parallel_loop3A_177 = arith.mulf %parallel_loop3A_175, %parallel_loop3A_176 : vector<16xf32>
          %parallel_loop3A_178 = arith.addf %parallel_loop3A_174, %parallel_loop3A_177 : vector<16xf32>
          scf.yield %parallel_loop3A_178 : vector<16xf32>
        } {sc.loop_unroll_factor = 16 : i64, sc.parallel_access}
        %add3A_146 = arith.constant 24 : i32
        %add3A_147 = arith.addi %add3A_107, %add3A_146 : i32
        %lt3A_148 = arith.constant 416 : i32
        %lt3A_149 = arith.cmpi slt, %add3A_147, %lt3A_148 : i32
        %convert_element_type3A_150 = arith.extui %lt3A_149 : i1 to i32
        %cond3A_151 = arith.constant 0 : i32
        %cond3A_152 = arith.cmpi ne, %convert_element_type3A_150, %cond3A_151 : i32
        scf.if %cond3A_152 {
          %mul3A_161 = arith.constant 7680 : i32
          %mul3A_162 = arith.muli %add3A_147, %mul3A_161 : i32
          %dma_start3A_163 = arith.constant 0 : i32
          %dma_start3A_164 = arith.constant 0 : i32
          %dma_start3A_165 = arith.constant 0 : i32
          %dma_start3A_166 = tpu.memref_slice %arg7[%dma_start3A_164, %dma_start3A_165] : memref<1x7680xi32, #tpu.memory_space<vmem>> -> memref<1x7680xi32, #tpu.memory_space<vmem>>
          %dma_start3A_167 = arith.constant 0 : i32
          %dma_start3A_168 = tpu.memref_slice %arg3[%dma_start3A_167, %mul3A_162] : memref<2x3200000xi32, #tpu.memory_space<hbm>> -> memref<1x7680xi32, #tpu.memory_space<hbm>>
          %dma_start3A_169 = tpu.memref_slice %arg12[%dma_start3A_163] : memref<2x!tpu.dma_semaphore, #tpu.memory_space<semaphore_mem>> -> memref<1x!tpu.dma_semaphore, #tpu.memory_space<semaphore_mem>>
          %dma_start3A_170 = tpu.memref_squeeze %dma_start3A_169 : memref<1x!tpu.dma_semaphore, #tpu.memory_space<semaphore_mem>> -> memref<!tpu.dma_semaphore, #tpu.memory_space<semaphore_mem>>
          %dma_start3A_171 = arith.constant 0 : i32
          %dma_start3A_172 = arith.constant 0 : i32
          %dma_start3A_173 = tpu.memref_slice %arg7[%dma_start3A_171, %dma_start3A_172] : memref<1x7680xi32, #tpu.memory_space<vmem>> -> memref<1x7680xi32, #tpu.memory_space<vmem>>
          %dma_start3A_174 = arith.constant 0 : i32
          %dma_start3A_175 = tpu.memref_slice %arg3[%dma_start3A_174, %mul3A_162] : memref<2x3200000xi32, #tpu.memory_space<hbm>> -> memref<1x7680xi32, #tpu.memory_space<hbm>>
          tpu.enqueue_dma source(%dma_start3A_175 : memref<1x7680xi32, #tpu.memory_space<hbm>>) target(%dma_start3A_173 : memref<1x7680xi32, #tpu.memory_space<vmem>>) target_semaphore(%dma_start3A_170 : memref<!tpu.dma_semaphore, #tpu.memory_space<semaphore_mem>>)
          %dma_start3A_176 = arith.constant 0 : i32
          %dma_start3A_177 = arith.constant 0 : i32
          %dma_start3A_178 = arith.constant 0 : i32
          %dma_start3A_179 = tpu.memref_slice %arg9[%dma_start3A_177, %dma_start3A_178] : memref<1x7680xi32, #tpu.memory_space<vmem>> -> memref<1x7680xi32, #tpu.memory_space<vmem>>
          %dma_start3A_180 = arith.constant 1 : i32
          %dma_start3A_181 = tpu.memref_slice %arg3[%dma_start3A_180, %mul3A_162] : memref<2x3200000xi32, #tpu.memory_space<hbm>> -> memref<1x7680xi32, #tpu.memory_space<hbm>>
          %dma_start3A_182 = tpu.memref_slice %arg13[%dma_start3A_176] : memref<2x!tpu.dma_semaphore, #tpu.memory_space<semaphore_mem>> -> memref<1x!tpu.dma_semaphore, #tpu.memory_space<semaphore_mem>>
          %dma_start3A_183 = tpu.memref_squeeze %dma_start3A_182 : memref<1x!tpu.dma_semaphore, #tpu.memory_space<semaphore_mem>> -> memref<!tpu.dma_semaphore, #tpu.memory_space<semaphore_mem>>
          %dma_start3A_184 = arith.constant 0 : i32
          %dma_start3A_185 = arith.constant 0 : i32
          %dma_start3A_186 = tpu.memref_slice %arg9[%dma_start3A_184, %dma_start3A_185] : memref<1x7680xi32, #tpu.memory_space<vmem>> -> memref<1x7680xi32, #tpu.memory_space<vmem>>
          %dma_start3A_187 = arith.constant 1 : i32
          %dma_start3A_188 = tpu.memref_slice %arg3[%dma_start3A_187, %mul3A_162] : memref<2x3200000xi32, #tpu.memory_space<hbm>> -> memref<1x7680xi32, #tpu.memory_space<hbm>>
          tpu.enqueue_dma source(%dma_start3A_188 : memref<1x7680xi32, #tpu.memory_space<hbm>>) target(%dma_start3A_186 : memref<1x7680xi32, #tpu.memory_space<vmem>>) target_semaphore(%dma_start3A_183 : memref<!tpu.dma_semaphore, #tpu.memory_space<semaphore_mem>>)
        } else {
        }
        %convert_element_type3A_153 = arith.extui %lt3A_111 : i1 to i32
        %cond3A_154 = arith.constant 0 : i32
        %cond3A_155 = arith.cmpi ne, %convert_element_type3A_153, %cond3A_154 : i32
        scf.if %cond3A_155 {
          %mul3A_161 = arith.constant 7680 : i32
          %mul3A_162 = arith.muli %add3A_109, %mul3A_161 : i32
          %dma_wait3A_163 = arith.constant 1 : i32
          %dma_wait3A_164 = arith.constant 0 : i32
          %dma_wait3A_165 = arith.constant 0 : i32
          %dma_wait3A_166 = tpu.memref_slice %arg8[%dma_wait3A_164, %dma_wait3A_165] : memref<1x7680xi32, #tpu.memory_space<vmem>> -> memref<1x7680xi32, #tpu.memory_space<vmem>>
          %dma_wait3A_167 = arith.constant 0 : i32
          %dma_wait3A_168 = tpu.memref_slice %arg3[%dma_wait3A_167, %mul3A_162] : memref<2x3200000xi32, #tpu.memory_space<hbm>> -> memref<1x7680xi32, #tpu.memory_space<hbm>>
          %dma_wait3A_169 = tpu.memref_slice %arg12[%dma_wait3A_163] : memref<2x!tpu.dma_semaphore, #tpu.memory_space<semaphore_mem>> -> memref<1x!tpu.dma_semaphore, #tpu.memory_space<semaphore_mem>>
          %dma_wait3A_170 = tpu.memref_squeeze %dma_wait3A_169 : memref<1x!tpu.dma_semaphore, #tpu.memory_space<semaphore_mem>> -> memref<!tpu.dma_semaphore, #tpu.memory_space<semaphore_mem>>
          %dma_wait3A_171 = arith.constant 0 : i32
          %dma_wait3A_172 = arith.constant 0 : i32
          %dma_wait3A_173 = tpu.memref_slice %arg8[%dma_wait3A_171, %dma_wait3A_172] : memref<1x7680xi32, #tpu.memory_space<vmem>> -> memref<1x7680xi32, #tpu.memory_space<vmem>>
          %dma_wait3A_174 = arith.constant 0 : i32
          %dma_wait3A_175 = tpu.memref_slice %arg3[%dma_wait3A_174, %mul3A_162] : memref<2x3200000xi32, #tpu.memory_space<hbm>> -> memref<1x7680xi32, #tpu.memory_space<hbm>>
          tpu.wait_dma2 semaphore(%dma_wait3A_170 : memref<!tpu.dma_semaphore, #tpu.memory_space<semaphore_mem>>) src(%dma_wait3A_175 : memref<1x7680xi32, #tpu.memory_space<hbm>>) dst(%dma_wait3A_173 : memref<1x7680xi32, #tpu.memory_space<vmem>>)
          %dma_wait3A_176 = arith.constant 1 : i32
          %dma_wait3A_177 = arith.constant 0 : i32
          %dma_wait3A_178 = arith.constant 0 : i32
          %dma_wait3A_179 = tpu.memref_slice %arg10[%dma_wait3A_177, %dma_wait3A_178] : memref<1x7680xi32, #tpu.memory_space<vmem>> -> memref<1x7680xi32, #tpu.memory_space<vmem>>
          %dma_wait3A_180 = arith.constant 1 : i32
          %dma_wait3A_181 = tpu.memref_slice %arg3[%dma_wait3A_180, %mul3A_162] : memref<2x3200000xi32, #tpu.memory_space<hbm>> -> memref<1x7680xi32, #tpu.memory_space<hbm>>
          %dma_wait3A_182 = tpu.memref_slice %arg13[%dma_wait3A_176] : memref<2x!tpu.dma_semaphore, #tpu.memory_space<semaphore_mem>> -> memref<1x!tpu.dma_semaphore, #tpu.memory_space<semaphore_mem>>
          %dma_wait3A_183 = tpu.memref_squeeze %dma_wait3A_182 : memref<1x!tpu.dma_semaphore, #tpu.memory_space<semaphore_mem>> -> memref<!tpu.dma_semaphore, #tpu.memory_space<semaphore_mem>>
          %dma_wait3A_184 = arith.constant 0 : i32
          %dma_wait3A_185 = arith.constant 0 : i32
          %dma_wait3A_186 = tpu.memref_slice %arg10[%dma_wait3A_184, %dma_wait3A_185] : memref<1x7680xi32, #tpu.memory_space<vmem>> -> memref<1x7680xi32, #tpu.memory_space<vmem>>
          %dma_wait3A_187 = arith.constant 1 : i32
          %dma_wait3A_188 = tpu.memref_slice %arg3[%dma_wait3A_187, %mul3A_162] : memref<2x3200000xi32, #tpu.memory_space<hbm>> -> memref<1x7680xi32, #tpu.memory_space<hbm>>
          tpu.wait_dma2 semaphore(%dma_wait3A_183 : memref<!tpu.dma_semaphore, #tpu.memory_space<semaphore_mem>>) src(%dma_wait3A_188 : memref<1x7680xi32, #tpu.memory_space<hbm>>) dst(%dma_wait3A_186 : memref<1x7680xi32, #tpu.memory_space<vmem>>)
        } else {
        }
        %parallel_loop3A_156 = arith.constant 0 : i32
        %parallel_loop3A_157 = arith.constant 7680 : i32
        %parallel_loop3A_158 = arith.constant 16 : i32
        %parallel_loop3A_159 = scf.for %parallel_loop3A_161 = %parallel_loop3A_156 to %parallel_loop3A_157 step %parallel_loop3A_158 iter_args(%parallel_loop3A_162 = %parallel_loop3A_145) -> (vector<16xf32>)  : i32 {
          %parallel_loop3A_163 = arith.constant 0 : i32
          %parallel_loop3A_164 = arith.index_cast %parallel_loop3A_163 : i32 to index
          %parallel_loop3A_165 = arith.index_cast %parallel_loop3A_161 : i32 to index
          %parallel_loop3A_166 = tpu.vector_load %arg8[%parallel_loop3A_164, %parallel_loop3A_165] {strides = array<i32>} : memref<1x7680xi32, #tpu.memory_space<vmem>>, vector<16xi32>,
          %parallel_loop3A_167 = arith.constant 0 : i32
          %parallel_loop3A_168 = arith.index_cast %parallel_loop3A_167 : i32 to index
          %parallel_loop3A_169 = arith.index_cast %parallel_loop3A_161 : i32 to index
          %parallel_loop3A_170 = tpu.vector_load %arg10[%parallel_loop3A_168, %parallel_loop3A_169] {strides = array<i32>} : memref<1x7680xi32, #tpu.memory_space<vmem>>, vector<16xi32>,
          %parallel_loop3A_171 = tpu.vector_load_idx %arg5[%parallel_loop3A_166] masked %broadcast_in_dim3A_112 : memref<50000xf32, #tpu.memory_space<vmem>>[vector<16xi32>], vector<16xf32>, vector<16xi1>
          %parallel_loop3A_172 = tpu.vector_load_idx %arg5[%parallel_loop3A_170] masked %broadcast_in_dim3A_112 : memref<50000xf32, #tpu.memory_space<vmem>>[vector<16xi32>], vector<16xf32>, vector<16xi1>
          %parallel_loop3A_173 = arith.mulf %parallel_loop3A_171, %parallel_loop3A_172 : vector<16xf32>
          %parallel_loop3A_174 = arith.addf %parallel_loop3A_162, %parallel_loop3A_173 : vector<16xf32>
          %parallel_loop3A_175 = tpu.vector_load_idx %arg6[%parallel_loop3A_166] masked %broadcast_in_dim3A_112 : memref<50000xf32, #tpu.memory_space<vmem>>[vector<16xi32>], vector<16xf32>, vector<16xi1>
          %parallel_loop3A_176 = tpu.vector_load_idx %arg6[%parallel_loop3A_170] masked %broadcast_in_dim3A_112 : memref<50000xf32, #tpu.memory_space<vmem>>[vector<16xi32>], vector<16xf32>, vector<16xi1>
          %parallel_loop3A_177 = arith.mulf %parallel_loop3A_175, %parallel_loop3A_176 : vector<16xf32>
          %parallel_loop3A_178 = arith.addf %parallel_loop3A_174, %parallel_loop3A_177 : vector<16xf32>
          scf.yield %parallel_loop3A_178 : vector<16xf32>
        } {sc.loop_unroll_factor = 16 : i64, sc.parallel_access}
        %select_n3A_160 = arith.select %broadcast_in_dim3A_112, %parallel_loop3A_159, %parallel_loop3A_145 : vector<16xi1>, vector<16xf32>
        scf.yield %select_n3A_160 : vector<16xf32>
      }
      %while3A_88 = arith.constant 1 : i32
      %while3A_89 = scf.for %while3A_99 = %while3A_85 to %while3A_81 step %while3A_88 iter_args(%while3A_100 = %while3A_87) -> (vector<16xf32>)  : i32 {
        %mul3A_101 = arith.muli %while3A_99, %while3A : i32
        %add3A_102 = arith.addi %while3A_78, %mul3A_101 : i32
        %mul3A_103 = arith.constant 2 : i32
        %mul3A_104 = arith.muli %add3A_102, %mul3A_103 : i32
        %mul3A_105 = arith.constant 12 : i32
        %mul3A_106 = arith.muli %mul3A_104, %mul3A_105 : i32
        %add3A_107 = arith.addi %add3A, %mul3A_106 : i32
        %add3A_108 = arith.constant 12 : i32
        %add3A_109 = arith.addi %add3A_107, %add3A_108 : i32
        %lt3A_110 = arith.constant 416 : i32
        %lt3A_111 = arith.cmpi slt, %add3A_109, %lt3A_110 : i32
        %broadcast_in_dim3A_112 = vector.broadcast %lt3A_111 : i1 to vector<16xi1>
        %convert_element_type3A_113 = arith.extui %lt3A_111 : i1 to i32
        %cond3A_114 = arith.constant 0 : i32
        %cond3A_115 = arith.cmpi ne, %convert_element_type3A_113, %cond3A_114 : i32
        scf.if %cond3A_115 {
          %mul3A_161 = arith.constant 7680 : i32
          %mul3A_162 = arith.muli %add3A_109, %mul3A_161 : i32
          %dma_start3A_163 = arith.constant 1 : i32
          %dma_start3A_164 = arith.constant 0 : i32
          %dma_start3A_165 = arith.constant 0 : i32
          %dma_start3A_166 = tpu.memref_slice %arg8[%dma_start3A_164, %dma_start3A_165] : memref<1x7680xi32, #tpu.memory_space<vmem>> -> memref<1x7680xi32, #tpu.memory_space<vmem>>
          %dma_start3A_167 = arith.constant 0 : i32
          %dma_start3A_168 = tpu.memref_slice %arg3[%dma_start3A_167, %mul3A_162] : memref<2x3200000xi32, #tpu.memory_space<hbm>> -> memref<1x7680xi32, #tpu.memory_space<hbm>>
          %dma_start3A_169 = tpu.memref_slice %arg12[%dma_start3A_163] : memref<2x!tpu.dma_semaphore, #tpu.memory_space<semaphore_mem>> -> memref<1x!tpu.dma_semaphore, #tpu.memory_space<semaphore_mem>>
          %dma_start3A_170 = tpu.memref_squeeze %dma_start3A_169 : memref<1x!tpu.dma_semaphore, #tpu.memory_space<semaphore_mem>> -> memref<!tpu.dma_semaphore, #tpu.memory_space<semaphore_mem>>
          %dma_start3A_171 = arith.constant 0 : i32
          %dma_start3A_172 = arith.constant 0 : i32
          %dma_start3A_173 = tpu.memref_slice %arg8[%dma_start3A_171, %dma_start3A_172] : memref<1x7680xi32, #tpu.memory_space<vmem>> -> memref<1x7680xi32, #tpu.memory_space<vmem>>
          %dma_start3A_174 = arith.constant 0 : i32
          %dma_start3A_175 = tpu.memref_slice %arg3[%dma_start3A_174, %mul3A_162] : memref<2x3200000xi32, #tpu.memory_space<hbm>> -> memref<1x7680xi32, #tpu.memory_space<hbm>>
          tpu.enqueue_dma source(%dma_start3A_175 : memref<1x7680xi32, #tpu.memory_space<hbm>>) target(%dma_start3A_173 : memref<1x7680xi32, #tpu.memory_space<vmem>>) target_semaphore(%dma_start3A_170 : memref<!tpu.dma_semaphore, #tpu.memory_space<semaphore_mem>>)
          %dma_start3A_176 = arith.constant 1 : i32
          %dma_start3A_177 = arith.constant 0 : i32
          %dma_start3A_178 = arith.constant 0 : i32
          %dma_start3A_179 = tpu.memref_slice %arg10[%dma_start3A_177, %dma_start3A_178] : memref<1x7680xi32, #tpu.memory_space<vmem>> -> memref<1x7680xi32, #tpu.memory_space<vmem>>
          %dma_start3A_180 = arith.constant 1 : i32
          %dma_start3A_181 = tpu.memref_slice %arg3[%dma_start3A_180, %mul3A_162] : memref<2x3200000xi32, #tpu.memory_space<hbm>> -> memref<1x7680xi32, #tpu.memory_space<hbm>>
          %dma_start3A_182 = tpu.memref_slice %arg13[%dma_start3A_176] : memref<2x!tpu.dma_semaphore, #tpu.memory_space<semaphore_mem>> -> memref<1x!tpu.dma_semaphore, #tpu.memory_space<semaphore_mem>>
          %dma_start3A_183 = tpu.memref_squeeze %dma_start3A_182 : memref<1x!tpu.dma_semaphore, #tpu.memory_space<semaphore_mem>> -> memref<!tpu.dma_semaphore, #tpu.memory_space<semaphore_mem>>
          %dma_start3A_184 = arith.constant 0 : i32
          %dma_start3A_185 = arith.constant 0 : i32
          %dma_start3A_186 = tpu.memref_slice %arg10[%dma_start3A_184, %dma_start3A_185] : memref<1x7680xi32, #tpu.memory_space<vmem>> -> memref<1x7680xi32, #tpu.memory_space<vmem>>
          %dma_start3A_187 = arith.constant 1 : i32
          %dma_start3A_188 = tpu.memref_slice %arg3[%dma_start3A_187, %mul3A_162] : memref<2x3200000xi32, #tpu.memory_space<hbm>> -> memref<1x7680xi32, #tpu.memory_space<hbm>>
          tpu.enqueue_dma source(%dma_start3A_188 : memref<1x7680xi32, #tpu.memory_space<hbm>>) target(%dma_start3A_186 : memref<1x7680xi32, #tpu.memory_space<vmem>>) target_semaphore(%dma_start3A_183 : memref<!tpu.dma_semaphore, #tpu.memory_space<semaphore_mem>>)
        } else {
        }
        %mul3A_116 = arith.constant 7680 : i32
        %mul3A_117 = arith.muli %add3A_107, %mul3A_116 : i32
        %dma_wait3A = arith.constant 0 : i32
        %dma_wait3A_118 = arith.constant 0 : i32
        %dma_wait3A_119 = arith.constant 0 : i32
        %dma_wait3A_120 = tpu.memref_slice %arg7[%dma_wait3A_118, %dma_wait3A_119] : memref<1x7680xi32, #tpu.memory_space<vmem>> -> memref<1x7680xi32, #tpu.memory_space<vmem>>
        %dma_wait3A_121 = arith.constant 0 : i32
        %dma_wait3A_122 = tpu.memref_slice %arg3[%dma_wait3A_121, %mul3A_117] : memref<2x3200000xi32, #tpu.memory_space<hbm>> -> memref<1x7680xi32, #tpu.memory_space<hbm>>
        %dma_wait3A_123 = tpu.memref_slice %arg12[%dma_wait3A] : memref<2x!tpu.dma_semaphore, #tpu.memory_space<semaphore_mem>> -> memref<1x!tpu.dma_semaphore, #tpu.memory_space<semaphore_mem>>
        %dma_wait3A_124 = tpu.memref_squeeze %dma_wait3A_123 : memref<1x!tpu.dma_semaphore, #tpu.memory_space<semaphore_mem>> -> memref<!tpu.dma_semaphore, #tpu.memory_space<semaphore_mem>>
        %dma_wait3A_125 = arith.constant 0 : i32
        %dma_wait3A_126 = arith.constant 0 : i32
        %dma_wait3A_127 = tpu.memref_slice %arg7[%dma_wait3A_125, %dma_wait3A_126] : memref<1x7680xi32, #tpu.memory_space<vmem>> -> memref<1x7680xi32, #tpu.memory_space<vmem>>
        %dma_wait3A_128 = arith.constant 0 : i32
        %dma_wait3A_129 = tpu.memref_slice %arg3[%dma_wait3A_128, %mul3A_117] : memref<2x3200000xi32, #tpu.memory_space<hbm>> -> memref<1x7680xi32, #tpu.memory_space<hbm>>
        tpu.wait_dma2 semaphore(%dma_wait3A_124 : memref<!tpu.dma_semaphore, #tpu.memory_space<semaphore_mem>>) src(%dma_wait3A_129 : memref<1x7680xi32, #tpu.memory_space<hbm>>) dst(%dma_wait3A_127 : memref<1x7680xi32, #tpu.memory_space<vmem>>)
        %dma_wait3A_130 = arith.constant 0 : i32
        %dma_wait3A_131 = arith.constant 0 : i32
        %dma_wait3A_132 = arith.constant 0 : i32
        %dma_wait3A_133 = tpu.memref_slice %arg9[%dma_wait3A_131, %dma_wait3A_132] : memref<1x7680xi32, #tpu.memory_space<vmem>> -> memref<1x7680xi32, #tpu.memory_space<vmem>>
        %dma_wait3A_134 = arith.constant 1 : i32
        %dma_wait3A_135 = tpu.memref_slice %arg3[%dma_wait3A_134, %mul3A_117] : memref<2x3200000xi32, #tpu.memory_space<hbm>> -> memref<1x7680xi32, #tpu.memory_space<hbm>>
        %dma_wait3A_136 = tpu.memref_slice %arg13[%dma_wait3A_130] : memref<2x!tpu.dma_semaphore, #tpu.memory_space<semaphore_mem>> -> memref<1x!tpu.dma_semaphore, #tpu.memory_space<semaphore_mem>>
        %dma_wait3A_137 = tpu.memref_squeeze %dma_wait3A_136 : memref<1x!tpu.dma_semaphore, #tpu.memory_space<semaphore_mem>> -> memref<!tpu.dma_semaphore, #tpu.memory_space<semaphore_mem>>
        %dma_wait3A_138 = arith.constant 0 : i32
        %dma_wait3A_139 = arith.constant 0 : i32
        %dma_wait3A_140 = tpu.memref_slice %arg9[%dma_wait3A_138, %dma_wait3A_139] : memref<1x7680xi32, #tpu.memory_space<vmem>> -> memref<1x7680xi32, #tpu.memory_space<vmem>>
        %dma_wait3A_141 = arith.constant 1 : i32
        %dma_wait3A_142 = tpu.memref_slice %arg3[%dma_wait3A_141, %mul3A_117] : memref<2x3200000xi32, #tpu.memory_space<hbm>> -> memref<1x7680xi32, #tpu.memory_space<hbm>>
        tpu.wait_dma2 semaphore(%dma_wait3A_137 : memref<!tpu.dma_semaphore, #tpu.memory_space<semaphore_mem>>) src(%dma_wait3A_142 : memref<1x7680xi32, #tpu.memory_space<hbm>>) dst(%dma_wait3A_140 : memref<1x7680xi32, #tpu.memory_space<vmem>>)
        %parallel_loop3A = arith.constant 0 : i32
        %parallel_loop3A_143 = arith.constant 7680 : i32
        %parallel_loop3A_144 = arith.constant 16 : i32
        %parallel_loop3A_145 = scf.for %parallel_loop3A_161 = %parallel_loop3A to %parallel_loop3A_143 step %parallel_loop3A_144 iter_args(%parallel_loop3A_162 = %while3A_100) -> (vector<16xf32>)  : i32 {
          %parallel_loop3A_163 = arith.constant 0 : i32
          %parallel_loop3A_164 = arith.index_cast %parallel_loop3A_163 : i32 to index
          %parallel_loop3A_165 = arith.index_cast %parallel_loop3A_161 : i32 to index
          %parallel_loop3A_166 = tpu.vector_load %arg7[%parallel_loop3A_164, %parallel_loop3A_165] {strides = array<i32>} : memref<1x7680xi32, #tpu.memory_space<vmem>>, vector<16xi32>,
          %parallel_loop3A_167 = arith.constant 0 : i32
          %parallel_loop3A_168 = arith.index_cast %parallel_loop3A_167 : i32 to index
          %parallel_loop3A_169 = arith.index_cast %parallel_loop3A_161 : i32 to index
          %parallel_loop3A_170 = tpu.vector_load %arg9[%parallel_loop3A_168, %parallel_loop3A_169] {strides = array<i32>} : memref<1x7680xi32, #tpu.memory_space<vmem>>, vector<16xi32>,
          %parallel_loop3A_171 = tpu.vector_load_idx %arg5[%parallel_loop3A_166] masked %broadcast_in_dim3A_17 : memref<50000xf32, #tpu.memory_space<vmem>>[vector<16xi32>], vector<16xf32>, vector<16xi1>
          %parallel_loop3A_172 = tpu.vector_load_idx %arg5[%parallel_loop3A_170] masked %broadcast_in_dim3A_17 : memref<50000xf32, #tpu.memory_space<vmem>>[vector<16xi32>], vector<16xf32>, vector<16xi1>
          %parallel_loop3A_173 = arith.mulf %parallel_loop3A_171, %parallel_loop3A_172 : vector<16xf32>
          %parallel_loop3A_174 = arith.addf %parallel_loop3A_162, %parallel_loop3A_173 : vector<16xf32>
          %parallel_loop3A_175 = tpu.vector_load_idx %arg6[%parallel_loop3A_166] masked %broadcast_in_dim3A_17 : memref<50000xf32, #tpu.memory_space<vmem>>[vector<16xi32>], vector<16xf32>, vector<16xi1>
          %parallel_loop3A_176 = tpu.vector_load_idx %arg6[%parallel_loop3A_170] masked %broadcast_in_dim3A_17 : memref<50000xf32, #tpu.memory_space<vmem>>[vector<16xi32>], vector<16xf32>, vector<16xi1>
          %parallel_loop3A_177 = arith.mulf %parallel_loop3A_175, %parallel_loop3A_176 : vector<16xf32>
          %parallel_loop3A_178 = arith.addf %parallel_loop3A_174, %parallel_loop3A_177 : vector<16xf32>
          scf.yield %parallel_loop3A_178 : vector<16xf32>
        } {sc.loop_unroll_factor = 16 : i64, sc.parallel_access}
        %add3A_146 = arith.constant 24 : i32
        %add3A_147 = arith.addi %add3A_107, %add3A_146 : i32
        %lt3A_148 = arith.constant 416 : i32
        %lt3A_149 = arith.cmpi slt, %add3A_147, %lt3A_148 : i32
        %convert_element_type3A_150 = arith.extui %lt3A_149 : i1 to i32
        %cond3A_151 = arith.constant 0 : i32
        %cond3A_152 = arith.cmpi ne, %convert_element_type3A_150, %cond3A_151 : i32
        scf.if %cond3A_152 {
          %mul3A_161 = arith.constant 7680 : i32
          %mul3A_162 = arith.muli %add3A_147, %mul3A_161 : i32
          %dma_start3A_163 = arith.constant 0 : i32
          %dma_start3A_164 = arith.constant 0 : i32
          %dma_start3A_165 = arith.constant 0 : i32
          %dma_start3A_166 = tpu.memref_slice %arg7[%dma_start3A_164, %dma_start3A_165] : memref<1x7680xi32, #tpu.memory_space<vmem>> -> memref<1x7680xi32, #tpu.memory_space<vmem>>
          %dma_start3A_167 = arith.constant 0 : i32
          %dma_start3A_168 = tpu.memref_slice %arg3[%dma_start3A_167, %mul3A_162] : memref<2x3200000xi32, #tpu.memory_space<hbm>> -> memref<1x7680xi32, #tpu.memory_space<hbm>>
          %dma_start3A_169 = tpu.memref_slice %arg12[%dma_start3A_163] : memref<2x!tpu.dma_semaphore, #tpu.memory_space<semaphore_mem>> -> memref<1x!tpu.dma_semaphore, #tpu.memory_space<semaphore_mem>>
          %dma_start3A_170 = tpu.memref_squeeze %dma_start3A_169 : memref<1x!tpu.dma_semaphore, #tpu.memory_space<semaphore_mem>> -> memref<!tpu.dma_semaphore, #tpu.memory_space<semaphore_mem>>
          %dma_start3A_171 = arith.constant 0 : i32
          %dma_start3A_172 = arith.constant 0 : i32
          %dma_start3A_173 = tpu.memref_slice %arg7[%dma_start3A_171, %dma_start3A_172] : memref<1x7680xi32, #tpu.memory_space<vmem>> -> memref<1x7680xi32, #tpu.memory_space<vmem>>
          %dma_start3A_174 = arith.constant 0 : i32
          %dma_start3A_175 = tpu.memref_slice %arg3[%dma_start3A_174, %mul3A_162] : memref<2x3200000xi32, #tpu.memory_space<hbm>> -> memref<1x7680xi32, #tpu.memory_space<hbm>>
          tpu.enqueue_dma source(%dma_start3A_175 : memref<1x7680xi32, #tpu.memory_space<hbm>>) target(%dma_start3A_173 : memref<1x7680xi32, #tpu.memory_space<vmem>>) target_semaphore(%dma_start3A_170 : memref<!tpu.dma_semaphore, #tpu.memory_space<semaphore_mem>>)
          %dma_start3A_176 = arith.constant 0 : i32
          %dma_start3A_177 = arith.constant 0 : i32
          %dma_start3A_178 = arith.constant 0 : i32
          %dma_start3A_179 = tpu.memref_slice %arg9[%dma_start3A_177, %dma_start3A_178] : memref<1x7680xi32, #tpu.memory_space<vmem>> -> memref<1x7680xi32, #tpu.memory_space<vmem>>
          %dma_start3A_180 = arith.constant 1 : i32
          %dma_start3A_181 = tpu.memref_slice %arg3[%dma_start3A_180, %mul3A_162] : memref<2x3200000xi32, #tpu.memory_space<hbm>> -> memref<1x7680xi32, #tpu.memory_space<hbm>>
          %dma_start3A_182 = tpu.memref_slice %arg13[%dma_start3A_176] : memref<2x!tpu.dma_semaphore, #tpu.memory_space<semaphore_mem>> -> memref<1x!tpu.dma_semaphore, #tpu.memory_space<semaphore_mem>>
          %dma_start3A_183 = tpu.memref_squeeze %dma_start3A_182 : memref<1x!tpu.dma_semaphore, #tpu.memory_space<semaphore_mem>> -> memref<!tpu.dma_semaphore, #tpu.memory_space<semaphore_mem>>
          %dma_start3A_184 = arith.constant 0 : i32
          %dma_start3A_185 = arith.constant 0 : i32
          %dma_start3A_186 = tpu.memref_slice %arg9[%dma_start3A_184, %dma_start3A_185] : memref<1x7680xi32, #tpu.memory_space<vmem>> -> memref<1x7680xi32, #tpu.memory_space<vmem>>
          %dma_start3A_187 = arith.constant 1 : i32
          %dma_start3A_188 = tpu.memref_slice %arg3[%dma_start3A_187, %mul3A_162] : memref<2x3200000xi32, #tpu.memory_space<hbm>> -> memref<1x7680xi32, #tpu.memory_space<hbm>>
          tpu.enqueue_dma source(%dma_start3A_188 : memref<1x7680xi32, #tpu.memory_space<hbm>>) target(%dma_start3A_186 : memref<1x7680xi32, #tpu.memory_space<vmem>>) target_semaphore(%dma_start3A_183 : memref<!tpu.dma_semaphore, #tpu.memory_space<semaphore_mem>>)
        } else {
        }
        %convert_element_type3A_153 = arith.extui %lt3A_111 : i1 to i32
        %cond3A_154 = arith.constant 0 : i32
        %cond3A_155 = arith.cmpi ne, %convert_element_type3A_153, %cond3A_154 : i32
        scf.if %cond3A_155 {
          %mul3A_161 = arith.constant 7680 : i32
          %mul3A_162 = arith.muli %add3A_109, %mul3A_161 : i32
          %dma_wait3A_163 = arith.constant 1 : i32
          %dma_wait3A_164 = arith.constant 0 : i32
          %dma_wait3A_165 = arith.constant 0 : i32
          %dma_wait3A_166 = tpu.memref_slice %arg8[%dma_wait3A_164, %dma_wait3A_165] : memref<1x7680xi32, #tpu.memory_space<vmem>> -> memref<1x7680xi32, #tpu.memory_space<vmem>>
          %dma_wait3A_167 = arith.constant 0 : i32
          %dma_wait3A_168 = tpu.memref_slice %arg3[%dma_wait3A_167, %mul3A_162] : memref<2x3200000xi32, #tpu.memory_space<hbm>> -> memref<1x7680xi32, #tpu.memory_space<hbm>>
          %dma_wait3A_169 = tpu.memref_slice %arg12[%dma_wait3A_163] : memref<2x!tpu.dma_semaphore, #tpu.memory_space<semaphore_mem>> -> memref<1x!tpu.dma_semaphore, #tpu.memory_space<semaphore_mem>>
          %dma_wait3A_170 = tpu.memref_squeeze %dma_wait3A_169 : memref<1x!tpu.dma_semaphore, #tpu.memory_space<semaphore_mem>> -> memref<!tpu.dma_semaphore, #tpu.memory_space<semaphore_mem>>
          %dma_wait3A_171 = arith.constant 0 : i32
          %dma_wait3A_172 = arith.constant 0 : i32
          %dma_wait3A_173 = tpu.memref_slice %arg8[%dma_wait3A_171, %dma_wait3A_172] : memref<1x7680xi32, #tpu.memory_space<vmem>> -> memref<1x7680xi32, #tpu.memory_space<vmem>>
          %dma_wait3A_174 = arith.constant 0 : i32
          %dma_wait3A_175 = tpu.memref_slice %arg3[%dma_wait3A_174, %mul3A_162] : memref<2x3200000xi32, #tpu.memory_space<hbm>> -> memref<1x7680xi32, #tpu.memory_space<hbm>>
          tpu.wait_dma2 semaphore(%dma_wait3A_170 : memref<!tpu.dma_semaphore, #tpu.memory_space<semaphore_mem>>) src(%dma_wait3A_175 : memref<1x7680xi32, #tpu.memory_space<hbm>>) dst(%dma_wait3A_173 : memref<1x7680xi32, #tpu.memory_space<vmem>>)
          %dma_wait3A_176 = arith.constant 1 : i32
          %dma_wait3A_177 = arith.constant 0 : i32
          %dma_wait3A_178 = arith.constant 0 : i32
          %dma_wait3A_179 = tpu.memref_slice %arg10[%dma_wait3A_177, %dma_wait3A_178] : memref<1x7680xi32, #tpu.memory_space<vmem>> -> memref<1x7680xi32, #tpu.memory_space<vmem>>
          %dma_wait3A_180 = arith.constant 1 : i32
          %dma_wait3A_181 = tpu.memref_slice %arg3[%dma_wait3A_180, %mul3A_162] : memref<2x3200000xi32, #tpu.memory_space<hbm>> -> memref<1x7680xi32, #tpu.memory_space<hbm>>
          %dma_wait3A_182 = tpu.memref_slice %arg13[%dma_wait3A_176] : memref<2x!tpu.dma_semaphore, #tpu.memory_space<semaphore_mem>> -> memref<1x!tpu.dma_semaphore, #tpu.memory_space<semaphore_mem>>
          %dma_wait3A_183 = tpu.memref_squeeze %dma_wait3A_182 : memref<1x!tpu.dma_semaphore, #tpu.memory_space<semaphore_mem>> -> memref<!tpu.dma_semaphore, #tpu.memory_space<semaphore_mem>>
          %dma_wait3A_184 = arith.constant 0 : i32
          %dma_wait3A_185 = arith.constant 0 : i32
          %dma_wait3A_186 = tpu.memref_slice %arg10[%dma_wait3A_184, %dma_wait3A_185] : memref<1x7680xi32, #tpu.memory_space<vmem>> -> memref<1x7680xi32, #tpu.memory_space<vmem>>
          %dma_wait3A_187 = arith.constant 1 : i32
          %dma_wait3A_188 = tpu.memref_slice %arg3[%dma_wait3A_187, %mul3A_162] : memref<2x3200000xi32, #tpu.memory_space<hbm>> -> memref<1x7680xi32, #tpu.memory_space<hbm>>
          tpu.wait_dma2 semaphore(%dma_wait3A_183 : memref<!tpu.dma_semaphore, #tpu.memory_space<semaphore_mem>>) src(%dma_wait3A_188 : memref<1x7680xi32, #tpu.memory_space<hbm>>) dst(%dma_wait3A_186 : memref<1x7680xi32, #tpu.memory_space<vmem>>)
        } else {
        }
        %parallel_loop3A_156 = arith.constant 0 : i32
        %parallel_loop3A_157 = arith.constant 7680 : i32
        %parallel_loop3A_158 = arith.constant 16 : i32
        %parallel_loop3A_159 = scf.for %parallel_loop3A_161 = %parallel_loop3A_156 to %parallel_loop3A_157 step %parallel_loop3A_158 iter_args(%parallel_loop3A_162 = %parallel_loop3A_145) -> (vector<16xf32>)  : i32 {
          %parallel_loop3A_163 = arith.constant 0 : i32
          %parallel_loop3A_164 = arith.index_cast %parallel_loop3A_163 : i32 to index
          %parallel_loop3A_165 = arith.index_cast %parallel_loop3A_161 : i32 to index
          %parallel_loop3A_166 = tpu.vector_load %arg8[%parallel_loop3A_164, %parallel_loop3A_165] {strides = array<i32>} : memref<1x7680xi32, #tpu.memory_space<vmem>>, vector<16xi32>,
          %parallel_loop3A_167 = arith.constant 0 : i32
          %parallel_loop3A_168 = arith.index_cast %parallel_loop3A_167 : i32 to index
          %parallel_loop3A_169 = arith.index_cast %parallel_loop3A_161 : i32 to index
          %parallel_loop3A_170 = tpu.vector_load %arg10[%parallel_loop3A_168, %parallel_loop3A_169] {strides = array<i32>} : memref<1x7680xi32, #tpu.memory_space<vmem>>, vector<16xi32>,
          %parallel_loop3A_171 = tpu.vector_load_idx %arg5[%parallel_loop3A_166] masked %broadcast_in_dim3A_112 : memref<50000xf32, #tpu.memory_space<vmem>>[vector<16xi32>], vector<16xf32>, vector<16xi1>
          %parallel_loop3A_172 = tpu.vector_load_idx %arg5[%parallel_loop3A_170] masked %broadcast_in_dim3A_112 : memref<50000xf32, #tpu.memory_space<vmem>>[vector<16xi32>], vector<16xf32>, vector<16xi1>
          %parallel_loop3A_173 = arith.mulf %parallel_loop3A_171, %parallel_loop3A_172 : vector<16xf32>
          %parallel_loop3A_174 = arith.addf %parallel_loop3A_162, %parallel_loop3A_173 : vector<16xf32>
          %parallel_loop3A_175 = tpu.vector_load_idx %arg6[%parallel_loop3A_166] masked %broadcast_in_dim3A_112 : memref<50000xf32, #tpu.memory_space<vmem>>[vector<16xi32>], vector<16xf32>, vector<16xi1>
          %parallel_loop3A_176 = tpu.vector_load_idx %arg6[%parallel_loop3A_170] masked %broadcast_in_dim3A_112 : memref<50000xf32, #tpu.memory_space<vmem>>[vector<16xi32>], vector<16xf32>, vector<16xi1>
          %parallel_loop3A_177 = arith.mulf %parallel_loop3A_175, %parallel_loop3A_176 : vector<16xf32>
          %parallel_loop3A_178 = arith.addf %parallel_loop3A_174, %parallel_loop3A_177 : vector<16xf32>
          scf.yield %parallel_loop3A_178 : vector<16xf32>
        } {sc.loop_unroll_factor = 16 : i64, sc.parallel_access}
        %select_n3A_160 = arith.select %broadcast_in_dim3A_112, %parallel_loop3A_159, %parallel_loop3A_145 : vector<16xi1>, vector<16xf32>
        scf.yield %select_n3A_160 : vector<16xf32>
      }
      %eq3A = arith.constant 0 : i32
      %eq3A_90 = arith.cmpi eq, %add3A, %eq3A : i32
      %convert_element_type3A_91 = arith.extui %eq3A_90 : i1 to i32
      %cond3A_92 = arith.constant 0 : i32
      %cond3A_93 = arith.cmpi ne, %convert_element_type3A_91, %cond3A_92 : i32
      scf.if %cond3A_93 {
        %dma_start3A_99 = arith.constant 0 : i32
        %dma_start3A_100 = arith.constant 0 : i32
        %dma_start3A_101 = arith.constant 0 : i32
        %dma_start3A_102 = tpu.memref_slice %arg7[%dma_start3A_100, %dma_start3A_101] : memref<1x7680xi32, #tpu.memory_space<vmem>> -> memref<1x5120xi32, #tpu.memory_space<vmem>>
        %dma_start3A_103 = arith.constant 0 : i32
        %dma_start3A_104 = arith.constant 3194880 : i32
        %dma_start3A_105 = tpu.memref_slice %arg3[%dma_start3A_103, %dma_start3A_104] : memref<2x3200000xi32, #tpu.memory_space<hbm>> -> memref<1x5120xi32, #tpu.memory_space<hbm>>
        %dma_start3A_106 = tpu.memref_slice %arg12[%dma_start3A_99] : memref<2x!tpu.dma_semaphore, #tpu.memory_space<semaphore_mem>> -> memref<1x!tpu.dma_semaphore, #tpu.memory_space<semaphore_mem>>
        %dma_start3A_107 = tpu.memref_squeeze %dma_start3A_106 : memref<1x!tpu.dma_semaphore, #tpu.memory_space<semaphore_mem>> -> memref<!tpu.dma_semaphore, #tpu.memory_space<semaphore_mem>>
        %dma_start3A_108 = arith.constant 0 : i32
        %dma_start3A_109 = arith.constant 0 : i32
        %dma_start3A_110 = tpu.memref_slice %arg7[%dma_start3A_108, %dma_start3A_109] : memref<1x7680xi32, #tpu.memory_space<vmem>> -> memref<1x5120xi32, #tpu.memory_space<vmem>>
        %dma_start3A_111 = arith.constant 0 : i32
        %dma_start3A_112 = arith.constant 3194880 : i32
        %dma_start3A_113 = tpu.memref_slice %arg3[%dma_start3A_111, %dma_start3A_112] : memref<2x3200000xi32, #tpu.memory_space<hbm>> -> memref<1x5120xi32, #tpu.memory_space<hbm>>
        tpu.enqueue_dma source(%dma_start3A_113 : memref<1x5120xi32, #tpu.memory_space<hbm>>) target(%dma_start3A_110 : memref<1x5120xi32, #tpu.memory_space<vmem>>) target_semaphore(%dma_start3A_107 : memref<!tpu.dma_semaphore, #tpu.memory_space<semaphore_mem>>)
        %dma_start3A_114 = arith.constant 0 : i32
        %dma_start3A_115 = arith.constant 0 : i32
        %dma_start3A_116 = arith.constant 0 : i32
        %dma_start3A_117 = tpu.memref_slice %arg9[%dma_start3A_115, %dma_start3A_116] : memref<1x7680xi32, #tpu.memory_space<vmem>> -> memref<1x5120xi32, #tpu.memory_space<vmem>>
        %dma_start3A_118 = arith.constant 1 : i32
        %dma_start3A_119 = arith.constant 3194880 : i32
        %dma_start3A_120 = tpu.memref_slice %arg3[%dma_start3A_118, %dma_start3A_119] : memref<2x3200000xi32, #tpu.memory_space<hbm>> -> memref<1x5120xi32, #tpu.memory_space<hbm>>
        %dma_start3A_121 = tpu.memref_slice %arg13[%dma_start3A_114] : memref<2x!tpu.dma_semaphore, #tpu.memory_space<semaphore_mem>> -> memref<1x!tpu.dma_semaphore, #tpu.memory_space<semaphore_mem>>
        %dma_start3A_122 = tpu.memref_squeeze %dma_start3A_121 : memref<1x!tpu.dma_semaphore, #tpu.memory_space<semaphore_mem>> -> memref<!tpu.dma_semaphore, #tpu.memory_space<semaphore_mem>>
        %dma_start3A_123 = arith.constant 0 : i32
        %dma_start3A_124 = arith.constant 0 : i32
        %dma_start3A_125 = tpu.memref_slice %arg9[%dma_start3A_123, %dma_start3A_124] : memref<1x7680xi32, #tpu.memory_space<vmem>> -> memref<1x5120xi32, #tpu.memory_space<vmem>>
        %dma_start3A_126 = arith.constant 1 : i32
        %dma_start3A_127 = arith.constant 3194880 : i32
        %dma_start3A_128 = tpu.memref_slice %arg3[%dma_start3A_126, %dma_start3A_127] : memref<2x3200000xi32, #tpu.memory_space<hbm>> -> memref<1x5120xi32, #tpu.memory_space<hbm>>
        tpu.enqueue_dma source(%dma_start3A_128 : memref<1x5120xi32, #tpu.memory_space<hbm>>) target(%dma_start3A_125 : memref<1x5120xi32, #tpu.memory_space<vmem>>) target_semaphore(%dma_start3A_122 : memref<!tpu.dma_semaphore, #tpu.memory_space<semaphore_mem>>)
        %dma_wait3A = arith.constant 0 : i32
        %dma_wait3A_129 = arith.constant 0 : i32
        %dma_wait3A_130 = arith.constant 0 : i32
        %dma_wait3A_131 = tpu.memref_slice %arg7[%dma_wait3A_129, %dma_wait3A_130] : memref<1x7680xi32, #tpu.memory_space<vmem>> -> memref<1x5120xi32, #tpu.memory_space<vmem>>
        %dma_wait3A_132 = arith.constant 0 : i32
        %dma_wait3A_133 = arith.constant 3194880 : i32
        %dma_wait3A_134 = tpu.memref_slice %arg3[%dma_wait3A_132, %dma_wait3A_133] : memref<2x3200000xi32, #tpu.memory_space<hbm>> -> memref<1x5120xi32, #tpu.memory_space<hbm>>
        %dma_wait3A_135 = tpu.memref_slice %arg12[%dma_wait3A] : memref<2x!tpu.dma_semaphore, #tpu.memory_space<semaphore_mem>> -> memref<1x!tpu.dma_semaphore, #tpu.memory_space<semaphore_mem>>
        %dma_wait3A_136 = tpu.memref_squeeze %dma_wait3A_135 : memref<1x!tpu.dma_semaphore, #tpu.memory_space<semaphore_mem>> -> memref<!tpu.dma_semaphore, #tpu.memory_space<semaphore_mem>>
        %dma_wait3A_137 = arith.constant 0 : i32
        %dma_wait3A_138 = arith.constant 0 : i32
        %dma_wait3A_139 = tpu.memref_slice %arg7[%dma_wait3A_137, %dma_wait3A_138] : memref<1x7680xi32, #tpu.memory_space<vmem>> -> memref<1x5120xi32, #tpu.memory_space<vmem>>
        %dma_wait3A_140 = arith.constant 0 : i32
        %dma_wait3A_141 = arith.constant 3194880 : i32
        %dma_wait3A_142 = tpu.memref_slice %arg3[%dma_wait3A_140, %dma_wait3A_141] : memref<2x3200000xi32, #tpu.memory_space<hbm>> -> memref<1x5120xi32, #tpu.memory_space<hbm>>
        tpu.wait_dma2 semaphore(%dma_wait3A_136 : memref<!tpu.dma_semaphore, #tpu.memory_space<semaphore_mem>>) src(%dma_wait3A_142 : memref<1x5120xi32, #tpu.memory_space<hbm>>) dst(%dma_wait3A_139 : memref<1x5120xi32, #tpu.memory_space<vmem>>)
        %dma_wait3A_143 = arith.constant 0 : i32
        %dma_wait3A_144 = arith.constant 0 : i32
        %dma_wait3A_145 = arith.constant 0 : i32
        %dma_wait3A_146 = tpu.memref_slice %arg9[%dma_wait3A_144, %dma_wait3A_145] : memref<1x7680xi32, #tpu.memory_space<vmem>> -> memref<1x5120xi32, #tpu.memory_space<vmem>>
        %dma_wait3A_147 = arith.constant 1 : i32
        %dma_wait3A_148 = arith.constant 3194880 : i32
        %dma_wait3A_149 = tpu.memref_slice %arg3[%dma_wait3A_147, %dma_wait3A_148] : memref<2x3200000xi32, #tpu.memory_space<hbm>> -> memref<1x5120xi32, #tpu.memory_space<hbm>>
        %dma_wait3A_150 = tpu.memref_slice %arg13[%dma_wait3A_143] : memref<2x!tpu.dma_semaphore, #tpu.memory_space<semaphore_mem>> -> memref<1x!tpu.dma_semaphore, #tpu.memory_space<semaphore_mem>>
        %dma_wait3A_151 = tpu.memref_squeeze %dma_wait3A_150 : memref<1x!tpu.dma_semaphore, #tpu.memory_space<semaphore_mem>> -> memref<!tpu.dma_semaphore, #tpu.memory_space<semaphore_mem>>
        %dma_wait3A_152 = arith.constant 0 : i32
        %dma_wait3A_153 = arith.constant 0 : i32
        %dma_wait3A_154 = tpu.memref_slice %arg9[%dma_wait3A_152, %dma_wait3A_153] : memref<1x7680xi32, #tpu.memory_space<vmem>> -> memref<1x5120xi32, #tpu.memory_space<vmem>>
        %dma_wait3A_155 = arith.constant 1 : i32
        %dma_wait3A_156 = arith.constant 3194880 : i32
        %dma_wait3A_157 = tpu.memref_slice %arg3[%dma_wait3A_155, %dma_wait3A_156] : memref<2x3200000xi32, #tpu.memory_space<hbm>> -> memref<1x5120xi32, #tpu.memory_space<hbm>>
        tpu.wait_dma2 semaphore(%dma_wait3A_151 : memref<!tpu.dma_semaphore, #tpu.memory_space<semaphore_mem>>) src(%dma_wait3A_157 : memref<1x5120xi32, #tpu.memory_space<hbm>>) dst(%dma_wait3A_154 : memref<1x5120xi32, #tpu.memory_space<vmem>>)
        %parallel_loop3A = arith.constant 0 : i32
        %parallel_loop3A_158 = arith.constant 5120 : i32
        %parallel_loop3A_159 = arith.constant 16 : i32
        %parallel_loop3A_160 = scf.for %parallel_loop3A_163 = %parallel_loop3A to %parallel_loop3A_158 step %parallel_loop3A_159 iter_args(%parallel_loop3A_164 = %while3A_89) -> (vector<16xf32>)  : i32 {
          %parallel_loop3A_165 = arith.constant 0 : i32
          %parallel_loop3A_166 = arith.index_cast %parallel_loop3A_165 : i32 to index
          %parallel_loop3A_167 = arith.index_cast %parallel_loop3A_163 : i32 to index
          %parallel_loop3A_168 = tpu.vector_load %arg7[%parallel_loop3A_166, %parallel_loop3A_167] {strides = array<i32>} : memref<1x7680xi32, #tpu.memory_space<vmem>>, vector<16xi32>,
          %parallel_loop3A_169 = arith.constant 0 : i32
          %parallel_loop3A_170 = arith.index_cast %parallel_loop3A_169 : i32 to index
          %parallel_loop3A_171 = arith.index_cast %parallel_loop3A_163 : i32 to index
          %parallel_loop3A_172 = tpu.vector_load %arg9[%parallel_loop3A_170, %parallel_loop3A_171] {strides = array<i32>} : memref<1x7680xi32, #tpu.memory_space<vmem>>, vector<16xi32>,
          %parallel_loop3A_173 = tpu.vector_load_idx %arg5[%parallel_loop3A_168] masked %broadcast_in_dim3A_17 : memref<50000xf32, #tpu.memory_space<vmem>>[vector<16xi32>], vector<16xf32>, vector<16xi1>
          %parallel_loop3A_174 = tpu.vector_load_idx %arg5[%parallel_loop3A_172] masked %broadcast_in_dim3A_17 : memref<50000xf32, #tpu.memory_space<vmem>>[vector<16xi32>], vector<16xf32>, vector<16xi1>
          %parallel_loop3A_175 = arith.mulf %parallel_loop3A_173, %parallel_loop3A_174 : vector<16xf32>
          %parallel_loop3A_176 = arith.addf %parallel_loop3A_164, %parallel_loop3A_175 : vector<16xf32>
          %parallel_loop3A_177 = tpu.vector_load_idx %arg6[%parallel_loop3A_168] masked %broadcast_in_dim3A_17 : memref<50000xf32, #tpu.memory_space<vmem>>[vector<16xi32>], vector<16xf32>, vector<16xi1>
          %parallel_loop3A_178 = tpu.vector_load_idx %arg6[%parallel_loop3A_172] masked %broadcast_in_dim3A_17 : memref<50000xf32, #tpu.memory_space<vmem>>[vector<16xi32>], vector<16xf32>, vector<16xi1>
          %parallel_loop3A_179 = arith.mulf %parallel_loop3A_177, %parallel_loop3A_178 : vector<16xf32>
          %parallel_loop3A_180 = arith.addf %parallel_loop3A_176, %parallel_loop3A_179 : vector<16xf32>
          scf.yield %parallel_loop3A_180 : vector<16xf32>
        } {sc.loop_unroll_factor = 16 : i64, sc.parallel_access}
        %swap3A_161 = arith.constant 0 : index
        %swap3A_162 = tpu.vector_load %arg11[%swap3A_161] {strides = array<i32>} : memref<16xf32, #tpu.memory_space<vmem>>, vector<16xf32>,
        tpu.vector_store %arg11[%swap3A_161], %parallel_loop3A_160 {strides = array<i32>} : memref<16xf32, #tpu.memory_space<vmem>>, vector<16xf32>,
      } else {
      }
      %ne3A_94 = arith.constant 0 : i32
      %ne3A_95 = arith.cmpi ne, %add3A, %ne3A_94 : i32
      %convert_element_type3A_96 = arith.extui %ne3A_95 : i1 to i32
      %cond3A_97 = arith.constant 0 : i32
      %cond3A_98 = arith.cmpi ne, %convert_element_type3A_96, %cond3A_97 : i32
      scf.if %cond3A_98 {
        %swap3A_99 = arith.constant 0 : index
        %swap3A_100 = tpu.vector_load %arg11[%swap3A_99] {strides = array<i32>} : memref<16xf32, #tpu.memory_space<vmem>>, vector<16xf32>,
        tpu.vector_store %arg11[%swap3A_99], %while3A_89 {strides = array<i32>} : memref<16xf32, #tpu.memory_space<vmem>>, vector<16xf32>,
      } else {
      }
    } else {
    }
    %ge3A = arith.constant 12 : i32
    %ge3A_5 = arith.cmpi sge, %add3A, %ge3A : i32
    %lt3A_6 = arith.constant 24 : i32
    %lt3A_7 = arith.cmpi slt, %add3A, %lt3A_6 : i32
    %and3A = arith.andi %ge3A_5, %lt3A_7 : i1
    %convert_element_type3A_8 = arith.extui %and3A : i1 to i32
    %cond3A_9 = arith.constant 0 : i32
    %cond3A_10 = arith.cmpi ne, %convert_element_type3A_8, %cond3A_9 : i32
    scf.if %cond3A_10 {
      %sub3A = arith.constant 12 : i32
      %sub3A_16 = arith.subi %add3A, %sub3A : i32
      %broadcast_in_dim3A_17 = arith.constant true
      %broadcast_in_dim3A_18 = vector.broadcast %broadcast_in_dim3A_17 : i1 to vector<16xi1>
      %mul3A_19 = arith.constant 7680 : i32
      %mul3A_20 = arith.muli %sub3A_16, %mul3A_19 : i32
      %dma_start3A = arith.constant 0 : i32
      %dma_start3A_21 = arith.constant 0 : i32
      %dma_start3A_22 = arith.constant 0 : i32
      %dma_start3A_23 = tpu.memref_slice %arg7[%dma_start3A_21, %dma_start3A_22] : memref<1x7680xi32, #tpu.memory_space<vmem>> -> memref<1x7680xi32, #tpu.memory_space<vmem>>
      %dma_start3A_24 = arith.constant 0 : i32
      %dma_start3A_25 = tpu.memref_slice %arg3[%dma_start3A_24, %mul3A_20] : memref<2x3200000xi32, #tpu.memory_space<hbm>> -> memref<1x7680xi32, #tpu.memory_space<hbm>>
      %dma_start3A_26 = tpu.memref_slice %arg12[%dma_start3A] : memref<2x!tpu.dma_semaphore, #tpu.memory_space<semaphore_mem>> -> memref<1x!tpu.dma_semaphore, #tpu.memory_space<semaphore_mem>>
      %dma_start3A_27 = tpu.memref_squeeze %dma_start3A_26 : memref<1x!tpu.dma_semaphore, #tpu.memory_space<semaphore_mem>> -> memref<!tpu.dma_semaphore, #tpu.memory_space<semaphore_mem>>
      %dma_start3A_28 = arith.constant 0 : i32
      %dma_start3A_29 = arith.constant 0 : i32
      %dma_start3A_30 = tpu.memref_slice %arg7[%dma_start3A_28, %dma_start3A_29] : memref<1x7680xi32, #tpu.memory_space<vmem>> -> memref<1x7680xi32, #tpu.memory_space<vmem>>
      %dma_start3A_31 = arith.constant 0 : i32
      %dma_start3A_32 = tpu.memref_slice %arg3[%dma_start3A_31, %mul3A_20] : memref<2x3200000xi32, #tpu.memory_space<hbm>> -> memref<1x7680xi32, #tpu.memory_space<hbm>>
      tpu.enqueue_dma source(%dma_start3A_32 : memref<1x7680xi32, #tpu.memory_space<hbm>>) target(%dma_start3A_30 : memref<1x7680xi32, #tpu.memory_space<vmem>>) target_semaphore(%dma_start3A_27 : memref<!tpu.dma_semaphore, #tpu.memory_space<semaphore_mem>>)
      %dma_start3A_33 = arith.constant 0 : i32
      %dma_start3A_34 = arith.constant 0 : i32
      %dma_start3A_35 = arith.constant 0 : i32
      %dma_start3A_36 = tpu.memref_slice %arg9[%dma_start3A_34, %dma_start3A_35] : memref<1x7680xi32, #tpu.memory_space<vmem>> -> memref<1x7680xi32, #tpu.memory_space<vmem>>
      %dma_start3A_37 = arith.constant 1 : i32
      %dma_start3A_38 = tpu.memref_slice %arg3[%dma_start3A_37, %mul3A_20] : memref<2x3200000xi32, #tpu.memory_space<hbm>> -> memref<1x7680xi32, #tpu.memory_space<hbm>>
      %dma_start3A_39 = tpu.memref_slice %arg13[%dma_start3A_33] : memref<2x!tpu.dma_semaphore, #tpu.memory_space<semaphore_mem>> -> memref<1x!tpu.dma_semaphore, #tpu.memory_space<semaphore_mem>>
      %dma_start3A_40 = tpu.memref_squeeze %dma_start3A_39 : memref<1x!tpu.dma_semaphore, #tpu.memory_space<semaphore_mem>> -> memref<!tpu.dma_semaphore, #tpu.memory_space<semaphore_mem>>
      %dma_start3A_41 = arith.constant 0 : i32
      %dma_start3A_42 = arith.constant 0 : i32
      %dma_start3A_43 = tpu.memref_slice %arg9[%dma_start3A_41, %dma_start3A_42] : memref<1x7680xi32, #tpu.memory_space<vmem>> -> memref<1x7680xi32, #tpu.memory_space<vmem>>
      %dma_start3A_44 = arith.constant 1 : i32
      %dma_start3A_45 = tpu.memref_slice %arg3[%dma_start3A_44, %mul3A_20] : memref<2x3200000xi32, #tpu.memory_space<hbm>> -> memref<1x7680xi32, #tpu.memory_space<hbm>>
      tpu.enqueue_dma source(%dma_start3A_45 : memref<1x7680xi32, #tpu.memory_space<hbm>>) target(%dma_start3A_43 : memref<1x7680xi32, #tpu.memory_space<vmem>>) target_semaphore(%dma_start3A_40 : memref<!tpu.dma_semaphore, #tpu.memory_space<semaphore_mem>>)
      "tpu.region"() ({
        %run_scoped3A = tpu.sem_alloc : memref<!tpu.dma_semaphore, #tpu.memory_space<semaphore_mem>>
        %dma_start3A_101 = arith.constant 100000 : i32
        %dma_start3A_102 = tpu.memref_slice %arg2[%dma_start3A_101] : memref<250000xf32, #tpu.memory_space<hbm>> -> memref<50000xf32, #tpu.memory_space<hbm>>
        %dma_start3A_103 = arith.constant 100000 : i32
        %dma_start3A_104 = tpu.memref_slice %arg2[%dma_start3A_103] : memref<250000xf32, #tpu.memory_space<hbm>> -> memref<50000xf32, #tpu.memory_space<hbm>>
        tpu.enqueue_dma source(%dma_start3A_104 : memref<50000xf32, #tpu.memory_space<hbm>>) target(%arg5 : memref<50000xf32, #tpu.memory_space<vmem>>) target_semaphore(%run_scoped3A : memref<!tpu.dma_semaphore, #tpu.memory_space<semaphore_mem>>)
        %dma_wait3A = arith.constant 100000 : i32
        %dma_wait3A_105 = tpu.memref_slice %arg2[%dma_wait3A] : memref<250000xf32, #tpu.memory_space<hbm>> -> memref<50000xf32, #tpu.memory_space<hbm>>
        %dma_wait3A_106 = arith.constant 100000 : i32
        %dma_wait3A_107 = tpu.memref_slice %arg2[%dma_wait3A_106] : memref<250000xf32, #tpu.memory_space<hbm>> -> memref<50000xf32, #tpu.memory_space<hbm>>
        tpu.wait_dma2 semaphore(%run_scoped3A : memref<!tpu.dma_semaphore, #tpu.memory_space<semaphore_mem>>) src(%dma_wait3A_107 : memref<50000xf32, #tpu.memory_space<hbm>>) dst(%arg5 : memref<50000xf32, #tpu.memory_space<vmem>>)
        tpu.yield
      }) : () -> ()
      "tpu.region"() ({
        %run_scoped3A = tpu.sem_alloc : memref<!tpu.dma_semaphore, #tpu.memory_space<semaphore_mem>>
        %dma_start3A_101 = arith.constant 150000 : i32
        %dma_start3A_102 = tpu.memref_slice %arg2[%dma_start3A_101] : memref<250000xf32, #tpu.memory_space<hbm>> -> memref<50000xf32, #tpu.memory_space<hbm>>
        %dma_start3A_103 = arith.constant 150000 : i32
        %dma_start3A_104 = tpu.memref_slice %arg2[%dma_start3A_103] : memref<250000xf32, #tpu.memory_space<hbm>> -> memref<50000xf32, #tpu.memory_space<hbm>>
        tpu.enqueue_dma source(%dma_start3A_104 : memref<50000xf32, #tpu.memory_space<hbm>>) target(%arg6 : memref<50000xf32, #tpu.memory_space<vmem>>) target_semaphore(%run_scoped3A : memref<!tpu.dma_semaphore, #tpu.memory_space<semaphore_mem>>)
        %dma_wait3A = arith.constant 150000 : i32
        %dma_wait3A_105 = tpu.memref_slice %arg2[%dma_wait3A] : memref<250000xf32, #tpu.memory_space<hbm>> -> memref<50000xf32, #tpu.memory_space<hbm>>
        %dma_wait3A_106 = arith.constant 150000 : i32
        %dma_wait3A_107 = tpu.memref_slice %arg2[%dma_wait3A_106] : memref<250000xf32, #tpu.memory_space<hbm>> -> memref<50000xf32, #tpu.memory_space<hbm>>
        tpu.wait_dma2 semaphore(%run_scoped3A : memref<!tpu.dma_semaphore, #tpu.memory_space<semaphore_mem>>) src(%dma_wait3A_107 : memref<50000xf32, #tpu.memory_space<hbm>>) dst(%arg6 : memref<50000xf32, #tpu.memory_space<vmem>>)
        tpu.yield
      }) : () -> ()
      %sub3A_46 = arith.constant 416 : i32
      %sub3A_47 = arith.subi %sub3A_46, %sub3A_16 : i32
      %add3A_48 = arith.constant 24 : i32
      %add3A_49 = arith.addi %sub3A_47, %add3A_48 : i32
      %sub3A_50 = arith.constant 1 : i32
      %sub3A_51 = arith.subi %add3A_49, %sub3A_50 : i32
      %jit3A = arith.constant 24 : i32
      %div3A = arith.divsi %sub3A_51, %jit3A : i32
      %sign3A = arith.constant 0 : i32
      %sign3A_52 = arith.cmpi sgt, %sub3A_51, %sign3A : i32
      %sign3A_53 = arith.extui %sign3A_52 : i1 to i32
      %sign3A_54 = arith.constant 0 : i32
      %sign3A_55 = arith.cmpi slt, %sub3A_51, %sign3A_54 : i32
      %sign3A_56 = arith.extui %sign3A_55 : i1 to i32
      %sign3A_57 = arith.subi %sign3A_53, %sign3A_56 : i32
      %sign3A_58 = arith.constant 0 : i32
      %sign3A_59 = arith.cmpi sgt, %jit3A, %sign3A_58 : i32
      %sign3A_60 = arith.extui %sign3A_59 : i1 to i32
      %sign3A_61 = arith.constant 0 : i32
      %sign3A_62 = arith.cmpi slt, %jit3A, %sign3A_61 : i32
      %sign3A_63 = arith.extui %sign3A_62 : i1 to i32
      %sign3A_64 = arith.subi %sign3A_60, %sign3A_63 : i32
      %ne3A = arith.cmpi ne, %sign3A_57, %sign3A_64 : i32
      %rem3A = arith.remsi %sub3A_51, %jit3A : i32
      %ne3A_65 = arith.constant 0 : i32
      %ne3A_66 = arith.cmpi ne, %rem3A, %ne3A_65 : i32
      %and3A_67 = arith.andi %ne3A, %ne3A_66 : i1
      %sub3A_68 = arith.constant 1 : i32
      %sub3A_69 = arith.subi %div3A, %sub3A_68 : i32
      %select_n3A = arith.select %and3A_67, %sub3A_69, %div3A : i32
      %broadcast_in_dim3A_70 = arith.constant 0.000000e+00 : f32
      %broadcast_in_dim3A_71 = vector.broadcast %broadcast_in_dim3A_70 : f32 to vector<16xf32>
      %sub3A_72 = arith.constant 0 : i32
      %sub3A_73 = arith.subi %select_n3A, %sub3A_72 : i32
      %sub3A_74 = arith.constant 1 : i32
      %sub3A_75 = arith.constant 1 : i32
      %sub3A_76 = arith.subi %sub3A_74, %sub3A_75 : i32
      %add3A_77 = arith.addi %sub3A_73, %sub3A_76 : i32
      %div3A_78 = arith.constant 1 : i32
      %div3A_79 = arith.divsi %add3A_77, %div3A_78 : i32
      %while3A = arith.constant 1 : i32
      %while3A_80 = arith.constant 0 : i32
      %while3A_81 = arith.constant 0 : i32
      %while3A_82 = arith.subi %div3A_79, %while3A_81 : i32
      %while3A_83 = arith.addi %while3A_81, %while3A_82 : i32
      %while3A_84 = arith.constant 1 : i32
      %while3A_85 = arith.divsi %while3A_82, %while3A_84 : i32
      %while3A_86 = arith.muli %while3A_85, %while3A_84 : i32
      %while3A_87 = arith.addi %while3A_81, %while3A_86 : i32
      %while3A_88 = arith.constant 1 : i32
      %while3A_89 = scf.for %while3A_101 = %while3A_81 to %while3A_87 step %while3A_88 iter_args(%while3A_102 = %broadcast_in_dim3A_71) -> (vector<16xf32>)  : i32 {
        %mul3A_103 = arith.muli %while3A_101, %while3A : i32
        %add3A_104 = arith.addi %while3A_80, %mul3A_103 : i32
        %mul3A_105 = arith.constant 2 : i32
        %mul3A_106 = arith.muli %add3A_104, %mul3A_105 : i32
        %mul3A_107 = arith.constant 12 : i32
        %mul3A_108 = arith.muli %mul3A_106, %mul3A_107 : i32
        %add3A_109 = arith.addi %sub3A_16, %mul3A_108 : i32
        %add3A_110 = arith.constant 12 : i32
        %add3A_111 = arith.addi %add3A_109, %add3A_110 : i32
        %lt3A_112 = arith.constant 416 : i32
        %lt3A_113 = arith.cmpi slt, %add3A_111, %lt3A_112 : i32
        %broadcast_in_dim3A_114 = vector.broadcast %lt3A_113 : i1 to vector<16xi1>
        %convert_element_type3A_115 = arith.extui %lt3A_113 : i1 to i32
        %cond3A_116 = arith.constant 0 : i32
        %cond3A_117 = arith.cmpi ne, %convert_element_type3A_115, %cond3A_116 : i32
        scf.if %cond3A_117 {
          %mul3A_163 = arith.constant 7680 : i32
          %mul3A_164 = arith.muli %add3A_111, %mul3A_163 : i32
          %dma_start3A_165 = arith.constant 1 : i32
          %dma_start3A_166 = arith.constant 0 : i32
          %dma_start3A_167 = arith.constant 0 : i32
          %dma_start3A_168 = tpu.memref_slice %arg8[%dma_start3A_166, %dma_start3A_167] : memref<1x7680xi32, #tpu.memory_space<vmem>> -> memref<1x7680xi32, #tpu.memory_space<vmem>>
          %dma_start3A_169 = arith.constant 0 : i32
          %dma_start3A_170 = tpu.memref_slice %arg3[%dma_start3A_169, %mul3A_164] : memref<2x3200000xi32, #tpu.memory_space<hbm>> -> memref<1x7680xi32, #tpu.memory_space<hbm>>
          %dma_start3A_171 = tpu.memref_slice %arg12[%dma_start3A_165] : memref<2x!tpu.dma_semaphore, #tpu.memory_space<semaphore_mem>> -> memref<1x!tpu.dma_semaphore, #tpu.memory_space<semaphore_mem>>
          %dma_start3A_172 = tpu.memref_squeeze %dma_start3A_171 : memref<1x!tpu.dma_semaphore, #tpu.memory_space<semaphore_mem>> -> memref<!tpu.dma_semaphore, #tpu.memory_space<semaphore_mem>>
          %dma_start3A_173 = arith.constant 0 : i32
          %dma_start3A_174 = arith.constant 0 : i32
          %dma_start3A_175 = tpu.memref_slice %arg8[%dma_start3A_173, %dma_start3A_174] : memref<1x7680xi32, #tpu.memory_space<vmem>> -> memref<1x7680xi32, #tpu.memory_space<vmem>>
          %dma_start3A_176 = arith.constant 0 : i32
          %dma_start3A_177 = tpu.memref_slice %arg3[%dma_start3A_176, %mul3A_164] : memref<2x3200000xi32, #tpu.memory_space<hbm>> -> memref<1x7680xi32, #tpu.memory_space<hbm>>
          tpu.enqueue_dma source(%dma_start3A_177 : memref<1x7680xi32, #tpu.memory_space<hbm>>) target(%dma_start3A_175 : memref<1x7680xi32, #tpu.memory_space<vmem>>) target_semaphore(%dma_start3A_172 : memref<!tpu.dma_semaphore, #tpu.memory_space<semaphore_mem>>)
          %dma_start3A_178 = arith.constant 1 : i32
          %dma_start3A_179 = arith.constant 0 : i32
          %dma_start3A_180 = arith.constant 0 : i32
          %dma_start3A_181 = tpu.memref_slice %arg10[%dma_start3A_179, %dma_start3A_180] : memref<1x7680xi32, #tpu.memory_space<vmem>> -> memref<1x7680xi32, #tpu.memory_space<vmem>>
          %dma_start3A_182 = arith.constant 1 : i32
          %dma_start3A_183 = tpu.memref_slice %arg3[%dma_start3A_182, %mul3A_164] : memref<2x3200000xi32, #tpu.memory_space<hbm>> -> memref<1x7680xi32, #tpu.memory_space<hbm>>
          %dma_start3A_184 = tpu.memref_slice %arg13[%dma_start3A_178] : memref<2x!tpu.dma_semaphore, #tpu.memory_space<semaphore_mem>> -> memref<1x!tpu.dma_semaphore, #tpu.memory_space<semaphore_mem>>
          %dma_start3A_185 = tpu.memref_squeeze %dma_start3A_184 : memref<1x!tpu.dma_semaphore, #tpu.memory_space<semaphore_mem>> -> memref<!tpu.dma_semaphore, #tpu.memory_space<semaphore_mem>>
          %dma_start3A_186 = arith.constant 0 : i32
          %dma_start3A_187 = arith.constant 0 : i32
          %dma_start3A_188 = tpu.memref_slice %arg10[%dma_start3A_186, %dma_start3A_187] : memref<1x7680xi32, #tpu.memory_space<vmem>> -> memref<1x7680xi32, #tpu.memory_space<vmem>>
          %dma_start3A_189 = arith.constant 1 : i32
          %dma_start3A_190 = tpu.memref_slice %arg3[%dma_start3A_189, %mul3A_164] : memref<2x3200000xi32, #tpu.memory_space<hbm>> -> memref<1x7680xi32, #tpu.memory_space<hbm>>
          tpu.enqueue_dma source(%dma_start3A_190 : memref<1x7680xi32, #tpu.memory_space<hbm>>) target(%dma_start3A_188 : memref<1x7680xi32, #tpu.memory_space<vmem>>) target_semaphore(%dma_start3A_185 : memref<!tpu.dma_semaphore, #tpu.memory_space<semaphore_mem>>)
        } else {
        }
        %mul3A_118 = arith.constant 7680 : i32
        %mul3A_119 = arith.muli %add3A_109, %mul3A_118 : i32
        %dma_wait3A = arith.constant 0 : i32
        %dma_wait3A_120 = arith.constant 0 : i32
        %dma_wait3A_121 = arith.constant 0 : i32
        %dma_wait3A_122 = tpu.memref_slice %arg7[%dma_wait3A_120, %dma_wait3A_121] : memref<1x7680xi32, #tpu.memory_space<vmem>> -> memref<1x7680xi32, #tpu.memory_space<vmem>>
        %dma_wait3A_123 = arith.constant 0 : i32
        %dma_wait3A_124 = tpu.memref_slice %arg3[%dma_wait3A_123, %mul3A_119] : memref<2x3200000xi32, #tpu.memory_space<hbm>> -> memref<1x7680xi32, #tpu.memory_space<hbm>>
        %dma_wait3A_125 = tpu.memref_slice %arg12[%dma_wait3A] : memref<2x!tpu.dma_semaphore, #tpu.memory_space<semaphore_mem>> -> memref<1x!tpu.dma_semaphore, #tpu.memory_space<semaphore_mem>>
        %dma_wait3A_126 = tpu.memref_squeeze %dma_wait3A_125 : memref<1x!tpu.dma_semaphore, #tpu.memory_space<semaphore_mem>> -> memref<!tpu.dma_semaphore, #tpu.memory_space<semaphore_mem>>
        %dma_wait3A_127 = arith.constant 0 : i32
        %dma_wait3A_128 = arith.constant 0 : i32
        %dma_wait3A_129 = tpu.memref_slice %arg7[%dma_wait3A_127, %dma_wait3A_128] : memref<1x7680xi32, #tpu.memory_space<vmem>> -> memref<1x7680xi32, #tpu.memory_space<vmem>>
        %dma_wait3A_130 = arith.constant 0 : i32
        %dma_wait3A_131 = tpu.memref_slice %arg3[%dma_wait3A_130, %mul3A_119] : memref<2x3200000xi32, #tpu.memory_space<hbm>> -> memref<1x7680xi32, #tpu.memory_space<hbm>>
        tpu.wait_dma2 semaphore(%dma_wait3A_126 : memref<!tpu.dma_semaphore, #tpu.memory_space<semaphore_mem>>) src(%dma_wait3A_131 : memref<1x7680xi32, #tpu.memory_space<hbm>>) dst(%dma_wait3A_129 : memref<1x7680xi32, #tpu.memory_space<vmem>>)
        %dma_wait3A_132 = arith.constant 0 : i32
        %dma_wait3A_133 = arith.constant 0 : i32
        %dma_wait3A_134 = arith.constant 0 : i32
        %dma_wait3A_135 = tpu.memref_slice %arg9[%dma_wait3A_133, %dma_wait3A_134] : memref<1x7680xi32, #tpu.memory_space<vmem>> -> memref<1x7680xi32, #tpu.memory_space<vmem>>
        %dma_wait3A_136 = arith.constant 1 : i32
        %dma_wait3A_137 = tpu.memref_slice %arg3[%dma_wait3A_136, %mul3A_119] : memref<2x3200000xi32, #tpu.memory_space<hbm>> -> memref<1x7680xi32, #tpu.memory_space<hbm>>
        %dma_wait3A_138 = tpu.memref_slice %arg13[%dma_wait3A_132] : memref<2x!tpu.dma_semaphore, #tpu.memory_space<semaphore_mem>> -> memref<1x!tpu.dma_semaphore, #tpu.memory_space<semaphore_mem>>
        %dma_wait3A_139 = tpu.memref_squeeze %dma_wait3A_138 : memref<1x!tpu.dma_semaphore, #tpu.memory_space<semaphore_mem>> -> memref<!tpu.dma_semaphore, #tpu.memory_space<semaphore_mem>>
        %dma_wait3A_140 = arith.constant 0 : i32
        %dma_wait3A_141 = arith.constant 0 : i32
        %dma_wait3A_142 = tpu.memref_slice %arg9[%dma_wait3A_140, %dma_wait3A_141] : memref<1x7680xi32, #tpu.memory_space<vmem>> -> memref<1x7680xi32, #tpu.memory_space<vmem>>
        %dma_wait3A_143 = arith.constant 1 : i32
        %dma_wait3A_144 = tpu.memref_slice %arg3[%dma_wait3A_143, %mul3A_119] : memref<2x3200000xi32, #tpu.memory_space<hbm>> -> memref<1x7680xi32, #tpu.memory_space<hbm>>
        tpu.wait_dma2 semaphore(%dma_wait3A_139 : memref<!tpu.dma_semaphore, #tpu.memory_space<semaphore_mem>>) src(%dma_wait3A_144 : memref<1x7680xi32, #tpu.memory_space<hbm>>) dst(%dma_wait3A_142 : memref<1x7680xi32, #tpu.memory_space<vmem>>)
        %parallel_loop3A = arith.constant 0 : i32
        %parallel_loop3A_145 = arith.constant 7680 : i32
        %parallel_loop3A_146 = arith.constant 16 : i32
        %parallel_loop3A_147 = scf.for %parallel_loop3A_163 = %parallel_loop3A to %parallel_loop3A_145 step %parallel_loop3A_146 iter_args(%parallel_loop3A_164 = %while3A_102) -> (vector<16xf32>)  : i32 {
          %parallel_loop3A_165 = arith.constant 0 : i32
          %parallel_loop3A_166 = arith.index_cast %parallel_loop3A_165 : i32 to index
          %parallel_loop3A_167 = arith.index_cast %parallel_loop3A_163 : i32 to index
          %parallel_loop3A_168 = tpu.vector_load %arg7[%parallel_loop3A_166, %parallel_loop3A_167] {strides = array<i32>} : memref<1x7680xi32, #tpu.memory_space<vmem>>, vector<16xi32>,
          %parallel_loop3A_169 = arith.constant 0 : i32
          %parallel_loop3A_170 = arith.index_cast %parallel_loop3A_169 : i32 to index
          %parallel_loop3A_171 = arith.index_cast %parallel_loop3A_163 : i32 to index
          %parallel_loop3A_172 = tpu.vector_load %arg9[%parallel_loop3A_170, %parallel_loop3A_171] {strides = array<i32>} : memref<1x7680xi32, #tpu.memory_space<vmem>>, vector<16xi32>,
          %parallel_loop3A_173 = tpu.vector_load_idx %arg5[%parallel_loop3A_168] masked %broadcast_in_dim3A_18 : memref<50000xf32, #tpu.memory_space<vmem>>[vector<16xi32>], vector<16xf32>, vector<16xi1>
          %parallel_loop3A_174 = tpu.vector_load_idx %arg5[%parallel_loop3A_172] masked %broadcast_in_dim3A_18 : memref<50000xf32, #tpu.memory_space<vmem>>[vector<16xi32>], vector<16xf32>, vector<16xi1>
          %parallel_loop3A_175 = arith.mulf %parallel_loop3A_173, %parallel_loop3A_174 : vector<16xf32>
          %parallel_loop3A_176 = arith.addf %parallel_loop3A_164, %parallel_loop3A_175 : vector<16xf32>
          %parallel_loop3A_177 = tpu.vector_load_idx %arg6[%parallel_loop3A_168] masked %broadcast_in_dim3A_18 : memref<50000xf32, #tpu.memory_space<vmem>>[vector<16xi32>], vector<16xf32>, vector<16xi1>
          %parallel_loop3A_178 = tpu.vector_load_idx %arg6[%parallel_loop3A_172] masked %broadcast_in_dim3A_18 : memref<50000xf32, #tpu.memory_space<vmem>>[vector<16xi32>], vector<16xf32>, vector<16xi1>
          %parallel_loop3A_179 = arith.mulf %parallel_loop3A_177, %parallel_loop3A_178 : vector<16xf32>
          %parallel_loop3A_180 = arith.addf %parallel_loop3A_176, %parallel_loop3A_179 : vector<16xf32>
          scf.yield %parallel_loop3A_180 : vector<16xf32>
        } {sc.loop_unroll_factor = 16 : i64, sc.parallel_access}
        %add3A_148 = arith.constant 24 : i32
        %add3A_149 = arith.addi %add3A_109, %add3A_148 : i32
        %lt3A_150 = arith.constant 416 : i32
        %lt3A_151 = arith.cmpi slt, %add3A_149, %lt3A_150 : i32
        %convert_element_type3A_152 = arith.extui %lt3A_151 : i1 to i32
        %cond3A_153 = arith.constant 0 : i32
        %cond3A_154 = arith.cmpi ne, %convert_element_type3A_152, %cond3A_153 : i32
        scf.if %cond3A_154 {
          %mul3A_163 = arith.constant 7680 : i32
          %mul3A_164 = arith.muli %add3A_149, %mul3A_163 : i32
          %dma_start3A_165 = arith.constant 0 : i32
          %dma_start3A_166 = arith.constant 0 : i32
          %dma_start3A_167 = arith.constant 0 : i32
          %dma_start3A_168 = tpu.memref_slice %arg7[%dma_start3A_166, %dma_start3A_167] : memref<1x7680xi32, #tpu.memory_space<vmem>> -> memref<1x7680xi32, #tpu.memory_space<vmem>>
          %dma_start3A_169 = arith.constant 0 : i32
          %dma_start3A_170 = tpu.memref_slice %arg3[%dma_start3A_169, %mul3A_164] : memref<2x3200000xi32, #tpu.memory_space<hbm>> -> memref<1x7680xi32, #tpu.memory_space<hbm>>
          %dma_start3A_171 = tpu.memref_slice %arg12[%dma_start3A_165] : memref<2x!tpu.dma_semaphore, #tpu.memory_space<semaphore_mem>> -> memref<1x!tpu.dma_semaphore, #tpu.memory_space<semaphore_mem>>
          %dma_start3A_172 = tpu.memref_squeeze %dma_start3A_171 : memref<1x!tpu.dma_semaphore, #tpu.memory_space<semaphore_mem>> -> memref<!tpu.dma_semaphore, #tpu.memory_space<semaphore_mem>>
          %dma_start3A_173 = arith.constant 0 : i32
          %dma_start3A_174 = arith.constant 0 : i32
          %dma_start3A_175 = tpu.memref_slice %arg7[%dma_start3A_173, %dma_start3A_174] : memref<1x7680xi32, #tpu.memory_space<vmem>> -> memref<1x7680xi32, #tpu.memory_space<vmem>>
          %dma_start3A_176 = arith.constant 0 : i32
          %dma_start3A_177 = tpu.memref_slice %arg3[%dma_start3A_176, %mul3A_164] : memref<2x3200000xi32, #tpu.memory_space<hbm>> -> memref<1x7680xi32, #tpu.memory_space<hbm>>
          tpu.enqueue_dma source(%dma_start3A_177 : memref<1x7680xi32, #tpu.memory_space<hbm>>) target(%dma_start3A_175 : memref<1x7680xi32, #tpu.memory_space<vmem>>) target_semaphore(%dma_start3A_172 : memref<!tpu.dma_semaphore, #tpu.memory_space<semaphore_mem>>)
          %dma_start3A_178 = arith.constant 0 : i32
          %dma_start3A_179 = arith.constant 0 : i32
          %dma_start3A_180 = arith.constant 0 : i32
          %dma_start3A_181 = tpu.memref_slice %arg9[%dma_start3A_179, %dma_start3A_180] : memref<1x7680xi32, #tpu.memory_space<vmem>> -> memref<1x7680xi32, #tpu.memory_space<vmem>>
          %dma_start3A_182 = arith.constant 1 : i32
          %dma_start3A_183 = tpu.memref_slice %arg3[%dma_start3A_182, %mul3A_164] : memref<2x3200000xi32, #tpu.memory_space<hbm>> -> memref<1x7680xi32, #tpu.memory_space<hbm>>
          %dma_start3A_184 = tpu.memref_slice %arg13[%dma_start3A_178] : memref<2x!tpu.dma_semaphore, #tpu.memory_space<semaphore_mem>> -> memref<1x!tpu.dma_semaphore, #tpu.memory_space<semaphore_mem>>
          %dma_start3A_185 = tpu.memref_squeeze %dma_start3A_184 : memref<1x!tpu.dma_semaphore, #tpu.memory_space<semaphore_mem>> -> memref<!tpu.dma_semaphore, #tpu.memory_space<semaphore_mem>>
          %dma_start3A_186 = arith.constant 0 : i32
          %dma_start3A_187 = arith.constant 0 : i32
          %dma_start3A_188 = tpu.memref_slice %arg9[%dma_start3A_186, %dma_start3A_187] : memref<1x7680xi32, #tpu.memory_space<vmem>> -> memref<1x7680xi32, #tpu.memory_space<vmem>>
          %dma_start3A_189 = arith.constant 1 : i32
          %dma_start3A_190 = tpu.memref_slice %arg3[%dma_start3A_189, %mul3A_164] : memref<2x3200000xi32, #tpu.memory_space<hbm>> -> memref<1x7680xi32, #tpu.memory_space<hbm>>
          tpu.enqueue_dma source(%dma_start3A_190 : memref<1x7680xi32, #tpu.memory_space<hbm>>) target(%dma_start3A_188 : memref<1x7680xi32, #tpu.memory_space<vmem>>) target_semaphore(%dma_start3A_185 : memref<!tpu.dma_semaphore, #tpu.memory_space<semaphore_mem>>)
        } else {
        }
        %convert_element_type3A_155 = arith.extui %lt3A_113 : i1 to i32
        %cond3A_156 = arith.constant 0 : i32
        %cond3A_157 = arith.cmpi ne, %convert_element_type3A_155, %cond3A_156 : i32
        scf.if %cond3A_157 {
          %mul3A_163 = arith.constant 7680 : i32
          %mul3A_164 = arith.muli %add3A_111, %mul3A_163 : i32
          %dma_wait3A_165 = arith.constant 1 : i32
          %dma_wait3A_166 = arith.constant 0 : i32
          %dma_wait3A_167 = arith.constant 0 : i32
          %dma_wait3A_168 = tpu.memref_slice %arg8[%dma_wait3A_166, %dma_wait3A_167] : memref<1x7680xi32, #tpu.memory_space<vmem>> -> memref<1x7680xi32, #tpu.memory_space<vmem>>
          %dma_wait3A_169 = arith.constant 0 : i32
          %dma_wait3A_170 = tpu.memref_slice %arg3[%dma_wait3A_169, %mul3A_164] : memref<2x3200000xi32, #tpu.memory_space<hbm>> -> memref<1x7680xi32, #tpu.memory_space<hbm>>
          %dma_wait3A_171 = tpu.memref_slice %arg12[%dma_wait3A_165] : memref<2x!tpu.dma_semaphore, #tpu.memory_space<semaphore_mem>> -> memref<1x!tpu.dma_semaphore, #tpu.memory_space<semaphore_mem>>
          %dma_wait3A_172 = tpu.memref_squeeze %dma_wait3A_171 : memref<1x!tpu.dma_semaphore, #tpu.memory_space<semaphore_mem>> -> memref<!tpu.dma_semaphore, #tpu.memory_space<semaphore_mem>>
          %dma_wait3A_173 = arith.constant 0 : i32
          %dma_wait3A_174 = arith.constant 0 : i32
          %dma_wait3A_175 = tpu.memref_slice %arg8[%dma_wait3A_173, %dma_wait3A_174] : memref<1x7680xi32, #tpu.memory_space<vmem>> -> memref<1x7680xi32, #tpu.memory_space<vmem>>
          %dma_wait3A_176 = arith.constant 0 : i32
          %dma_wait3A_177 = tpu.memref_slice %arg3[%dma_wait3A_176, %mul3A_164] : memref<2x3200000xi32, #tpu.memory_space<hbm>> -> memref<1x7680xi32, #tpu.memory_space<hbm>>
          tpu.wait_dma2 semaphore(%dma_wait3A_172 : memref<!tpu.dma_semaphore, #tpu.memory_space<semaphore_mem>>) src(%dma_wait3A_177 : memref<1x7680xi32, #tpu.memory_space<hbm>>) dst(%dma_wait3A_175 : memref<1x7680xi32, #tpu.memory_space<vmem>>)
          %dma_wait3A_178 = arith.constant 1 : i32
          %dma_wait3A_179 = arith.constant 0 : i32
          %dma_wait3A_180 = arith.constant 0 : i32
          %dma_wait3A_181 = tpu.memref_slice %arg10[%dma_wait3A_179, %dma_wait3A_180] : memref<1x7680xi32, #tpu.memory_space<vmem>> -> memref<1x7680xi32, #tpu.memory_space<vmem>>
          %dma_wait3A_182 = arith.constant 1 : i32
          %dma_wait3A_183 = tpu.memref_slice %arg3[%dma_wait3A_182, %mul3A_164] : memref<2x3200000xi32, #tpu.memory_space<hbm>> -> memref<1x7680xi32, #tpu.memory_space<hbm>>
          %dma_wait3A_184 = tpu.memref_slice %arg13[%dma_wait3A_178] : memref<2x!tpu.dma_semaphore, #tpu.memory_space<semaphore_mem>> -> memref<1x!tpu.dma_semaphore, #tpu.memory_space<semaphore_mem>>
          %dma_wait3A_185 = tpu.memref_squeeze %dma_wait3A_184 : memref<1x!tpu.dma_semaphore, #tpu.memory_space<semaphore_mem>> -> memref<!tpu.dma_semaphore, #tpu.memory_space<semaphore_mem>>
          %dma_wait3A_186 = arith.constant 0 : i32
          %dma_wait3A_187 = arith.constant 0 : i32
          %dma_wait3A_188 = tpu.memref_slice %arg10[%dma_wait3A_186, %dma_wait3A_187] : memref<1x7680xi32, #tpu.memory_space<vmem>> -> memref<1x7680xi32, #tpu.memory_space<vmem>>
          %dma_wait3A_189 = arith.constant 1 : i32
          %dma_wait3A_190 = tpu.memref_slice %arg3[%dma_wait3A_189, %mul3A_164] : memref<2x3200000xi32, #tpu.memory_space<hbm>> -> memref<1x7680xi32, #tpu.memory_space<hbm>>
          tpu.wait_dma2 semaphore(%dma_wait3A_185 : memref<!tpu.dma_semaphore, #tpu.memory_space<semaphore_mem>>) src(%dma_wait3A_190 : memref<1x7680xi32, #tpu.memory_space<hbm>>) dst(%dma_wait3A_188 : memref<1x7680xi32, #tpu.memory_space<vmem>>)
        } else {
        }
        %parallel_loop3A_158 = arith.constant 0 : i32
        %parallel_loop3A_159 = arith.constant 7680 : i32
        %parallel_loop3A_160 = arith.constant 16 : i32
        %parallel_loop3A_161 = scf.for %parallel_loop3A_163 = %parallel_loop3A_158 to %parallel_loop3A_159 step %parallel_loop3A_160 iter_args(%parallel_loop3A_164 = %parallel_loop3A_147) -> (vector<16xf32>)  : i32 {
          %parallel_loop3A_165 = arith.constant 0 : i32
          %parallel_loop3A_166 = arith.index_cast %parallel_loop3A_165 : i32 to index
          %parallel_loop3A_167 = arith.index_cast %parallel_loop3A_163 : i32 to index
          %parallel_loop3A_168 = tpu.vector_load %arg8[%parallel_loop3A_166, %parallel_loop3A_167] {strides = array<i32>} : memref<1x7680xi32, #tpu.memory_space<vmem>>, vector<16xi32>,
          %parallel_loop3A_169 = arith.constant 0 : i32
          %parallel_loop3A_170 = arith.index_cast %parallel_loop3A_169 : i32 to index
          %parallel_loop3A_171 = arith.index_cast %parallel_loop3A_163 : i32 to index
          %parallel_loop3A_172 = tpu.vector_load %arg10[%parallel_loop3A_170, %parallel_loop3A_171] {strides = array<i32>} : memref<1x7680xi32, #tpu.memory_space<vmem>>, vector<16xi32>,
          %parallel_loop3A_173 = tpu.vector_load_idx %arg5[%parallel_loop3A_168] masked %broadcast_in_dim3A_114 : memref<50000xf32, #tpu.memory_space<vmem>>[vector<16xi32>], vector<16xf32>, vector<16xi1>
          %parallel_loop3A_174 = tpu.vector_load_idx %arg5[%parallel_loop3A_172] masked %broadcast_in_dim3A_114 : memref<50000xf32, #tpu.memory_space<vmem>>[vector<16xi32>], vector<16xf32>, vector<16xi1>
          %parallel_loop3A_175 = arith.mulf %parallel_loop3A_173, %parallel_loop3A_174 : vector<16xf32>
          %parallel_loop3A_176 = arith.addf %parallel_loop3A_164, %parallel_loop3A_175 : vector<16xf32>
          %parallel_loop3A_177 = tpu.vector_load_idx %arg6[%parallel_loop3A_168] masked %broadcast_in_dim3A_114 : memref<50000xf32, #tpu.memory_space<vmem>>[vector<16xi32>], vector<16xf32>, vector<16xi1>
          %parallel_loop3A_178 = tpu.vector_load_idx %arg6[%parallel_loop3A_172] masked %broadcast_in_dim3A_114 : memref<50000xf32, #tpu.memory_space<vmem>>[vector<16xi32>], vector<16xf32>, vector<16xi1>
          %parallel_loop3A_179 = arith.mulf %parallel_loop3A_177, %parallel_loop3A_178 : vector<16xf32>
          %parallel_loop3A_180 = arith.addf %parallel_loop3A_176, %parallel_loop3A_179 : vector<16xf32>
          scf.yield %parallel_loop3A_180 : vector<16xf32>
        } {sc.loop_unroll_factor = 16 : i64, sc.parallel_access}
        %select_n3A_162 = arith.select %broadcast_in_dim3A_114, %parallel_loop3A_161, %parallel_loop3A_147 : vector<16xi1>, vector<16xf32>
        scf.yield %select_n3A_162 : vector<16xf32>
      }
      %while3A_90 = arith.constant 1 : i32
      %while3A_91 = scf.for %while3A_101 = %while3A_87 to %while3A_83 step %while3A_90 iter_args(%while3A_102 = %while3A_89) -> (vector<16xf32>)  : i32 {
        %mul3A_103 = arith.muli %while3A_101, %while3A : i32
        %add3A_104 = arith.addi %while3A_80, %mul3A_103 : i32
        %mul3A_105 = arith.constant 2 : i32
        %mul3A_106 = arith.muli %add3A_104, %mul3A_105 : i32
        %mul3A_107 = arith.constant 12 : i32
        %mul3A_108 = arith.muli %mul3A_106, %mul3A_107 : i32
        %add3A_109 = arith.addi %sub3A_16, %mul3A_108 : i32
        %add3A_110 = arith.constant 12 : i32
        %add3A_111 = arith.addi %add3A_109, %add3A_110 : i32
        %lt3A_112 = arith.constant 416 : i32
        %lt3A_113 = arith.cmpi slt, %add3A_111, %lt3A_112 : i32
        %broadcast_in_dim3A_114 = vector.broadcast %lt3A_113 : i1 to vector<16xi1>
        %convert_element_type3A_115 = arith.extui %lt3A_113 : i1 to i32
        %cond3A_116 = arith.constant 0 : i32
        %cond3A_117 = arith.cmpi ne, %convert_element_type3A_115, %cond3A_116 : i32
        scf.if %cond3A_117 {
          %mul3A_163 = arith.constant 7680 : i32
          %mul3A_164 = arith.muli %add3A_111, %mul3A_163 : i32
          %dma_start3A_165 = arith.constant 1 : i32
          %dma_start3A_166 = arith.constant 0 : i32
          %dma_start3A_167 = arith.constant 0 : i32
          %dma_start3A_168 = tpu.memref_slice %arg8[%dma_start3A_166, %dma_start3A_167] : memref<1x7680xi32, #tpu.memory_space<vmem>> -> memref<1x7680xi32, #tpu.memory_space<vmem>>
          %dma_start3A_169 = arith.constant 0 : i32
          %dma_start3A_170 = tpu.memref_slice %arg3[%dma_start3A_169, %mul3A_164] : memref<2x3200000xi32, #tpu.memory_space<hbm>> -> memref<1x7680xi32, #tpu.memory_space<hbm>>
          %dma_start3A_171 = tpu.memref_slice %arg12[%dma_start3A_165] : memref<2x!tpu.dma_semaphore, #tpu.memory_space<semaphore_mem>> -> memref<1x!tpu.dma_semaphore, #tpu.memory_space<semaphore_mem>>
          %dma_start3A_172 = tpu.memref_squeeze %dma_start3A_171 : memref<1x!tpu.dma_semaphore, #tpu.memory_space<semaphore_mem>> -> memref<!tpu.dma_semaphore, #tpu.memory_space<semaphore_mem>>
          %dma_start3A_173 = arith.constant 0 : i32
          %dma_start3A_174 = arith.constant 0 : i32
          %dma_start3A_175 = tpu.memref_slice %arg8[%dma_start3A_173, %dma_start3A_174] : memref<1x7680xi32, #tpu.memory_space<vmem>> -> memref<1x7680xi32, #tpu.memory_space<vmem>>
          %dma_start3A_176 = arith.constant 0 : i32
          %dma_start3A_177 = tpu.memref_slice %arg3[%dma_start3A_176, %mul3A_164] : memref<2x3200000xi32, #tpu.memory_space<hbm>> -> memref<1x7680xi32, #tpu.memory_space<hbm>>
          tpu.enqueue_dma source(%dma_start3A_177 : memref<1x7680xi32, #tpu.memory_space<hbm>>) target(%dma_start3A_175 : memref<1x7680xi32, #tpu.memory_space<vmem>>) target_semaphore(%dma_start3A_172 : memref<!tpu.dma_semaphore, #tpu.memory_space<semaphore_mem>>)
          %dma_start3A_178 = arith.constant 1 : i32
          %dma_start3A_179 = arith.constant 0 : i32
          %dma_start3A_180 = arith.constant 0 : i32
          %dma_start3A_181 = tpu.memref_slice %arg10[%dma_start3A_179, %dma_start3A_180] : memref<1x7680xi32, #tpu.memory_space<vmem>> -> memref<1x7680xi32, #tpu.memory_space<vmem>>
          %dma_start3A_182 = arith.constant 1 : i32
          %dma_start3A_183 = tpu.memref_slice %arg3[%dma_start3A_182, %mul3A_164] : memref<2x3200000xi32, #tpu.memory_space<hbm>> -> memref<1x7680xi32, #tpu.memory_space<hbm>>
          %dma_start3A_184 = tpu.memref_slice %arg13[%dma_start3A_178] : memref<2x!tpu.dma_semaphore, #tpu.memory_space<semaphore_mem>> -> memref<1x!tpu.dma_semaphore, #tpu.memory_space<semaphore_mem>>
          %dma_start3A_185 = tpu.memref_squeeze %dma_start3A_184 : memref<1x!tpu.dma_semaphore, #tpu.memory_space<semaphore_mem>> -> memref<!tpu.dma_semaphore, #tpu.memory_space<semaphore_mem>>
          %dma_start3A_186 = arith.constant 0 : i32
          %dma_start3A_187 = arith.constant 0 : i32
          %dma_start3A_188 = tpu.memref_slice %arg10[%dma_start3A_186, %dma_start3A_187] : memref<1x7680xi32, #tpu.memory_space<vmem>> -> memref<1x7680xi32, #tpu.memory_space<vmem>>
          %dma_start3A_189 = arith.constant 1 : i32
          %dma_start3A_190 = tpu.memref_slice %arg3[%dma_start3A_189, %mul3A_164] : memref<2x3200000xi32, #tpu.memory_space<hbm>> -> memref<1x7680xi32, #tpu.memory_space<hbm>>
          tpu.enqueue_dma source(%dma_start3A_190 : memref<1x7680xi32, #tpu.memory_space<hbm>>) target(%dma_start3A_188 : memref<1x7680xi32, #tpu.memory_space<vmem>>) target_semaphore(%dma_start3A_185 : memref<!tpu.dma_semaphore, #tpu.memory_space<semaphore_mem>>)
        } else {
        }
        %mul3A_118 = arith.constant 7680 : i32
        %mul3A_119 = arith.muli %add3A_109, %mul3A_118 : i32
        %dma_wait3A = arith.constant 0 : i32
        %dma_wait3A_120 = arith.constant 0 : i32
        %dma_wait3A_121 = arith.constant 0 : i32
        %dma_wait3A_122 = tpu.memref_slice %arg7[%dma_wait3A_120, %dma_wait3A_121] : memref<1x7680xi32, #tpu.memory_space<vmem>> -> memref<1x7680xi32, #tpu.memory_space<vmem>>
        %dma_wait3A_123 = arith.constant 0 : i32
        %dma_wait3A_124 = tpu.memref_slice %arg3[%dma_wait3A_123, %mul3A_119] : memref<2x3200000xi32, #tpu.memory_space<hbm>> -> memref<1x7680xi32, #tpu.memory_space<hbm>>
        %dma_wait3A_125 = tpu.memref_slice %arg12[%dma_wait3A] : memref<2x!tpu.dma_semaphore, #tpu.memory_space<semaphore_mem>> -> memref<1x!tpu.dma_semaphore, #tpu.memory_space<semaphore_mem>>
        %dma_wait3A_126 = tpu.memref_squeeze %dma_wait3A_125 : memref<1x!tpu.dma_semaphore, #tpu.memory_space<semaphore_mem>> -> memref<!tpu.dma_semaphore, #tpu.memory_space<semaphore_mem>>
        %dma_wait3A_127 = arith.constant 0 : i32
        %dma_wait3A_128 = arith.constant 0 : i32
        %dma_wait3A_129 = tpu.memref_slice %arg7[%dma_wait3A_127, %dma_wait3A_128] : memref<1x7680xi32, #tpu.memory_space<vmem>> -> memref<1x7680xi32, #tpu.memory_space<vmem>>
        %dma_wait3A_130 = arith.constant 0 : i32
        %dma_wait3A_131 = tpu.memref_slice %arg3[%dma_wait3A_130, %mul3A_119] : memref<2x3200000xi32, #tpu.memory_space<hbm>> -> memref<1x7680xi32, #tpu.memory_space<hbm>>
        tpu.wait_dma2 semaphore(%dma_wait3A_126 : memref<!tpu.dma_semaphore, #tpu.memory_space<semaphore_mem>>) src(%dma_wait3A_131 : memref<1x7680xi32, #tpu.memory_space<hbm>>) dst(%dma_wait3A_129 : memref<1x7680xi32, #tpu.memory_space<vmem>>)
        %dma_wait3A_132 = arith.constant 0 : i32
        %dma_wait3A_133 = arith.constant 0 : i32
        %dma_wait3A_134 = arith.constant 0 : i32
        %dma_wait3A_135 = tpu.memref_slice %arg9[%dma_wait3A_133, %dma_wait3A_134] : memref<1x7680xi32, #tpu.memory_space<vmem>> -> memref<1x7680xi32, #tpu.memory_space<vmem>>
        %dma_wait3A_136 = arith.constant 1 : i32
        %dma_wait3A_137 = tpu.memref_slice %arg3[%dma_wait3A_136, %mul3A_119] : memref<2x3200000xi32, #tpu.memory_space<hbm>> -> memref<1x7680xi32, #tpu.memory_space<hbm>>
        %dma_wait3A_138 = tpu.memref_slice %arg13[%dma_wait3A_132] : memref<2x!tpu.dma_semaphore, #tpu.memory_space<semaphore_mem>> -> memref<1x!tpu.dma_semaphore, #tpu.memory_space<semaphore_mem>>
        %dma_wait3A_139 = tpu.memref_squeeze %dma_wait3A_138 : memref<1x!tpu.dma_semaphore, #tpu.memory_space<semaphore_mem>> -> memref<!tpu.dma_semaphore, #tpu.memory_space<semaphore_mem>>
        %dma_wait3A_140 = arith.constant 0 : i32
        %dma_wait3A_141 = arith.constant 0 : i32
        %dma_wait3A_142 = tpu.memref_slice %arg9[%dma_wait3A_140, %dma_wait3A_141] : memref<1x7680xi32, #tpu.memory_space<vmem>> -> memref<1x7680xi32, #tpu.memory_space<vmem>>
        %dma_wait3A_143 = arith.constant 1 : i32
        %dma_wait3A_144 = tpu.memref_slice %arg3[%dma_wait3A_143, %mul3A_119] : memref<2x3200000xi32, #tpu.memory_space<hbm>> -> memref<1x7680xi32, #tpu.memory_space<hbm>>
        tpu.wait_dma2 semaphore(%dma_wait3A_139 : memref<!tpu.dma_semaphore, #tpu.memory_space<semaphore_mem>>) src(%dma_wait3A_144 : memref<1x7680xi32, #tpu.memory_space<hbm>>) dst(%dma_wait3A_142 : memref<1x7680xi32, #tpu.memory_space<vmem>>)
        %parallel_loop3A = arith.constant 0 : i32
        %parallel_loop3A_145 = arith.constant 7680 : i32
        %parallel_loop3A_146 = arith.constant 16 : i32
        %parallel_loop3A_147 = scf.for %parallel_loop3A_163 = %parallel_loop3A to %parallel_loop3A_145 step %parallel_loop3A_146 iter_args(%parallel_loop3A_164 = %while3A_102) -> (vector<16xf32>)  : i32 {
          %parallel_loop3A_165 = arith.constant 0 : i32
          %parallel_loop3A_166 = arith.index_cast %parallel_loop3A_165 : i32 to index
          %parallel_loop3A_167 = arith.index_cast %parallel_loop3A_163 : i32 to index
          %parallel_loop3A_168 = tpu.vector_load %arg7[%parallel_loop3A_166, %parallel_loop3A_167] {strides = array<i32>} : memref<1x7680xi32, #tpu.memory_space<vmem>>, vector<16xi32>,
          %parallel_loop3A_169 = arith.constant 0 : i32
          %parallel_loop3A_170 = arith.index_cast %parallel_loop3A_169 : i32 to index
          %parallel_loop3A_171 = arith.index_cast %parallel_loop3A_163 : i32 to index
          %parallel_loop3A_172 = tpu.vector_load %arg9[%parallel_loop3A_170, %parallel_loop3A_171] {strides = array<i32>} : memref<1x7680xi32, #tpu.memory_space<vmem>>, vector<16xi32>,
          %parallel_loop3A_173 = tpu.vector_load_idx %arg5[%parallel_loop3A_168] masked %broadcast_in_dim3A_18 : memref<50000xf32, #tpu.memory_space<vmem>>[vector<16xi32>], vector<16xf32>, vector<16xi1>
          %parallel_loop3A_174 = tpu.vector_load_idx %arg5[%parallel_loop3A_172] masked %broadcast_in_dim3A_18 : memref<50000xf32, #tpu.memory_space<vmem>>[vector<16xi32>], vector<16xf32>, vector<16xi1>
          %parallel_loop3A_175 = arith.mulf %parallel_loop3A_173, %parallel_loop3A_174 : vector<16xf32>
          %parallel_loop3A_176 = arith.addf %parallel_loop3A_164, %parallel_loop3A_175 : vector<16xf32>
          %parallel_loop3A_177 = tpu.vector_load_idx %arg6[%parallel_loop3A_168] masked %broadcast_in_dim3A_18 : memref<50000xf32, #tpu.memory_space<vmem>>[vector<16xi32>], vector<16xf32>, vector<16xi1>
          %parallel_loop3A_178 = tpu.vector_load_idx %arg6[%parallel_loop3A_172] masked %broadcast_in_dim3A_18 : memref<50000xf32, #tpu.memory_space<vmem>>[vector<16xi32>], vector<16xf32>, vector<16xi1>
          %parallel_loop3A_179 = arith.mulf %parallel_loop3A_177, %parallel_loop3A_178 : vector<16xf32>
          %parallel_loop3A_180 = arith.addf %parallel_loop3A_176, %parallel_loop3A_179 : vector<16xf32>
          scf.yield %parallel_loop3A_180 : vector<16xf32>
        } {sc.loop_unroll_factor = 16 : i64, sc.parallel_access}
        %add3A_148 = arith.constant 24 : i32
        %add3A_149 = arith.addi %add3A_109, %add3A_148 : i32
        %lt3A_150 = arith.constant 416 : i32
        %lt3A_151 = arith.cmpi slt, %add3A_149, %lt3A_150 : i32
        %convert_element_type3A_152 = arith.extui %lt3A_151 : i1 to i32
        %cond3A_153 = arith.constant 0 : i32
        %cond3A_154 = arith.cmpi ne, %convert_element_type3A_152, %cond3A_153 : i32
        scf.if %cond3A_154 {
          %mul3A_163 = arith.constant 7680 : i32
          %mul3A_164 = arith.muli %add3A_149, %mul3A_163 : i32
          %dma_start3A_165 = arith.constant 0 : i32
          %dma_start3A_166 = arith.constant 0 : i32
          %dma_start3A_167 = arith.constant 0 : i32
          %dma_start3A_168 = tpu.memref_slice %arg7[%dma_start3A_166, %dma_start3A_167] : memref<1x7680xi32, #tpu.memory_space<vmem>> -> memref<1x7680xi32, #tpu.memory_space<vmem>>
          %dma_start3A_169 = arith.constant 0 : i32
          %dma_start3A_170 = tpu.memref_slice %arg3[%dma_start3A_169, %mul3A_164] : memref<2x3200000xi32, #tpu.memory_space<hbm>> -> memref<1x7680xi32, #tpu.memory_space<hbm>>
          %dma_start3A_171 = tpu.memref_slice %arg12[%dma_start3A_165] : memref<2x!tpu.dma_semaphore, #tpu.memory_space<semaphore_mem>> -> memref<1x!tpu.dma_semaphore, #tpu.memory_space<semaphore_mem>>
          %dma_start3A_172 = tpu.memref_squeeze %dma_start3A_171 : memref<1x!tpu.dma_semaphore, #tpu.memory_space<semaphore_mem>> -> memref<!tpu.dma_semaphore, #tpu.memory_space<semaphore_mem>>
          %dma_start3A_173 = arith.constant 0 : i32
          %dma_start3A_174 = arith.constant 0 : i32
          %dma_start3A_175 = tpu.memref_slice %arg7[%dma_start3A_173, %dma_start3A_174] : memref<1x7680xi32, #tpu.memory_space<vmem>> -> memref<1x7680xi32, #tpu.memory_space<vmem>>
          %dma_start3A_176 = arith.constant 0 : i32
          %dma_start3A_177 = tpu.memref_slice %arg3[%dma_start3A_176, %mul3A_164] : memref<2x3200000xi32, #tpu.memory_space<hbm>> -> memref<1x7680xi32, #tpu.memory_space<hbm>>
          tpu.enqueue_dma source(%dma_start3A_177 : memref<1x7680xi32, #tpu.memory_space<hbm>>) target(%dma_start3A_175 : memref<1x7680xi32, #tpu.memory_space<vmem>>) target_semaphore(%dma_start3A_172 : memref<!tpu.dma_semaphore, #tpu.memory_space<semaphore_mem>>)
          %dma_start3A_178 = arith.constant 0 : i32
          %dma_start3A_179 = arith.constant 0 : i32
          %dma_start3A_180 = arith.constant 0 : i32
          %dma_start3A_181 = tpu.memref_slice %arg9[%dma_start3A_179, %dma_start3A_180] : memref<1x7680xi32, #tpu.memory_space<vmem>> -> memref<1x7680xi32, #tpu.memory_space<vmem>>
          %dma_start3A_182 = arith.constant 1 : i32
          %dma_start3A_183 = tpu.memref_slice %arg3[%dma_start3A_182, %mul3A_164] : memref<2x3200000xi32, #tpu.memory_space<hbm>> -> memref<1x7680xi32, #tpu.memory_space<hbm>>
          %dma_start3A_184 = tpu.memref_slice %arg13[%dma_start3A_178] : memref<2x!tpu.dma_semaphore, #tpu.memory_space<semaphore_mem>> -> memref<1x!tpu.dma_semaphore, #tpu.memory_space<semaphore_mem>>
          %dma_start3A_185 = tpu.memref_squeeze %dma_start3A_184 : memref<1x!tpu.dma_semaphore, #tpu.memory_space<semaphore_mem>> -> memref<!tpu.dma_semaphore, #tpu.memory_space<semaphore_mem>>
          %dma_start3A_186 = arith.constant 0 : i32
          %dma_start3A_187 = arith.constant 0 : i32
          %dma_start3A_188 = tpu.memref_slice %arg9[%dma_start3A_186, %dma_start3A_187] : memref<1x7680xi32, #tpu.memory_space<vmem>> -> memref<1x7680xi32, #tpu.memory_space<vmem>>
          %dma_start3A_189 = arith.constant 1 : i32
          %dma_start3A_190 = tpu.memref_slice %arg3[%dma_start3A_189, %mul3A_164] : memref<2x3200000xi32, #tpu.memory_space<hbm>> -> memref<1x7680xi32, #tpu.memory_space<hbm>>
          tpu.enqueue_dma source(%dma_start3A_190 : memref<1x7680xi32, #tpu.memory_space<hbm>>) target(%dma_start3A_188 : memref<1x7680xi32, #tpu.memory_space<vmem>>) target_semaphore(%dma_start3A_185 : memref<!tpu.dma_semaphore, #tpu.memory_space<semaphore_mem>>)
        } else {
        }
        %convert_element_type3A_155 = arith.extui %lt3A_113 : i1 to i32
        %cond3A_156 = arith.constant 0 : i32
        %cond3A_157 = arith.cmpi ne, %convert_element_type3A_155, %cond3A_156 : i32
        scf.if %cond3A_157 {
          %mul3A_163 = arith.constant 7680 : i32
          %mul3A_164 = arith.muli %add3A_111, %mul3A_163 : i32
          %dma_wait3A_165 = arith.constant 1 : i32
          %dma_wait3A_166 = arith.constant 0 : i32
          %dma_wait3A_167 = arith.constant 0 : i32
          %dma_wait3A_168 = tpu.memref_slice %arg8[%dma_wait3A_166, %dma_wait3A_167] : memref<1x7680xi32, #tpu.memory_space<vmem>> -> memref<1x7680xi32, #tpu.memory_space<vmem>>
          %dma_wait3A_169 = arith.constant 0 : i32
          %dma_wait3A_170 = tpu.memref_slice %arg3[%dma_wait3A_169, %mul3A_164] : memref<2x3200000xi32, #tpu.memory_space<hbm>> -> memref<1x7680xi32, #tpu.memory_space<hbm>>
          %dma_wait3A_171 = tpu.memref_slice %arg12[%dma_wait3A_165] : memref<2x!tpu.dma_semaphore, #tpu.memory_space<semaphore_mem>> -> memref<1x!tpu.dma_semaphore, #tpu.memory_space<semaphore_mem>>
          %dma_wait3A_172 = tpu.memref_squeeze %dma_wait3A_171 : memref<1x!tpu.dma_semaphore, #tpu.memory_space<semaphore_mem>> -> memref<!tpu.dma_semaphore, #tpu.memory_space<semaphore_mem>>
          %dma_wait3A_173 = arith.constant 0 : i32
          %dma_wait3A_174 = arith.constant 0 : i32
          %dma_wait3A_175 = tpu.memref_slice %arg8[%dma_wait3A_173, %dma_wait3A_174] : memref<1x7680xi32, #tpu.memory_space<vmem>> -> memref<1x7680xi32, #tpu.memory_space<vmem>>
          %dma_wait3A_176 = arith.constant 0 : i32
          %dma_wait3A_177 = tpu.memref_slice %arg3[%dma_wait3A_176, %mul3A_164] : memref<2x3200000xi32, #tpu.memory_space<hbm>> -> memref<1x7680xi32, #tpu.memory_space<hbm>>
          tpu.wait_dma2 semaphore(%dma_wait3A_172 : memref<!tpu.dma_semaphore, #tpu.memory_space<semaphore_mem>>) src(%dma_wait3A_177 : memref<1x7680xi32, #tpu.memory_space<hbm>>) dst(%dma_wait3A_175 : memref<1x7680xi32, #tpu.memory_space<vmem>>)
          %dma_wait3A_178 = arith.constant 1 : i32
          %dma_wait3A_179 = arith.constant 0 : i32
          %dma_wait3A_180 = arith.constant 0 : i32
          %dma_wait3A_181 = tpu.memref_slice %arg10[%dma_wait3A_179, %dma_wait3A_180] : memref<1x7680xi32, #tpu.memory_space<vmem>> -> memref<1x7680xi32, #tpu.memory_space<vmem>>
          %dma_wait3A_182 = arith.constant 1 : i32
          %dma_wait3A_183 = tpu.memref_slice %arg3[%dma_wait3A_182, %mul3A_164] : memref<2x3200000xi32, #tpu.memory_space<hbm>> -> memref<1x7680xi32, #tpu.memory_space<hbm>>
          %dma_wait3A_184 = tpu.memref_slice %arg13[%dma_wait3A_178] : memref<2x!tpu.dma_semaphore, #tpu.memory_space<semaphore_mem>> -> memref<1x!tpu.dma_semaphore, #tpu.memory_space<semaphore_mem>>
          %dma_wait3A_185 = tpu.memref_squeeze %dma_wait3A_184 : memref<1x!tpu.dma_semaphore, #tpu.memory_space<semaphore_mem>> -> memref<!tpu.dma_semaphore, #tpu.memory_space<semaphore_mem>>
          %dma_wait3A_186 = arith.constant 0 : i32
          %dma_wait3A_187 = arith.constant 0 : i32
          %dma_wait3A_188 = tpu.memref_slice %arg10[%dma_wait3A_186, %dma_wait3A_187] : memref<1x7680xi32, #tpu.memory_space<vmem>> -> memref<1x7680xi32, #tpu.memory_space<vmem>>
          %dma_wait3A_189 = arith.constant 1 : i32
          %dma_wait3A_190 = tpu.memref_slice %arg3[%dma_wait3A_189, %mul3A_164] : memref<2x3200000xi32, #tpu.memory_space<hbm>> -> memref<1x7680xi32, #tpu.memory_space<hbm>>
          tpu.wait_dma2 semaphore(%dma_wait3A_185 : memref<!tpu.dma_semaphore, #tpu.memory_space<semaphore_mem>>) src(%dma_wait3A_190 : memref<1x7680xi32, #tpu.memory_space<hbm>>) dst(%dma_wait3A_188 : memref<1x7680xi32, #tpu.memory_space<vmem>>)
        } else {
        }
        %parallel_loop3A_158 = arith.constant 0 : i32
        %parallel_loop3A_159 = arith.constant 7680 : i32
        %parallel_loop3A_160 = arith.constant 16 : i32
        %parallel_loop3A_161 = scf.for %parallel_loop3A_163 = %parallel_loop3A_158 to %parallel_loop3A_159 step %parallel_loop3A_160 iter_args(%parallel_loop3A_164 = %parallel_loop3A_147) -> (vector<16xf32>)  : i32 {
          %parallel_loop3A_165 = arith.constant 0 : i32
          %parallel_loop3A_166 = arith.index_cast %parallel_loop3A_165 : i32 to index
          %parallel_loop3A_167 = arith.index_cast %parallel_loop3A_163 : i32 to index
          %parallel_loop3A_168 = tpu.vector_load %arg8[%parallel_loop3A_166, %parallel_loop3A_167] {strides = array<i32>} : memref<1x7680xi32, #tpu.memory_space<vmem>>, vector<16xi32>,
          %parallel_loop3A_169 = arith.constant 0 : i32
          %parallel_loop3A_170 = arith.index_cast %parallel_loop3A_169 : i32 to index
          %parallel_loop3A_171 = arith.index_cast %parallel_loop3A_163 : i32 to index
          %parallel_loop3A_172 = tpu.vector_load %arg10[%parallel_loop3A_170, %parallel_loop3A_171] {strides = array<i32>} : memref<1x7680xi32, #tpu.memory_space<vmem>>, vector<16xi32>,
          %parallel_loop3A_173 = tpu.vector_load_idx %arg5[%parallel_loop3A_168] masked %broadcast_in_dim3A_114 : memref<50000xf32, #tpu.memory_space<vmem>>[vector<16xi32>], vector<16xf32>, vector<16xi1>
          %parallel_loop3A_174 = tpu.vector_load_idx %arg5[%parallel_loop3A_172] masked %broadcast_in_dim3A_114 : memref<50000xf32, #tpu.memory_space<vmem>>[vector<16xi32>], vector<16xf32>, vector<16xi1>
          %parallel_loop3A_175 = arith.mulf %parallel_loop3A_173, %parallel_loop3A_174 : vector<16xf32>
          %parallel_loop3A_176 = arith.addf %parallel_loop3A_164, %parallel_loop3A_175 : vector<16xf32>
          %parallel_loop3A_177 = tpu.vector_load_idx %arg6[%parallel_loop3A_168] masked %broadcast_in_dim3A_114 : memref<50000xf32, #tpu.memory_space<vmem>>[vector<16xi32>], vector<16xf32>, vector<16xi1>
          %parallel_loop3A_178 = tpu.vector_load_idx %arg6[%parallel_loop3A_172] masked %broadcast_in_dim3A_114 : memref<50000xf32, #tpu.memory_space<vmem>>[vector<16xi32>], vector<16xf32>, vector<16xi1>
          %parallel_loop3A_179 = arith.mulf %parallel_loop3A_177, %parallel_loop3A_178 : vector<16xf32>
          %parallel_loop3A_180 = arith.addf %parallel_loop3A_176, %parallel_loop3A_179 : vector<16xf32>
          scf.yield %parallel_loop3A_180 : vector<16xf32>
        } {sc.loop_unroll_factor = 16 : i64, sc.parallel_access}
        %select_n3A_162 = arith.select %broadcast_in_dim3A_114, %parallel_loop3A_161, %parallel_loop3A_147 : vector<16xi1>, vector<16xf32>
        scf.yield %select_n3A_162 : vector<16xf32>
      }
      %eq3A = arith.constant 0 : i32
      %eq3A_92 = arith.cmpi eq, %sub3A_16, %eq3A : i32
      %convert_element_type3A_93 = arith.extui %eq3A_92 : i1 to i32
      %cond3A_94 = arith.constant 0 : i32
      %cond3A_95 = arith.cmpi ne, %convert_element_type3A_93, %cond3A_94 : i32
      scf.if %cond3A_95 {
        %dma_start3A_101 = arith.constant 0 : i32
        %dma_start3A_102 = arith.constant 0 : i32
        %dma_start3A_103 = arith.constant 0 : i32
        %dma_start3A_104 = tpu.memref_slice %arg7[%dma_start3A_102, %dma_start3A_103] : memref<1x7680xi32, #tpu.memory_space<vmem>> -> memref<1x5120xi32, #tpu.memory_space<vmem>>
        %dma_start3A_105 = arith.constant 0 : i32
        %dma_start3A_106 = arith.constant 3194880 : i32
        %dma_start3A_107 = tpu.memref_slice %arg3[%dma_start3A_105, %dma_start3A_106] : memref<2x3200000xi32, #tpu.memory_space<hbm>> -> memref<1x5120xi32, #tpu.memory_space<hbm>>
        %dma_start3A_108 = tpu.memref_slice %arg12[%dma_start3A_101] : memref<2x!tpu.dma_semaphore, #tpu.memory_space<semaphore_mem>> -> memref<1x!tpu.dma_semaphore, #tpu.memory_space<semaphore_mem>>
        %dma_start3A_109 = tpu.memref_squeeze %dma_start3A_108 : memref<1x!tpu.dma_semaphore, #tpu.memory_space<semaphore_mem>> -> memref<!tpu.dma_semaphore, #tpu.memory_space<semaphore_mem>>
        %dma_start3A_110 = arith.constant 0 : i32
        %dma_start3A_111 = arith.constant 0 : i32
        %dma_start3A_112 = tpu.memref_slice %arg7[%dma_start3A_110, %dma_start3A_111] : memref<1x7680xi32, #tpu.memory_space<vmem>> -> memref<1x5120xi32, #tpu.memory_space<vmem>>
        %dma_start3A_113 = arith.constant 0 : i32
        %dma_start3A_114 = arith.constant 3194880 : i32
        %dma_start3A_115 = tpu.memref_slice %arg3[%dma_start3A_113, %dma_start3A_114] : memref<2x3200000xi32, #tpu.memory_space<hbm>> -> memref<1x5120xi32, #tpu.memory_space<hbm>>
        tpu.enqueue_dma source(%dma_start3A_115 : memref<1x5120xi32, #tpu.memory_space<hbm>>) target(%dma_start3A_112 : memref<1x5120xi32, #tpu.memory_space<vmem>>) target_semaphore(%dma_start3A_109 : memref<!tpu.dma_semaphore, #tpu.memory_space<semaphore_mem>>)
        %dma_start3A_116 = arith.constant 0 : i32
        %dma_start3A_117 = arith.constant 0 : i32
        %dma_start3A_118 = arith.constant 0 : i32
        %dma_start3A_119 = tpu.memref_slice %arg9[%dma_start3A_117, %dma_start3A_118] : memref<1x7680xi32, #tpu.memory_space<vmem>> -> memref<1x5120xi32, #tpu.memory_space<vmem>>
        %dma_start3A_120 = arith.constant 1 : i32
        %dma_start3A_121 = arith.constant 3194880 : i32
        %dma_start3A_122 = tpu.memref_slice %arg3[%dma_start3A_120, %dma_start3A_121] : memref<2x3200000xi32, #tpu.memory_space<hbm>> -> memref<1x5120xi32, #tpu.memory_space<hbm>>
        %dma_start3A_123 = tpu.memref_slice %arg13[%dma_start3A_116] : memref<2x!tpu.dma_semaphore, #tpu.memory_space<semaphore_mem>> -> memref<1x!tpu.dma_semaphore, #tpu.memory_space<semaphore_mem>>
        %dma_start3A_124 = tpu.memref_squeeze %dma_start3A_123 : memref<1x!tpu.dma_semaphore, #tpu.memory_space<semaphore_mem>> -> memref<!tpu.dma_semaphore, #tpu.memory_space<semaphore_mem>>
        %dma_start3A_125 = arith.constant 0 : i32
        %dma_start3A_126 = arith.constant 0 : i32
        %dma_start3A_127 = tpu.memref_slice %arg9[%dma_start3A_125, %dma_start3A_126] : memref<1x7680xi32, #tpu.memory_space<vmem>> -> memref<1x5120xi32, #tpu.memory_space<vmem>>
        %dma_start3A_128 = arith.constant 1 : i32
        %dma_start3A_129 = arith.constant 3194880 : i32
        %dma_start3A_130 = tpu.memref_slice %arg3[%dma_start3A_128, %dma_start3A_129] : memref<2x3200000xi32, #tpu.memory_space<hbm>> -> memref<1x5120xi32, #tpu.memory_space<hbm>>
        tpu.enqueue_dma source(%dma_start3A_130 : memref<1x5120xi32, #tpu.memory_space<hbm>>) target(%dma_start3A_127 : memref<1x5120xi32, #tpu.memory_space<vmem>>) target_semaphore(%dma_start3A_124 : memref<!tpu.dma_semaphore, #tpu.memory_space<semaphore_mem>>)
        %dma_wait3A = arith.constant 0 : i32
        %dma_wait3A_131 = arith.constant 0 : i32
        %dma_wait3A_132 = arith.constant 0 : i32
        %dma_wait3A_133 = tpu.memref_slice %arg7[%dma_wait3A_131, %dma_wait3A_132] : memref<1x7680xi32, #tpu.memory_space<vmem>> -> memref<1x5120xi32, #tpu.memory_space<vmem>>
        %dma_wait3A_134 = arith.constant 0 : i32
        %dma_wait3A_135 = arith.constant 3194880 : i32
        %dma_wait3A_136 = tpu.memref_slice %arg3[%dma_wait3A_134, %dma_wait3A_135] : memref<2x3200000xi32, #tpu.memory_space<hbm>> -> memref<1x5120xi32, #tpu.memory_space<hbm>>
        %dma_wait3A_137 = tpu.memref_slice %arg12[%dma_wait3A] : memref<2x!tpu.dma_semaphore, #tpu.memory_space<semaphore_mem>> -> memref<1x!tpu.dma_semaphore, #tpu.memory_space<semaphore_mem>>
        %dma_wait3A_138 = tpu.memref_squeeze %dma_wait3A_137 : memref<1x!tpu.dma_semaphore, #tpu.memory_space<semaphore_mem>> -> memref<!tpu.dma_semaphore, #tpu.memory_space<semaphore_mem>>
        %dma_wait3A_139 = arith.constant 0 : i32
        %dma_wait3A_140 = arith.constant 0 : i32
        %dma_wait3A_141 = tpu.memref_slice %arg7[%dma_wait3A_139, %dma_wait3A_140] : memref<1x7680xi32, #tpu.memory_space<vmem>> -> memref<1x5120xi32, #tpu.memory_space<vmem>>
        %dma_wait3A_142 = arith.constant 0 : i32
        %dma_wait3A_143 = arith.constant 3194880 : i32
        %dma_wait3A_144 = tpu.memref_slice %arg3[%dma_wait3A_142, %dma_wait3A_143] : memref<2x3200000xi32, #tpu.memory_space<hbm>> -> memref<1x5120xi32, #tpu.memory_space<hbm>>
        tpu.wait_dma2 semaphore(%dma_wait3A_138 : memref<!tpu.dma_semaphore, #tpu.memory_space<semaphore_mem>>) src(%dma_wait3A_144 : memref<1x5120xi32, #tpu.memory_space<hbm>>) dst(%dma_wait3A_141 : memref<1x5120xi32, #tpu.memory_space<vmem>>)
        %dma_wait3A_145 = arith.constant 0 : i32
        %dma_wait3A_146 = arith.constant 0 : i32
        %dma_wait3A_147 = arith.constant 0 : i32
        %dma_wait3A_148 = tpu.memref_slice %arg9[%dma_wait3A_146, %dma_wait3A_147] : memref<1x7680xi32, #tpu.memory_space<vmem>> -> memref<1x5120xi32, #tpu.memory_space<vmem>>
        %dma_wait3A_149 = arith.constant 1 : i32
        %dma_wait3A_150 = arith.constant 3194880 : i32
        %dma_wait3A_151 = tpu.memref_slice %arg3[%dma_wait3A_149, %dma_wait3A_150] : memref<2x3200000xi32, #tpu.memory_space<hbm>> -> memref<1x5120xi32, #tpu.memory_space<hbm>>
        %dma_wait3A_152 = tpu.memref_slice %arg13[%dma_wait3A_145] : memref<2x!tpu.dma_semaphore, #tpu.memory_space<semaphore_mem>> -> memref<1x!tpu.dma_semaphore, #tpu.memory_space<semaphore_mem>>
        %dma_wait3A_153 = tpu.memref_squeeze %dma_wait3A_152 : memref<1x!tpu.dma_semaphore, #tpu.memory_space<semaphore_mem>> -> memref<!tpu.dma_semaphore, #tpu.memory_space<semaphore_mem>>
        %dma_wait3A_154 = arith.constant 0 : i32
        %dma_wait3A_155 = arith.constant 0 : i32
        %dma_wait3A_156 = tpu.memref_slice %arg9[%dma_wait3A_154, %dma_wait3A_155] : memref<1x7680xi32, #tpu.memory_space<vmem>> -> memref<1x5120xi32, #tpu.memory_space<vmem>>
        %dma_wait3A_157 = arith.constant 1 : i32
        %dma_wait3A_158 = arith.constant 3194880 : i32
        %dma_wait3A_159 = tpu.memref_slice %arg3[%dma_wait3A_157, %dma_wait3A_158] : memref<2x3200000xi32, #tpu.memory_space<hbm>> -> memref<1x5120xi32, #tpu.memory_space<hbm>>
        tpu.wait_dma2 semaphore(%dma_wait3A_153 : memref<!tpu.dma_semaphore, #tpu.memory_space<semaphore_mem>>) src(%dma_wait3A_159 : memref<1x5120xi32, #tpu.memory_space<hbm>>) dst(%dma_wait3A_156 : memref<1x5120xi32, #tpu.memory_space<vmem>>)
        %parallel_loop3A = arith.constant 0 : i32
        %parallel_loop3A_160 = arith.constant 5120 : i32
        %parallel_loop3A_161 = arith.constant 16 : i32
        %parallel_loop3A_162 = scf.for %parallel_loop3A_165 = %parallel_loop3A to %parallel_loop3A_160 step %parallel_loop3A_161 iter_args(%parallel_loop3A_166 = %while3A_91) -> (vector<16xf32>)  : i32 {
          %parallel_loop3A_167 = arith.constant 0 : i32
          %parallel_loop3A_168 = arith.index_cast %parallel_loop3A_167 : i32 to index
          %parallel_loop3A_169 = arith.index_cast %parallel_loop3A_165 : i32 to index
          %parallel_loop3A_170 = tpu.vector_load %arg7[%parallel_loop3A_168, %parallel_loop3A_169] {strides = array<i32>} : memref<1x7680xi32, #tpu.memory_space<vmem>>, vector<16xi32>,
          %parallel_loop3A_171 = arith.constant 0 : i32
          %parallel_loop3A_172 = arith.index_cast %parallel_loop3A_171 : i32 to index
          %parallel_loop3A_173 = arith.index_cast %parallel_loop3A_165 : i32 to index
          %parallel_loop3A_174 = tpu.vector_load %arg9[%parallel_loop3A_172, %parallel_loop3A_173] {strides = array<i32>} : memref<1x7680xi32, #tpu.memory_space<vmem>>, vector<16xi32>,
          %parallel_loop3A_175 = tpu.vector_load_idx %arg5[%parallel_loop3A_170] masked %broadcast_in_dim3A_18 : memref<50000xf32, #tpu.memory_space<vmem>>[vector<16xi32>], vector<16xf32>, vector<16xi1>
          %parallel_loop3A_176 = tpu.vector_load_idx %arg5[%parallel_loop3A_174] masked %broadcast_in_dim3A_18 : memref<50000xf32, #tpu.memory_space<vmem>>[vector<16xi32>], vector<16xf32>, vector<16xi1>
          %parallel_loop3A_177 = arith.mulf %parallel_loop3A_175, %parallel_loop3A_176 : vector<16xf32>
          %parallel_loop3A_178 = arith.addf %parallel_loop3A_166, %parallel_loop3A_177 : vector<16xf32>
          %parallel_loop3A_179 = tpu.vector_load_idx %arg6[%parallel_loop3A_170] masked %broadcast_in_dim3A_18 : memref<50000xf32, #tpu.memory_space<vmem>>[vector<16xi32>], vector<16xf32>, vector<16xi1>
          %parallel_loop3A_180 = tpu.vector_load_idx %arg6[%parallel_loop3A_174] masked %broadcast_in_dim3A_18 : memref<50000xf32, #tpu.memory_space<vmem>>[vector<16xi32>], vector<16xf32>, vector<16xi1>
          %parallel_loop3A_181 = arith.mulf %parallel_loop3A_179, %parallel_loop3A_180 : vector<16xf32>
          %parallel_loop3A_182 = arith.addf %parallel_loop3A_178, %parallel_loop3A_181 : vector<16xf32>
          scf.yield %parallel_loop3A_182 : vector<16xf32>
        } {sc.loop_unroll_factor = 16 : i64, sc.parallel_access}
        %swap3A_163 = arith.constant 0 : index
        %swap3A_164 = tpu.vector_load %arg11[%swap3A_163] {strides = array<i32>} : memref<16xf32, #tpu.memory_space<vmem>>, vector<16xf32>,
        tpu.vector_store %arg11[%swap3A_163], %parallel_loop3A_162 {strides = array<i32>} : memref<16xf32, #tpu.memory_space<vmem>>, vector<16xf32>,
      } else {
      }
      %ne3A_96 = arith.constant 0 : i32
      %ne3A_97 = arith.cmpi ne, %sub3A_16, %ne3A_96 : i32
      %convert_element_type3A_98 = arith.extui %ne3A_97 : i1 to i32
      %cond3A_99 = arith.constant 0 : i32
      %cond3A_100 = arith.cmpi ne, %convert_element_type3A_98, %cond3A_99 : i32
      scf.if %cond3A_100 {
        %swap3A_101 = arith.constant 0 : index
        %swap3A_102 = tpu.vector_load %arg11[%swap3A_101] {strides = array<i32>} : memref<16xf32, #tpu.memory_space<vmem>>, vector<16xf32>,
        tpu.vector_store %arg11[%swap3A_101], %while3A_91 {strides = array<i32>} : memref<16xf32, #tpu.memory_space<vmem>>, vector<16xf32>,
      } else {
      }
    } else {
    }
    %ge3A_11 = arith.constant 24 : i32
    %ge3A_12 = arith.cmpi sge, %add3A, %ge3A_11 : i32
    %convert_element_type3A_13 = arith.extui %ge3A_12 : i1 to i32
    %cond3A_14 = arith.constant 0 : i32
    %cond3A_15 = arith.cmpi ne, %convert_element_type3A_13, %cond3A_14 : i32
    scf.if %cond3A_15 {
      %sub3A = arith.constant 24 : i32
      %sub3A_16 = arith.subi %add3A, %sub3A : i32
      %broadcast_in_dim3A_17 = arith.constant true
      %broadcast_in_dim3A_18 = vector.broadcast %broadcast_in_dim3A_17 : i1 to vector<16xi1>
      %mul3A_19 = arith.constant 7680 : i32
      %mul3A_20 = arith.muli %sub3A_16, %mul3A_19 : i32
      %dma_start3A = arith.constant 0 : i32
      %dma_start3A_21 = arith.constant 0 : i32
      %dma_start3A_22 = arith.constant 0 : i32
      %dma_start3A_23 = tpu.memref_slice %arg7[%dma_start3A_21, %dma_start3A_22] : memref<1x7680xi32, #tpu.memory_space<vmem>> -> memref<1x7680xi32, #tpu.memory_space<vmem>>
      %dma_start3A_24 = arith.constant 0 : i32
      %dma_start3A_25 = tpu.memref_slice %arg3[%dma_start3A_24, %mul3A_20] : memref<2x3200000xi32, #tpu.memory_space<hbm>> -> memref<1x7680xi32, #tpu.memory_space<hbm>>
      %dma_start3A_26 = tpu.memref_slice %arg12[%dma_start3A] : memref<2x!tpu.dma_semaphore, #tpu.memory_space<semaphore_mem>> -> memref<1x!tpu.dma_semaphore, #tpu.memory_space<semaphore_mem>>
      %dma_start3A_27 = tpu.memref_squeeze %dma_start3A_26 : memref<1x!tpu.dma_semaphore, #tpu.memory_space<semaphore_mem>> -> memref<!tpu.dma_semaphore, #tpu.memory_space<semaphore_mem>>
      %dma_start3A_28 = arith.constant 0 : i32
      %dma_start3A_29 = arith.constant 0 : i32
      %dma_start3A_30 = tpu.memref_slice %arg7[%dma_start3A_28, %dma_start3A_29] : memref<1x7680xi32, #tpu.memory_space<vmem>> -> memref<1x7680xi32, #tpu.memory_space<vmem>>
      %dma_start3A_31 = arith.constant 0 : i32
      %dma_start3A_32 = tpu.memref_slice %arg3[%dma_start3A_31, %mul3A_20] : memref<2x3200000xi32, #tpu.memory_space<hbm>> -> memref<1x7680xi32, #tpu.memory_space<hbm>>
      tpu.enqueue_dma source(%dma_start3A_32 : memref<1x7680xi32, #tpu.memory_space<hbm>>) target(%dma_start3A_30 : memref<1x7680xi32, #tpu.memory_space<vmem>>) target_semaphore(%dma_start3A_27 : memref<!tpu.dma_semaphore, #tpu.memory_space<semaphore_mem>>)
      %dma_start3A_33 = arith.constant 0 : i32
      %dma_start3A_34 = arith.constant 0 : i32
      %dma_start3A_35 = arith.constant 0 : i32
      %dma_start3A_36 = tpu.memref_slice %arg9[%dma_start3A_34, %dma_start3A_35] : memref<1x7680xi32, #tpu.memory_space<vmem>> -> memref<1x7680xi32, #tpu.memory_space<vmem>>
      %dma_start3A_37 = arith.constant 1 : i32
      %dma_start3A_38 = tpu.memref_slice %arg3[%dma_start3A_37, %mul3A_20] : memref<2x3200000xi32, #tpu.memory_space<hbm>> -> memref<1x7680xi32, #tpu.memory_space<hbm>>
      %dma_start3A_39 = tpu.memref_slice %arg13[%dma_start3A_33] : memref<2x!tpu.dma_semaphore, #tpu.memory_space<semaphore_mem>> -> memref<1x!tpu.dma_semaphore, #tpu.memory_space<semaphore_mem>>
      %dma_start3A_40 = tpu.memref_squeeze %dma_start3A_39 : memref<1x!tpu.dma_semaphore, #tpu.memory_space<semaphore_mem>> -> memref<!tpu.dma_semaphore, #tpu.memory_space<semaphore_mem>>
      %dma_start3A_41 = arith.constant 0 : i32
      %dma_start3A_42 = arith.constant 0 : i32
      %dma_start3A_43 = tpu.memref_slice %arg9[%dma_start3A_41, %dma_start3A_42] : memref<1x7680xi32, #tpu.memory_space<vmem>> -> memref<1x7680xi32, #tpu.memory_space<vmem>>
      %dma_start3A_44 = arith.constant 1 : i32
      %dma_start3A_45 = tpu.memref_slice %arg3[%dma_start3A_44, %mul3A_20] : memref<2x3200000xi32, #tpu.memory_space<hbm>> -> memref<1x7680xi32, #tpu.memory_space<hbm>>
      tpu.enqueue_dma source(%dma_start3A_45 : memref<1x7680xi32, #tpu.memory_space<hbm>>) target(%dma_start3A_43 : memref<1x7680xi32, #tpu.memory_space<vmem>>) target_semaphore(%dma_start3A_40 : memref<!tpu.dma_semaphore, #tpu.memory_space<semaphore_mem>>)
      "tpu.region"() ({
        %run_scoped3A = tpu.sem_alloc : memref<!tpu.dma_semaphore, #tpu.memory_space<semaphore_mem>>
        %dma_start3A_101 = arith.constant 200000 : i32
        %dma_start3A_102 = tpu.memref_slice %arg2[%dma_start3A_101] : memref<250000xf32, #tpu.memory_space<hbm>> -> memref<50000xf32, #tpu.memory_space<hbm>>
        %dma_start3A_103 = arith.constant 200000 : i32
        %dma_start3A_104 = tpu.memref_slice %arg2[%dma_start3A_103] : memref<250000xf32, #tpu.memory_space<hbm>> -> memref<50000xf32, #tpu.memory_space<hbm>>
        tpu.enqueue_dma source(%dma_start3A_104 : memref<50000xf32, #tpu.memory_space<hbm>>) target(%arg5 : memref<50000xf32, #tpu.memory_space<vmem>>) target_semaphore(%run_scoped3A : memref<!tpu.dma_semaphore, #tpu.memory_space<semaphore_mem>>)
        %dma_wait3A = arith.constant 200000 : i32
        %dma_wait3A_105 = tpu.memref_slice %arg2[%dma_wait3A] : memref<250000xf32, #tpu.memory_space<hbm>> -> memref<50000xf32, #tpu.memory_space<hbm>>
        %dma_wait3A_106 = arith.constant 200000 : i32
        %dma_wait3A_107 = tpu.memref_slice %arg2[%dma_wait3A_106] : memref<250000xf32, #tpu.memory_space<hbm>> -> memref<50000xf32, #tpu.memory_space<hbm>>
        tpu.wait_dma2 semaphore(%run_scoped3A : memref<!tpu.dma_semaphore, #tpu.memory_space<semaphore_mem>>) src(%dma_wait3A_107 : memref<50000xf32, #tpu.memory_space<hbm>>) dst(%arg5 : memref<50000xf32, #tpu.memory_space<vmem>>)
        tpu.yield
      }) : () -> ()
      %sub3A_46 = arith.constant 416 : i32
      %sub3A_47 = arith.subi %sub3A_46, %sub3A_16 : i32
      %add3A_48 = arith.constant 16 : i32
      %add3A_49 = arith.addi %sub3A_47, %add3A_48 : i32
      %sub3A_50 = arith.constant 1 : i32
      %sub3A_51 = arith.subi %add3A_49, %sub3A_50 : i32
      %jit3A = arith.constant 16 : i32
      %div3A = arith.divsi %sub3A_51, %jit3A : i32
      %sign3A = arith.constant 0 : i32
      %sign3A_52 = arith.cmpi sgt, %sub3A_51, %sign3A : i32
      %sign3A_53 = arith.extui %sign3A_52 : i1 to i32
      %sign3A_54 = arith.constant 0 : i32
      %sign3A_55 = arith.cmpi slt, %sub3A_51, %sign3A_54 : i32
      %sign3A_56 = arith.extui %sign3A_55 : i1 to i32
      %sign3A_57 = arith.subi %sign3A_53, %sign3A_56 : i32
      %sign3A_58 = arith.constant 0 : i32
      %sign3A_59 = arith.cmpi sgt, %jit3A, %sign3A_58 : i32
      %sign3A_60 = arith.extui %sign3A_59 : i1 to i32
      %sign3A_61 = arith.constant 0 : i32
      %sign3A_62 = arith.cmpi slt, %jit3A, %sign3A_61 : i32
      %sign3A_63 = arith.extui %sign3A_62 : i1 to i32
      %sign3A_64 = arith.subi %sign3A_60, %sign3A_63 : i32
      %ne3A = arith.cmpi ne, %sign3A_57, %sign3A_64 : i32
      %rem3A = arith.remsi %sub3A_51, %jit3A : i32
      %ne3A_65 = arith.constant 0 : i32
      %ne3A_66 = arith.cmpi ne, %rem3A, %ne3A_65 : i32
      %and3A_67 = arith.andi %ne3A, %ne3A_66 : i1
      %sub3A_68 = arith.constant 1 : i32
      %sub3A_69 = arith.subi %div3A, %sub3A_68 : i32
      %select_n3A = arith.select %and3A_67, %sub3A_69, %div3A : i32
      %broadcast_in_dim3A_70 = arith.constant 0.000000e+00 : f32
      %broadcast_in_dim3A_71 = vector.broadcast %broadcast_in_dim3A_70 : f32 to vector<16xf32>
      %sub3A_72 = arith.constant 0 : i32
      %sub3A_73 = arith.subi %select_n3A, %sub3A_72 : i32
      %sub3A_74 = arith.constant 1 : i32
      %sub3A_75 = arith.constant 1 : i32
      %sub3A_76 = arith.subi %sub3A_74, %sub3A_75 : i32
      %add3A_77 = arith.addi %sub3A_73, %sub3A_76 : i32
      %div3A_78 = arith.constant 1 : i32
      %div3A_79 = arith.divsi %add3A_77, %div3A_78 : i32
      %while3A = arith.constant 1 : i32
      %while3A_80 = arith.constant 0 : i32
      %while3A_81 = arith.constant 0 : i32
      %while3A_82 = arith.subi %div3A_79, %while3A_81 : i32
      %while3A_83 = arith.addi %while3A_81, %while3A_82 : i32
      %while3A_84 = arith.constant 1 : i32
      %while3A_85 = arith.divsi %while3A_82, %while3A_84 : i32
      %while3A_86 = arith.muli %while3A_85, %while3A_84 : i32
      %while3A_87 = arith.addi %while3A_81, %while3A_86 : i32
      %while3A_88 = arith.constant 1 : i32
      %while3A_89 = scf.for %while3A_101 = %while3A_81 to %while3A_87 step %while3A_88 iter_args(%while3A_102 = %broadcast_in_dim3A_71) -> (vector<16xf32>)  : i32 {
        %mul3A_103 = arith.muli %while3A_101, %while3A : i32
        %add3A_104 = arith.addi %while3A_80, %mul3A_103 : i32
        %mul3A_105 = arith.constant 2 : i32
        %mul3A_106 = arith.muli %add3A_104, %mul3A_105 : i32
        %mul3A_107 = arith.constant 8 : i32
        %mul3A_108 = arith.muli %mul3A_106, %mul3A_107 : i32
        %add3A_109 = arith.addi %sub3A_16, %mul3A_108 : i32
        %add3A_110 = arith.constant 8 : i32
        %add3A_111 = arith.addi %add3A_109, %add3A_110 : i32
        %lt3A_112 = arith.constant 416 : i32
        %lt3A_113 = arith.cmpi slt, %add3A_111, %lt3A_112 : i32
        %broadcast_in_dim3A_114 = vector.broadcast %lt3A_113 : i1 to vector<16xi1>
        %convert_element_type3A_115 = arith.extui %lt3A_113 : i1 to i32
        %cond3A_116 = arith.constant 0 : i32
        %cond3A_117 = arith.cmpi ne, %convert_element_type3A_115, %cond3A_116 : i32
        scf.if %cond3A_117 {
          %mul3A_163 = arith.constant 7680 : i32
          %mul3A_164 = arith.muli %add3A_111, %mul3A_163 : i32
          %dma_start3A_165 = arith.constant 1 : i32
          %dma_start3A_166 = arith.constant 0 : i32
          %dma_start3A_167 = arith.constant 0 : i32
          %dma_start3A_168 = tpu.memref_slice %arg8[%dma_start3A_166, %dma_start3A_167] : memref<1x7680xi32, #tpu.memory_space<vmem>> -> memref<1x7680xi32, #tpu.memory_space<vmem>>
          %dma_start3A_169 = arith.constant 0 : i32
          %dma_start3A_170 = tpu.memref_slice %arg3[%dma_start3A_169, %mul3A_164] : memref<2x3200000xi32, #tpu.memory_space<hbm>> -> memref<1x7680xi32, #tpu.memory_space<hbm>>
          %dma_start3A_171 = tpu.memref_slice %arg12[%dma_start3A_165] : memref<2x!tpu.dma_semaphore, #tpu.memory_space<semaphore_mem>> -> memref<1x!tpu.dma_semaphore, #tpu.memory_space<semaphore_mem>>
          %dma_start3A_172 = tpu.memref_squeeze %dma_start3A_171 : memref<1x!tpu.dma_semaphore, #tpu.memory_space<semaphore_mem>> -> memref<!tpu.dma_semaphore, #tpu.memory_space<semaphore_mem>>
          %dma_start3A_173 = arith.constant 0 : i32
          %dma_start3A_174 = arith.constant 0 : i32
          %dma_start3A_175 = tpu.memref_slice %arg8[%dma_start3A_173, %dma_start3A_174] : memref<1x7680xi32, #tpu.memory_space<vmem>> -> memref<1x7680xi32, #tpu.memory_space<vmem>>
          %dma_start3A_176 = arith.constant 0 : i32
          %dma_start3A_177 = tpu.memref_slice %arg3[%dma_start3A_176, %mul3A_164] : memref<2x3200000xi32, #tpu.memory_space<hbm>> -> memref<1x7680xi32, #tpu.memory_space<hbm>>
          tpu.enqueue_dma source(%dma_start3A_177 : memref<1x7680xi32, #tpu.memory_space<hbm>>) target(%dma_start3A_175 : memref<1x7680xi32, #tpu.memory_space<vmem>>) target_semaphore(%dma_start3A_172 : memref<!tpu.dma_semaphore, #tpu.memory_space<semaphore_mem>>)
          %dma_start3A_178 = arith.constant 1 : i32
          %dma_start3A_179 = arith.constant 0 : i32
          %dma_start3A_180 = arith.constant 0 : i32
          %dma_start3A_181 = tpu.memref_slice %arg10[%dma_start3A_179, %dma_start3A_180] : memref<1x7680xi32, #tpu.memory_space<vmem>> -> memref<1x7680xi32, #tpu.memory_space<vmem>>
          %dma_start3A_182 = arith.constant 1 : i32
          %dma_start3A_183 = tpu.memref_slice %arg3[%dma_start3A_182, %mul3A_164] : memref<2x3200000xi32, #tpu.memory_space<hbm>> -> memref<1x7680xi32, #tpu.memory_space<hbm>>
          %dma_start3A_184 = tpu.memref_slice %arg13[%dma_start3A_178] : memref<2x!tpu.dma_semaphore, #tpu.memory_space<semaphore_mem>> -> memref<1x!tpu.dma_semaphore, #tpu.memory_space<semaphore_mem>>
          %dma_start3A_185 = tpu.memref_squeeze %dma_start3A_184 : memref<1x!tpu.dma_semaphore, #tpu.memory_space<semaphore_mem>> -> memref<!tpu.dma_semaphore, #tpu.memory_space<semaphore_mem>>
          %dma_start3A_186 = arith.constant 0 : i32
          %dma_start3A_187 = arith.constant 0 : i32
          %dma_start3A_188 = tpu.memref_slice %arg10[%dma_start3A_186, %dma_start3A_187] : memref<1x7680xi32, #tpu.memory_space<vmem>> -> memref<1x7680xi32, #tpu.memory_space<vmem>>
          %dma_start3A_189 = arith.constant 1 : i32
          %dma_start3A_190 = tpu.memref_slice %arg3[%dma_start3A_189, %mul3A_164] : memref<2x3200000xi32, #tpu.memory_space<hbm>> -> memref<1x7680xi32, #tpu.memory_space<hbm>>
          tpu.enqueue_dma source(%dma_start3A_190 : memref<1x7680xi32, #tpu.memory_space<hbm>>) target(%dma_start3A_188 : memref<1x7680xi32, #tpu.memory_space<vmem>>) target_semaphore(%dma_start3A_185 : memref<!tpu.dma_semaphore, #tpu.memory_space<semaphore_mem>>)
        } else {
        }
        %mul3A_118 = arith.constant 7680 : i32
        %mul3A_119 = arith.muli %add3A_109, %mul3A_118 : i32
        %dma_wait3A = arith.constant 0 : i32
        %dma_wait3A_120 = arith.constant 0 : i32
        %dma_wait3A_121 = arith.constant 0 : i32
        %dma_wait3A_122 = tpu.memref_slice %arg7[%dma_wait3A_120, %dma_wait3A_121] : memref<1x7680xi32, #tpu.memory_space<vmem>> -> memref<1x7680xi32, #tpu.memory_space<vmem>>
        %dma_wait3A_123 = arith.constant 0 : i32
        %dma_wait3A_124 = tpu.memref_slice %arg3[%dma_wait3A_123, %mul3A_119] : memref<2x3200000xi32, #tpu.memory_space<hbm>> -> memref<1x7680xi32, #tpu.memory_space<hbm>>
        %dma_wait3A_125 = tpu.memref_slice %arg12[%dma_wait3A] : memref<2x!tpu.dma_semaphore, #tpu.memory_space<semaphore_mem>> -> memref<1x!tpu.dma_semaphore, #tpu.memory_space<semaphore_mem>>
        %dma_wait3A_126 = tpu.memref_squeeze %dma_wait3A_125 : memref<1x!tpu.dma_semaphore, #tpu.memory_space<semaphore_mem>> -> memref<!tpu.dma_semaphore, #tpu.memory_space<semaphore_mem>>
        %dma_wait3A_127 = arith.constant 0 : i32
        %dma_wait3A_128 = arith.constant 0 : i32
        %dma_wait3A_129 = tpu.memref_slice %arg7[%dma_wait3A_127, %dma_wait3A_128] : memref<1x7680xi32, #tpu.memory_space<vmem>> -> memref<1x7680xi32, #tpu.memory_space<vmem>>
        %dma_wait3A_130 = arith.constant 0 : i32
        %dma_wait3A_131 = tpu.memref_slice %arg3[%dma_wait3A_130, %mul3A_119] : memref<2x3200000xi32, #tpu.memory_space<hbm>> -> memref<1x7680xi32, #tpu.memory_space<hbm>>
        tpu.wait_dma2 semaphore(%dma_wait3A_126 : memref<!tpu.dma_semaphore, #tpu.memory_space<semaphore_mem>>) src(%dma_wait3A_131 : memref<1x7680xi32, #tpu.memory_space<hbm>>) dst(%dma_wait3A_129 : memref<1x7680xi32, #tpu.memory_space<vmem>>)
        %dma_wait3A_132 = arith.constant 0 : i32
        %dma_wait3A_133 = arith.constant 0 : i32
        %dma_wait3A_134 = arith.constant 0 : i32
        %dma_wait3A_135 = tpu.memref_slice %arg9[%dma_wait3A_133, %dma_wait3A_134] : memref<1x7680xi32, #tpu.memory_space<vmem>> -> memref<1x7680xi32, #tpu.memory_space<vmem>>
        %dma_wait3A_136 = arith.constant 1 : i32
        %dma_wait3A_137 = tpu.memref_slice %arg3[%dma_wait3A_136, %mul3A_119] : memref<2x3200000xi32, #tpu.memory_space<hbm>> -> memref<1x7680xi32, #tpu.memory_space<hbm>>
        %dma_wait3A_138 = tpu.memref_slice %arg13[%dma_wait3A_132] : memref<2x!tpu.dma_semaphore, #tpu.memory_space<semaphore_mem>> -> memref<1x!tpu.dma_semaphore, #tpu.memory_space<semaphore_mem>>
        %dma_wait3A_139 = tpu.memref_squeeze %dma_wait3A_138 : memref<1x!tpu.dma_semaphore, #tpu.memory_space<semaphore_mem>> -> memref<!tpu.dma_semaphore, #tpu.memory_space<semaphore_mem>>
        %dma_wait3A_140 = arith.constant 0 : i32
        %dma_wait3A_141 = arith.constant 0 : i32
        %dma_wait3A_142 = tpu.memref_slice %arg9[%dma_wait3A_140, %dma_wait3A_141] : memref<1x7680xi32, #tpu.memory_space<vmem>> -> memref<1x7680xi32, #tpu.memory_space<vmem>>
        %dma_wait3A_143 = arith.constant 1 : i32
        %dma_wait3A_144 = tpu.memref_slice %arg3[%dma_wait3A_143, %mul3A_119] : memref<2x3200000xi32, #tpu.memory_space<hbm>> -> memref<1x7680xi32, #tpu.memory_space<hbm>>
        tpu.wait_dma2 semaphore(%dma_wait3A_139 : memref<!tpu.dma_semaphore, #tpu.memory_space<semaphore_mem>>) src(%dma_wait3A_144 : memref<1x7680xi32, #tpu.memory_space<hbm>>) dst(%dma_wait3A_142 : memref<1x7680xi32, #tpu.memory_space<vmem>>)
        %parallel_loop3A = arith.constant 0 : i32
        %parallel_loop3A_145 = arith.constant 7680 : i32
        %parallel_loop3A_146 = arith.constant 16 : i32
        %parallel_loop3A_147 = scf.for %parallel_loop3A_163 = %parallel_loop3A to %parallel_loop3A_145 step %parallel_loop3A_146 iter_args(%parallel_loop3A_164 = %while3A_102) -> (vector<16xf32>)  : i32 {
          %parallel_loop3A_165 = arith.constant 0 : i32
          %parallel_loop3A_166 = arith.index_cast %parallel_loop3A_165 : i32 to index
          %parallel_loop3A_167 = arith.index_cast %parallel_loop3A_163 : i32 to index
          %parallel_loop3A_168 = tpu.vector_load %arg7[%parallel_loop3A_166, %parallel_loop3A_167] {strides = array<i32>} : memref<1x7680xi32, #tpu.memory_space<vmem>>, vector<16xi32>,
          %parallel_loop3A_169 = arith.constant 0 : i32
          %parallel_loop3A_170 = arith.index_cast %parallel_loop3A_169 : i32 to index
          %parallel_loop3A_171 = arith.index_cast %parallel_loop3A_163 : i32 to index
          %parallel_loop3A_172 = tpu.vector_load %arg9[%parallel_loop3A_170, %parallel_loop3A_171] {strides = array<i32>} : memref<1x7680xi32, #tpu.memory_space<vmem>>, vector<16xi32>,
          %parallel_loop3A_173 = tpu.vector_load_idx %arg5[%parallel_loop3A_168] masked %broadcast_in_dim3A_18 : memref<50000xf32, #tpu.memory_space<vmem>>[vector<16xi32>], vector<16xf32>, vector<16xi1>
          %parallel_loop3A_174 = tpu.vector_load_idx %arg5[%parallel_loop3A_172] masked %broadcast_in_dim3A_18 : memref<50000xf32, #tpu.memory_space<vmem>>[vector<16xi32>], vector<16xf32>, vector<16xi1>
          %parallel_loop3A_175 = arith.mulf %parallel_loop3A_173, %parallel_loop3A_174 : vector<16xf32>
          %parallel_loop3A_176 = arith.addf %parallel_loop3A_164, %parallel_loop3A_175 : vector<16xf32>
          scf.yield %parallel_loop3A_176 : vector<16xf32>
        } {sc.loop_unroll_factor = 16 : i64, sc.parallel_access}
        %add3A_148 = arith.constant 16 : i32
        %add3A_149 = arith.addi %add3A_109, %add3A_148 : i32
        %lt3A_150 = arith.constant 416 : i32
        %lt3A_151 = arith.cmpi slt, %add3A_149, %lt3A_150 : i32
        %convert_element_type3A_152 = arith.extui %lt3A_151 : i1 to i32
        %cond3A_153 = arith.constant 0 : i32
        %cond3A_154 = arith.cmpi ne, %convert_element_type3A_152, %cond3A_153 : i32
        scf.if %cond3A_154 {
          %mul3A_163 = arith.constant 7680 : i32
          %mul3A_164 = arith.muli %add3A_149, %mul3A_163 : i32
          %dma_start3A_165 = arith.constant 0 : i32
          %dma_start3A_166 = arith.constant 0 : i32
          %dma_start3A_167 = arith.constant 0 : i32
          %dma_start3A_168 = tpu.memref_slice %arg7[%dma_start3A_166, %dma_start3A_167] : memref<1x7680xi32, #tpu.memory_space<vmem>> -> memref<1x7680xi32, #tpu.memory_space<vmem>>
          %dma_start3A_169 = arith.constant 0 : i32
          %dma_start3A_170 = tpu.memref_slice %arg3[%dma_start3A_169, %mul3A_164] : memref<2x3200000xi32, #tpu.memory_space<hbm>> -> memref<1x7680xi32, #tpu.memory_space<hbm>>
          %dma_start3A_171 = tpu.memref_slice %arg12[%dma_start3A_165] : memref<2x!tpu.dma_semaphore, #tpu.memory_space<semaphore_mem>> -> memref<1x!tpu.dma_semaphore, #tpu.memory_space<semaphore_mem>>
          %dma_start3A_172 = tpu.memref_squeeze %dma_start3A_171 : memref<1x!tpu.dma_semaphore, #tpu.memory_space<semaphore_mem>> -> memref<!tpu.dma_semaphore, #tpu.memory_space<semaphore_mem>>
          %dma_start3A_173 = arith.constant 0 : i32
          %dma_start3A_174 = arith.constant 0 : i32
          %dma_start3A_175 = tpu.memref_slice %arg7[%dma_start3A_173, %dma_start3A_174] : memref<1x7680xi32, #tpu.memory_space<vmem>> -> memref<1x7680xi32, #tpu.memory_space<vmem>>
          %dma_start3A_176 = arith.constant 0 : i32
          %dma_start3A_177 = tpu.memref_slice %arg3[%dma_start3A_176, %mul3A_164] : memref<2x3200000xi32, #tpu.memory_space<hbm>> -> memref<1x7680xi32, #tpu.memory_space<hbm>>
          tpu.enqueue_dma source(%dma_start3A_177 : memref<1x7680xi32, #tpu.memory_space<hbm>>) target(%dma_start3A_175 : memref<1x7680xi32, #tpu.memory_space<vmem>>) target_semaphore(%dma_start3A_172 : memref<!tpu.dma_semaphore, #tpu.memory_space<semaphore_mem>>)
          %dma_start3A_178 = arith.constant 0 : i32
          %dma_start3A_179 = arith.constant 0 : i32
          %dma_start3A_180 = arith.constant 0 : i32
          %dma_start3A_181 = tpu.memref_slice %arg9[%dma_start3A_179, %dma_start3A_180] : memref<1x7680xi32, #tpu.memory_space<vmem>> -> memref<1x7680xi32, #tpu.memory_space<vmem>>
          %dma_start3A_182 = arith.constant 1 : i32
          %dma_start3A_183 = tpu.memref_slice %arg3[%dma_start3A_182, %mul3A_164] : memref<2x3200000xi32, #tpu.memory_space<hbm>> -> memref<1x7680xi32, #tpu.memory_space<hbm>>
          %dma_start3A_184 = tpu.memref_slice %arg13[%dma_start3A_178] : memref<2x!tpu.dma_semaphore, #tpu.memory_space<semaphore_mem>> -> memref<1x!tpu.dma_semaphore, #tpu.memory_space<semaphore_mem>>
          %dma_start3A_185 = tpu.memref_squeeze %dma_start3A_184 : memref<1x!tpu.dma_semaphore, #tpu.memory_space<semaphore_mem>> -> memref<!tpu.dma_semaphore, #tpu.memory_space<semaphore_mem>>
          %dma_start3A_186 = arith.constant 0 : i32
          %dma_start3A_187 = arith.constant 0 : i32
          %dma_start3A_188 = tpu.memref_slice %arg9[%dma_start3A_186, %dma_start3A_187] : memref<1x7680xi32, #tpu.memory_space<vmem>> -> memref<1x7680xi32, #tpu.memory_space<vmem>>
          %dma_start3A_189 = arith.constant 1 : i32
          %dma_start3A_190 = tpu.memref_slice %arg3[%dma_start3A_189, %mul3A_164] : memref<2x3200000xi32, #tpu.memory_space<hbm>> -> memref<1x7680xi32, #tpu.memory_space<hbm>>
          tpu.enqueue_dma source(%dma_start3A_190 : memref<1x7680xi32, #tpu.memory_space<hbm>>) target(%dma_start3A_188 : memref<1x7680xi32, #tpu.memory_space<vmem>>) target_semaphore(%dma_start3A_185 : memref<!tpu.dma_semaphore, #tpu.memory_space<semaphore_mem>>)
        } else {
        }
        %convert_element_type3A_155 = arith.extui %lt3A_113 : i1 to i32
        %cond3A_156 = arith.constant 0 : i32
        %cond3A_157 = arith.cmpi ne, %convert_element_type3A_155, %cond3A_156 : i32
        scf.if %cond3A_157 {
          %mul3A_163 = arith.constant 7680 : i32
          %mul3A_164 = arith.muli %add3A_111, %mul3A_163 : i32
          %dma_wait3A_165 = arith.constant 1 : i32
          %dma_wait3A_166 = arith.constant 0 : i32
          %dma_wait3A_167 = arith.constant 0 : i32
          %dma_wait3A_168 = tpu.memref_slice %arg8[%dma_wait3A_166, %dma_wait3A_167] : memref<1x7680xi32, #tpu.memory_space<vmem>> -> memref<1x7680xi32, #tpu.memory_space<vmem>>
          %dma_wait3A_169 = arith.constant 0 : i32
          %dma_wait3A_170 = tpu.memref_slice %arg3[%dma_wait3A_169, %mul3A_164] : memref<2x3200000xi32, #tpu.memory_space<hbm>> -> memref<1x7680xi32, #tpu.memory_space<hbm>>
          %dma_wait3A_171 = tpu.memref_slice %arg12[%dma_wait3A_165] : memref<2x!tpu.dma_semaphore, #tpu.memory_space<semaphore_mem>> -> memref<1x!tpu.dma_semaphore, #tpu.memory_space<semaphore_mem>>
          %dma_wait3A_172 = tpu.memref_squeeze %dma_wait3A_171 : memref<1x!tpu.dma_semaphore, #tpu.memory_space<semaphore_mem>> -> memref<!tpu.dma_semaphore, #tpu.memory_space<semaphore_mem>>
          %dma_wait3A_173 = arith.constant 0 : i32
          %dma_wait3A_174 = arith.constant 0 : i32
          %dma_wait3A_175 = tpu.memref_slice %arg8[%dma_wait3A_173, %dma_wait3A_174] : memref<1x7680xi32, #tpu.memory_space<vmem>> -> memref<1x7680xi32, #tpu.memory_space<vmem>>
          %dma_wait3A_176 = arith.constant 0 : i32
          %dma_wait3A_177 = tpu.memref_slice %arg3[%dma_wait3A_176, %mul3A_164] : memref<2x3200000xi32, #tpu.memory_space<hbm>> -> memref<1x7680xi32, #tpu.memory_space<hbm>>
          tpu.wait_dma2 semaphore(%dma_wait3A_172 : memref<!tpu.dma_semaphore, #tpu.memory_space<semaphore_mem>>) src(%dma_wait3A_177 : memref<1x7680xi32, #tpu.memory_space<hbm>>) dst(%dma_wait3A_175 : memref<1x7680xi32, #tpu.memory_space<vmem>>)
          %dma_wait3A_178 = arith.constant 1 : i32
          %dma_wait3A_179 = arith.constant 0 : i32
          %dma_wait3A_180 = arith.constant 0 : i32
          %dma_wait3A_181 = tpu.memref_slice %arg10[%dma_wait3A_179, %dma_wait3A_180] : memref<1x7680xi32, #tpu.memory_space<vmem>> -> memref<1x7680xi32, #tpu.memory_space<vmem>>
          %dma_wait3A_182 = arith.constant 1 : i32
          %dma_wait3A_183 = tpu.memref_slice %arg3[%dma_wait3A_182, %mul3A_164] : memref<2x3200000xi32, #tpu.memory_space<hbm>> -> memref<1x7680xi32, #tpu.memory_space<hbm>>
          %dma_wait3A_184 = tpu.memref_slice %arg13[%dma_wait3A_178] : memref<2x!tpu.dma_semaphore, #tpu.memory_space<semaphore_mem>> -> memref<1x!tpu.dma_semaphore, #tpu.memory_space<semaphore_mem>>
          %dma_wait3A_185 = tpu.memref_squeeze %dma_wait3A_184 : memref<1x!tpu.dma_semaphore, #tpu.memory_space<semaphore_mem>> -> memref<!tpu.dma_semaphore, #tpu.memory_space<semaphore_mem>>
          %dma_wait3A_186 = arith.constant 0 : i32
          %dma_wait3A_187 = arith.constant 0 : i32
          %dma_wait3A_188 = tpu.memref_slice %arg10[%dma_wait3A_186, %dma_wait3A_187] : memref<1x7680xi32, #tpu.memory_space<vmem>> -> memref<1x7680xi32, #tpu.memory_space<vmem>>
          %dma_wait3A_189 = arith.constant 1 : i32
          %dma_wait3A_190 = tpu.memref_slice %arg3[%dma_wait3A_189, %mul3A_164] : memref<2x3200000xi32, #tpu.memory_space<hbm>> -> memref<1x7680xi32, #tpu.memory_space<hbm>>
          tpu.wait_dma2 semaphore(%dma_wait3A_185 : memref<!tpu.dma_semaphore, #tpu.memory_space<semaphore_mem>>) src(%dma_wait3A_190 : memref<1x7680xi32, #tpu.memory_space<hbm>>) dst(%dma_wait3A_188 : memref<1x7680xi32, #tpu.memory_space<vmem>>)
        } else {
        }
        %parallel_loop3A_158 = arith.constant 0 : i32
        %parallel_loop3A_159 = arith.constant 7680 : i32
        %parallel_loop3A_160 = arith.constant 16 : i32
        %parallel_loop3A_161 = scf.for %parallel_loop3A_163 = %parallel_loop3A_158 to %parallel_loop3A_159 step %parallel_loop3A_160 iter_args(%parallel_loop3A_164 = %parallel_loop3A_147) -> (vector<16xf32>)  : i32 {
          %parallel_loop3A_165 = arith.constant 0 : i32
          %parallel_loop3A_166 = arith.index_cast %parallel_loop3A_165 : i32 to index
          %parallel_loop3A_167 = arith.index_cast %parallel_loop3A_163 : i32 to index
          %parallel_loop3A_168 = tpu.vector_load %arg8[%parallel_loop3A_166, %parallel_loop3A_167] {strides = array<i32>} : memref<1x7680xi32, #tpu.memory_space<vmem>>, vector<16xi32>,
          %parallel_loop3A_169 = arith.constant 0 : i32
          %parallel_loop3A_170 = arith.index_cast %parallel_loop3A_169 : i32 to index
          %parallel_loop3A_171 = arith.index_cast %parallel_loop3A_163 : i32 to index
          %parallel_loop3A_172 = tpu.vector_load %arg10[%parallel_loop3A_170, %parallel_loop3A_171] {strides = array<i32>} : memref<1x7680xi32, #tpu.memory_space<vmem>>, vector<16xi32>,
          %parallel_loop3A_173 = tpu.vector_load_idx %arg5[%parallel_loop3A_168] masked %broadcast_in_dim3A_114 : memref<50000xf32, #tpu.memory_space<vmem>>[vector<16xi32>], vector<16xf32>, vector<16xi1>
          %parallel_loop3A_174 = tpu.vector_load_idx %arg5[%parallel_loop3A_172] masked %broadcast_in_dim3A_114 : memref<50000xf32, #tpu.memory_space<vmem>>[vector<16xi32>], vector<16xf32>, vector<16xi1>
          %parallel_loop3A_175 = arith.mulf %parallel_loop3A_173, %parallel_loop3A_174 : vector<16xf32>
          %parallel_loop3A_176 = arith.addf %parallel_loop3A_164, %parallel_loop3A_175 : vector<16xf32>
          scf.yield %parallel_loop3A_176 : vector<16xf32>
        } {sc.loop_unroll_factor = 16 : i64, sc.parallel_access}
        %select_n3A_162 = arith.select %broadcast_in_dim3A_114, %parallel_loop3A_161, %parallel_loop3A_147 : vector<16xi1>, vector<16xf32>
        scf.yield %select_n3A_162 : vector<16xf32>
      }
      %while3A_90 = arith.constant 1 : i32
      %while3A_91 = scf.for %while3A_101 = %while3A_87 to %while3A_83 step %while3A_90 iter_args(%while3A_102 = %while3A_89) -> (vector<16xf32>)  : i32 {
        %mul3A_103 = arith.muli %while3A_101, %while3A : i32
        %add3A_104 = arith.addi %while3A_80, %mul3A_103 : i32
        %mul3A_105 = arith.constant 2 : i32
        %mul3A_106 = arith.muli %add3A_104, %mul3A_105 : i32
        %mul3A_107 = arith.constant 8 : i32
        %mul3A_108 = arith.muli %mul3A_106, %mul3A_107 : i32
        %add3A_109 = arith.addi %sub3A_16, %mul3A_108 : i32
        %add3A_110 = arith.constant 8 : i32
        %add3A_111 = arith.addi %add3A_109, %add3A_110 : i32
        %lt3A_112 = arith.constant 416 : i32
        %lt3A_113 = arith.cmpi slt, %add3A_111, %lt3A_112 : i32
        %broadcast_in_dim3A_114 = vector.broadcast %lt3A_113 : i1 to vector<16xi1>
        %convert_element_type3A_115 = arith.extui %lt3A_113 : i1 to i32
        %cond3A_116 = arith.constant 0 : i32
        %cond3A_117 = arith.cmpi ne, %convert_element_type3A_115, %cond3A_116 : i32
        scf.if %cond3A_117 {
          %mul3A_163 = arith.constant 7680 : i32
          %mul3A_164 = arith.muli %add3A_111, %mul3A_163 : i32
          %dma_start3A_165 = arith.constant 1 : i32
          %dma_start3A_166 = arith.constant 0 : i32
          %dma_start3A_167 = arith.constant 0 : i32
          %dma_start3A_168 = tpu.memref_slice %arg8[%dma_start3A_166, %dma_start3A_167] : memref<1x7680xi32, #tpu.memory_space<vmem>> -> memref<1x7680xi32, #tpu.memory_space<vmem>>
          %dma_start3A_169 = arith.constant 0 : i32
          %dma_start3A_170 = tpu.memref_slice %arg3[%dma_start3A_169, %mul3A_164] : memref<2x3200000xi32, #tpu.memory_space<hbm>> -> memref<1x7680xi32, #tpu.memory_space<hbm>>
          %dma_start3A_171 = tpu.memref_slice %arg12[%dma_start3A_165] : memref<2x!tpu.dma_semaphore, #tpu.memory_space<semaphore_mem>> -> memref<1x!tpu.dma_semaphore, #tpu.memory_space<semaphore_mem>>
          %dma_start3A_172 = tpu.memref_squeeze %dma_start3A_171 : memref<1x!tpu.dma_semaphore, #tpu.memory_space<semaphore_mem>> -> memref<!tpu.dma_semaphore, #tpu.memory_space<semaphore_mem>>
          %dma_start3A_173 = arith.constant 0 : i32
          %dma_start3A_174 = arith.constant 0 : i32
          %dma_start3A_175 = tpu.memref_slice %arg8[%dma_start3A_173, %dma_start3A_174] : memref<1x7680xi32, #tpu.memory_space<vmem>> -> memref<1x7680xi32, #tpu.memory_space<vmem>>
          %dma_start3A_176 = arith.constant 0 : i32
          %dma_start3A_177 = tpu.memref_slice %arg3[%dma_start3A_176, %mul3A_164] : memref<2x3200000xi32, #tpu.memory_space<hbm>> -> memref<1x7680xi32, #tpu.memory_space<hbm>>
          tpu.enqueue_dma source(%dma_start3A_177 : memref<1x7680xi32, #tpu.memory_space<hbm>>) target(%dma_start3A_175 : memref<1x7680xi32, #tpu.memory_space<vmem>>) target_semaphore(%dma_start3A_172 : memref<!tpu.dma_semaphore, #tpu.memory_space<semaphore_mem>>)
          %dma_start3A_178 = arith.constant 1 : i32
          %dma_start3A_179 = arith.constant 0 : i32
          %dma_start3A_180 = arith.constant 0 : i32
          %dma_start3A_181 = tpu.memref_slice %arg10[%dma_start3A_179, %dma_start3A_180] : memref<1x7680xi32, #tpu.memory_space<vmem>> -> memref<1x7680xi32, #tpu.memory_space<vmem>>
          %dma_start3A_182 = arith.constant 1 : i32
          %dma_start3A_183 = tpu.memref_slice %arg3[%dma_start3A_182, %mul3A_164] : memref<2x3200000xi32, #tpu.memory_space<hbm>> -> memref<1x7680xi32, #tpu.memory_space<hbm>>
          %dma_start3A_184 = tpu.memref_slice %arg13[%dma_start3A_178] : memref<2x!tpu.dma_semaphore, #tpu.memory_space<semaphore_mem>> -> memref<1x!tpu.dma_semaphore, #tpu.memory_space<semaphore_mem>>
          %dma_start3A_185 = tpu.memref_squeeze %dma_start3A_184 : memref<1x!tpu.dma_semaphore, #tpu.memory_space<semaphore_mem>> -> memref<!tpu.dma_semaphore, #tpu.memory_space<semaphore_mem>>
          %dma_start3A_186 = arith.constant 0 : i32
          %dma_start3A_187 = arith.constant 0 : i32
          %dma_start3A_188 = tpu.memref_slice %arg10[%dma_start3A_186, %dma_start3A_187] : memref<1x7680xi32, #tpu.memory_space<vmem>> -> memref<1x7680xi32, #tpu.memory_space<vmem>>
          %dma_start3A_189 = arith.constant 1 : i32
          %dma_start3A_190 = tpu.memref_slice %arg3[%dma_start3A_189, %mul3A_164] : memref<2x3200000xi32, #tpu.memory_space<hbm>> -> memref<1x7680xi32, #tpu.memory_space<hbm>>
          tpu.enqueue_dma source(%dma_start3A_190 : memref<1x7680xi32, #tpu.memory_space<hbm>>) target(%dma_start3A_188 : memref<1x7680xi32, #tpu.memory_space<vmem>>) target_semaphore(%dma_start3A_185 : memref<!tpu.dma_semaphore, #tpu.memory_space<semaphore_mem>>)
        } else {
        }
        %mul3A_118 = arith.constant 7680 : i32
        %mul3A_119 = arith.muli %add3A_109, %mul3A_118 : i32
        %dma_wait3A = arith.constant 0 : i32
        %dma_wait3A_120 = arith.constant 0 : i32
        %dma_wait3A_121 = arith.constant 0 : i32
        %dma_wait3A_122 = tpu.memref_slice %arg7[%dma_wait3A_120, %dma_wait3A_121] : memref<1x7680xi32, #tpu.memory_space<vmem>> -> memref<1x7680xi32, #tpu.memory_space<vmem>>
        %dma_wait3A_123 = arith.constant 0 : i32
        %dma_wait3A_124 = tpu.memref_slice %arg3[%dma_wait3A_123, %mul3A_119] : memref<2x3200000xi32, #tpu.memory_space<hbm>> -> memref<1x7680xi32, #tpu.memory_space<hbm>>
        %dma_wait3A_125 = tpu.memref_slice %arg12[%dma_wait3A] : memref<2x!tpu.dma_semaphore, #tpu.memory_space<semaphore_mem>> -> memref<1x!tpu.dma_semaphore, #tpu.memory_space<semaphore_mem>>
        %dma_wait3A_126 = tpu.memref_squeeze %dma_wait3A_125 : memref<1x!tpu.dma_semaphore, #tpu.memory_space<semaphore_mem>> -> memref<!tpu.dma_semaphore, #tpu.memory_space<semaphore_mem>>
        %dma_wait3A_127 = arith.constant 0 : i32
        %dma_wait3A_128 = arith.constant 0 : i32
        %dma_wait3A_129 = tpu.memref_slice %arg7[%dma_wait3A_127, %dma_wait3A_128] : memref<1x7680xi32, #tpu.memory_space<vmem>> -> memref<1x7680xi32, #tpu.memory_space<vmem>>
        %dma_wait3A_130 = arith.constant 0 : i32
        %dma_wait3A_131 = tpu.memref_slice %arg3[%dma_wait3A_130, %mul3A_119] : memref<2x3200000xi32, #tpu.memory_space<hbm>> -> memref<1x7680xi32, #tpu.memory_space<hbm>>
        tpu.wait_dma2 semaphore(%dma_wait3A_126 : memref<!tpu.dma_semaphore, #tpu.memory_space<semaphore_mem>>) src(%dma_wait3A_131 : memref<1x7680xi32, #tpu.memory_space<hbm>>) dst(%dma_wait3A_129 : memref<1x7680xi32, #tpu.memory_space<vmem>>)
        %dma_wait3A_132 = arith.constant 0 : i32
        %dma_wait3A_133 = arith.constant 0 : i32
        %dma_wait3A_134 = arith.constant 0 : i32
        %dma_wait3A_135 = tpu.memref_slice %arg9[%dma_wait3A_133, %dma_wait3A_134] : memref<1x7680xi32, #tpu.memory_space<vmem>> -> memref<1x7680xi32, #tpu.memory_space<vmem>>
        %dma_wait3A_136 = arith.constant 1 : i32
        %dma_wait3A_137 = tpu.memref_slice %arg3[%dma_wait3A_136, %mul3A_119] : memref<2x3200000xi32, #tpu.memory_space<hbm>> -> memref<1x7680xi32, #tpu.memory_space<hbm>>
        %dma_wait3A_138 = tpu.memref_slice %arg13[%dma_wait3A_132] : memref<2x!tpu.dma_semaphore, #tpu.memory_space<semaphore_mem>> -> memref<1x!tpu.dma_semaphore, #tpu.memory_space<semaphore_mem>>
        %dma_wait3A_139 = tpu.memref_squeeze %dma_wait3A_138 : memref<1x!tpu.dma_semaphore, #tpu.memory_space<semaphore_mem>> -> memref<!tpu.dma_semaphore, #tpu.memory_space<semaphore_mem>>
        %dma_wait3A_140 = arith.constant 0 : i32
        %dma_wait3A_141 = arith.constant 0 : i32
        %dma_wait3A_142 = tpu.memref_slice %arg9[%dma_wait3A_140, %dma_wait3A_141] : memref<1x7680xi32, #tpu.memory_space<vmem>> -> memref<1x7680xi32, #tpu.memory_space<vmem>>
        %dma_wait3A_143 = arith.constant 1 : i32
        %dma_wait3A_144 = tpu.memref_slice %arg3[%dma_wait3A_143, %mul3A_119] : memref<2x3200000xi32, #tpu.memory_space<hbm>> -> memref<1x7680xi32, #tpu.memory_space<hbm>>
        tpu.wait_dma2 semaphore(%dma_wait3A_139 : memref<!tpu.dma_semaphore, #tpu.memory_space<semaphore_mem>>) src(%dma_wait3A_144 : memref<1x7680xi32, #tpu.memory_space<hbm>>) dst(%dma_wait3A_142 : memref<1x7680xi32, #tpu.memory_space<vmem>>)
        %parallel_loop3A = arith.constant 0 : i32
        %parallel_loop3A_145 = arith.constant 7680 : i32
        %parallel_loop3A_146 = arith.constant 16 : i32
        %parallel_loop3A_147 = scf.for %parallel_loop3A_163 = %parallel_loop3A to %parallel_loop3A_145 step %parallel_loop3A_146 iter_args(%parallel_loop3A_164 = %while3A_102) -> (vector<16xf32>)  : i32 {
          %parallel_loop3A_165 = arith.constant 0 : i32
          %parallel_loop3A_166 = arith.index_cast %parallel_loop3A_165 : i32 to index
          %parallel_loop3A_167 = arith.index_cast %parallel_loop3A_163 : i32 to index
          %parallel_loop3A_168 = tpu.vector_load %arg7[%parallel_loop3A_166, %parallel_loop3A_167] {strides = array<i32>} : memref<1x7680xi32, #tpu.memory_space<vmem>>, vector<16xi32>,
          %parallel_loop3A_169 = arith.constant 0 : i32
          %parallel_loop3A_170 = arith.index_cast %parallel_loop3A_169 : i32 to index
          %parallel_loop3A_171 = arith.index_cast %parallel_loop3A_163 : i32 to index
          %parallel_loop3A_172 = tpu.vector_load %arg9[%parallel_loop3A_170, %parallel_loop3A_171] {strides = array<i32>} : memref<1x7680xi32, #tpu.memory_space<vmem>>, vector<16xi32>,
          %parallel_loop3A_173 = tpu.vector_load_idx %arg5[%parallel_loop3A_168] masked %broadcast_in_dim3A_18 : memref<50000xf32, #tpu.memory_space<vmem>>[vector<16xi32>], vector<16xf32>, vector<16xi1>
          %parallel_loop3A_174 = tpu.vector_load_idx %arg5[%parallel_loop3A_172] masked %broadcast_in_dim3A_18 : memref<50000xf32, #tpu.memory_space<vmem>>[vector<16xi32>], vector<16xf32>, vector<16xi1>
          %parallel_loop3A_175 = arith.mulf %parallel_loop3A_173, %parallel_loop3A_174 : vector<16xf32>
          %parallel_loop3A_176 = arith.addf %parallel_loop3A_164, %parallel_loop3A_175 : vector<16xf32>
          scf.yield %parallel_loop3A_176 : vector<16xf32>
        } {sc.loop_unroll_factor = 16 : i64, sc.parallel_access}
        %add3A_148 = arith.constant 16 : i32
        %add3A_149 = arith.addi %add3A_109, %add3A_148 : i32
        %lt3A_150 = arith.constant 416 : i32
        %lt3A_151 = arith.cmpi slt, %add3A_149, %lt3A_150 : i32
        %convert_element_type3A_152 = arith.extui %lt3A_151 : i1 to i32
        %cond3A_153 = arith.constant 0 : i32
        %cond3A_154 = arith.cmpi ne, %convert_element_type3A_152, %cond3A_153 : i32
        scf.if %cond3A_154 {
          %mul3A_163 = arith.constant 7680 : i32
          %mul3A_164 = arith.muli %add3A_149, %mul3A_163 : i32
          %dma_start3A_165 = arith.constant 0 : i32
          %dma_start3A_166 = arith.constant 0 : i32
          %dma_start3A_167 = arith.constant 0 : i32
          %dma_start3A_168 = tpu.memref_slice %arg7[%dma_start3A_166, %dma_start3A_167] : memref<1x7680xi32, #tpu.memory_space<vmem>> -> memref<1x7680xi32, #tpu.memory_space<vmem>>
          %dma_start3A_169 = arith.constant 0 : i32
          %dma_start3A_170 = tpu.memref_slice %arg3[%dma_start3A_169, %mul3A_164] : memref<2x3200000xi32, #tpu.memory_space<hbm>> -> memref<1x7680xi32, #tpu.memory_space<hbm>>
          %dma_start3A_171 = tpu.memref_slice %arg12[%dma_start3A_165] : memref<2x!tpu.dma_semaphore, #tpu.memory_space<semaphore_mem>> -> memref<1x!tpu.dma_semaphore, #tpu.memory_space<semaphore_mem>>
          %dma_start3A_172 = tpu.memref_squeeze %dma_start3A_171 : memref<1x!tpu.dma_semaphore, #tpu.memory_space<semaphore_mem>> -> memref<!tpu.dma_semaphore, #tpu.memory_space<semaphore_mem>>
          %dma_start3A_173 = arith.constant 0 : i32
          %dma_start3A_174 = arith.constant 0 : i32
          %dma_start3A_175 = tpu.memref_slice %arg7[%dma_start3A_173, %dma_start3A_174] : memref<1x7680xi32, #tpu.memory_space<vmem>> -> memref<1x7680xi32, #tpu.memory_space<vmem>>
          %dma_start3A_176 = arith.constant 0 : i32
          %dma_start3A_177 = tpu.memref_slice %arg3[%dma_start3A_176, %mul3A_164] : memref<2x3200000xi32, #tpu.memory_space<hbm>> -> memref<1x7680xi32, #tpu.memory_space<hbm>>
          tpu.enqueue_dma source(%dma_start3A_177 : memref<1x7680xi32, #tpu.memory_space<hbm>>) target(%dma_start3A_175 : memref<1x7680xi32, #tpu.memory_space<vmem>>) target_semaphore(%dma_start3A_172 : memref<!tpu.dma_semaphore, #tpu.memory_space<semaphore_mem>>)
          %dma_start3A_178 = arith.constant 0 : i32
          %dma_start3A_179 = arith.constant 0 : i32
          %dma_start3A_180 = arith.constant 0 : i32
          %dma_start3A_181 = tpu.memref_slice %arg9[%dma_start3A_179, %dma_start3A_180] : memref<1x7680xi32, #tpu.memory_space<vmem>> -> memref<1x7680xi32, #tpu.memory_space<vmem>>
          %dma_start3A_182 = arith.constant 1 : i32
          %dma_start3A_183 = tpu.memref_slice %arg3[%dma_start3A_182, %mul3A_164] : memref<2x3200000xi32, #tpu.memory_space<hbm>> -> memref<1x7680xi32, #tpu.memory_space<hbm>>
          %dma_start3A_184 = tpu.memref_slice %arg13[%dma_start3A_178] : memref<2x!tpu.dma_semaphore, #tpu.memory_space<semaphore_mem>> -> memref<1x!tpu.dma_semaphore, #tpu.memory_space<semaphore_mem>>
          %dma_start3A_185 = tpu.memref_squeeze %dma_start3A_184 : memref<1x!tpu.dma_semaphore, #tpu.memory_space<semaphore_mem>> -> memref<!tpu.dma_semaphore, #tpu.memory_space<semaphore_mem>>
          %dma_start3A_186 = arith.constant 0 : i32
          %dma_start3A_187 = arith.constant 0 : i32
          %dma_start3A_188 = tpu.memref_slice %arg9[%dma_start3A_186, %dma_start3A_187] : memref<1x7680xi32, #tpu.memory_space<vmem>> -> memref<1x7680xi32, #tpu.memory_space<vmem>>
          %dma_start3A_189 = arith.constant 1 : i32
          %dma_start3A_190 = tpu.memref_slice %arg3[%dma_start3A_189, %mul3A_164] : memref<2x3200000xi32, #tpu.memory_space<hbm>> -> memref<1x7680xi32, #tpu.memory_space<hbm>>
          tpu.enqueue_dma source(%dma_start3A_190 : memref<1x7680xi32, #tpu.memory_space<hbm>>) target(%dma_start3A_188 : memref<1x7680xi32, #tpu.memory_space<vmem>>) target_semaphore(%dma_start3A_185 : memref<!tpu.dma_semaphore, #tpu.memory_space<semaphore_mem>>)
        } else {
        }
        %convert_element_type3A_155 = arith.extui %lt3A_113 : i1 to i32
        %cond3A_156 = arith.constant 0 : i32
        %cond3A_157 = arith.cmpi ne, %convert_element_type3A_155, %cond3A_156 : i32
        scf.if %cond3A_157 {
          %mul3A_163 = arith.constant 7680 : i32
          %mul3A_164 = arith.muli %add3A_111, %mul3A_163 : i32
          %dma_wait3A_165 = arith.constant 1 : i32
          %dma_wait3A_166 = arith.constant 0 : i32
          %dma_wait3A_167 = arith.constant 0 : i32
          %dma_wait3A_168 = tpu.memref_slice %arg8[%dma_wait3A_166, %dma_wait3A_167] : memref<1x7680xi32, #tpu.memory_space<vmem>> -> memref<1x7680xi32, #tpu.memory_space<vmem>>
          %dma_wait3A_169 = arith.constant 0 : i32
          %dma_wait3A_170 = tpu.memref_slice %arg3[%dma_wait3A_169, %mul3A_164] : memref<2x3200000xi32, #tpu.memory_space<hbm>> -> memref<1x7680xi32, #tpu.memory_space<hbm>>
          %dma_wait3A_171 = tpu.memref_slice %arg12[%dma_wait3A_165] : memref<2x!tpu.dma_semaphore, #tpu.memory_space<semaphore_mem>> -> memref<1x!tpu.dma_semaphore, #tpu.memory_space<semaphore_mem>>
          %dma_wait3A_172 = tpu.memref_squeeze %dma_wait3A_171 : memref<1x!tpu.dma_semaphore, #tpu.memory_space<semaphore_mem>> -> memref<!tpu.dma_semaphore, #tpu.memory_space<semaphore_mem>>
          %dma_wait3A_173 = arith.constant 0 : i32
          %dma_wait3A_174 = arith.constant 0 : i32
          %dma_wait3A_175 = tpu.memref_slice %arg8[%dma_wait3A_173, %dma_wait3A_174] : memref<1x7680xi32, #tpu.memory_space<vmem>> -> memref<1x7680xi32, #tpu.memory_space<vmem>>
          %dma_wait3A_176 = arith.constant 0 : i32
          %dma_wait3A_177 = tpu.memref_slice %arg3[%dma_wait3A_176, %mul3A_164] : memref<2x3200000xi32, #tpu.memory_space<hbm>> -> memref<1x7680xi32, #tpu.memory_space<hbm>>
          tpu.wait_dma2 semaphore(%dma_wait3A_172 : memref<!tpu.dma_semaphore, #tpu.memory_space<semaphore_mem>>) src(%dma_wait3A_177 : memref<1x7680xi32, #tpu.memory_space<hbm>>) dst(%dma_wait3A_175 : memref<1x7680xi32, #tpu.memory_space<vmem>>)
          %dma_wait3A_178 = arith.constant 1 : i32
          %dma_wait3A_179 = arith.constant 0 : i32
          %dma_wait3A_180 = arith.constant 0 : i32
          %dma_wait3A_181 = tpu.memref_slice %arg10[%dma_wait3A_179, %dma_wait3A_180] : memref<1x7680xi32, #tpu.memory_space<vmem>> -> memref<1x7680xi32, #tpu.memory_space<vmem>>
          %dma_wait3A_182 = arith.constant 1 : i32
          %dma_wait3A_183 = tpu.memref_slice %arg3[%dma_wait3A_182, %mul3A_164] : memref<2x3200000xi32, #tpu.memory_space<hbm>> -> memref<1x7680xi32, #tpu.memory_space<hbm>>
          %dma_wait3A_184 = tpu.memref_slice %arg13[%dma_wait3A_178] : memref<2x!tpu.dma_semaphore, #tpu.memory_space<semaphore_mem>> -> memref<1x!tpu.dma_semaphore, #tpu.memory_space<semaphore_mem>>
          %dma_wait3A_185 = tpu.memref_squeeze %dma_wait3A_184 : memref<1x!tpu.dma_semaphore, #tpu.memory_space<semaphore_mem>> -> memref<!tpu.dma_semaphore, #tpu.memory_space<semaphore_mem>>
          %dma_wait3A_186 = arith.constant 0 : i32
          %dma_wait3A_187 = arith.constant 0 : i32
          %dma_wait3A_188 = tpu.memref_slice %arg10[%dma_wait3A_186, %dma_wait3A_187] : memref<1x7680xi32, #tpu.memory_space<vmem>> -> memref<1x7680xi32, #tpu.memory_space<vmem>>
          %dma_wait3A_189 = arith.constant 1 : i32
          %dma_wait3A_190 = tpu.memref_slice %arg3[%dma_wait3A_189, %mul3A_164] : memref<2x3200000xi32, #tpu.memory_space<hbm>> -> memref<1x7680xi32, #tpu.memory_space<hbm>>
          tpu.wait_dma2 semaphore(%dma_wait3A_185 : memref<!tpu.dma_semaphore, #tpu.memory_space<semaphore_mem>>) src(%dma_wait3A_190 : memref<1x7680xi32, #tpu.memory_space<hbm>>) dst(%dma_wait3A_188 : memref<1x7680xi32, #tpu.memory_space<vmem>>)
        } else {
        }
        %parallel_loop3A_158 = arith.constant 0 : i32
        %parallel_loop3A_159 = arith.constant 7680 : i32
        %parallel_loop3A_160 = arith.constant 16 : i32
        %parallel_loop3A_161 = scf.for %parallel_loop3A_163 = %parallel_loop3A_158 to %parallel_loop3A_159 step %parallel_loop3A_160 iter_args(%parallel_loop3A_164 = %parallel_loop3A_147) -> (vector<16xf32>)  : i32 {
          %parallel_loop3A_165 = arith.constant 0 : i32
          %parallel_loop3A_166 = arith.index_cast %parallel_loop3A_165 : i32 to index
          %parallel_loop3A_167 = arith.index_cast %parallel_loop3A_163 : i32 to index
          %parallel_loop3A_168 = tpu.vector_load %arg8[%parallel_loop3A_166, %parallel_loop3A_167] {strides = array<i32>} : memref<1x7680xi32, #tpu.memory_space<vmem>>, vector<16xi32>,
          %parallel_loop3A_169 = arith.constant 0 : i32
          %parallel_loop3A_170 = arith.index_cast %parallel_loop3A_169 : i32 to index
          %parallel_loop3A_171 = arith.index_cast %parallel_loop3A_163 : i32 to index
          %parallel_loop3A_172 = tpu.vector_load %arg10[%parallel_loop3A_170, %parallel_loop3A_171] {strides = array<i32>} : memref<1x7680xi32, #tpu.memory_space<vmem>>, vector<16xi32>,
          %parallel_loop3A_173 = tpu.vector_load_idx %arg5[%parallel_loop3A_168] masked %broadcast_in_dim3A_114 : memref<50000xf32, #tpu.memory_space<vmem>>[vector<16xi32>], vector<16xf32>, vector<16xi1>
          %parallel_loop3A_174 = tpu.vector_load_idx %arg5[%parallel_loop3A_172] masked %broadcast_in_dim3A_114 : memref<50000xf32, #tpu.memory_space<vmem>>[vector<16xi32>], vector<16xf32>, vector<16xi1>
          %parallel_loop3A_175 = arith.mulf %parallel_loop3A_173, %parallel_loop3A_174 : vector<16xf32>
          %parallel_loop3A_176 = arith.addf %parallel_loop3A_164, %parallel_loop3A_175 : vector<16xf32>
          scf.yield %parallel_loop3A_176 : vector<16xf32>
        } {sc.loop_unroll_factor = 16 : i64, sc.parallel_access}
        %select_n3A_162 = arith.select %broadcast_in_dim3A_114, %parallel_loop3A_161, %parallel_loop3A_147 : vector<16xi1>, vector<16xf32>
        scf.yield %select_n3A_162 : vector<16xf32>
      }
      %eq3A = arith.constant 0 : i32
      %eq3A_92 = arith.cmpi eq, %sub3A_16, %eq3A : i32
      %convert_element_type3A_93 = arith.extui %eq3A_92 : i1 to i32
      %cond3A_94 = arith.constant 0 : i32
      %cond3A_95 = arith.cmpi ne, %convert_element_type3A_93, %cond3A_94 : i32
      scf.if %cond3A_95 {
        %dma_start3A_101 = arith.constant 0 : i32
        %dma_start3A_102 = arith.constant 0 : i32
        %dma_start3A_103 = arith.constant 0 : i32
        %dma_start3A_104 = tpu.memref_slice %arg7[%dma_start3A_102, %dma_start3A_103] : memref<1x7680xi32, #tpu.memory_space<vmem>> -> memref<1x5120xi32, #tpu.memory_space<vmem>>
        %dma_start3A_105 = arith.constant 0 : i32
        %dma_start3A_106 = arith.constant 3194880 : i32
        %dma_start3A_107 = tpu.memref_slice %arg3[%dma_start3A_105, %dma_start3A_106] : memref<2x3200000xi32, #tpu.memory_space<hbm>> -> memref<1x5120xi32, #tpu.memory_space<hbm>>
        %dma_start3A_108 = tpu.memref_slice %arg12[%dma_start3A_101] : memref<2x!tpu.dma_semaphore, #tpu.memory_space<semaphore_mem>> -> memref<1x!tpu.dma_semaphore, #tpu.memory_space<semaphore_mem>>
        %dma_start3A_109 = tpu.memref_squeeze %dma_start3A_108 : memref<1x!tpu.dma_semaphore, #tpu.memory_space<semaphore_mem>> -> memref<!tpu.dma_semaphore, #tpu.memory_space<semaphore_mem>>
        %dma_start3A_110 = arith.constant 0 : i32
        %dma_start3A_111 = arith.constant 0 : i32
        %dma_start3A_112 = tpu.memref_slice %arg7[%dma_start3A_110, %dma_start3A_111] : memref<1x7680xi32, #tpu.memory_space<vmem>> -> memref<1x5120xi32, #tpu.memory_space<vmem>>
        %dma_start3A_113 = arith.constant 0 : i32
        %dma_start3A_114 = arith.constant 3194880 : i32
        %dma_start3A_115 = tpu.memref_slice %arg3[%dma_start3A_113, %dma_start3A_114] : memref<2x3200000xi32, #tpu.memory_space<hbm>> -> memref<1x5120xi32, #tpu.memory_space<hbm>>
        tpu.enqueue_dma source(%dma_start3A_115 : memref<1x5120xi32, #tpu.memory_space<hbm>>) target(%dma_start3A_112 : memref<1x5120xi32, #tpu.memory_space<vmem>>) target_semaphore(%dma_start3A_109 : memref<!tpu.dma_semaphore, #tpu.memory_space<semaphore_mem>>)
        %dma_start3A_116 = arith.constant 0 : i32
        %dma_start3A_117 = arith.constant 0 : i32
        %dma_start3A_118 = arith.constant 0 : i32
        %dma_start3A_119 = tpu.memref_slice %arg9[%dma_start3A_117, %dma_start3A_118] : memref<1x7680xi32, #tpu.memory_space<vmem>> -> memref<1x5120xi32, #tpu.memory_space<vmem>>
        %dma_start3A_120 = arith.constant 1 : i32
        %dma_start3A_121 = arith.constant 3194880 : i32
        %dma_start3A_122 = tpu.memref_slice %arg3[%dma_start3A_120, %dma_start3A_121] : memref<2x3200000xi32, #tpu.memory_space<hbm>> -> memref<1x5120xi32, #tpu.memory_space<hbm>>
        %dma_start3A_123 = tpu.memref_slice %arg13[%dma_start3A_116] : memref<2x!tpu.dma_semaphore, #tpu.memory_space<semaphore_mem>> -> memref<1x!tpu.dma_semaphore, #tpu.memory_space<semaphore_mem>>
        %dma_start3A_124 = tpu.memref_squeeze %dma_start3A_123 : memref<1x!tpu.dma_semaphore, #tpu.memory_space<semaphore_mem>> -> memref<!tpu.dma_semaphore, #tpu.memory_space<semaphore_mem>>
        %dma_start3A_125 = arith.constant 0 : i32
        %dma_start3A_126 = arith.constant 0 : i32
        %dma_start3A_127 = tpu.memref_slice %arg9[%dma_start3A_125, %dma_start3A_126] : memref<1x7680xi32, #tpu.memory_space<vmem>> -> memref<1x5120xi32, #tpu.memory_space<vmem>>
        %dma_start3A_128 = arith.constant 1 : i32
        %dma_start3A_129 = arith.constant 3194880 : i32
        %dma_start3A_130 = tpu.memref_slice %arg3[%dma_start3A_128, %dma_start3A_129] : memref<2x3200000xi32, #tpu.memory_space<hbm>> -> memref<1x5120xi32, #tpu.memory_space<hbm>>
        tpu.enqueue_dma source(%dma_start3A_130 : memref<1x5120xi32, #tpu.memory_space<hbm>>) target(%dma_start3A_127 : memref<1x5120xi32, #tpu.memory_space<vmem>>) target_semaphore(%dma_start3A_124 : memref<!tpu.dma_semaphore, #tpu.memory_space<semaphore_mem>>)
        %dma_wait3A = arith.constant 0 : i32
        %dma_wait3A_131 = arith.constant 0 : i32
        %dma_wait3A_132 = arith.constant 0 : i32
        %dma_wait3A_133 = tpu.memref_slice %arg7[%dma_wait3A_131, %dma_wait3A_132] : memref<1x7680xi32, #tpu.memory_space<vmem>> -> memref<1x5120xi32, #tpu.memory_space<vmem>>
        %dma_wait3A_134 = arith.constant 0 : i32
        %dma_wait3A_135 = arith.constant 3194880 : i32
        %dma_wait3A_136 = tpu.memref_slice %arg3[%dma_wait3A_134, %dma_wait3A_135] : memref<2x3200000xi32, #tpu.memory_space<hbm>> -> memref<1x5120xi32, #tpu.memory_space<hbm>>
        %dma_wait3A_137 = tpu.memref_slice %arg12[%dma_wait3A] : memref<2x!tpu.dma_semaphore, #tpu.memory_space<semaphore_mem>> -> memref<1x!tpu.dma_semaphore, #tpu.memory_space<semaphore_mem>>
        %dma_wait3A_138 = tpu.memref_squeeze %dma_wait3A_137 : memref<1x!tpu.dma_semaphore, #tpu.memory_space<semaphore_mem>> -> memref<!tpu.dma_semaphore, #tpu.memory_space<semaphore_mem>>
        %dma_wait3A_139 = arith.constant 0 : i32
        %dma_wait3A_140 = arith.constant 0 : i32
        %dma_wait3A_141 = tpu.memref_slice %arg7[%dma_wait3A_139, %dma_wait3A_140] : memref<1x7680xi32, #tpu.memory_space<vmem>> -> memref<1x5120xi32, #tpu.memory_space<vmem>>
        %dma_wait3A_142 = arith.constant 0 : i32
        %dma_wait3A_143 = arith.constant 3194880 : i32
        %dma_wait3A_144 = tpu.memref_slice %arg3[%dma_wait3A_142, %dma_wait3A_143] : memref<2x3200000xi32, #tpu.memory_space<hbm>> -> memref<1x5120xi32, #tpu.memory_space<hbm>>
        tpu.wait_dma2 semaphore(%dma_wait3A_138 : memref<!tpu.dma_semaphore, #tpu.memory_space<semaphore_mem>>) src(%dma_wait3A_144 : memref<1x5120xi32, #tpu.memory_space<hbm>>) dst(%dma_wait3A_141 : memref<1x5120xi32, #tpu.memory_space<vmem>>)
        %dma_wait3A_145 = arith.constant 0 : i32
        %dma_wait3A_146 = arith.constant 0 : i32
        %dma_wait3A_147 = arith.constant 0 : i32
        %dma_wait3A_148 = tpu.memref_slice %arg9[%dma_wait3A_146, %dma_wait3A_147] : memref<1x7680xi32, #tpu.memory_space<vmem>> -> memref<1x5120xi32, #tpu.memory_space<vmem>>
        %dma_wait3A_149 = arith.constant 1 : i32
        %dma_wait3A_150 = arith.constant 3194880 : i32
        %dma_wait3A_151 = tpu.memref_slice %arg3[%dma_wait3A_149, %dma_wait3A_150] : memref<2x3200000xi32, #tpu.memory_space<hbm>> -> memref<1x5120xi32, #tpu.memory_space<hbm>>
        %dma_wait3A_152 = tpu.memref_slice %arg13[%dma_wait3A_145] : memref<2x!tpu.dma_semaphore, #tpu.memory_space<semaphore_mem>> -> memref<1x!tpu.dma_semaphore, #tpu.memory_space<semaphore_mem>>
        %dma_wait3A_153 = tpu.memref_squeeze %dma_wait3A_152 : memref<1x!tpu.dma_semaphore, #tpu.memory_space<semaphore_mem>> -> memref<!tpu.dma_semaphore, #tpu.memory_space<semaphore_mem>>
        %dma_wait3A_154 = arith.constant 0 : i32
        %dma_wait3A_155 = arith.constant 0 : i32
        %dma_wait3A_156 = tpu.memref_slice %arg9[%dma_wait3A_154, %dma_wait3A_155] : memref<1x7680xi32, #tpu.memory_space<vmem>> -> memref<1x5120xi32, #tpu.memory_space<vmem>>
        %dma_wait3A_157 = arith.constant 1 : i32
        %dma_wait3A_158 = arith.constant 3194880 : i32
        %dma_wait3A_159 = tpu.memref_slice %arg3[%dma_wait3A_157, %dma_wait3A_158] : memref<2x3200000xi32, #tpu.memory_space<hbm>> -> memref<1x5120xi32, #tpu.memory_space<hbm>>
        tpu.wait_dma2 semaphore(%dma_wait3A_153 : memref<!tpu.dma_semaphore, #tpu.memory_space<semaphore_mem>>) src(%dma_wait3A_159 : memref<1x5120xi32, #tpu.memory_space<hbm>>) dst(%dma_wait3A_156 : memref<1x5120xi32, #tpu.memory_space<vmem>>)
        %parallel_loop3A = arith.constant 0 : i32
        %parallel_loop3A_160 = arith.constant 5120 : i32
        %parallel_loop3A_161 = arith.constant 16 : i32
        %parallel_loop3A_162 = scf.for %parallel_loop3A_165 = %parallel_loop3A to %parallel_loop3A_160 step %parallel_loop3A_161 iter_args(%parallel_loop3A_166 = %while3A_91) -> (vector<16xf32>)  : i32 {
          %parallel_loop3A_167 = arith.constant 0 : i32
          %parallel_loop3A_168 = arith.index_cast %parallel_loop3A_167 : i32 to index
          %parallel_loop3A_169 = arith.index_cast %parallel_loop3A_165 : i32 to index
          %parallel_loop3A_170 = tpu.vector_load %arg7[%parallel_loop3A_168, %parallel_loop3A_169] {strides = array<i32>} : memref<1x7680xi32, #tpu.memory_space<vmem>>, vector<16xi32>,
          %parallel_loop3A_171 = arith.constant 0 : i32
          %parallel_loop3A_172 = arith.index_cast %parallel_loop3A_171 : i32 to index
          %parallel_loop3A_173 = arith.index_cast %parallel_loop3A_165 : i32 to index
          %parallel_loop3A_174 = tpu.vector_load %arg9[%parallel_loop3A_172, %parallel_loop3A_173] {strides = array<i32>} : memref<1x7680xi32, #tpu.memory_space<vmem>>, vector<16xi32>,
          %parallel_loop3A_175 = tpu.vector_load_idx %arg5[%parallel_loop3A_170] masked %broadcast_in_dim3A_18 : memref<50000xf32, #tpu.memory_space<vmem>>[vector<16xi32>], vector<16xf32>, vector<16xi1>
          %parallel_loop3A_176 = tpu.vector_load_idx %arg5[%parallel_loop3A_174] masked %broadcast_in_dim3A_18 : memref<50000xf32, #tpu.memory_space<vmem>>[vector<16xi32>], vector<16xf32>, vector<16xi1>
          %parallel_loop3A_177 = arith.mulf %parallel_loop3A_175, %parallel_loop3A_176 : vector<16xf32>
          %parallel_loop3A_178 = arith.addf %parallel_loop3A_166, %parallel_loop3A_177 : vector<16xf32>
          scf.yield %parallel_loop3A_178 : vector<16xf32>
        } {sc.loop_unroll_factor = 16 : i64, sc.parallel_access}
        %swap3A_163 = arith.constant 0 : index
        %swap3A_164 = tpu.vector_load %arg11[%swap3A_163] {strides = array<i32>} : memref<16xf32, #tpu.memory_space<vmem>>, vector<16xf32>,
        tpu.vector_store %arg11[%swap3A_163], %parallel_loop3A_162 {strides = array<i32>} : memref<16xf32, #tpu.memory_space<vmem>>, vector<16xf32>,
      } else {
      }
      %ne3A_96 = arith.constant 0 : i32
      %ne3A_97 = arith.cmpi ne, %sub3A_16, %ne3A_96 : i32
      %convert_element_type3A_98 = arith.extui %ne3A_97 : i1 to i32
      %cond3A_99 = arith.constant 0 : i32
      %cond3A_100 = arith.cmpi ne, %convert_element_type3A_98, %cond3A_99 : i32
      scf.if %cond3A_100 {
        %swap3A_101 = arith.constant 0 : index
        %swap3A_102 = tpu.vector_load %arg11[%swap3A_101] {strides = array<i32>} : memref<16xf32, #tpu.memory_space<vmem>>, vector<16xf32>,
        tpu.vector_store %arg11[%swap3A_101], %while3A_91 {strides = array<i32>} : memref<16xf32, #tpu.memory_space<vmem>>, vector<16xf32>,
      } else {
      }
    } else {
    }
    "tpu.region"() ({
      %run_scoped3A = tpu.sem_alloc : memref<!tpu.dma_semaphore, #tpu.memory_space<semaphore_mem>>
      %dma_start3A = arith.constant 0 : i32
      %dma_start3A_16 = tpu.memref_slice %arg4[%add3A, %dma_start3A] : memref<32x16xf32, #tpu.memory_space<hbm>> -> memref<1x16xf32, #tpu.memory_space<hbm>>
      %dma_start3A_17 = tpu.memref_squeeze %dma_start3A_16 : memref<1x16xf32, #tpu.memory_space<hbm>> -> memref<16xf32, #tpu.memory_space<hbm>>
      %dma_start3A_18 = arith.constant 0 : i32
      %dma_start3A_19 = tpu.memref_slice %arg4[%add3A, %dma_start3A_18] : memref<32x16xf32, #tpu.memory_space<hbm>> -> memref<1x16xf32, #tpu.memory_space<hbm>>
      %dma_start3A_20 = tpu.memref_squeeze %dma_start3A_19 : memref<1x16xf32, #tpu.memory_space<hbm>> -> memref<16xf32, #tpu.memory_space<hbm>>
      tpu.enqueue_dma source(%arg11 : memref<16xf32, #tpu.memory_space<vmem>>) target(%dma_start3A_20 : memref<16xf32, #tpu.memory_space<hbm>>) target_semaphore(%run_scoped3A : memref<!tpu.dma_semaphore, #tpu.memory_space<semaphore_mem>>)
      %dma_wait3A = arith.constant 0 : i32
      %dma_wait3A_21 = tpu.memref_slice %arg4[%add3A, %dma_wait3A] : memref<32x16xf32, #tpu.memory_space<hbm>> -> memref<1x16xf32, #tpu.memory_space<hbm>>
      %dma_wait3A_22 = tpu.memref_squeeze %dma_wait3A_21 : memref<1x16xf32, #tpu.memory_space<hbm>> -> memref<16xf32, #tpu.memory_space<hbm>>
      %dma_wait3A_23 = arith.constant 0 : i32
      %dma_wait3A_24 = tpu.memref_slice %arg4[%add3A, %dma_wait3A_23] : memref<32x16xf32, #tpu.memory_space<hbm>> -> memref<1x16xf32, #tpu.memory_space<hbm>>
      %dma_wait3A_25 = tpu.memref_squeeze %dma_wait3A_24 : memref<1x16xf32, #tpu.memory_space<hbm>> -> memref<16xf32, #tpu.memory_space<hbm>>
      tpu.wait_dma2 semaphore(%run_scoped3A : memref<!tpu.dma_semaphore, #tpu.memory_space<semaphore_mem>>) src(%arg11 : memref<16xf32, #tpu.memory_space<vmem>>) dst(%dma_wait3A_25 : memref<16xf32, #tpu.memory_space<hbm>>)
      tpu.yield
    }) : () -> ()
    return
  }
}

module attributes {stable_mosaic.version = 14 : i64} {
  func.func @_finish_body(%arg0: memref<32x16xf32, #tpu.memory_space<vmem>>, %arg1: memref<1xf32, #tpu.memory_space<smem>>, %arg2: memref<1xf32, #tpu.memory_space<smem>>) attributes {dimension_semantics = [], scalar_prefetch = 0 : i64, scratch_operands = 0 : i64, tpu.core_type = #tpu.core_type<tc>} {
    %get3A = arith.constant 0 : index
    %get3A_0 = arith.constant 0 : index
    %get3A_1 = vector.load %arg0[%get3A, %get3A_0] : memref<32x16xf32, #tpu.memory_space<vmem>>, vector<32x16xf32>
    %reduce_sum3A = vector.shape_cast %get3A_1 : vector<32x16xf32> to vector<1x32x16xf32>
    %reduce_sum3A_2 = arith.constant dense<0.000000e+00> : vector<1xf32>
    %reduce_sum3A_3 = vector.multi_reduction <add>, %reduce_sum3A, %reduce_sum3A_2 [1, 2] : vector<1x32x16xf32> to vector<1xf32>
    %reduce_sum3A_4 = vector.shape_cast %reduce_sum3A_3 : vector<1xf32> to vector<1x1x1xf32>
    %reduce_sum3A_5 = vector.extract %reduce_sum3A_4[0, 0, 0] : f32 from vector<1x1x1xf32>
    %get3A_6 = arith.constant 0 : index
    %get3A_7 = memref.load %arg1[%get3A_6] : memref<1xf32, #tpu.memory_space<smem>>
    %mul3A = arith.mulf %reduce_sum3A_5, %get3A_7 : f32
    %swap3A = arith.constant 0 : index
    %swap3A_8 = memref.load %arg2[%swap3A] : memref<1xf32, #tpu.memory_space<smem>>
    memref.store %mul3A, %arg2[%swap3A] : memref<1xf32, #tpu.memory_space<smem>>
    return
  }
}

</mosaic_0001>

<sc_bundles>
// kernel: kernel.4.cloned.1.call-start
scs
__scs_entry_jumppad:
0x0: {  	(pc) =	sbr.rel $0x88, $3  }
0x1: {  	(tag) =	ssettag $0x0;
	lr =	simm.s32 $0x1  }
0x2: {  	[smem:$0x3F9E] =	sst lr;
	_ =	strace $0xD0000000  }
0x3: {  	_ = 	snop  }
0x4: {  	_ = 	snop  }
0x5: {  	_ = 	snop  }
0x6: {  	_ = 	snop  }
0x7: {  	_ = 	snop  }
__scs_overlays_trampoline_lowered:
0x8: {  	[smem:$0x3FAD] =	sst s0  }
0x9: {  	[smem:$0x3FAE] =	sst s1  }
0xa: {  	[smem:$0x3FAF] =	sst s2  }
0xb: {  	[smem:$0x3FB0] =	sst s3  }
0xc: {  	[smem:$0x3FB1] =	sst s4  }
0xd: {  	[smem:$0x3FB2] =	sst s5  }
0xe: {  	[smem:$0x3FB3] =	sst s6  }
0xf: {  	[smem:$0x3FB4] =	sst s7  }
0x10: {  	[smem:$0x3FB5] =	sst s8  }
0x11: {  	[smem:$0x3FB6] =	sst s9;
	s0 =	simm.s32 @!p0 $0x0  }
0x12: {  	s1 =	sld [smem:$0x3F9C];
	s0 =	simm.s32 @p0 $0x1  }
0x13: {  	[smem:$0x3FB7] =	sst s0;
	s0 =	simm.s32 @!p1 $0x0  }
0x14: {  	s2 =	sld [smem:$0x3F9B];
	s0 =	simm.s32 @p1 $0x1  }
0x15: {  	[smem:$0x3FB8] =	sst s0;
	s0 =	simm.s32 @!p2 $0x0  }
0x16: {  	s3 =	sld [smem:$0x3FDB];
	s0 =	simm.s32 @p2 $0x1  }
0x17: {  	s4 =	simm.s32 $0x1BF5;
	[smem:$0x3FBA] =	sst s0  }
0x18: {  	s0 =	sld [smem:$0x3F9D];
	_ =	swait.ge [sflag:s4], $0x0  }
0x19: {  	s7 =	sld [smem:$0x3F9E]  }
0x1a: {  	s8 =	sadd.s32 $0xFFFFE003, lr  }
0x1b: {  	s9 =	sadd.s32 $0xFFFFFEF7, lr;
	s5 =	simm.s32 $0xFFFFFFFF;
	p2 =	slt.u32 s8, $0xFFFFF086  }
0x1c: {  	p1 =	slt.u32 s9, $0xF7A;
	s5 =	simm.s32 @!p2 $0x0  }
0x1d: {  	s5 =	simm.s32 @p1 $0x1;
	p0 =	seq.s32 s7, s2  }
0x1e: {  	s7 =	smul.u32 @!p0 $0xF7A, s2;
	p2 =	seq.s32 @!p0 s5, $0x0  }
0x1f: {  	s9 =	smul.u32 $0xF7A, s1;
	s8 =	simm.s32 @!p0 $0x1BF5;
	p2 =	por !p2, p0  }
0x20: {  	[sflag:s8] =	ssyncset.s32 @!p0 $0xFFFFF086;
	s6 =	sadd.s32 @!p0 s3, s7;
	s7 =	simm.s32 @!p0 $0x108  }
0x21: {  	s3 =	sadd.s32 s3, s9;
	s6 =	sadd.s32 @!p0 $0x88, s6;
	s7 =	simm.s32 @p2 $0x1082  }
0x22: {  	[simem:s7], [sflag:s8] =	dma.local @!p0 [hbm:s6], $0xF7A  }
0x23: {  	s9 =	sor.u32 $0xD0000000, s2;
	s6 =	simm.s32 $0x108;
	_ =	swait.ge @!p0 [sflag:s8], $0x0  }
0x24: {  	s3 =	sadd.s32 $0x88, s3;
	s6 =	simm.s32 @!p1 $0x1082;
	[sflag:s4] =	ssyncset.s32 $0xFFFFF086  }
0x25: {  	[simem:s6], [sflag:s4] =	dma.local [hbm:s3], $0xF7A  }
0x26: {  	[smem:$0x3F9E] =	sst s1;
	(tag) =	ssettag s2;
	_ =	strace s9  }
0x27: {  	s1 =	sld [smem:$0x3FAE]  }
0x28: {  	s2 =	sld [smem:$0x3FAF]  }
0x29: {  	s4 =	sld [smem:$0x3FB1]  }
0x2a: {  	p0 =	seq.s32 s5, $0x0;
	s5 =	sld [smem:$0x3FB2]  }
0x2b: {  	s6 =	sld [smem:$0x3FB3]  }
0x2c: {  	s7 =	sld [smem:$0x3FB4]  }
0x2d: {  	s3 =	simm.s32 $0x108;
	s8 =	sld [smem:$0x3FB5]  }
0x2e: {  	s3 =	simm.s32 @!p0 $0x1082;
	s9 =	sld [smem:$0x3FB6]  }
0x2f: {  	lr =	sadd.s32 s0, s3;
	s0 =	sld [smem:$0x3FAD]  }
0x30: {  	s3 =	sld [smem:$0x3FB0]  }
0x31: {  	[smem:$0x3FB9] =	sst s10  }
0x32: {  	s10 =	sld [smem:$0x3FB7];
	_ =	sdelay $0x3  }
0x33: {  	p0 =	seq.s32 s10, $0x1;
	s10 =	sld [smem:$0x3FB9];
	_ =	sdelay $0x3  }
0x34: {  	[smem:$0x3FB9] =	sst s10  }
0x35: {  	s10 =	sld [smem:$0x3FB8];
	_ =	sdelay $0x3  }
0x36: {  	p1 =	seq.s32 s10, $0x1;
	s10 =	sld [smem:$0x3FB9];
	_ =	sdelay $0x3  }
0x37: {  	[smem:$0x3FB9] =	sst s10  }
0x38: {  	s10 =	sld [smem:$0x3FBA]  }
0x39: {  	_ = 	snop;
	(pc) =	sbr.ind lr, $3  }
0x3a: {  	_ = 	snop  }
0x3b: {  	_ = 	snop  }
0x3c: {  	p2 =	seq.s32 s10, $0x1;
	s10 =	sld [smem:$0x3FB9]  }
0x3d: {  	_ =	shalt  }
0x3e: {  	_ =	shalt  }
0x3f: {  	_ =	shalt  }
0x40: {  	_ =	shalt  }
0x41: {  	_ =	shalt  }
0x42: {  	_ =	shalt  }
0x43: {  	_ =	shalt  }
0x44: {  	_ =	shalt  }
0x45: {  	_ =	shalt  }
0x46: {  	_ =	shalt  }
0x47: {  	_ =	shalt  }
0x48: {  	_ =	shalt  }
0x49: {  	_ =	shalt  }
0x4a: {  	_ =	shalt  }
0x4b: {  	_ =	shalt  }
0x4c: {  	_ =	shalt  }
0x4d: {  	_ =	shalt  }
0x4e: {  	_ =	shalt  }
0x4f: {  	_ =	shalt  }
0x50: {  	_ =	shalt  }
0x51: {  	_ =	shalt  }
0x52: {  	_ =	shalt  }
0x53: {  	_ =	shalt  }
0x54: {  	_ =	shalt  }
0x55: {  	_ =	shalt  }
0x56: {  	_ =	shalt  }
0x57: {  	_ =	shalt  }
0x58: {  	_ =	shalt  }
0x59: {  	_ =	shalt  }
0x5a: {  	_ =	shalt  }
0x5b: {  	_ =	shalt  }
0x5c: {  	_ =	shalt  }
0x5d: {  	_ =	shalt  }
0x5e: {  	_ =	shalt  }
0x5f: {  	_ =	shalt  }
0x60: {  	_ =	shalt  }
0x61: {  	_ =	shalt  }
0x62: {  	_ =	shalt  }
0x63: {  	_ =	shalt  }
0x64: {  	_ =	shalt  }
0x65: {  	_ =	shalt  }
0x66: {  	_ =	shalt  }
0x67: {  	_ =	shalt  }
0x68: {  	_ =	shalt  }
0x69: {  	_ =	shalt  }
0x6a: {  	_ =	shalt  }
0x6b: {  	_ =	shalt  }
0x6c: {  	_ =	shalt  }
0x6d: {  	_ =	shalt  }
0x6e: {  	_ =	shalt  }
0x6f: {  	_ =	shalt  }
0x70: {  	_ =	shalt  }
0x71: {  	_ =	shalt  }
0x72: {  	_ =	shalt  }
0x73: {  	_ =	shalt  }
0x74: {  	_ =	shalt  }
0x75: {  	_ =	shalt  }
0x76: {  	_ =	shalt  }
0x77: {  	_ =	shalt  }
0x78: {  	_ =	shalt  }
0x79: {  	_ =	shalt  }
0x7a: {  	_ =	shalt  }
0x7b: {  	_ =	shalt  }
0x7c: {  	_ =	shalt  }
0x7d: {  	_ =	shalt  }
0x7e: {  	_ =	shalt  }
0x7f: {  	_ =	shalt  }
0x80: {  	_ =	shalt  }
0x81: {  	_ =	shalt  }
0x82: {  	_ =	shalt  }
0x83: {  	_ =	shalt  }
0x84: {  	_ =	shalt  }
0x85: {  	_ =	shalt  }
0x86: {  	_ =	shalt  }
0x87: {  	_ =	shalt  }
.Lfunc_end0:
.L_simem_size_0:
called_computation_lowered:
.L_overlay_start_0:
0x88: {  	s2 =	sld [smem:$0x3FD9]  }
0x89: {  	s3 =	sld [smem:$0x3FFE];
	_ =	sdelay $0x1  }
0x8a: {  	s1 =	srdreg.scid  }
0x8b: {  	s0 =	sand.u32 $0x1, s1  }
0x8c: {  	s17 =	sshll.u32 s0, $0xA;
	s2 =	sadd.s32 s3, s2  }
0x8d: {  	s2 =	sadd.s32 s2, s17  }
0x8e: {  	[smem:$0x3FC5] =	sst s2  }
0x8f: {  	_ = 	snop  }
0x90: {  	s2 =	sld [smem:$0x3FC8];
	(tm) =	ssettm $0x1  }
0x91: {  	s18 =	sld [smem:$0x3FFB];
	_ =	sdelay $0x3  }
0x92: {  	_ =	strace s18  }
0x93: {  	s3 =	sld [smem:$0x3FFC];
	_ =	sdelay $0x3  }
0x94: {  	_ =	strace s3  }
0x95: {  	s3 =	sld [smem:$0x3FFD];
	_ =	sdelay $0x3  }
0x96: {  	_ =	strace s3  }
0x97: {  	_ =	strace $0x8FFFFFFF  }
0x98: {  	s19 =	sld [smem:$0x3FDB];
	_ =	sdelay $0x1  }
0x99: {  	s4 =	simm.s32 $_scs_section_size  }
0x9a: {  	s5 =	simm.s32 $_size__tile_overlayer_lowered;
	s6 =	simm.s32 $_tile_overlayer_lowered  }
0x9b: {  	s22 =	simm.s32 $0x1BFF;
	s21 =	sshll.u32 s6, $0x1;
	s3 =	sadd.s32 s4, s19  }
0x9c: {  	s7 =	simm.s32 $0x0;
	s20 =	sshll.u32 s5, $0x1;
	s5 =	sadd.s32 s21, s3  }
0x9d: {  	[timem:s7], [sflag:s22] =	dma.local [hbm:s5], s20  }
0x9e: {  	_ =	swait.ge [sflag:s22], s20  }
0x9f: {  	s4 =	ssub.s32 $0x0, s20;
	[sflag:s22] =	ssyncset.done $0x0  }
0xa0: {  	[sflag:s22] =	ssyncadd.s32 s4;
	_ =	sdelay $0x1  }
0xa1: {  	s23 =	simm.s32 $0x1B8B  }
0xa2: {  	_ =	swait.ge [sflag:s23], $0x1  }
0xa3: {  	[sflag:s23] =	ssyncset.done $0x0  }
0xa4: {  	s25 =	simm.s32 $0x1B8E;
	s24 =	sld [smem:$0x3FFE];
	[sflag:s23] =	ssyncadd.s32 $0xFFFFFFFF  }
0xa5: {  	s26 =	simm.s32 $execute0_lowered;
	[smem:$0x3FD2] =	sst s25  }
0xa6: {  	s5 =	sshll.u32 s26, $0x1;
	_ =	strace $0x80000046;
	[dreg:$0x1] =	wrdreg $0xFFFFFFFF  }
0xa7: {  	s28 =	simm.s32 $_size_execute0_lowered;
	s3 =	sadd.s32 s3, s5;
	[dreg:$0x0] =	wrdreg $0x0  }
0xa8: {  	s5 =	sshll.u32 s28, $0x1;
	[dreg:$0x2] =	wrdreg s3  }
0xa9: {  	[dreg:$0x3] =	wrdreg s5  }
0xaa: {  	[dreg:$0x4] =	wrdreg $0xC0  }
0xab: {  	_ =	task [dreg:s7], $0x5FFFF  }
0xac: {  	[dreg:$0x1] =	wrdreg $0xFFFFFFFF  }
0xad: {  	[dreg:$0x0] =	wrdreg $0x60  }
0xae: {  	[dreg:$0x2] =	wrdreg s24  }
0xaf: {  	[dreg:$0x3] =	wrdreg s2  }
0xb0: {  	[dreg:$0x4] =	wrdreg $0x9  }
0xb1: {  	_ =	task.clear_ibuf [dreg:s7], $0x5FFFF;
	_ =	strace $0x90000046  }
0xb2: {  	s29 =	simm.s32 $0x9;
	_ =	strace $0x80000048  }
0xb3: {  	_ =	swait.ge [sflag:s29], $0x1  }
0xb4: {  	[sflag:s29] =	ssyncadd.s32 $0xFFFFFFFF  }
0xb5: {  	_ =	strace $0x90000048  }
0xb6: {  	_ =	sfence  }
0xb7: {  	s30 =	sld [smem:$0x0];
	_ =	sdelay $0x2  }
0xb8: {  	s31 =	sshll.u32 s1, $0xD;
	s1 =	sshrl.u32 s1, $0x2  }
0xb9: {  	s3 =	sand.u32 $0x4000, s31;
	s1 =	sadd.s32 s1, s30  }
0xba: {  	s0 =	sor.u32 s3, s0;
	s1 =	sshll.u32 s1, $0x11  }
0xbb: {  	s0 =	sor.u32 s1, s0  }
0xbc: {  	s0 =	sadd.s32 $0x8F2B, s0  }
0xbd: {  	[sflag:s0] =	ssyncadd.remote.s32 $0x1  }
0xbe: {  	_ =	sfence.sel $0xFFFF  }
0xbf: {  	[dreg:$0x0] =	wrdreg $0xFFFFFFFF;
	(pc) =	sbr.abs _section_cstart, $3  }
0xc0: {  	[dreg:$0x1] =	wrdreg $0xFFFFFFFF  }
0xc1: {  	_ =	task.clear_ibuf [dreg:s7], $0x2FFFF;
	_ =	strace $0x9FFFFFFF  }
0xc2: {  	(tm) =	ssettm $0x7FFFFFFF  }
0xc3: {  	_ =	shalt  }
tec
execute0_lowered:
.L_overlay_start_1:
0x0: {  	(tag) =	ssettag $0x1  }
0x1: {  	s0 =	rddreg [dreg:$0x0]  }
0x2: {  	s1 =	rddreg [dreg:$0x1];
	s3 =	simm.s32 $0x0;
	s2 =	srdreg.scid  }
0x3: {  	s10 =	stileid.u32;
	s28 =	simm.s32 $0x18700;
	s29 =	simm.s32 $0x1C300  }
0x4: {  	s30 =	simm.s32 $0x5;
	s31 =	simm.s32 $0xC380;
	s13 =	simm.s32 $0x4  }
0x5: {  	s14 =	simm.s32 $0x1A500;
	s15 =	simm.s32 $0x1E100;
	[smem:$0x7FF] =	sst s3  }
0x6: {  	s2 =	sand.u32 $0x1, s2;
	s4 =	sshll.u32 s10, $0x1;
	s5 =	sadd.s32 $0x600, s0  }
0x7: {  	s19 =	sadd.s32 $0x1E6A, s0;
	_ =	strace $0x80000047;
	[dreg:$0x3] =	wrdreg s5  }
0x8: {  	s20 =	sadd.s32 $0xC3000, s1;
	s21 =	sadd.s32 $0xC3010, s1;
	[dreg:$0x6] =	wrdreg s19  }
0x9: {  	s23 =	sadd.s32 $0x36D4, s0;
	s24 =	sadd.s32 $0x4F3E, s0;
	[dreg:$0x7] =	wrdreg s20  }
0xa: {  	p0 =	sgt.u32 s10, $0x5;
	p4 =	slt.u32 s10, $0xC;
	[dreg:$0x8] =	wrdreg s21  }
0xb: {  	s5 =	sor.u32 s2, s4;
	s2 =	ssub.s32 $0x2, s2;
	[dreg:$0xb] =	wrdreg s23  }
0xc: {  	[dreg:$0xc] =	wrdreg s24;
	s4 =	sshll.u32 s5, $0x4;
	s6 =	sshrl.u32 s2, $0x1  }
0xd: {  	s7 =	smul.u32 $0x780, s5;
	s9 =	sadd.s32 $0xFFFFFFF4, s5;
	s25 =	ssub.s32 $0x1B7, s5  }
0xe: {  	s16 =	sadd.s32 $0xC, s5;
	s12 =	ssub.s32 $0x1C3, s5;
	s17 =	sadd.s32 $0xFFFFFFE8, s5  }
0xf: {  	s4 =	sadd.s32 s4, s0;
	s2 =	ssub.s32 s2, s6;
	s6 =	sadd.s32 $0x10, s1  }
0x10: {  	s12 =	smul.u32 $0xAAB, s12;
	s0 =	sadd.s32 $0x67A8, s0;
	p1 =	sgt.u32 s9, $0xB  }
0x11: {  	p2 =	sne.s32 s9, $0x0;
	p5 =	sne.s32 s17, $0x0;
	s8 =	sadd.s32 s1, s7  }
0x12: {  	s18 =	sadd.s32 s7, s6;
	s22 =	sadd.s32 $0xFFFFA600, s7;
	s7 =	sadd.s32 $0xFFFF4C00, s7  }
0x13: {  	[dreg:$0xf] =	wrdreg s0;
	s21 =	sadd.s32 $0x8200, s4;
	s24 =	smax.u32 s2, $0x1  }
0x14: {  	s0 =	simm.s32 @!p2 $0x0;
	s2 =	simm.s32 $0x3;
	[dreg:$0x4] =	wrdreg s8  }
0x15: {  	s4 =	simm.s32 $0x0;
	[dreg:$0x5] =	wrdreg s18;
	s11 =	sadd.s32 s1, s22  }
0x16: {  	s8 =	sadd.s32 s22, s6;
	s26 =	sadd.s32 s1, s7;
	[dreg:$0x9] =	wrdreg s11  }
0x17: {  	s7 =	sadd.s32 s7, s6;
	s23 =	sshrl.u32 s12, $0x10;
	[dreg:$0xa] =	wrdreg s8  }
.Ltmp0:
0x18: {  	s0 =	simm.s32 @p2 $0x1;
	[dreg:$0xd] =	wrdreg s26;
	(pc) =	sbr.rel .LBB2_1-.Ltmp0, $4  }
0x19: {  	p2 =	sne.s32 s5, $0x0;
	s12 =	simm.s32 $0x2;
	[dreg:$0xe] =	wrdreg s7  }
0x1a: {  	s8 =	smul.u32 $0xAAB, s25;
	[smem:$0x7FC] =	sst s0;
	s0 =	simm.s32 @!p2 $0x0  }
0x1b: {  	s25 =	simm.s32 $0x80;
	s26 =	simm.s32 $0x100;
	s0 =	simm.s32 @p2 $0x1  }
0x1c: {  	v0 =	vimm.f32 $0.0e+00;
	vm0 =	vmxor vm0, vm0;
	s22 =	sshrl.u32 s8, $0x10;
	[smem:$0x7FD] =	sst s0;
	s0 =	simm.s32 $0x1  }
.LBB2_40:
0x1d: {  	[tilespmem:$0x1FF00] =	vst v1  }
.LBB2_41:
0x1e: {  	s4 =	sadd.s32 $0x1, s4  }
0x1f: {  	p2 =	sne.s32 s4, s24  }
.Ltmp1:
0x20: {  	s7 =	simm.s32 $0x1FF00;
	(pc) =	sbr.rel @!p2 .LBB2_42-.Ltmp1, $4  }
0x21: {  	[hbm4b:s21+s3] =	stream.linear.scatter [tilespmem:s7], [sflag:$0x5], $0x80, $0x38;
	[tilespmem:$0x1FF80] =	vst v63  }
0x22: {  	_ =	swait.ge [sflag:s30], $0x80  }
0x23: {  	[sflag:s30] =	ssyncset.done $0x0  }
0x24: {  	[sflag:s30] =	ssyncadd.s32 $0xFFFFFF80  }
.LBB2_1:
.Ltmp2:
0x25: {  	(pc) =	sbr.rel @p0 .LBB2_17-.Ltmp2, $2  }
0x26: {  	_ =	sdelay $0x2  }
0x27: {  	[tilespmem:$0x1FF00] =	vst v0  }
0x28: {  	s7 =	rddreg [dreg:$0x4]  }
0x29: {  	[tilespmem:s28], [sflag:$0x1] =	stream.strided.gather [hbm4b:s7+s25], $0x1E00, s26, s25, $0x38;
	[tilespmem:$0x1FF80] =	vst v63  }
0x2a: {  	s19 =	rddreg [dreg:$0x5]  }
0x2b: {  	[tilespmem:s29], [sflag:$0x3] =	stream.strided.gather [hbm4b:s19+s25], $0x1E00, s26, s25, $0x38;
	[tilespmem:$0x1FF80] =	vst v63  }
0x2c: {  	s8 =	rddreg [dreg:$0x3];
	s7 =	simm.s32 $0x0  }
0x2d: {  	[tilespmem:s7], [sflag:$0x5] =	stream.linear.gather [hbm4b:s8+s7], $0xC350, $0x38;
	[tilespmem:$0x1FF80] =	vst v63  }
0x2e: {  	_ =	swait.ge [sflag:s30], $0xC350  }
0x2f: {  	[sflag:s30] =	ssyncset.done $0x0  }
0x30: {  	s20 =	rddreg [dreg:$0x6];
	[sflag:s30] =	ssyncadd.s32 $0xFFFF3CB0  }
0x31: {  	[tilespmem:s31], [sflag:$0x5] =	stream.linear.gather [hbm4b:s20+s7], $0xC350, $0x38;
	[tilespmem:$0x1FF80] =	vst v63  }
0x32: {  	_ =	swait.ge [sflag:s30], $0xC350  }
0x33: {  	[sflag:s30] =	ssyncset.done $0x0  }
0x34: {  	v7 =	vimm.f32 $0.0e+00;
	[sflag:s30] =	ssyncadd.s32 $0xFFFF3CB0  }
.LBB2_3:
0x35: {  	s8 =	smul.u32 $0x18, s7;
	_ =	sdelay $0x1  }
0x36: {  	s8 =	sadd.s32 s5, s8  }
0x37: {  	p2 =	sgt.u32 s8, $0x193  }
0x38: {  	s9 =	smul.u32 @!p2 $0x3C00, s8;
	_ =	sdelay $0x1  }
0x39: {  	s9 =	sshrl.u32 @!p2 s9, $0x3  }
0x3a: {  	s19 =	simm.s32 @!p2 $0x80;
	s9 =	sadd.s32 @!p2 $0x5A00, s9  }
0x3b: {  	s20 =	simm.s32 @!p2 $0x100;
	s10 =	simm.s32 @!p2 $0x1A500;
	s18 =	sadd.s32 @!p2 s1, s9  }
0x3c: {  	[tilespmem:s10], [sflag:$0x2] =	stream.strided.gather @!p2 [hbm4b:s18+s19], $0x1E00, s20, s19, $0x38;
	[tilespmem:$0x1FF80] =	vst v63  }
0x3d: {  	s9 =	sadd.s32 @!p2 s9, s6;
	s10 =	simm.s32 @!p2 $0x1E100  }
0x3e: {  	[tilespmem:s10], [sflag:$0x4] =	stream.strided.gather @!p2 [hbm4b:s9+s19], $0x1E00, s20, s19, $0x38;
	[tilespmem:$0x1FF80] =	vst v63  }
0x3f: {  	_ =	swait.ge [sflag:s0], $0x1E00  }
0x40: {  	[sflag:s0] =	ssyncset.done $0x0  }
0x41: {  	[sflag:s0] =	ssyncadd.s32 $0xFFFFE200  }
0x42: {  	_ =	swait.ge [sflag:s2], $0x1E00  }
0x43: {  	[sflag:s2] =	ssyncset.done $0x0  }
0x44: {  	s20 =	simm.s32 $0x18780;
	[sflag:s2] =	ssyncadd.s32 $0xFFFFE200  }
0x45: {  	s9 =	simm.s32 $0x1C380;
	v2 =	vld [tilespmem:s20+$0x70]  }
0x46: {  	v1 =	vld [tilespmem:s9+$0x70]  }
0x47: {  	v4 =	vld [tilespmem:s20+$0x60]  }
0x48: {  	v3 =	vld [tilespmem:s9+$0x60]  }
0x49: {  	v6 =	vld [tilespmem:s20+$0x50]  }
0x4a: {  	v5 =	vld [tilespmem:s9+$0x50]  }
0x4b: {  	v8 =	vld [tilespmem:s20+$0x40]  }
0x4c: {  	v9 =	vld [tilespmem:s9+$0x40]  }
0x4d: {  	v10 =	vld [tilespmem:s20+$0x30]  }
0x4e: {  	v11 =	vld [tilespmem:s9+$0x30]  }
0x4f: {  	v12 =	vld [tilespmem:s20+$0x20]  }
0x50: {  	v13 =	vld [tilespmem:s9+$0x20]  }
0x51: {  	v14 =	vld [tilespmem:s20+$0x10]  }
0x52: {  	v15 =	vld [tilespmem:s9+$0x10]  }
0x53: {  	v16 =	vld [tilespmem:s20+$0x0]  }
0x54: {  	v17 =	vld [tilespmem:s9+$0x0]  }
0x55: {  	v18 =	vld [tilespmem:s20+$0xFFFFFFF0]  }
0x56: {  	v19 =	vld [tilespmem:s9+$0xFFFFFFF0]  }
0x57: {  	v20 =	vld [tilespmem:s20+$0xFFFFFFE0]  }
0x58: {  	v21 =	vld [tilespmem:s9+$0xFFFFFFE0]  }
0x59: {  	v22 =	vld [tilespmem:s20+$0xFFFFFFD0]  }
0x5a: {  	v23 =	vld [tilespmem:s9+$0xFFFFFFD0]  }
0x5b: {  	v24 =	vld [tilespmem:s20+$0xFFFFFFC0]  }
0x5c: {  	v25 =	vld [tilespmem:s9+$0xFFFFFFC0]  }
0x5d: {  	v26 =	vld [tilespmem:s20+$0xFFFFFF80]  }
0x5e: {  	v27 =	vld [tilespmem:s9+$0xFFFFFF80]  }
0x5f: {  	v28 =	vld [tilespmem:s20+$0xFFFFFFB0]  }
0x60: {  	v29 =	vld [tilespmem:s9+$0xFFFFFFB0]  }
0x61: {  	v30 =	vld [tilespmem:s20+$0xFFFFFF90]  }
0x62: {  	v31 =	vld [tilespmem:s9+$0xFFFFFF90]  }
0x63: {  	v32 =	vld [tilespmem:s20+$0xFFFFFFA0]  }
0x64: {  	v33 =	vld [tilespmem:s9+$0xFFFFFFA0]  }
0x65: {  	v34 =	vld.idx.msk [tilespmem:v26+s3+$0x0], $0xffff  }
0x66: {  	v35 =	vld.idx.msk [tilespmem:v27+s3+$0x0], $0xffff  }
0x67: {  	v26 =	vld.idx.msk [tilespmem:v26+s31+$0x0], $0xffff  }
0x68: {  	v27 =	vld.idx.msk [tilespmem:v27+s31+$0x0], $0xffff  }
0x69: {  	v36 =	vld.idx.msk [tilespmem:v30+s3+$0x0], $0xffff  }
0x6a: {  	v37 =	vld.idx.msk [tilespmem:v31+s3+$0x0], $0xffff  }
0x6b: {  	v30 =	vld.idx.msk [tilespmem:v30+s31+$0x0], $0xffff  }
0x6c: {  	v31 =	vld.idx.msk [tilespmem:v31+s31+$0x0], $0xffff;
	v34 =	vmul.f32 v35, v34  }
0x6d: {  	v54 =	vld.idx.msk [tilespmem:v32+s3+$0x0], $0xffff  }
0x6e: {  	v55 =	vld.idx.msk [tilespmem:v33+s3+$0x0], $0xffff;
	v26 =	vmul.f32 v27, v26;
	v7 =	vadd.f32 v34, v7  }
0x6f: {  	v32 =	vld.idx.msk [tilespmem:v32+s31+$0x0], $0xffff  }
0x70: {  	v33 =	vld.idx.msk [tilespmem:v33+s31+$0x0], $0xffff;
	v56 =	vmul.f32 v37, v36;
	v7 =	vadd.f32 v26, v7  }
0x71: {  	v57 =	vld.idx.msk [tilespmem:v28+s3+$0x0], $0xffff  }
0x72: {  	v59 =	vld.idx.msk [tilespmem:v29+s3+$0x0], $0xffff;
	v58 =	vmul.f32 v31, v30;
	v7 =	vadd.f32 v56, v7  }
0x73: {  	v28 =	vld.idx.msk [tilespmem:v28+s31+$0x0], $0xffff  }
0x74: {  	v61 =	vld.idx.msk [tilespmem:v29+s31+$0x0], $0xffff;
	v60 =	vmul.f32 v55, v54;
	v7 =	vadd.f32 v58, v7  }
0x75: {  	v62 =	vld.idx.msk [tilespmem:v24+s3+$0x0], $0xffff  }
0x76: {  	v24 =	vld.idx.msk [tilespmem:v24+s31+$0x0], $0xffff;
	v63 =	vmul.f32 v33, v32;
	v7 =	vadd.f32 v60, v7  }
0x77: {  	v33 =	vld.idx.msk [tilespmem:v25+s3+$0x0], $0xffff  }
0x78: {  	v38 =	vld.idx.msk [tilespmem:v23+s3+$0x0], $0xffff;
	v35 =	vmul.f32 v59, v57;
	v7 =	vadd.f32 v63, v7  }
0x79: {  	v25 =	vld.idx.msk [tilespmem:v25+s31+$0x0], $0xffff  }
0x7a: {  	v23 =	vld.idx.msk [tilespmem:v23+s31+$0x0], $0xffff;
	v37 =	vmul.f32 v61, v28;
	v7 =	vadd.f32 v35, v7  }
0x7b: {  	v36 =	vld.idx.msk [tilespmem:v22+s3+$0x0], $0xffff  }
0x7c: {  	v40 =	vld.idx.msk [tilespmem:v20+s3+$0x0], $0xffff;
	v39 =	vmul.f32 v33, v62;
	v7 =	vadd.f32 v37, v7  }
0x7d: {  	v22 =	vld.idx.msk [tilespmem:v22+s31+$0x0], $0xffff  }
0x7e: {  	v41 =	vld.idx.msk [tilespmem:v21+s3+$0x0], $0xffff;
	v24 =	vmul.f32 v25, v24;
	v7 =	vadd.f32 v39, v7  }
0x7f: {  	v20 =	vld.idx.msk [tilespmem:v20+s31+$0x0], $0xffff  }
0x80: {  	v21 =	vld.idx.msk [tilespmem:v21+s31+$0x0], $0xffff;
	v42 =	vmul.f32 v38, v36;
	v7 =	vadd.f32 v24, v7  }
0x81: {  	v43 =	vld.idx.msk [tilespmem:v18+s3+$0x0], $0xffff  }
0x82: {  	v44 =	vld.idx.msk [tilespmem:v19+s3+$0x0], $0xffff;
	v22 =	vmul.f32 v23, v22;
	v7 =	vadd.f32 v42, v7  }
0x83: {  	v18 =	vld.idx.msk [tilespmem:v18+s31+$0x0], $0xffff  }
0x84: {  	v19 =	vld.idx.msk [tilespmem:v19+s31+$0x0], $0xffff;
	v45 =	vmul.f32 v41, v40;
	v7 =	vadd.f32 v22, v7  }
0x85: {  	v46 =	vld.idx.msk [tilespmem:v16+s3+$0x0], $0xffff  }
0x86: {  	v47 =	vld.idx.msk [tilespmem:v17+s3+$0x0], $0xffff;
	v20 =	vmul.f32 v21, v20;
	v7 =	vadd.f32 v45, v7  }
0x87: {  	v16 =	vld.idx.msk [tilespmem:v16+s31+$0x0], $0xffff  }
0x88: {  	v17 =	vld.idx.msk [tilespmem:v17+s31+$0x0], $0xffff;
	v48 =	vmul.f32 v44, v43;
	v7 =	vadd.f32 v20, v7  }
0x89: {  	v49 =	vld.idx.msk [tilespmem:v14+s3+$0x0], $0xffff  }
0x8a: {  	v50 =	vld.idx.msk [tilespmem:v15+s3+$0x0], $0xffff;
	v18 =	vmul.f32 v19, v18;
	v7 =	vadd.f32 v48, v7  }
0x8b: {  	v14 =	vld.idx.msk [tilespmem:v14+s31+$0x0], $0xffff  }
0x8c: {  	v15 =	vld.idx.msk [tilespmem:v15+s31+$0x0], $0xffff;
	v51 =	vmul.f32 v47, v46;
	v7 =	vadd.f32 v18, v7  }
0x8d: {  	v52 =	vld.idx.msk [tilespmem:v12+s3+$0x0], $0xffff  }
0x8e: {  	v53 =	vld.idx.msk [tilespmem:v13+s3+$0x0], $0xffff;
	v16 =	vmul.f32 v17, v16;
	v7 =	vadd.f32 v51, v7  }
0x8f: {  	v12 =	vld.idx.msk [tilespmem:v12+s31+$0x0], $0xffff  }
0x90: {  	v13 =	vld.idx.msk [tilespmem:v13+s31+$0x0], $0xffff;
	v54 =	vmul.f32 v50, v49;
	v7 =	vadd.f32 v16, v7  }
0x91: {  	v55 =	vld.idx.msk [tilespmem:v10+s3+$0x0], $0xffff  }
0x92: {  	v14 =	vmul.f32 v15, v14;
	v10 =	vld.idx.msk [tilespmem:v10+s31+$0x0], $0xffff;
	v7 =	vadd.f32 v54, v7  }
0x93: {  	v56 =	vld.idx.msk [tilespmem:v11+s3+$0x0], $0xffff  }
0x94: {  	v57 =	vmul.f32 v53, v52;
	v59 =	vld.idx.msk [tilespmem:v9+s3+$0x0], $0xffff;
	v7 =	vadd.f32 v14, v7  }
0x95: {  	v11 =	vld.idx.msk [tilespmem:v11+s31+$0x0], $0xffff  }
0x96: {  	v12 =	vmul.f32 v13, v12;
	v9 =	vld.idx.msk [tilespmem:v9+s31+$0x0], $0xffff;
	v7 =	vadd.f32 v57, v7  }
0x97: {  	v58 =	vld.idx.msk [tilespmem:v8+s3+$0x0], $0xffff  }
0x98: {  	v61 =	vld.idx.msk [tilespmem:v6+s3+$0x0], $0xffff;
	v60 =	vmul.f32 v56, v55;
	v7 =	vadd.f32 v12, v7  }
0x99: {  	v8 =	vld.idx.msk [tilespmem:v8+s31+$0x0], $0xffff  }
0x9a: {  	v6 =	vld.idx.msk [tilespmem:v6+s31+$0x0], $0xffff;
	v10 =	vmul.f32 v11, v10;
	v7 =	vadd.f32 v60, v7  }
0x9b: {  	v11 =	vld.idx.msk [tilespmem:v5+s3+$0x0], $0xffff  }
0x9c: {  	v62 =	vld.idx.msk [tilespmem:v5+s31+$0x0], $0xffff;
	v7 =	vadd.f32 v10, v7;
	v10 =	vmul.f32 v59, v58  }
0x9d: {  	v63 =	vld.idx.msk [tilespmem:v4+s3+$0x0], $0xffff  }
0x9e: {  	v4 =	vld.idx.msk [tilespmem:v4+s31+$0x0], $0xffff;
	v5 =	vadd.f32 v10, v7;
	v7 =	vmul.f32 v9, v8  }
0x9f: {  	v8 =	vld.idx.msk [tilespmem:v3+s3+$0x0], $0xffff  }
0xa0: {  	v9 =	vmul.f32 v11, v61;
	v3 =	vld.idx.msk [tilespmem:v3+s31+$0x0], $0xffff;
	v7 =	vadd.f32 v7, v5  }
0xa1: {  	v10 =	vmul.f32 v62, v6;
	v6 =	vld.idx.msk [tilespmem:v1+s3+$0x0], $0xffff  }
0xa2: {  	v5 =	vld.idx.msk [tilespmem:v2+s3+$0x0], $0xffff;
	v9 =	vadd.f32 v9, v7  }
0xa3: {  	vm1 =	vmmov vm0;
	p6 =	slt.u32 s8, $0x194;
	v7 =	vld.idx.msk [tilespmem:v2+s31+$0x0], $0xffff  }
0xa4: {  	vm1 =	vmneg @p6 vm1;
	s18 =	simm.s32 $0x0;
	s19 =	simm.s32 $0x18880;
	v9 =	vadd.f32 v10, v9;
	v10 =	vmul.f32 v8, v63;
	v8 =	vld.idx.msk [tilespmem:v1+s31+$0x0], $0xffff  }
.LBB2_4:
0xa5: {  	v2 =	vld [tilespmem:s19+$0x70];
	s9 =	sadd.s32 $0x100, s9  }
0xa6: {  	v1 =	vld [tilespmem:s9+$0x70];
	v9 =	vadd.f32 v10, v9;
	v10 =	vmul.f32 v3, v4  }
0xa7: {  	v4 =	vld [tilespmem:s19+$0x60]  }
0xa8: {  	v3 =	vld [tilespmem:s9+$0x60];
	v9 =	vadd.f32 v10, v9;
	v10 =	vmul.f32 v6, v5  }
0xa9: {  	v6 =	vld [tilespmem:s19+$0x50]  }
0xaa: {  	v5 =	vld [tilespmem:s9+$0x50];
	v9 =	vadd.f32 v10, v9;
	v10 =	vmul.f32 v8, v7  }
0xab: {  	v8 =	vld [tilespmem:s19+$0x40]  }
0xac: {  	v7 =	vld [tilespmem:s9+$0x40];
	v17 =	vadd.f32 v10, v9  }
0xad: {  	v10 =	vld [tilespmem:s19+$0x30]  }
0xae: {  	v9 =	vld [tilespmem:s9+$0x30]  }
0xaf: {  	v12 =	vld [tilespmem:s19+$0x20]  }
0xb0: {  	v11 =	vld [tilespmem:s9+$0x20]  }
0xb1: {  	v14 =	vld [tilespmem:s19+$0x10]  }
0xb2: {  	v13 =	vld [tilespmem:s9+$0x10]  }
0xb3: {  	v16 =	vld [tilespmem:s19+$0x0]  }
0xb4: {  	v15 =	vld [tilespmem:s9+$0x0]  }
0xb5: {  	v18 =	vld [tilespmem:s19+$0xFFFFFFF0]  }
0xb6: {  	v19 =	vld [tilespmem:s9+$0xFFFFFFF0]  }
0xb7: {  	v20 =	vld [tilespmem:s19+$0xFFFFFFE0]  }
0xb8: {  	v21 =	vld [tilespmem:s9+$0xFFFFFFE0]  }
0xb9: {  	v22 =	vld [tilespmem:s19+$0xFFFFFFD0]  }
0xba: {  	v23 =	vld [tilespmem:s9+$0xFFFFFFD0]  }
0xbb: {  	v24 =	vld [tilespmem:s19+$0xFFFFFFC0]  }
0xbc: {  	v25 =	vld [tilespmem:s9+$0xFFFFFFC0]  }
0xbd: {  	v26 =	vld [tilespmem:s19+$0xFFFFFF80]  }
0xbe: {  	s18 =	sadd.s32 $0x100, s18;
	v27 =	vld [tilespmem:s9+$0xFFFFFF80]  }
0xbf: {  	p3 =	slt.u32 s18, $0x1D00;
	v28 =	vld [tilespmem:s19+$0xFFFFFFB0]  }
0xc0: {  	v29 =	vld [tilespmem:s9+$0xFFFFFFB0]  }
0xc1: {  	v30 =	vld [tilespmem:s19+$0xFFFFFF90]  }
0xc2: {  	v31 =	vld [tilespmem:s9+$0xFFFFFF90]  }
0xc3: {  	v32 =	vld [tilespmem:s19+$0xFFFFFFA0]  }
0xc4: {  	v33 =	vld [tilespmem:s9+$0xFFFFFFA0]  }
0xc5: {  	v34 =	vld.idx.msk [tilespmem:v26+s3+$0x0], $0xffff  }
0xc6: {  	v35 =	vld.idx.msk [tilespmem:v27+s3+$0x0], $0xffff  }
0xc7: {  	v26 =	vld.idx.msk [tilespmem:v26+s31+$0x0], $0xffff  }
0xc8: {  	v27 =	vld.idx.msk [tilespmem:v27+s31+$0x0], $0xffff  }
0xc9: {  	v36 =	vld.idx.msk [tilespmem:v30+s3+$0x0], $0xffff  }
0xca: {  	v37 =	vld.idx.msk [tilespmem:v31+s3+$0x0], $0xffff  }
0xcb: {  	v30 =	vld.idx.msk [tilespmem:v30+s31+$0x0], $0xffff  }
0xcc: {  	v34 =	vmul.f32 v35, v34;
	v31 =	vld.idx.msk [tilespmem:v31+s31+$0x0], $0xffff  }
0xcd: {  	v35 =	vld.idx.msk [tilespmem:v32+s3+$0x0], $0xffff  }
0xce: {  	v17 =	vadd.f32 v34, v17;
	v26 =	vmul.f32 v27, v26;
	v27 =	vld.idx.msk [tilespmem:v33+s3+$0x0], $0xffff  }
0xcf: {  	v32 =	vld.idx.msk [tilespmem:v32+s31+$0x0], $0xffff  }
0xd0: {  	v17 =	vadd.f32 v26, v17;
	v26 =	vmul.f32 v37, v36;
	v33 =	vld.idx.msk [tilespmem:v33+s31+$0x0], $0xffff  }
0xd1: {  	v34 =	vld.idx.msk [tilespmem:v28+s3+$0x0], $0xffff  }
0xd2: {  	v17 =	vadd.f32 v26, v17;
	v26 =	vmul.f32 v31, v30;
	v30 =	vld.idx.msk [tilespmem:v29+s3+$0x0], $0xffff  }
0xd3: {  	v28 =	vld.idx.msk [tilespmem:v28+s31+$0x0], $0xffff  }
0xd4: {  	v17 =	vadd.f32 v26, v17;
	v26 =	vmul.f32 v27, v35;
	v27 =	vld.idx.msk [tilespmem:v29+s31+$0x0], $0xffff  }
0xd5: {  	v29 =	vld.idx.msk [tilespmem:v24+s3+$0x0], $0xffff  }
0xd6: {  	v17 =	vadd.f32 v26, v17;
	v26 =	vmul.f32 v33, v32;
	v31 =	vld.idx.msk [tilespmem:v25+s3+$0x0], $0xffff  }
0xd7: {  	v24 =	vld.idx.msk [tilespmem:v24+s31+$0x0], $0xffff  }
0xd8: {  	v17 =	vadd.f32 v26, v17;
	v26 =	vmul.f32 v30, v34;
	v25 =	vld.idx.msk [tilespmem:v25+s31+$0x0], $0xffff  }
0xd9: {  	v30 =	vld.idx.msk [tilespmem:v22+s3+$0x0], $0xffff  }
0xda: {  	v17 =	vadd.f32 v26, v17;
	v26 =	vmul.f32 v27, v28;
	v27 =	vld.idx.msk [tilespmem:v23+s3+$0x0], $0xffff  }
0xdb: {  	v22 =	vld.idx.msk [tilespmem:v22+s31+$0x0], $0xffff  }
0xdc: {  	v17 =	vadd.f32 v26, v17;
	v26 =	vmul.f32 v31, v29;
	v23 =	vld.idx.msk [tilespmem:v23+s31+$0x0], $0xffff  }
0xdd: {  	v28 =	vld.idx.msk [tilespmem:v20+s3+$0x0], $0xffff  }
0xde: {  	v17 =	vadd.f32 v26, v17;
	v24 =	vmul.f32 v25, v24;
	v25 =	vld.idx.msk [tilespmem:v21+s3+$0x0], $0xffff  }
0xdf: {  	v20 =	vld.idx.msk [tilespmem:v20+s31+$0x0], $0xffff  }
0xe0: {  	v17 =	vadd.f32 v24, v17;
	v24 =	vmul.f32 v27, v30;
	v21 =	vld.idx.msk [tilespmem:v21+s31+$0x0], $0xffff  }
0xe1: {  	v26 =	vld.idx.msk [tilespmem:v18+s3+$0x0], $0xffff  }
0xe2: {  	v17 =	vadd.f32 v24, v17;
	v22 =	vmul.f32 v23, v22;
	v23 =	vld.idx.msk [tilespmem:v19+s3+$0x0], $0xffff  }
0xe3: {  	v18 =	vld.idx.msk [tilespmem:v18+s31+$0x0], $0xffff  }
0xe4: {  	v17 =	vadd.f32 v22, v17;
	v22 =	vmul.f32 v25, v28;
	v19 =	vld.idx.msk [tilespmem:v19+s31+$0x0], $0xffff  }
0xe5: {  	v24 =	vld.idx.msk [tilespmem:v16+s3+$0x0], $0xffff  }
0xe6: {  	v17 =	vadd.f32 v22, v17;
	v20 =	vmul.f32 v21, v20;
	v21 =	vld.idx.msk [tilespmem:v15+s3+$0x0], $0xffff  }
0xe7: {  	v16 =	vld.idx.msk [tilespmem:v16+s31+$0x0], $0xffff  }
0xe8: {  	v17 =	vadd.f32 v20, v17;
	v20 =	vmul.f32 v23, v26;
	v15 =	vld.idx.msk [tilespmem:v15+s31+$0x0], $0xffff  }
0xe9: {  	v22 =	vld.idx.msk [tilespmem:v14+s3+$0x0], $0xffff  }
0xea: {  	v17 =	vadd.f32 v20, v17;
	v18 =	vmul.f32 v19, v18;
	v19 =	vld.idx.msk [tilespmem:v13+s3+$0x0], $0xffff  }
0xeb: {  	v14 =	vld.idx.msk [tilespmem:v14+s31+$0x0], $0xffff  }
0xec: {  	v17 =	vadd.f32 v18, v17;
	v18 =	vmul.f32 v21, v24;
	v13 =	vld.idx.msk [tilespmem:v13+s31+$0x0], $0xffff  }
0xed: {  	v20 =	vld.idx.msk [tilespmem:v12+s3+$0x0], $0xffff  }
0xee: {  	v17 =	vadd.f32 v18, v17;
	v15 =	vmul.f32 v15, v16;
	v16 =	vld.idx.msk [tilespmem:v11+s3+$0x0], $0xffff  }
0xef: {  	v12 =	vld.idx.msk [tilespmem:v12+s31+$0x0], $0xffff  }
0xf0: {  	v15 =	vadd.f32 v15, v17;
	v17 =	vmul.f32 v19, v22;
	v11 =	vld.idx.msk [tilespmem:v11+s31+$0x0], $0xffff  }
0xf1: {  	v18 =	vld.idx.msk [tilespmem:v10+s3+$0x0], $0xffff  }
0xf2: {  	v15 =	vadd.f32 v17, v15;
	v13 =	vmul.f32 v13, v14;
	v14 =	vld.idx.msk [tilespmem:v9+s3+$0x0], $0xffff  }
0xf3: {  	v10 =	vld.idx.msk [tilespmem:v10+s31+$0x0], $0xffff  }
0xf4: {  	v13 =	vadd.f32 v13, v15;
	v15 =	vmul.f32 v16, v20;
	v9 =	vld.idx.msk [tilespmem:v9+s31+$0x0], $0xffff  }
0xf5: {  	v16 =	vld.idx.msk [tilespmem:v8+s3+$0x0], $0xffff  }
0xf6: {  	v13 =	vadd.f32 v15, v13;
	v11 =	vmul.f32 v11, v12;
	v12 =	vld.idx.msk [tilespmem:v7+s3+$0x0], $0xffff  }
0xf7: {  	v8 =	vld.idx.msk [tilespmem:v8+s31+$0x0], $0xffff  }
0xf8: {  	v11 =	vadd.f32 v11, v13;
	v13 =	vmul.f32 v14, v18;
	v7 =	vld.idx.msk [tilespmem:v7+s31+$0x0], $0xffff  }
0xf9: {  	v14 =	vld.idx.msk [tilespmem:v6+s3+$0x0], $0xffff  }
0xfa: {  	v11 =	vadd.f32 v13, v11;
	v9 =	vmul.f32 v9, v10;
	v10 =	vld.idx.msk [tilespmem:v5+s3+$0x0], $0xffff  }
0xfb: {  	v6 =	vld.idx.msk [tilespmem:v6+s31+$0x0], $0xffff  }
0xfc: {  	v9 =	vadd.f32 v9, v11;
	v11 =	vmul.f32 v12, v16;
	v12 =	vld.idx.msk [tilespmem:v5+s31+$0x0], $0xffff  }
0xfd: {  	v13 =	vld.idx.msk [tilespmem:v4+s3+$0x0], $0xffff  }
0xfe: {  	v5 =	vadd.f32 v11, v9;
	v7 =	vmul.f32 v7, v8;
	v8 =	vld.idx.msk [tilespmem:v3+s3+$0x0], $0xffff  }
0xff: {  	v4 =	vld.idx.msk [tilespmem:v4+s31+$0x0], $0xffff  }
.Ltmp3:
0x100: {  	v7 =	vadd.f32 v7, v5;
	v9 =	vmul.f32 v10, v14;
	v3 =	vld.idx.msk [tilespmem:v3+s31+$0x0], $0xffff;
	(pc) =	sbr.rel @p3 .LBB2_4-.Ltmp3, $4  }
0x101: {  	v5 =	vld.idx.msk [tilespmem:v2+s3+$0x0], $0xffff  }
0x102: {  	v9 =	vadd.f32 v9, v7;
	v10 =	vmul.f32 v12, v6;
	v6 =	vld.idx.msk [tilespmem:v1+s3+$0x0], $0xffff  }
0x103: {  	v7 =	vld.idx.msk [tilespmem:v2+s31+$0x0], $0xffff  }
0x104: {  	s19 =	sadd.s32 $0x100, s19;
	v9 =	vadd.f32 v10, v9;
	v10 =	vmul.f32 v8, v13;
	v8 =	vld.idx.msk [tilespmem:v1+s31+$0x0], $0xffff  }
0x105: {  	_ = 	snop  }
0x106: {  	v2 =	vmul.f32 v3, v4;
	v1 =	vadd.f32 v10, v9  }
0x107: {  	p3 =	sgt.u32 s8, $0x187  }
.Ltmp4:
0x108: {  	v1 =	vadd.f32 v2, v1;
	v2 =	vmul.f32 v6, v5;
	(pc) =	sbr.rel @p3 .LBB2_7-.Ltmp4, $3  }
0x109: {  	_ = 	snop  }
0x10a: {  	v1 =	vadd.f32 v2, v1;
	v2 =	vmul.f32 v8, v7;
	_ =	sdelay $0x1  }
0x10b: {  	v1 =	vadd.f32 v2, v1  }
0x10c: {  	s8 =	smul.u32 $0x3C00, s8;
	_ =	sdelay $0x1  }
0x10d: {  	s8 =	sshrl.u32 s8, $0x3  }
.Ltmp5:
0x10e: {  	s8 =	sadd.s32 $0xB400, s8;
	(pc) =	sbr.rel .LBB2_8-.Ltmp5, $4  }
0x10f: {  	s9 =	sadd.s32 s1, s8  }
0x110: {  	[tilespmem:s28], [sflag:$0x1] =	stream.strided.gather [hbm4b:s9+s25], $0x1E00, s26, s25, $0x38;
	[tilespmem:$0x1FF80] =	vst v63  }
0x111: {  	s8 =	sadd.s32 s8, s6  }
0x112: {  	[tilespmem:s29], [sflag:$0x3] =	stream.strided.gather [hbm4b:s8+s25], $0x1E00, s26, s25, $0x38;
	[tilespmem:$0x1FF80] =	vst v63  }
.LBB2_7:
.Ltmp6:
0x113: {  	(pc) =	sbr.rel @p2 .LBB2_9-.Ltmp6, $1  }
0x114: {  	_ =	sdelay $0x3  }
.LBB2_8:
0x115: {  	_ =	swait.ge [sflag:s12], $0x1E00  }
0x116: {  	[sflag:s12] =	ssyncset.done $0x0  }
0x117: {  	[sflag:s12] =	ssyncadd.s32 $0xFFFFE200  }
0x118: {  	_ =	swait.ge [sflag:s13], $0x1E00  }
0x119: {  	[sflag:s13] =	ssyncset.done $0x0  }
0x11a: {  	[sflag:s13] =	ssyncadd.s32 $0xFFFFE200  }
.LBB2_9:
0x11b: {  	s9 =	simm.s32 $0x1A580  }
0x11c: {  	s8 =	simm.s32 $0x1E180;
	v3 =	vld [tilespmem:s9+$0x70]  }
0x11d: {  	v2 =	vld [tilespmem:s8+$0x70]  }
0x11e: {  	v5 =	vld [tilespmem:s9+$0x60]  }
0x11f: {  	v7 =	vld [tilespmem:s9+$0x50]  }
0x120: {  	v6 =	vld [tilespmem:s8+$0x50]  }
0x121: {  	v8 =	vld [tilespmem:s9+$0x40]  }
0x122: {  	v9 =	vld [tilespmem:s8+$0x40]  }
0x123: {  	v10 =	vld [tilespmem:s9+$0x30]  }
0x124: {  	v11 =	vld [tilespmem:s8+$0x30]  }
0x125: {  	v12 =	vld [tilespmem:s9+$0x20]  }
0x126: {  	v13 =	vld [tilespmem:s8+$0x20]  }
0x127: {  	v14 =	vld [tilespmem:s9+$0x10]  }
0x128: {  	v15 =	vld [tilespmem:s8+$0x10]  }
0x129: {  	v16 =	vld [tilespmem:s9+$0x0]  }
0x12a: {  	v17 =	vld [tilespmem:s8+$0x0]  }
0x12b: {  	v18 =	vld [tilespmem:s9+$0xFFFFFFF0]  }
0x12c: {  	v19 =	vld [tilespmem:s8+$0xFFFFFFF0]  }
0x12d: {  	v20 =	vld [tilespmem:s9+$0xFFFFFFE0]  }
0x12e: {  	v21 =	vld [tilespmem:s8+$0xFFFFFFE0]  }
0x12f: {  	v22 =	vld [tilespmem:s9+$0xFFFFFFD0]  }
0x130: {  	v23 =	vld [tilespmem:s8+$0xFFFFFFD0]  }
0x131: {  	v24 =	vld [tilespmem:s9+$0xFFFFFFC0]  }
0x132: {  	v25 =	vld [tilespmem:s8+$0xFFFFFFC0]  }
0x133: {  	v26 =	vld [tilespmem:s9+$0xFFFFFF80]  }
0x134: {  	v27 =	vld [tilespmem:s8+$0xFFFFFF80]  }
0x135: {  	v28 =	vld [tilespmem:s9+$0xFFFFFFB0]  }
0x136: {  	v29 =	vld [tilespmem:s8+$0xFFFFFFB0]  }
0x137: {  	v30 =	vld [tilespmem:s9+$0xFFFFFF90]  }
0x138: {  	v31 =	vld [tilespmem:s8+$0xFFFFFF90]  }
0x139: {  	v32 =	vld [tilespmem:s9+$0xFFFFFFA0]  }
0x13a: {  	v33 =	vld [tilespmem:s8+$0xFFFFFFA0]  }
0x13b: {  	v34 =	vld.idx.msk [tilespmem:v26+s3+$0x0], vm1  }
0x13c: {  	v35 =	vld.idx.msk [tilespmem:v27+s3+$0x0], vm1  }
0x13d: {  	v26 =	vld.idx.msk [tilespmem:v26+s31+$0x0], vm1  }
0x13e: {  	v27 =	vld.idx.msk [tilespmem:v27+s31+$0x0], vm1  }
0x13f: {  	v36 =	vld.idx.msk [tilespmem:v30+s3+$0x0], vm1  }
0x140: {  	v37 =	vld.idx.msk [tilespmem:v31+s3+$0x0], vm1  }
0x141: {  	v30 =	vld.idx.msk [tilespmem:v30+s31+$0x0], vm1  }
0x142: {  	v31 =	vld.idx.msk [tilespmem:v31+s31+$0x0], vm1  }
0x143: {  	v56 =	vld.idx.msk [tilespmem:v32+s3+$0x0], vm1;
	v34 =	vmul.f32 v35, v34  }
0x144: {  	v57 =	vld.idx.msk [tilespmem:v33+s3+$0x0], vm1  }
0x145: {  	v32 =	vld.idx.msk [tilespmem:v32+s31+$0x0], vm1;
	v26 =	vmul.f32 v27, v26;
	v34 =	vadd.f32 v34, v1  }
0x146: {  	v33 =	vld.idx.msk [tilespmem:v33+s31+$0x0], vm1  }
0x147: {  	v59 =	vld.idx.msk [tilespmem:v28+s3+$0x0], vm1;
	v58 =	vmul.f32 v37, v36;
	v26 =	vadd.f32 v26, v34  }
0x148: {  	v60 =	vld.idx.msk [tilespmem:v29+s3+$0x0], vm1  }
0x149: {  	v28 =	vld.idx.msk [tilespmem:v28+s31+$0x0], vm1;
	v30 =	vmul.f32 v31, v30;
	v26 =	vadd.f32 v58, v26  }
0x14a: {  	v29 =	vld.idx.msk [tilespmem:v29+s31+$0x0], vm1  }
0x14b: {  	v61 =	vld.idx.msk [tilespmem:v24+s3+$0x0], vm1;
	v27 =	vmul.f32 v57, v56;
	v26 =	vadd.f32 v30, v26  }
0x14c: {  	v63 =	vld.idx.msk [tilespmem:v25+s3+$0x0], vm1  }
0x14d: {  	v24 =	vld.idx.msk [tilespmem:v24+s31+$0x0], vm1;
	v62 =	vmul.f32 v33, v32;
	v26 =	vadd.f32 v27, v26  }
0x14e: {  	v25 =	vld.idx.msk [tilespmem:v25+s31+$0x0], vm1  }
0x14f: {  	v39 =	vld.idx.msk [tilespmem:v20+s3+$0x0], vm1;
	v34 =	vmul.f32 v60, v59;
	v26 =	vadd.f32 v62, v26  }
0x150: {  	v40 =	vld.idx.msk [tilespmem:v21+s3+$0x0], vm1  }
0x151: {  	v35 =	vld.idx.msk [tilespmem:v22+s3+$0x0], vm1;
	v36 =	vmul.f32 v29, v28;
	v26 =	vadd.f32 v34, v26  }
0x152: {  	v37 =	vld.idx.msk [tilespmem:v23+s3+$0x0], vm1  }
0x153: {  	v22 =	vld.idx.msk [tilespmem:v22+s31+$0x0], vm1;
	v38 =	vmul.f32 v63, v61;
	v26 =	vadd.f32 v36, v26  }
0x154: {  	v23 =	vld.idx.msk [tilespmem:v23+s31+$0x0], vm1  }
0x155: {  	v20 =	vld.idx.msk [tilespmem:v20+s31+$0x0], vm1;
	v24 =	vmul.f32 v25, v24;
	v26 =	vadd.f32 v38, v26  }
0x156: {  	v21 =	vld.idx.msk [tilespmem:v21+s31+$0x0], vm1  }
0x157: {  	v42 =	vld.idx.msk [tilespmem:v18+s3+$0x0], vm1;
	v41 =	vmul.f32 v37, v35;
	v24 =	vadd.f32 v24, v26  }
0x158: {  	v43 =	vld.idx.msk [tilespmem:v19+s3+$0x0], vm1  }
0x159: {  	v18 =	vld.idx.msk [tilespmem:v18+s31+$0x0], vm1;
	v22 =	vmul.f32 v23, v22;
	v24 =	vadd.f32 v41, v24  }
0x15a: {  	v19 =	vld.idx.msk [tilespmem:v19+s31+$0x0], vm1  }
0x15b: {  	v45 =	vld.idx.msk [tilespmem:v16+s3+$0x0], vm1;
	v44 =	vmul.f32 v40, v39;
	v22 =	vadd.f32 v22, v24  }
0x15c: {  	v46 =	vld.idx.msk [tilespmem:v17+s3+$0x0], vm1  }
0x15d: {  	v16 =	vld.idx.msk [tilespmem:v16+s31+$0x0], vm1;
	v20 =	vmul.f32 v21, v20;
	v22 =	vadd.f32 v44, v22  }
0x15e: {  	v17 =	vld.idx.msk [tilespmem:v17+s31+$0x0], vm1  }
0x15f: {  	v48 =	vld.idx.msk [tilespmem:v14+s3+$0x0], vm1;
	v47 =	vmul.f32 v43, v42;
	v20 =	vadd.f32 v20, v22  }
0x160: {  	v49 =	vld.idx.msk [tilespmem:v15+s3+$0x0], vm1  }
0x161: {  	v14 =	vld.idx.msk [tilespmem:v14+s31+$0x0], vm1;
	v18 =	vmul.f32 v19, v18;
	v20 =	vadd.f32 v47, v20  }
0x162: {  	v15 =	vld.idx.msk [tilespmem:v15+s31+$0x0], vm1  }
0x163: {  	v51 =	vld.idx.msk [tilespmem:v12+s3+$0x0], vm1;
	v50 =	vmul.f32 v46, v45;
	v18 =	vadd.f32 v18, v20  }
0x164: {  	v52 =	vld.idx.msk [tilespmem:v13+s3+$0x0], vm1  }
0x165: {  	v12 =	vld.idx.msk [tilespmem:v12+s31+$0x0], vm1;
	v16 =	vmul.f32 v17, v16;
	v18 =	vadd.f32 v50, v18  }
0x166: {  	v13 =	vld.idx.msk [tilespmem:v13+s31+$0x0], vm1  }
0x167: {  	v54 =	vld.idx.msk [tilespmem:v10+s3+$0x0], vm1;
	v53 =	vmul.f32 v49, v48;
	v16 =	vadd.f32 v16, v18  }
0x168: {  	v55 =	vld.idx.msk [tilespmem:v11+s3+$0x0], vm1  }
0x169: {  	v10 =	vld.idx.msk [tilespmem:v10+s31+$0x0], vm1;
	v14 =	vmul.f32 v15, v14;
	v16 =	vadd.f32 v53, v16  }
0x16a: {  	v11 =	vld.idx.msk [tilespmem:v11+s31+$0x0], vm1  }
0x16b: {  	v4 =	vld [tilespmem:s8+$0x60];
	v56 =	vmul.f32 v52, v51;
	v14 =	vadd.f32 v14, v16  }
0x16c: {  	v57 =	vld.idx.msk [tilespmem:v8+s3+$0x0], vm1  }
0x16d: {  	v12 =	vmul.f32 v13, v12;
	v8 =	vld.idx.msk [tilespmem:v8+s31+$0x0], vm1;
	v14 =	vadd.f32 v56, v14  }
0x16e: {  	v58 =	vld.idx.msk [tilespmem:v9+s3+$0x0], vm1  }
0x16f: {  	v10 =	vmul.f32 v11, v10;
	v11 =	vld.idx.msk [tilespmem:v6+s3+$0x0], vm1;
	v59 =	vmul.f32 v55, v54;
	v12 =	vadd.f32 v12, v14  }
0x170: {  	v9 =	vld.idx.msk [tilespmem:v9+s31+$0x0], vm1  }
0x171: {  	v60 =	vld.idx.msk [tilespmem:v7+s3+$0x0], vm1;
	v12 =	vadd.f32 v59, v12  }
0x172: {  	v7 =	vld.idx.msk [tilespmem:v7+s31+$0x0], vm1  }
0x173: {  	v61 =	vmul.f32 v58, v57;
	v62 =	vld.idx.msk [tilespmem:v6+s31+$0x0], vm1;
	v10 =	vadd.f32 v10, v12  }
0x174: {  	v63 =	vld.idx.msk [tilespmem:v5+s3+$0x0], vm1  }
0x175: {  	v5 =	vld.idx.msk [tilespmem:v5+s31+$0x0], vm1;
	v8 =	vmul.f32 v9, v8;
	v6 =	vadd.f32 v61, v10  }
0x176: {  	v9 =	vld.idx.msk [tilespmem:v4+s3+$0x0], vm1  }
0x177: {  	v4 =	vld.idx.msk [tilespmem:v4+s31+$0x0], vm1;
	v10 =	vmul.f32 v11, v60;
	v8 =	vadd.f32 v8, v6  }
0x178: {  	v11 =	vmul.f32 v62, v7;
	v7 =	vld.idx.msk [tilespmem:v2+s3+$0x0], vm1  }
0x179: {  	v6 =	vld.idx.msk [tilespmem:v3+s3+$0x0], vm1;
	v10 =	vadd.f32 v10, v8  }
0x17a: {  	v8 =	vld.idx.msk [tilespmem:v3+s31+$0x0], vm1  }
0x17b: {  	s18 =	simm.s32 $0x1A680;
	s9 =	simm.s32 $0x0;
	v10 =	vadd.f32 v11, v10;
	v11 =	vmul.f32 v9, v63;
	v9 =	vld.idx.msk [tilespmem:v2+s31+$0x0], vm1  }
.LBB2_10:
0x17c: {  	v3 =	vld [tilespmem:s18+$0x70];
	s8 =	sadd.s32 $0x100, s8  }
0x17d: {  	v2 =	vld [tilespmem:s8+$0x70];
	v10 =	vadd.f32 v11, v10;
	v11 =	vmul.f32 v4, v5  }
0x17e: {  	v5 =	vld [tilespmem:s18+$0x60]  }
0x17f: {  	v4 =	vld [tilespmem:s8+$0x60];
	v10 =	vadd.f32 v11, v10;
	v11 =	vmul.f32 v7, v6  }
0x180: {  	v7 =	vld [tilespmem:s18+$0x50]  }
0x181: {  	v6 =	vld [tilespmem:s8+$0x50];
	v10 =	vadd.f32 v11, v10;
	v11 =	vmul.f32 v9, v8  }
0x182: {  	v9 =	vld [tilespmem:s18+$0x40]  }
0x183: {  	v8 =	vld [tilespmem:s8+$0x40];
	v18 =	vadd.f32 v11, v10  }
0x184: {  	v11 =	vld [tilespmem:s18+$0x30]  }
0x185: {  	v10 =	vld [tilespmem:s8+$0x30]  }
0x186: {  	v13 =	vld [tilespmem:s18+$0x20]  }
0x187: {  	v12 =	vld [tilespmem:s8+$0x20]  }
0x188: {  	v15 =	vld [tilespmem:s18+$0x10]  }
0x189: {  	v14 =	vld [tilespmem:s8+$0x10]  }
0x18a: {  	v17 =	vld [tilespmem:s18+$0x0]  }
0x18b: {  	v16 =	vld [tilespmem:s8+$0x0]  }
0x18c: {  	v19 =	vld [tilespmem:s18+$0xFFFFFFF0]  }
0x18d: {  	v20 =	vld [tilespmem:s8+$0xFFFFFFF0]  }
0x18e: {  	v21 =	vld [tilespmem:s18+$0xFFFFFFE0]  }
0x18f: {  	v22 =	vld [tilespmem:s8+$0xFFFFFFE0]  }
0x190: {  	v23 =	vld [tilespmem:s18+$0xFFFFFFD0]  }
0x191: {  	v24 =	vld [tilespmem:s8+$0xFFFFFFD0]  }
0x192: {  	v25 =	vld [tilespmem:s18+$0xFFFFFFC0]  }
0x193: {  	v26 =	vld [tilespmem:s8+$0xFFFFFFC0]  }
0x194: {  	v27 =	vld [tilespmem:s18+$0xFFFFFF80]  }
0x195: {  	s9 =	sadd.s32 $0x100, s9;
	v28 =	vld [tilespmem:s8+$0xFFFFFF80]  }
0x196: {  	p2 =	slt.u32 s9, $0x1D00;
	v29 =	vld [tilespmem:s18+$0xFFFFFFB0]  }
0x197: {  	v30 =	vld [tilespmem:s8+$0xFFFFFFB0]  }
0x198: {  	v31 =	vld [tilespmem:s18+$0xFFFFFF90]  }
0x199: {  	v32 =	vld [tilespmem:s8+$0xFFFFFF90]  }
0x19a: {  	v33 =	vld [tilespmem:s18+$0xFFFFFFA0]  }
0x19b: {  	v34 =	vld [tilespmem:s8+$0xFFFFFFA0]  }
0x19c: {  	v35 =	vld.idx.msk [tilespmem:v27+s3+$0x0], vm1  }
0x19d: {  	v36 =	vld.idx.msk [tilespmem:v28+s3+$0x0], vm1  }
0x19e: {  	v27 =	vld.idx.msk [tilespmem:v27+s31+$0x0], vm1  }
0x19f: {  	v28 =	vld.idx.msk [tilespmem:v28+s31+$0x0], vm1  }
0x1a0: {  	v37 =	vld.idx.msk [tilespmem:v31+s3+$0x0], vm1  }
0x1a1: {  	v38 =	vld.idx.msk [tilespmem:v32+s3+$0x0], vm1  }
0x1a2: {  	v31 =	vld.idx.msk [tilespmem:v31+s31+$0x0], vm1  }
0x1a3: {  	v35 =	vmul.f32 v36, v35;
	v32 =	vld.idx.msk [tilespmem:v32+s31+$0x0], vm1  }
0x1a4: {  	v36 =	vld.idx.msk [tilespmem:v33+s3+$0x0], vm1  }
0x1a5: {  	v18 =	vadd.f32 v35, v18;
	v27 =	vmul.f32 v28, v27;
	v28 =	vld.idx.msk [tilespmem:v34+s3+$0x0], vm1  }
0x1a6: {  	v33 =	vld.idx.msk [tilespmem:v33+s31+$0x0], vm1  }
0x1a7: {  	v18 =	vadd.f32 v27, v18;
	v27 =	vmul.f32 v38, v37;
	v34 =	vld.idx.msk [tilespmem:v34+s31+$0x0], vm1  }
0x1a8: {  	v35 =	vld.idx.msk [tilespmem:v29+s3+$0x0], vm1  }
0x1a9: {  	v18 =	vadd.f32 v27, v18;
	v27 =	vmul.f32 v32, v31;
	v31 =	vld.idx.msk [tilespmem:v30+s3+$0x0], vm1  }
0x1aa: {  	v29 =	vld.idx.msk [tilespmem:v29+s31+$0x0], vm1  }
0x1ab: {  	v18 =	vadd.f32 v27, v18;
	v27 =	vmul.f32 v28, v36;
	v28 =	vld.idx.msk [tilespmem:v30+s31+$0x0], vm1  }
0x1ac: {  	v30 =	vld.idx.msk [tilespmem:v25+s3+$0x0], vm1  }
0x1ad: {  	v18 =	vadd.f32 v27, v18;
	v27 =	vmul.f32 v34, v33;
	v32 =	vld.idx.msk [tilespmem:v26+s3+$0x0], vm1  }
0x1ae: {  	v25 =	vld.idx.msk [tilespmem:v25+s31+$0x0], vm1  }
0x1af: {  	v18 =	vadd.f32 v27, v18;
	v27 =	vmul.f32 v31, v35;
	v26 =	vld.idx.msk [tilespmem:v26+s31+$0x0], vm1  }
0x1b0: {  	v31 =	vld.idx.msk [tilespmem:v23+s3+$0x0], vm1  }
0x1b1: {  	v18 =	vadd.f32 v27, v18;
	v27 =	vmul.f32 v28, v29;
	v28 =	vld.idx.msk [tilespmem:v24+s3+$0x0], vm1  }
0x1b2: {  	v23 =	vld.idx.msk [tilespmem:v23+s31+$0x0], vm1  }
0x1b3: {  	v18 =	vadd.f32 v27, v18;
	v27 =	vmul.f32 v32, v30;
	v24 =	vld.idx.msk [tilespmem:v24+s31+$0x0], vm1  }
0x1b4: {  	v29 =	vld.idx.msk [tilespmem:v21+s3+$0x0], vm1  }
0x1b5: {  	v18 =	vadd.f32 v27, v18;
	v25 =	vmul.f32 v26, v25;
	v26 =	vld.idx.msk [tilespmem:v22+s3+$0x0], vm1  }
0x1b6: {  	v21 =	vld.idx.msk [tilespmem:v21+s31+$0x0], vm1  }
0x1b7: {  	v18 =	vadd.f32 v25, v18;
	v25 =	vmul.f32 v28, v31;
	v22 =	vld.idx.msk [tilespmem:v22+s31+$0x0], vm1  }
0x1b8: {  	v27 =	vld.idx.msk [tilespmem:v19+s3+$0x0], vm1  }
0x1b9: {  	v18 =	vadd.f32 v25, v18;
	v23 =	vmul.f32 v24, v23;
	v24 =	vld.idx.msk [tilespmem:v20+s3+$0x0], vm1  }
0x1ba: {  	v19 =	vld.idx.msk [tilespmem:v19+s31+$0x0], vm1  }
0x1bb: {  	v18 =	vadd.f32 v23, v18;
	v23 =	vmul.f32 v26, v29;
	v20 =	vld.idx.msk [tilespmem:v20+s31+$0x0], vm1  }
0x1bc: {  	v25 =	vld.idx.msk [tilespmem:v17+s3+$0x0], vm1  }
0x1bd: {  	v18 =	vadd.f32 v23, v18;
	v21 =	vmul.f32 v22, v21;
	v22 =	vld.idx.msk [tilespmem:v16+s3+$0x0], vm1  }
0x1be: {  	v17 =	vld.idx.msk [tilespmem:v17+s31+$0x0], vm1  }
0x1bf: {  	v18 =	vadd.f32 v21, v18;
	v21 =	vmul.f32 v24, v27;
	v16 =	vld.idx.msk [tilespmem:v16+s31+$0x0], vm1  }
0x1c0: {  	v23 =	vld.idx.msk [tilespmem:v15+s3+$0x0], vm1  }
0x1c1: {  	v18 =	vadd.f32 v21, v18;
	v19 =	vmul.f32 v20, v19;
	v20 =	vld.idx.msk [tilespmem:v14+s3+$0x0], vm1  }
0x1c2: {  	v15 =	vld.idx.msk [tilespmem:v15+s31+$0x0], vm1  }
0x1c3: {  	v18 =	vadd.f32 v19, v18;
	v19 =	vmul.f32 v22, v25;
	v14 =	vld.idx.msk [tilespmem:v14+s31+$0x0], vm1  }
0x1c4: {  	v21 =	vld.idx.msk [tilespmem:v13+s3+$0x0], vm1  }
0x1c5: {  	v18 =	vadd.f32 v19, v18;
	v16 =	vmul.f32 v16, v17;
	v17 =	vld.idx.msk [tilespmem:v12+s3+$0x0], vm1  }
0x1c6: {  	v13 =	vld.idx.msk [tilespmem:v13+s31+$0x0], vm1  }
0x1c7: {  	v16 =	vadd.f32 v16, v18;
	v18 =	vmul.f32 v20, v23;
	v12 =	vld.idx.msk [tilespmem:v12+s31+$0x0], vm1  }
0x1c8: {  	v19 =	vld.idx.msk [tilespmem:v11+s3+$0x0], vm1  }
0x1c9: {  	v16 =	vadd.f32 v18, v16;
	v14 =	vmul.f32 v14, v15;
	v15 =	vld.idx.msk [tilespmem:v10+s3+$0x0], vm1  }
0x1ca: {  	v11 =	vld.idx.msk [tilespmem:v11+s31+$0x0], vm1  }
0x1cb: {  	v14 =	vadd.f32 v14, v16;
	v16 =	vmul.f32 v17, v21;
	v10 =	vld.idx.msk [tilespmem:v10+s31+$0x0], vm1  }
0x1cc: {  	v17 =	vld.idx.msk [tilespmem:v9+s3+$0x0], vm1  }
0x1cd: {  	v14 =	vadd.f32 v16, v14;
	v12 =	vmul.f32 v12, v13;
	v13 =	vld.idx.msk [tilespmem:v8+s3+$0x0], vm1  }
0x1ce: {  	v9 =	vld.idx.msk [tilespmem:v9+s31+$0x0], vm1  }
0x1cf: {  	v12 =	vadd.f32 v12, v14;
	v14 =	vmul.f32 v15, v19;
	v8 =	vld.idx.msk [tilespmem:v8+s31+$0x0], vm1  }
0x1d0: {  	v15 =	vld.idx.msk [tilespmem:v7+s3+$0x0], vm1  }
0x1d1: {  	v12 =	vadd.f32 v14, v12;
	v10 =	vmul.f32 v10, v11;
	v11 =	vld.idx.msk [tilespmem:v6+s3+$0x0], vm1  }
0x1d2: {  	v7 =	vld.idx.msk [tilespmem:v7+s31+$0x0], vm1  }
0x1d3: {  	v10 =	vadd.f32 v10, v12;
	v12 =	vmul.f32 v13, v17;
	v13 =	vld.idx.msk [tilespmem:v6+s31+$0x0], vm1  }
0x1d4: {  	v14 =	vld.idx.msk [tilespmem:v5+s3+$0x0], vm1  }
0x1d5: {  	v6 =	vadd.f32 v12, v10;
	v8 =	vmul.f32 v8, v9;
	v9 =	vld.idx.msk [tilespmem:v4+s3+$0x0], vm1  }
0x1d6: {  	v5 =	vld.idx.msk [tilespmem:v5+s31+$0x0], vm1  }
.Ltmp7:
0x1d7: {  	v8 =	vadd.f32 v8, v6;
	v10 =	vmul.f32 v11, v15;
	v4 =	vld.idx.msk [tilespmem:v4+s31+$0x0], vm1;
	(pc) =	sbr.rel @p2 .LBB2_10-.Ltmp7, $4  }
0x1d8: {  	v6 =	vld.idx.msk [tilespmem:v3+s3+$0x0], vm1  }
0x1d9: {  	v10 =	vadd.f32 v10, v8;
	v11 =	vmul.f32 v13, v7;
	v7 =	vld.idx.msk [tilespmem:v2+s3+$0x0], vm1  }
0x1da: {  	v8 =	vld.idx.msk [tilespmem:v3+s31+$0x0], vm1  }
0x1db: {  	s18 =	sadd.s32 $0x100, s18;
	v10 =	vadd.f32 v11, v10;
	v11 =	vmul.f32 v9, v14;
	v9 =	vld.idx.msk [tilespmem:v2+s31+$0x0], vm1  }
0x1dc: {  	_ = 	snop  }
0x1dd: {  	v3 =	vmul.f32 v4, v5;
	v2 =	vadd.f32 v11, v10;
	_ =	sdelay $0x1  }
0x1de: {  	s7 =	sadd.s32 $0x1, s7;
	v2 =	vadd.f32 v3, v2;
	v3 =	vmul.f32 v7, v6  }
0x1df: {  	p2 =	sne.s32 s7, s22  }
.Ltmp8:
0x1e0: {  	v2 =	vadd.f32 v3, v2;
	v3 =	vmul.f32 v9, v8;
	(pc) =	sbr.rel @p2 .LBB2_3-.Ltmp8, $3  }
0x1e1: {  	_ = 	snop  }
0x1e2: {  	v2 =	vadd.f32 v3, v2;
	_ =	sdelay $0x1  }
0x1e3: {  	v7 =	vpsel p6, v2, v1  }
0x1e4: {  	s7 =	sld [smem:$0x7FD];
	_ =	sdelay $0x2  }
0x1e5: {  	p2 =	seq.s32 s7, $0x1  }
.Ltmp9:
0x1e6: {  	_ = 	snop;
	(pc) =	sbr.rel @!p2 .LBB2_13-.Ltmp9, $1  }
0x1e7: {  	_ =	sdelay $0x3  }
0x1e8: {  	[tilespmem:$0x1FF00] =	vst v7  }
.LBB2_17:
.Ltmp10:
0x1e9: {  	(pc) =	sbr.rel @p1 .LBB2_29-.Ltmp10, $1  }
0x1ea: {  	_ =	sdelay $0x3  }
0x1eb: {  	s7 =	rddreg [dreg:$0x9]  }
0x1ec: {  	[tilespmem:s28], [sflag:$0x1] =	stream.strided.gather [hbm4b:s7+s25], $0x1E00, s26, s25, $0x38;
	[tilespmem:$0x1FF80] =	vst v63  }
0x1ed: {  	s19 =	rddreg [dreg:$0xa]  }
0x1ee: {  	[tilespmem:s29], [sflag:$0x3] =	stream.strided.gather [hbm4b:s19+s25], $0x1E00, s26, s25, $0x38;
	[tilespmem:$0x1FF80] =	vst v63  }
0x1ef: {  	s8 =	rddreg [dreg:$0xb];
	s7 =	simm.s32 $0x0  }
0x1f0: {  	[tilespmem:s7], [sflag:$0x5] =	stream.linear.gather [hbm4b:s8+s7], $0xC350, $0x38;
	[tilespmem:$0x1FF80] =	vst v63  }
0x1f1: {  	_ =	swait.ge [sflag:s30], $0xC350  }
0x1f2: {  	[sflag:s30] =	ssyncset.done $0x0  }
0x1f3: {  	s20 =	rddreg [dreg:$0xc];
	[sflag:s30] =	ssyncadd.s32 $0xFFFF3CB0  }
0x1f4: {  	[tilespmem:s31], [sflag:$0x5] =	stream.linear.gather [hbm4b:s20+s7], $0xC350, $0x38;
	[tilespmem:$0x1FF80] =	vst v63  }
0x1f5: {  	_ =	swait.ge [sflag:s30], $0xC350  }
0x1f6: {  	[sflag:s30] =	ssyncset.done $0x0  }
0x1f7: {  	v7 =	vimm.f32 $0.0e+00;
	[sflag:s30] =	ssyncadd.s32 $0xFFFF3CB0  }
.LBB2_19:
0x1f8: {  	s8 =	smul.u32 $0x18, s7;
	_ =	sdelay $0x1  }
0x1f9: {  	s18 =	sadd.s32 s5, s8  }
0x1fa: {  	p2 =	sgt.u32 s18, $0x19F  }
0x1fb: {  	s9 =	smul.u32 @!p2 $0x780, s18  }
0x1fc: {  	s19 =	simm.s32 @!p2 $0x80  }
0x1fd: {  	s20 =	simm.s32 @!p2 $0x100;
	s11 =	simm.s32 @!p2 $0x1A500;
	s10 =	sadd.s32 @!p2 s1, s9  }
0x1fe: {  	[tilespmem:s11], [sflag:$0x2] =	stream.strided.gather @!p2 [hbm4b:s10+s19], $0x1E00, s20, s19, $0x38;
	[tilespmem:$0x1FF80] =	vst v63  }
0x1ff: {  	s9 =	sadd.s32 @!p2 s9, s6;
	s10 =	simm.s32 @!p2 $0x1E100  }
0x200: {  	[tilespmem:s10], [sflag:$0x4] =	stream.strided.gather @!p2 [hbm4b:s9+s19], $0x1E00, s20, s19, $0x38;
	[tilespmem:$0x1FF80] =	vst v63  }
0x201: {  	_ =	swait.ge [sflag:s0], $0x1E00  }
0x202: {  	[sflag:s0] =	ssyncset.done $0x0  }
0x203: {  	[sflag:s0] =	ssyncadd.s32 $0xFFFFE200  }
0x204: {  	_ =	swait.ge [sflag:s2], $0x1E00  }
0x205: {  	[sflag:s2] =	ssyncset.done $0x0  }
0x206: {  	s20 =	simm.s32 $0x18780;
	[sflag:s2] =	ssyncadd.s32 $0xFFFFE200  }
0x207: {  	s9 =	simm.s32 $0x1C380;
	v2 =	vld [tilespmem:s20+$0x70]  }
0x208: {  	v1 =	vld [tilespmem:s9+$0x70]  }
0x209: {  	v4 =	vld [tilespmem:s20+$0x60]  }
0x20a: {  	v3 =	vld [tilespmem:s9+$0x60]  }
0x20b: {  	v6 =	vld [tilespmem:s20+$0x50]  }
0x20c: {  	v5 =	vld [tilespmem:s9+$0x50]  }
0x20d: {  	v8 =	vld [tilespmem:s20+$0x40]  }
0x20e: {  	v9 =	vld [tilespmem:s9+$0x40]  }
0x20f: {  	v10 =	vld [tilespmem:s20+$0x30]  }
0x210: {  	v11 =	vld [tilespmem:s9+$0x30]  }
0x211: {  	v12 =	vld [tilespmem:s20+$0x20]  }
0x212: {  	v13 =	vld [tilespmem:s9+$0x20]  }
0x213: {  	v14 =	vld [tilespmem:s20+$0x10]  }
0x214: {  	v15 =	vld [tilespmem:s9+$0x10]  }
0x215: {  	v16 =	vld [tilespmem:s20+$0x0]  }
0x216: {  	v17 =	vld [tilespmem:s9+$0x0]  }
0x217: {  	v18 =	vld [tilespmem:s20+$0xFFFFFFF0]  }
0x218: {  	v19 =	vld [tilespmem:s9+$0xFFFFFFF0]  }
0x219: {  	v20 =	vld [tilespmem:s20+$0xFFFFFFE0]  }
0x21a: {  	v21 =	vld [tilespmem:s9+$0xFFFFFFE0]  }
0x21b: {  	v22 =	vld [tilespmem:s20+$0xFFFFFFD0]  }
0x21c: {  	v23 =	vld [tilespmem:s9+$0xFFFFFFD0]  }
0x21d: {  	v24 =	vld [tilespmem:s20+$0xFFFFFFC0]  }
0x21e: {  	v25 =	vld [tilespmem:s9+$0xFFFFFFC0]  }
0x21f: {  	v26 =	vld [tilespmem:s20+$0xFFFFFF80]  }
0x220: {  	v27 =	vld [tilespmem:s9+$0xFFFFFF80]  }
0x221: {  	v28 =	vld [tilespmem:s20+$0xFFFFFFB0]  }
0x222: {  	v29 =	vld [tilespmem:s9+$0xFFFFFFB0]  }
0x223: {  	v30 =	vld [tilespmem:s20+$0xFFFFFF90]  }
0x224: {  	v31 =	vld [tilespmem:s9+$0xFFFFFF90]  }
0x225: {  	v32 =	vld [tilespmem:s20+$0xFFFFFFA0]  }
0x226: {  	v33 =	vld [tilespmem:s9+$0xFFFFFFA0]  }
0x227: {  	v34 =	vld.idx.msk [tilespmem:v26+s3+$0x0], $0xffff  }
0x228: {  	v35 =	vld.idx.msk [tilespmem:v27+s3+$0x0], $0xffff  }
0x229: {  	v26 =	vld.idx.msk [tilespmem:v26+s31+$0x0], $0xffff  }
0x22a: {  	v27 =	vld.idx.msk [tilespmem:v27+s31+$0x0], $0xffff  }
0x22b: {  	v36 =	vld.idx.msk [tilespmem:v30+s3+$0x0], $0xffff  }
0x22c: {  	v37 =	vld.idx.msk [tilespmem:v31+s3+$0x0], $0xffff  }
0x22d: {  	v30 =	vld.idx.msk [tilespmem:v30+s31+$0x0], $0xffff  }
0x22e: {  	v31 =	vld.idx.msk [tilespmem:v31+s31+$0x0], $0xffff;
	v34 =	vmul.f32 v35, v34  }
0x22f: {  	v60 =	vld.idx.msk [tilespmem:v32+s3+$0x0], $0xffff  }
0x230: {  	v61 =	vld.idx.msk [tilespmem:v33+s3+$0x0], $0xffff;
	v26 =	vmul.f32 v27, v26;
	v7 =	vadd.f32 v34, v7  }
0x231: {  	v32 =	vld.idx.msk [tilespmem:v32+s31+$0x0], $0xffff  }
0x232: {  	v33 =	vld.idx.msk [tilespmem:v33+s31+$0x0], $0xffff;
	v62 =	vmul.f32 v37, v36;
	v7 =	vadd.f32 v26, v7  }
0x233: {  	v63 =	vld.idx.msk [tilespmem:v28+s3+$0x0], $0xffff  }
0x234: {  	v28 =	vld.idx.msk [tilespmem:v28+s31+$0x0], $0xffff;
	v36 =	vmul.f32 v31, v30;
	v7 =	vadd.f32 v62, v7  }
0x235: {  	v37 =	vld.idx.msk [tilespmem:v29+s3+$0x0], $0xffff  }
0x236: {  	v39 =	vld.idx.msk [tilespmem:v29+s31+$0x0], $0xffff;
	v38 =	vmul.f32 v61, v60;
	v7 =	vadd.f32 v36, v7  }
0x237: {  	v40 =	vld.idx.msk [tilespmem:v24+s3+$0x0], $0xffff  }
0x238: {  	v42 =	vld.idx.msk [tilespmem:v25+s3+$0x0], $0xffff;
	v41 =	vmul.f32 v33, v32;
	v7 =	vadd.f32 v38, v7  }
0x239: {  	v24 =	vld.idx.msk [tilespmem:v24+s31+$0x0], $0xffff  }
0x23a: {  	v25 =	vld.idx.msk [tilespmem:v25+s31+$0x0], $0xffff;
	v43 =	vmul.f32 v37, v63;
	v7 =	vadd.f32 v41, v7  }
0x23b: {  	v44 =	vld.idx.msk [tilespmem:v22+s3+$0x0], $0xffff  }
0x23c: {  	v46 =	vld.idx.msk [tilespmem:v23+s3+$0x0], $0xffff;
	v45 =	vmul.f32 v39, v28;
	v7 =	vadd.f32 v43, v7  }
0x23d: {  	v22 =	vld.idx.msk [tilespmem:v22+s31+$0x0], $0xffff  }
0x23e: {  	v23 =	vld.idx.msk [tilespmem:v23+s31+$0x0], $0xffff;
	v47 =	vmul.f32 v42, v40;
	v7 =	vadd.f32 v45, v7  }
0x23f: {  	v48 =	vld.idx.msk [tilespmem:v20+s3+$0x0], $0xffff  }
0x240: {  	v49 =	vld.idx.msk [tilespmem:v21+s3+$0x0], $0xffff;
	v24 =	vmul.f32 v25, v24;
	v7 =	vadd.f32 v47, v7  }
0x241: {  	v20 =	vld.idx.msk [tilespmem:v20+s31+$0x0], $0xffff  }
0x242: {  	v21 =	vld.idx.msk [tilespmem:v21+s31+$0x0], $0xffff;
	v50 =	vmul.f32 v46, v44;
	v7 =	vadd.f32 v24, v7  }
0x243: {  	v51 =	vld.idx.msk [tilespmem:v18+s3+$0x0], $0xffff  }
0x244: {  	v52 =	vld.idx.msk [tilespmem:v19+s3+$0x0], $0xffff;
	v22 =	vmul.f32 v23, v22;
	v7 =	vadd.f32 v50, v7  }
0x245: {  	v18 =	vld.idx.msk [tilespmem:v18+s31+$0x0], $0xffff  }
0x246: {  	v19 =	vld.idx.msk [tilespmem:v19+s31+$0x0], $0xffff;
	v53 =	vmul.f32 v49, v48;
	v7 =	vadd.f32 v22, v7  }
0x247: {  	v54 =	vld.idx.msk [tilespmem:v16+s3+$0x0], $0xffff  }
0x248: {  	v55 =	vld.idx.msk [tilespmem:v17+s3+$0x0], $0xffff;
	v20 =	vmul.f32 v21, v20;
	v7 =	vadd.f32 v53, v7  }
0x249: {  	v16 =	vld.idx.msk [tilespmem:v16+s31+$0x0], $0xffff  }
0x24a: {  	v17 =	vld.idx.msk [tilespmem:v17+s31+$0x0], $0xffff;
	v56 =	vmul.f32 v52, v51;
	v7 =	vadd.f32 v20, v7  }
0x24b: {  	v57 =	vld.idx.msk [tilespmem:v14+s3+$0x0], $0xffff  }
0x24c: {  	v58 =	vld.idx.msk [tilespmem:v15+s3+$0x0], $0xffff;
	v18 =	vmul.f32 v19, v18;
	v7 =	vadd.f32 v56, v7  }
0x24d: {  	v14 =	vld.idx.msk [tilespmem:v14+s31+$0x0], $0xffff  }
0x24e: {  	v15 =	vld.idx.msk [tilespmem:v15+s31+$0x0], $0xffff;
	v59 =	vmul.f32 v55, v54;
	v7 =	vadd.f32 v18, v7  }
0x24f: {  	v60 =	vld.idx.msk [tilespmem:v12+s3+$0x0], $0xffff  }
0x250: {  	v16 =	vmul.f32 v17, v16;
	v17 =	vld.idx.msk [tilespmem:v13+s3+$0x0], $0xffff;
	v7 =	vadd.f32 v59, v7  }
0x251: {  	v12 =	vld.idx.msk [tilespmem:v12+s31+$0x0], $0xffff  }
0x252: {  	v13 =	vld.idx.msk [tilespmem:v13+s31+$0x0], $0xffff;
	v7 =	vadd.f32 v16, v7;
	v16 =	vmul.f32 v58, v57  }
0x253: {  	v61 =	vld.idx.msk [tilespmem:v10+s3+$0x0], $0xffff  }
0x254: {  	v14 =	vmul.f32 v15, v14;
	v15 =	vld.idx.msk [tilespmem:v11+s3+$0x0], $0xffff;
	v7 =	vadd.f32 v16, v7  }
0x255: {  	v10 =	vld.idx.msk [tilespmem:v10+s31+$0x0], $0xffff  }
0x256: {  	v11 =	vld.idx.msk [tilespmem:v11+s31+$0x0], $0xffff;
	v7 =	vadd.f32 v14, v7;
	v14 =	vmul.f32 v17, v60  }
0x257: {  	v12 =	vmul.f32 v13, v12;
	v13 =	vld.idx.msk [tilespmem:v9+s3+$0x0], $0xffff  }
0x258: {  	v9 =	vld.idx.msk [tilespmem:v9+s31+$0x0], $0xffff;
	v7 =	vadd.f32 v14, v7  }
0x259: {  	v16 =	vld.idx.msk [tilespmem:v8+s3+$0x0], $0xffff  }
0x25a: {  	v8 =	vld.idx.msk [tilespmem:v8+s31+$0x0], $0xffff;
	v7 =	vadd.f32 v12, v7;
	v12 =	vmul.f32 v15, v61  }
0x25b: {  	v10 =	vmul.f32 v11, v10;
	v11 =	vld.idx.msk [tilespmem:v5+s3+$0x0], $0xffff  }
0x25c: {  	v5 =	vld.idx.msk [tilespmem:v5+s31+$0x0], $0xffff;
	v7 =	vadd.f32 v12, v7  }
0x25d: {  	v14 =	vld.idx.msk [tilespmem:v6+s3+$0x0], $0xffff  }
0x25e: {  	v6 =	vld.idx.msk [tilespmem:v6+s31+$0x0], $0xffff;
	v7 =	vadd.f32 v10, v7;
	v10 =	vmul.f32 v13, v16  }
0x25f: {  	v9 =	vmul.f32 v9, v8;
	v8 =	vld.idx.msk [tilespmem:v4+s31+$0x0], $0xffff  }
0x260: {  	v15 =	vld.idx.msk [tilespmem:v3+s3+$0x0], $0xffff;
	v7 =	vadd.f32 v10, v7  }
0x261: {  	v13 =	vld.idx.msk [tilespmem:v4+s3+$0x0], $0xffff  }
0x262: {  	v12 =	vld.idx.msk [tilespmem:v1+s3+$0x0], $0xffff;
	v62 =	vadd.f32 v9, v7;
	v7 =	vmul.f32 v11, v14  }
0x263: {  	v11 =	vld.idx.msk [tilespmem:v3+s31+$0x0], $0xffff  }
0x264: {  	v63 =	vmul.f32 v5, v6;
	v10 =	vld.idx.msk [tilespmem:v2+s31+$0x0], $0xffff;
	v3 =	vadd.f32 v7, v62  }
0x265: {  	vm1 =	vmmov vm0;
	p6 =	slt.u32 s18, $0x1A0;
	v9 =	vld.idx.msk [tilespmem:v2+s3+$0x0], $0xffff  }
0x266: {  	vm1 =	vmneg @p6 vm1;
	s18 =	simm.s32 $0x0;
	s19 =	simm.s32 $0x18880;
	v15 =	vmul.f32 v15, v13;
	v13 =	vld.idx.msk [tilespmem:v1+s31+$0x0], $0xffff;
	v14 =	vadd.f32 v63, v3  }
.LBB2_20:
0x267: {  	v2 =	vld [tilespmem:s19+$0x70];
	s9 =	sadd.s32 $0x100, s9  }
0x268: {  	v6 =	vmul.f32 v11, v8;
	v1 =	vld [tilespmem:s9+$0x70];
	v5 =	vadd.f32 v15, v14  }
0x269: {  	v4 =	vld [tilespmem:s19+$0x60]  }
0x26a: {  	v8 =	vmul.f32 v12, v9;
	v3 =	vld [tilespmem:s9+$0x60];
	v7 =	vadd.f32 v6, v5  }
0x26b: {  	v6 =	vld [tilespmem:s19+$0x50]  }
0x26c: {  	v10 =	vmul.f32 v13, v10;
	v5 =	vld [tilespmem:s9+$0x50];
	v9 =	vadd.f32 v8, v7  }
0x26d: {  	v8 =	vld [tilespmem:s19+$0x40]  }
0x26e: {  	v7 =	vld [tilespmem:s9+$0x40];
	v17 =	vadd.f32 v10, v9  }
0x26f: {  	v10 =	vld [tilespmem:s19+$0x30]  }
0x270: {  	v9 =	vld [tilespmem:s9+$0x30]  }
0x271: {  	v12 =	vld [tilespmem:s19+$0x20]  }
0x272: {  	v11 =	vld [tilespmem:s9+$0x20]  }
0x273: {  	v14 =	vld [tilespmem:s19+$0x10]  }
0x274: {  	v13 =	vld [tilespmem:s9+$0x10]  }
0x275: {  	v16 =	vld [tilespmem:s19+$0x0]  }
0x276: {  	v15 =	vld [tilespmem:s9+$0x0]  }
0x277: {  	v18 =	vld [tilespmem:s19+$0xFFFFFFF0]  }
0x278: {  	v19 =	vld [tilespmem:s9+$0xFFFFFFF0]  }
0x279: {  	v20 =	vld [tilespmem:s19+$0xFFFFFFE0]  }
0x27a: {  	v21 =	vld [tilespmem:s9+$0xFFFFFFE0]  }
0x27b: {  	v22 =	vld [tilespmem:s19+$0xFFFFFFD0]  }
0x27c: {  	v23 =	vld [tilespmem:s9+$0xFFFFFFD0]  }
0x27d: {  	v24 =	vld [tilespmem:s19+$0xFFFFFFC0]  }
0x27e: {  	v25 =	vld [tilespmem:s9+$0xFFFFFFC0]  }
0x27f: {  	v26 =	vld [tilespmem:s19+$0xFFFFFF80]  }
0x280: {  	s18 =	sadd.s32 $0x100, s18;
	v27 =	vld [tilespmem:s9+$0xFFFFFF80]  }
0x281: {  	p3 =	slt.u32 s18, $0x1D00;
	v28 =	vld [tilespmem:s19+$0xFFFFFFB0]  }
0x282: {  	v29 =	vld [tilespmem:s9+$0xFFFFFFB0]  }
0x283: {  	v30 =	vld [tilespmem:s19+$0xFFFFFF90]  }
0x284: {  	v31 =	vld [tilespmem:s9+$0xFFFFFF90]  }
0x285: {  	v32 =	vld [tilespmem:s19+$0xFFFFFFA0]  }
0x286: {  	v33 =	vld [tilespmem:s9+$0xFFFFFFA0]  }
0x287: {  	v34 =	vld.idx.msk [tilespmem:v26+s3+$0x0], $0xffff  }
0x288: {  	v35 =	vld.idx.msk [tilespmem:v27+s3+$0x0], $0xffff  }
0x289: {  	v26 =	vld.idx.msk [tilespmem:v26+s31+$0x0], $0xffff  }
0x28a: {  	v27 =	vld.idx.msk [tilespmem:v27+s31+$0x0], $0xffff  }
0x28b: {  	v36 =	vld.idx.msk [tilespmem:v30+s3+$0x0], $0xffff  }
0x28c: {  	v37 =	vld.idx.msk [tilespmem:v31+s3+$0x0], $0xffff  }
0x28d: {  	v30 =	vld.idx.msk [tilespmem:v30+s31+$0x0], $0xffff  }
0x28e: {  	v34 =	vmul.f32 v35, v34;
	v31 =	vld.idx.msk [tilespmem:v31+s31+$0x0], $0xffff  }
0x28f: {  	v35 =	vld.idx.msk [tilespmem:v32+s3+$0x0], $0xffff  }
0x290: {  	v17 =	vadd.f32 v34, v17;
	v26 =	vmul.f32 v27, v26;
	v27 =	vld.idx.msk [tilespmem:v33+s3+$0x0], $0xffff  }
0x291: {  	v32 =	vld.idx.msk [tilespmem:v32+s31+$0x0], $0xffff  }
0x292: {  	v17 =	vadd.f32 v26, v17;
	v26 =	vmul.f32 v37, v36;
	v33 =	vld.idx.msk [tilespmem:v33+s31+$0x0], $0xffff  }
0x293: {  	v34 =	vld.idx.msk [tilespmem:v28+s3+$0x0], $0xffff  }
0x294: {  	v17 =	vadd.f32 v26, v17;
	v26 =	vmul.f32 v31, v30;
	v30 =	vld.idx.msk [tilespmem:v29+s3+$0x0], $0xffff  }
0x295: {  	v28 =	vld.idx.msk [tilespmem:v28+s31+$0x0], $0xffff  }
0x296: {  	v17 =	vadd.f32 v26, v17;
	v26 =	vmul.f32 v27, v35;
	v27 =	vld.idx.msk [tilespmem:v29+s31+$0x0], $0xffff  }
0x297: {  	v29 =	vld.idx.msk [tilespmem:v24+s3+$0x0], $0xffff  }
0x298: {  	v17 =	vadd.f32 v26, v17;
	v26 =	vmul.f32 v33, v32;
	v31 =	vld.idx.msk [tilespmem:v25+s3+$0x0], $0xffff  }
0x299: {  	v24 =	vld.idx.msk [tilespmem:v24+s31+$0x0], $0xffff  }
0x29a: {  	v17 =	vadd.f32 v26, v17;
	v26 =	vmul.f32 v30, v34;
	v25 =	vld.idx.msk [tilespmem:v25+s31+$0x0], $0xffff  }
0x29b: {  	v30 =	vld.idx.msk [tilespmem:v22+s3+$0x0], $0xffff  }
0x29c: {  	v17 =	vadd.f32 v26, v17;
	v26 =	vmul.f32 v27, v28;
	v27 =	vld.idx.msk [tilespmem:v23+s3+$0x0], $0xffff  }
0x29d: {  	v22 =	vld.idx.msk [tilespmem:v22+s31+$0x0], $0xffff  }
0x29e: {  	v17 =	vadd.f32 v26, v17;
	v26 =	vmul.f32 v31, v29;
	v23 =	vld.idx.msk [tilespmem:v23+s31+$0x0], $0xffff  }
0x29f: {  	v28 =	vld.idx.msk [tilespmem:v20+s3+$0x0], $0xffff  }
0x2a0: {  	v17 =	vadd.f32 v26, v17;
	v24 =	vmul.f32 v25, v24;
	v25 =	vld.idx.msk [tilespmem:v21+s3+$0x0], $0xffff  }
0x2a1: {  	v20 =	vld.idx.msk [tilespmem:v20+s31+$0x0], $0xffff  }
0x2a2: {  	v17 =	vadd.f32 v24, v17;
	v24 =	vmul.f32 v27, v30;
	v21 =	vld.idx.msk [tilespmem:v21+s31+$0x0], $0xffff  }
0x2a3: {  	v26 =	vld.idx.msk [tilespmem:v18+s3+$0x0], $0xffff  }
0x2a4: {  	v17 =	vadd.f32 v24, v17;
	v22 =	vmul.f32 v23, v22;
	v23 =	vld.idx.msk [tilespmem:v19+s3+$0x0], $0xffff  }
0x2a5: {  	v18 =	vld.idx.msk [tilespmem:v18+s31+$0x0], $0xffff  }
0x2a6: {  	v17 =	vadd.f32 v22, v17;
	v22 =	vmul.f32 v25, v28;
	v19 =	vld.idx.msk [tilespmem:v19+s31+$0x0], $0xffff  }
0x2a7: {  	v24 =	vld.idx.msk [tilespmem:v16+s3+$0x0], $0xffff  }
0x2a8: {  	v17 =	vadd.f32 v22, v17;
	v20 =	vmul.f32 v21, v20;
	v21 =	vld.idx.msk [tilespmem:v15+s3+$0x0], $0xffff  }
0x2a9: {  	v16 =	vld.idx.msk [tilespmem:v16+s31+$0x0], $0xffff  }
0x2aa: {  	v17 =	vadd.f32 v20, v17;
	v20 =	vmul.f32 v23, v26;
	v15 =	vld.idx.msk [tilespmem:v15+s31+$0x0], $0xffff  }
0x2ab: {  	v22 =	vld.idx.msk [tilespmem:v14+s3+$0x0], $0xffff  }
0x2ac: {  	v17 =	vadd.f32 v20, v17;
	v18 =	vmul.f32 v19, v18;
	v19 =	vld.idx.msk [tilespmem:v13+s3+$0x0], $0xffff  }
0x2ad: {  	v14 =	vld.idx.msk [tilespmem:v14+s31+$0x0], $0xffff  }
0x2ae: {  	v17 =	vadd.f32 v18, v17;
	v18 =	vmul.f32 v21, v24;
	v13 =	vld.idx.msk [tilespmem:v13+s31+$0x0], $0xffff  }
0x2af: {  	v20 =	vld.idx.msk [tilespmem:v12+s3+$0x0], $0xffff  }
0x2b0: {  	v17 =	vadd.f32 v18, v17;
	v15 =	vmul.f32 v15, v16;
	v16 =	vld.idx.msk [tilespmem:v11+s3+$0x0], $0xffff  }
0x2b1: {  	v12 =	vld.idx.msk [tilespmem:v12+s31+$0x0], $0xffff  }
0x2b2: {  	v15 =	vadd.f32 v15, v17;
	v17 =	vmul.f32 v19, v22;
	v11 =	vld.idx.msk [tilespmem:v11+s31+$0x0], $0xffff  }
0x2b3: {  	v18 =	vld.idx.msk [tilespmem:v10+s3+$0x0], $0xffff  }
0x2b4: {  	v15 =	vadd.f32 v17, v15;
	v13 =	vmul.f32 v13, v14;
	v14 =	vld.idx.msk [tilespmem:v9+s3+$0x0], $0xffff  }
0x2b5: {  	v10 =	vld.idx.msk [tilespmem:v10+s31+$0x0], $0xffff  }
0x2b6: {  	v13 =	vadd.f32 v13, v15;
	v15 =	vmul.f32 v16, v20;
	v9 =	vld.idx.msk [tilespmem:v9+s31+$0x0], $0xffff  }
0x2b7: {  	v16 =	vld.idx.msk [tilespmem:v8+s3+$0x0], $0xffff  }
0x2b8: {  	v13 =	vadd.f32 v15, v13;
	v11 =	vmul.f32 v11, v12;
	v12 =	vld.idx.msk [tilespmem:v7+s3+$0x0], $0xffff  }
0x2b9: {  	v8 =	vld.idx.msk [tilespmem:v8+s31+$0x0], $0xffff  }
0x2ba: {  	v11 =	vadd.f32 v11, v13;
	v13 =	vmul.f32 v14, v18;
	v7 =	vld.idx.msk [tilespmem:v7+s31+$0x0], $0xffff  }
0x2bb: {  	v14 =	vld.idx.msk [tilespmem:v6+s3+$0x0], $0xffff  }
0x2bc: {  	v11 =	vadd.f32 v13, v11;
	v9 =	vmul.f32 v9, v10;
	v10 =	vld.idx.msk [tilespmem:v5+s3+$0x0], $0xffff  }
0x2bd: {  	v6 =	vld.idx.msk [tilespmem:v6+s31+$0x0], $0xffff  }
0x2be: {  	v9 =	vadd.f32 v9, v11;
	v11 =	vmul.f32 v12, v16;
	v5 =	vld.idx.msk [tilespmem:v5+s31+$0x0], $0xffff  }
0x2bf: {  	v13 =	vld.idx.msk [tilespmem:v4+s3+$0x0], $0xffff  }
0x2c0: {  	v9 =	vadd.f32 v11, v9;
	v7 =	vmul.f32 v7, v8;
	v15 =	vld.idx.msk [tilespmem:v3+s3+$0x0], $0xffff  }
0x2c1: {  	v8 =	vld.idx.msk [tilespmem:v4+s31+$0x0], $0xffff  }
.Ltmp11:
0x2c2: {  	v4 =	vadd.f32 v7, v9;
	v7 =	vmul.f32 v10, v14;
	v11 =	vld.idx.msk [tilespmem:v3+s31+$0x0], $0xffff;
	(pc) =	sbr.rel @p3 .LBB2_20-.Ltmp11, $4  }
0x2c3: {  	v9 =	vld.idx.msk [tilespmem:v2+s3+$0x0], $0xffff  }
0x2c4: {  	v3 =	vadd.f32 v7, v4;
	v4 =	vmul.f32 v5, v6;
	v12 =	vld.idx.msk [tilespmem:v1+s3+$0x0], $0xffff  }
0x2c5: {  	v10 =	vld.idx.msk [tilespmem:v2+s31+$0x0], $0xffff  }
0x2c6: {  	s19 =	sadd.s32 $0x100, s19;
	v14 =	vadd.f32 v4, v3;
	v15 =	vmul.f32 v15, v13;
	v13 =	vld.idx.msk [tilespmem:v1+s31+$0x0], $0xffff  }
0x2c7: {  	s8 =	sadd.s32 s8, s16  }
0x2c8: {  	p3 =	sgt.u32 s8, $0x19F  }
0x2c9: {  	s8 =	smul.u32 @!p3 $0x780, s8  }
0x2ca: {  	s10 =	simm.s32 @!p3 $0x80  }
0x2cb: {  	s11 =	simm.s32 @!p3 $0x100;
	s18 =	simm.s32 @!p3 $0x18700;
	s9 =	sadd.s32 @!p3 s1, s8  }
0x2cc: {  	[tilespmem:s18], [sflag:$0x1] =	stream.strided.gather @!p3 [hbm4b:s9+s10], $0x1E00, s11, s10, $0x38;
	[tilespmem:$0x1FF80] =	vst v63  }
0x2cd: {  	s8 =	sadd.s32 @!p3 s8, s6;
	s9 =	simm.s32 @!p3 $0x1C300  }
0x2ce: {  	[tilespmem:s9], [sflag:$0x3] =	stream.strided.gather @!p3 [hbm4b:s8+s10], $0x1E00, s11, s10, $0x38;
	[tilespmem:$0x1FF80] =	vst v63  }
0x2cf: {  	s8 =	simm.s32 @!p2 $0x2  }
0x2d0: {  	_ =	swait.ge @!p2 [sflag:s8], $0x1E00  }
0x2d1: {  	[sflag:s8] =	ssyncset.done @!p2 $0x0  }
0x2d2: {  	[sflag:s8] =	ssyncadd.s32 @!p2 $0xFFFFE200;
	s8 =	simm.s32 @!p2 $0x4  }
0x2d3: {  	_ =	swait.ge @!p2 [sflag:s8], $0x1E00  }
0x2d4: {  	[sflag:s8] =	ssyncset.done @!p2 $0x0  }
0x2d5: {  	s20 =	simm.s32 $0x1A580;
	[sflag:s8] =	ssyncadd.s32 @!p2 $0xFFFFE200  }
0x2d6: {  	s8 =	simm.s32 $0x1E180;
	v3 =	vld [tilespmem:s20+$0x70]  }
0x2d7: {  	v2 =	vld [tilespmem:s8+$0x70]  }
0x2d8: {  	v5 =	vld [tilespmem:s20+$0x60]  }
0x2d9: {  	v4 =	vld [tilespmem:s8+$0x60]  }
0x2da: {  	v7 =	vld [tilespmem:s20+$0x50]  }
0x2db: {  	v6 =	vld [tilespmem:s8+$0x50]  }
0x2dc: {  	v16 =	vld [tilespmem:s20+$0x40]  }
0x2dd: {  	v17 =	vld [tilespmem:s8+$0x40]  }
0x2de: {  	v18 =	vld [tilespmem:s20+$0x30]  }
0x2df: {  	v19 =	vld [tilespmem:s8+$0x30]  }
0x2e0: {  	v20 =	vld [tilespmem:s20+$0x20]  }
0x2e1: {  	v21 =	vld [tilespmem:s8+$0x20]  }
0x2e2: {  	v22 =	vld [tilespmem:s20+$0x10]  }
0x2e3: {  	v23 =	vld [tilespmem:s8+$0x10]  }
0x2e4: {  	v24 =	vld [tilespmem:s20+$0x0]  }
0x2e5: {  	v25 =	vld [tilespmem:s8+$0x0]  }
0x2e6: {  	v26 =	vld [tilespmem:s20+$0xFFFFFFF0]  }
0x2e7: {  	v27 =	vld [tilespmem:s8+$0xFFFFFFF0]  }
0x2e8: {  	v28 =	vld [tilespmem:s20+$0xFFFFFFE0]  }
0x2e9: {  	v29 =	vld [tilespmem:s8+$0xFFFFFFE0]  }
0x2ea: {  	v30 =	vld [tilespmem:s20+$0xFFFFFFD0]  }
0x2eb: {  	v31 =	vld [tilespmem:s8+$0xFFFFFFD0]  }
0x2ec: {  	v32 =	vld [tilespmem:s20+$0xFFFFFFC0]  }
0x2ed: {  	v33 =	vld [tilespmem:s8+$0xFFFFFFC0]  }
0x2ee: {  	v1 =	vld [tilespmem:s20+$0xFFFFFF80]  }
0x2ef: {  	v34 =	vld [tilespmem:s8+$0xFFFFFF80]  }
0x2f0: {  	v35 =	vld [tilespmem:s20+$0xFFFFFFB0]  }
0x2f1: {  	v36 =	vld [tilespmem:s8+$0xFFFFFFB0]  }
0x2f2: {  	v37 =	vld [tilespmem:s20+$0xFFFFFF90]  }
0x2f3: {  	v38 =	vld [tilespmem:s8+$0xFFFFFF90]  }
0x2f4: {  	v39 =	vld [tilespmem:s20+$0xFFFFFFA0]  }
0x2f5: {  	v40 =	vld [tilespmem:s8+$0xFFFFFFA0]  }
0x2f6: {  	v41 =	vld.idx.msk [tilespmem:v1+s3+$0x0], vm1  }
0x2f7: {  	v8 =	vmul.f32 v11, v8;
	v14 =	vadd.f32 v15, v14;
	v11 =	vld.idx.msk [tilespmem:v34+s3+$0x0], vm1  }
0x2f8: {  	v61 =	vld.idx.msk [tilespmem:v1+s31+$0x0], vm1  }
0x2f9: {  	v1 =	vadd.f32 v8, v14;
	v8 =	vmul.f32 v12, v9;
	v9 =	vld.idx.msk [tilespmem:v34+s31+$0x0], vm1  }
0x2fa: {  	v62 =	vld.idx.msk [tilespmem:v37+s3+$0x0], vm1  }
0x2fb: {  	v63 =	vld.idx.msk [tilespmem:v37+s31+$0x0], vm1;
	v1 =	vadd.f32 v8, v1;
	v8 =	vmul.f32 v13, v10  }
0x2fc: {  	v10 =	vld.idx.msk [tilespmem:v38+s3+$0x0], vm1  }
0x2fd: {  	v37 =	vld.idx.msk [tilespmem:v39+s3+$0x0], vm1;
	v1 =	vadd.f32 v8, v1;
	v8 =	vmul.f32 v11, v41  }
0x2fe: {  	v11 =	vld.idx.msk [tilespmem:v38+s31+$0x0], vm1  }
0x2ff: {  	v39 =	vld.idx.msk [tilespmem:v39+s31+$0x0], vm1;
	v9 =	vmul.f32 v9, v61;
	v8 =	vadd.f32 v8, v1  }
0x300: {  	v38 =	vld.idx.msk [tilespmem:v40+s3+$0x0], vm1  }
0x301: {  	v42 =	vld.idx.msk [tilespmem:v36+s31+$0x0], vm1;
	v8 =	vadd.f32 v9, v8;
	v9 =	vmul.f32 v10, v62  }
0x302: {  	v10 =	vld.idx.msk [tilespmem:v40+s31+$0x0], vm1  }
0x303: {  	v40 =	vld.idx.msk [tilespmem:v35+s3+$0x0], vm1;
	v8 =	vadd.f32 v9, v8;
	v9 =	vmul.f32 v11, v63  }
0x304: {  	v11 =	vld.idx.msk [tilespmem:v36+s3+$0x0], vm1  }
0x305: {  	v43 =	vld.idx.msk [tilespmem:v32+s3+$0x0], vm1;
	v8 =	vadd.f32 v9, v8;
	v9 =	vmul.f32 v38, v37  }
0x306: {  	v41 =	vld.idx.msk [tilespmem:v35+s31+$0x0], vm1  }
0x307: {  	v32 =	vld.idx.msk [tilespmem:v32+s31+$0x0], vm1;
	v8 =	vadd.f32 v9, v8;
	v9 =	vmul.f32 v10, v39  }
0x308: {  	v10 =	vld.idx.msk [tilespmem:v33+s3+$0x0], vm1  }
0x309: {  	v44 =	vld.idx.msk [tilespmem:v30+s3+$0x0], vm1;
	v8 =	vadd.f32 v9, v8;
	v9 =	vmul.f32 v11, v40  }
0x30a: {  	v11 =	vld.idx.msk [tilespmem:v33+s31+$0x0], vm1  }
0x30b: {  	v45 =	vld.idx.msk [tilespmem:v31+s3+$0x0], vm1;
	v8 =	vadd.f32 v9, v8;
	v9 =	vmul.f32 v42, v41  }
0x30c: {  	v46 =	vld.idx.msk [tilespmem:v30+s31+$0x0], vm1  }
0x30d: {  	v47 =	vld.idx.msk [tilespmem:v28+s3+$0x0], vm1;
	v8 =	vadd.f32 v9, v8;
	v9 =	vmul.f32 v10, v43  }
0x30e: {  	v10 =	vld.idx.msk [tilespmem:v31+s31+$0x0], vm1  }
0x30f: {  	v28 =	vld.idx.msk [tilespmem:v28+s31+$0x0], vm1;
	v8 =	vadd.f32 v9, v8;
	v9 =	vmul.f32 v11, v32  }
0x310: {  	v11 =	vld.idx.msk [tilespmem:v29+s3+$0x0], vm1  }
0x311: {  	v48 =	vld.idx.msk [tilespmem:v29+s31+$0x0], vm1;
	v8 =	vadd.f32 v9, v8;
	v9 =	vmul.f32 v45, v44  }
0x312: {  	v49 =	vld.idx.msk [tilespmem:v26+s3+$0x0], vm1  }
0x313: {  	v50 =	vld.idx.msk [tilespmem:v26+s31+$0x0], vm1;
	v8 =	vadd.f32 v9, v8;
	v9 =	vmul.f32 v10, v46  }
0x314: {  	v10 =	vld.idx.msk [tilespmem:v27+s3+$0x0], vm1  }
0x315: {  	v51 =	vld.idx.msk [tilespmem:v24+s3+$0x0], vm1;
	v8 =	vadd.f32 v9, v8;
	v9 =	vmul.f32 v11, v47  }
0x316: {  	v11 =	vld.idx.msk [tilespmem:v27+s31+$0x0], vm1  }
0x317: {  	v52 =	vld.idx.msk [tilespmem:v25+s3+$0x0], vm1;
	v8 =	vadd.f32 v9, v8;
	v9 =	vmul.f32 v48, v28  }
0x318: {  	v24 =	vld.idx.msk [tilespmem:v24+s31+$0x0], vm1  }
0x319: {  	v53 =	vld.idx.msk [tilespmem:v22+s3+$0x0], vm1;
	v8 =	vadd.f32 v9, v8;
	v9 =	vmul.f32 v10, v49  }
0x31a: {  	v10 =	vld.idx.msk [tilespmem:v25+s31+$0x0], vm1  }
0x31b: {  	v54 =	vld.idx.msk [tilespmem:v22+s31+$0x0], vm1;
	v8 =	vadd.f32 v9, v8;
	v9 =	vmul.f32 v11, v50  }
0x31c: {  	v11 =	vld.idx.msk [tilespmem:v23+s3+$0x0], vm1  }
0x31d: {  	v55 =	vld.idx.msk [tilespmem:v23+s31+$0x0], vm1;
	v8 =	vadd.f32 v9, v8;
	v9 =	vmul.f32 v52, v51  }
0x31e: {  	v56 =	vld.idx.msk [tilespmem:v20+s3+$0x0], vm1  }
0x31f: {  	v20 =	vld.idx.msk [tilespmem:v20+s31+$0x0], vm1;
	v8 =	vadd.f32 v9, v8;
	v9 =	vmul.f32 v10, v24  }
0x320: {  	v10 =	vld.idx.msk [tilespmem:v21+s3+$0x0], vm1  }
0x321: {  	v57 =	vld.idx.msk [tilespmem:v18+s3+$0x0], vm1;
	v8 =	vadd.f32 v9, v8;
	v9 =	vmul.f32 v11, v53  }
0x322: {  	v11 =	vld.idx.msk [tilespmem:v21+s31+$0x0], vm1  }
0x323: {  	v58 =	vld.idx.msk [tilespmem:v19+s3+$0x0], vm1;
	v8 =	vadd.f32 v9, v8;
	v9 =	vmul.f32 v55, v54  }
0x324: {  	v59 =	vld.idx.msk [tilespmem:v18+s31+$0x0], vm1  }
0x325: {  	v60 =	vld.idx.msk [tilespmem:v16+s3+$0x0], vm1;
	v8 =	vadd.f32 v9, v8;
	v9 =	vmul.f32 v10, v56  }
0x326: {  	v10 =	vld.idx.msk [tilespmem:v19+s31+$0x0], vm1  }
0x327: {  	v16 =	vld.idx.msk [tilespmem:v16+s31+$0x0], vm1;
	v8 =	vadd.f32 v9, v8;
	v9 =	vmul.f32 v11, v20  }
0x328: {  	v11 =	vld.idx.msk [tilespmem:v17+s3+$0x0], vm1  }
0x329: {  	v61 =	vld.idx.msk [tilespmem:v17+s31+$0x0], vm1;
	v8 =	vadd.f32 v9, v8;
	v9 =	vmul.f32 v58, v57  }
0x32a: {  	v62 =	vld.idx.msk [tilespmem:v7+s3+$0x0], vm1  }
0x32b: {  	v7 =	vld.idx.msk [tilespmem:v7+s31+$0x0], vm1;
	v8 =	vadd.f32 v9, v8;
	v9 =	vmul.f32 v10, v59  }
0x32c: {  	v10 =	vld.idx.msk [tilespmem:v6+s3+$0x0], vm1  }
0x32d: {  	v63 =	vld.idx.msk [tilespmem:v5+s3+$0x0], vm1;
	v8 =	vadd.f32 v9, v8;
	v9 =	vmul.f32 v11, v60  }
0x32e: {  	v11 =	vld.idx.msk [tilespmem:v6+s31+$0x0], vm1  }
0x32f: {  	v5 =	vld.idx.msk [tilespmem:v5+s31+$0x0], vm1;
	v6 =	vadd.f32 v9, v8;
	v8 =	vmul.f32 v61, v16  }
0x330: {  	v9 =	vld.idx.msk [tilespmem:v4+s3+$0x0], vm1  }
0x331: {  	v4 =	vld.idx.msk [tilespmem:v4+s31+$0x0], vm1;
	v10 =	vmul.f32 v10, v62;
	v8 =	vadd.f32 v8, v6  }
0x332: {  	v6 =	vld.idx.msk [tilespmem:v3+s3+$0x0], vm1  }
0x333: {  	v11 =	vmul.f32 v11, v7;
	v7 =	vld.idx.msk [tilespmem:v2+s3+$0x0], vm1;
	v10 =	vadd.f32 v10, v8  }
0x334: {  	v8 =	vld.idx.msk [tilespmem:v3+s31+$0x0], vm1  }
0x335: {  	s18 =	simm.s32 $0x1A680;
	s9 =	simm.s32 $0x0;
	v10 =	vadd.f32 v11, v10;
	v11 =	vmul.f32 v9, v63;
	v9 =	vld.idx.msk [tilespmem:v2+s31+$0x0], vm1  }
.LBB2_22:
0x336: {  	v3 =	vld [tilespmem:s18+$0x70];
	s8 =	sadd.s32 $0x100, s8  }
0x337: {  	v2 =	vld [tilespmem:s8+$0x70];
	v10 =	vadd.f32 v11, v10;
	v11 =	vmul.f32 v4, v5  }
0x338: {  	v5 =	vld [tilespmem:s18+$0x60]  }
0x339: {  	v4 =	vld [tilespmem:s8+$0x60];
	v10 =	vadd.f32 v11, v10;
	v11 =	vmul.f32 v7, v6  }
0x33a: {  	v7 =	vld [tilespmem:s18+$0x50]  }
0x33b: {  	v6 =	vld [tilespmem:s8+$0x50];
	v10 =	vadd.f32 v11, v10;
	v11 =	vmul.f32 v9, v8  }
0x33c: {  	v9 =	vld [tilespmem:s18+$0x40]  }
0x33d: {  	v8 =	vld [tilespmem:s8+$0x40];
	v18 =	vadd.f32 v11, v10  }
0x33e: {  	v11 =	vld [tilespmem:s18+$0x30]  }
0x33f: {  	v10 =	vld [tilespmem:s8+$0x30]  }
0x340: {  	v13 =	vld [tilespmem:s18+$0x20]  }
0x341: {  	v12 =	vld [tilespmem:s8+$0x20]  }
0x342: {  	v15 =	vld [tilespmem:s18+$0x10]  }
0x343: {  	v14 =	vld [tilespmem:s8+$0x10]  }
0x344: {  	v17 =	vld [tilespmem:s18+$0x0]  }
0x345: {  	v16 =	vld [tilespmem:s8+$0x0]  }
0x346: {  	v19 =	vld [tilespmem:s18+$0xFFFFFFF0]  }
0x347: {  	v20 =	vld [tilespmem:s8+$0xFFFFFFF0]  }
0x348: {  	v21 =	vld [tilespmem:s18+$0xFFFFFFE0]  }
0x349: {  	v22 =	vld [tilespmem:s8+$0xFFFFFFE0]  }
0x34a: {  	v23 =	vld [tilespmem:s18+$0xFFFFFFD0]  }
0x34b: {  	v24 =	vld [tilespmem:s8+$0xFFFFFFD0]  }
0x34c: {  	v25 =	vld [tilespmem:s18+$0xFFFFFFC0]  }
0x34d: {  	v26 =	vld [tilespmem:s8+$0xFFFFFFC0]  }
0x34e: {  	v27 =	vld [tilespmem:s18+$0xFFFFFF80]  }
0x34f: {  	s9 =	sadd.s32 $0x100, s9;
	v28 =	vld [tilespmem:s8+$0xFFFFFF80]  }
0x350: {  	p2 =	slt.u32 s9, $0x1D00;
	v29 =	vld [tilespmem:s18+$0xFFFFFFB0]  }
0x351: {  	v30 =	vld [tilespmem:s8+$0xFFFFFFB0]  }
0x352: {  	v31 =	vld [tilespmem:s18+$0xFFFFFF90]  }
0x353: {  	v32 =	vld [tilespmem:s8+$0xFFFFFF90]  }
0x354: {  	v33 =	vld [tilespmem:s18+$0xFFFFFFA0]  }
0x355: {  	v34 =	vld [tilespmem:s8+$0xFFFFFFA0]  }
0x356: {  	v35 =	vld.idx.msk [tilespmem:v27+s3+$0x0], vm1  }
0x357: {  	v36 =	vld.idx.msk [tilespmem:v28+s3+$0x0], vm1  }
0x358: {  	v27 =	vld.idx.msk [tilespmem:v27+s31+$0x0], vm1  }
0x359: {  	v28 =	vld.idx.msk [tilespmem:v28+s31+$0x0], vm1  }
0x35a: {  	v37 =	vld.idx.msk [tilespmem:v31+s3+$0x0], vm1  }
0x35b: {  	v38 =	vld.idx.msk [tilespmem:v32+s3+$0x0], vm1  }
0x35c: {  	v31 =	vld.idx.msk [tilespmem:v31+s31+$0x0], vm1  }
0x35d: {  	v35 =	vmul.f32 v36, v35;
	v32 =	vld.idx.msk [tilespmem:v32+s31+$0x0], vm1  }
0x35e: {  	v36 =	vld.idx.msk [tilespmem:v33+s3+$0x0], vm1  }
0x35f: {  	v18 =	vadd.f32 v35, v18;
	v27 =	vmul.f32 v28, v27;
	v28 =	vld.idx.msk [tilespmem:v34+s3+$0x0], vm1  }
0x360: {  	v33 =	vld.idx.msk [tilespmem:v33+s31+$0x0], vm1  }
0x361: {  	v18 =	vadd.f32 v27, v18;
	v27 =	vmul.f32 v38, v37;
	v34 =	vld.idx.msk [tilespmem:v34+s31+$0x0], vm1  }
0x362: {  	v35 =	vld.idx.msk [tilespmem:v29+s3+$0x0], vm1  }
0x363: {  	v18 =	vadd.f32 v27, v18;
	v27 =	vmul.f32 v32, v31;
	v31 =	vld.idx.msk [tilespmem:v30+s3+$0x0], vm1  }
0x364: {  	v29 =	vld.idx.msk [tilespmem:v29+s31+$0x0], vm1  }
0x365: {  	v18 =	vadd.f32 v27, v18;
	v27 =	vmul.f32 v28, v36;
	v28 =	vld.idx.msk [tilespmem:v30+s31+$0x0], vm1  }
0x366: {  	v30 =	vld.idx.msk [tilespmem:v25+s3+$0x0], vm1  }
0x367: {  	v18 =	vadd.f32 v27, v18;
	v27 =	vmul.f32 v34, v33;
	v32 =	vld.idx.msk [tilespmem:v26+s3+$0x0], vm1  }
0x368: {  	v25 =	vld.idx.msk [tilespmem:v25+s31+$0x0], vm1  }
0x369: {  	v18 =	vadd.f32 v27, v18;
	v27 =	vmul.f32 v31, v35;
	v26 =	vld.idx.msk [tilespmem:v26+s31+$0x0], vm1  }
0x36a: {  	v31 =	vld.idx.msk [tilespmem:v23+s3+$0x0], vm1  }
0x36b: {  	v18 =	vadd.f32 v27, v18;
	v27 =	vmul.f32 v28, v29;
	v28 =	vld.idx.msk [tilespmem:v24+s3+$0x0], vm1  }
0x36c: {  	v23 =	vld.idx.msk [tilespmem:v23+s31+$0x0], vm1  }
0x36d: {  	v18 =	vadd.f32 v27, v18;
	v27 =	vmul.f32 v32, v30;
	v24 =	vld.idx.msk [tilespmem:v24+s31+$0x0], vm1  }
0x36e: {  	v29 =	vld.idx.msk [tilespmem:v21+s3+$0x0], vm1  }
0x36f: {  	v18 =	vadd.f32 v27, v18;
	v25 =	vmul.f32 v26, v25;
	v26 =	vld.idx.msk [tilespmem:v22+s3+$0x0], vm1  }
0x370: {  	v21 =	vld.idx.msk [tilespmem:v21+s31+$0x0], vm1  }
0x371: {  	v18 =	vadd.f32 v25, v18;
	v25 =	vmul.f32 v28, v31;
	v22 =	vld.idx.msk [tilespmem:v22+s31+$0x0], vm1  }
0x372: {  	v27 =	vld.idx.msk [tilespmem:v19+s3+$0x0], vm1  }
0x373: {  	v18 =	vadd.f32 v25, v18;
	v23 =	vmul.f32 v24, v23;
	v24 =	vld.idx.msk [tilespmem:v20+s3+$0x0], vm1  }
0x374: {  	v19 =	vld.idx.msk [tilespmem:v19+s31+$0x0], vm1  }
0x375: {  	v18 =	vadd.f32 v23, v18;
	v23 =	vmul.f32 v26, v29;
	v20 =	vld.idx.msk [tilespmem:v20+s31+$0x0], vm1  }
0x376: {  	v25 =	vld.idx.msk [tilespmem:v17+s3+$0x0], vm1  }
0x377: {  	v18 =	vadd.f32 v23, v18;
	v21 =	vmul.f32 v22, v21;
	v22 =	vld.idx.msk [tilespmem:v16+s3+$0x0], vm1  }
0x378: {  	v17 =	vld.idx.msk [tilespmem:v17+s31+$0x0], vm1  }
0x379: {  	v18 =	vadd.f32 v21, v18;
	v21 =	vmul.f32 v24, v27;
	v16 =	vld.idx.msk [tilespmem:v16+s31+$0x0], vm1  }
0x37a: {  	v23 =	vld.idx.msk [tilespmem:v15+s3+$0x0], vm1  }
0x37b: {  	v18 =	vadd.f32 v21, v18;
	v19 =	vmul.f32 v20, v19;
	v20 =	vld.idx.msk [tilespmem:v14+s3+$0x0], vm1  }
0x37c: {  	v15 =	vld.idx.msk [tilespmem:v15+s31+$0x0], vm1  }
0x37d: {  	v18 =	vadd.f32 v19, v18;
	v19 =	vmul.f32 v22, v25;
	v14 =	vld.idx.msk [tilespmem:v14+s31+$0x0], vm1  }
0x37e: {  	v21 =	vld.idx.msk [tilespmem:v13+s3+$0x0], vm1  }
0x37f: {  	v18 =	vadd.f32 v19, v18;
	v16 =	vmul.f32 v16, v17;
	v17 =	vld.idx.msk [tilespmem:v12+s3+$0x0], vm1  }
0x380: {  	v13 =	vld.idx.msk [tilespmem:v13+s31+$0x0], vm1  }
0x381: {  	v16 =	vadd.f32 v16, v18;
	v18 =	vmul.f32 v20, v23;
	v12 =	vld.idx.msk [tilespmem:v12+s31+$0x0], vm1  }
0x382: {  	v19 =	vld.idx.msk [tilespmem:v11+s3+$0x0], vm1  }
0x383: {  	v16 =	vadd.f32 v18, v16;
	v14 =	vmul.f32 v14, v15;
	v15 =	vld.idx.msk [tilespmem:v10+s3+$0x0], vm1  }
0x384: {  	v11 =	vld.idx.msk [tilespmem:v11+s31+$0x0], vm1  }
0x385: {  	v14 =	vadd.f32 v14, v16;
	v16 =	vmul.f32 v17, v21;
	v10 =	vld.idx.msk [tilespmem:v10+s31+$0x0], vm1  }
0x386: {  	v17 =	vld.idx.msk [tilespmem:v9+s3+$0x0], vm1  }
0x387: {  	v14 =	vadd.f32 v16, v14;
	v12 =	vmul.f32 v12, v13;
	v13 =	vld.idx.msk [tilespmem:v8+s3+$0x0], vm1  }
0x388: {  	v9 =	vld.idx.msk [tilespmem:v9+s31+$0x0], vm1  }
0x389: {  	v12 =	vadd.f32 v12, v14;
	v14 =	vmul.f32 v15, v19;
	v8 =	vld.idx.msk [tilespmem:v8+s31+$0x0], vm1  }
0x38a: {  	v15 =	vld.idx.msk [tilespmem:v7+s3+$0x0], vm1  }
0x38b: {  	v12 =	vadd.f32 v14, v12;
	v10 =	vmul.f32 v10, v11;
	v11 =	vld.idx.msk [tilespmem:v6+s3+$0x0], vm1  }
0x38c: {  	v7 =	vld.idx.msk [tilespmem:v7+s31+$0x0], vm1  }
0x38d: {  	v10 =	vadd.f32 v10, v12;
	v12 =	vmul.f32 v13, v17;
	v13 =	vld.idx.msk [tilespmem:v6+s31+$0x0], vm1  }
0x38e: {  	v14 =	vld.idx.msk [tilespmem:v5+s3+$0x0], vm1  }
0x38f: {  	v6 =	vadd.f32 v12, v10;
	v8 =	vmul.f32 v8, v9;
	v9 =	vld.idx.msk [tilespmem:v4+s3+$0x0], vm1  }
0x390: {  	v5 =	vld.idx.msk [tilespmem:v5+s31+$0x0], vm1  }
.Ltmp12:
0x391: {  	v8 =	vadd.f32 v8, v6;
	v10 =	vmul.f32 v11, v15;
	v4 =	vld.idx.msk [tilespmem:v4+s31+$0x0], vm1;
	(pc) =	sbr.rel @p2 .LBB2_22-.Ltmp12, $4  }
0x392: {  	v6 =	vld.idx.msk [tilespmem:v3+s3+$0x0], vm1  }
0x393: {  	v10 =	vadd.f32 v10, v8;
	v11 =	vmul.f32 v13, v7;
	v7 =	vld.idx.msk [tilespmem:v2+s3+$0x0], vm1  }
0x394: {  	v8 =	vld.idx.msk [tilespmem:v3+s31+$0x0], vm1  }
0x395: {  	s18 =	sadd.s32 $0x100, s18;
	v10 =	vadd.f32 v11, v10;
	v11 =	vmul.f32 v9, v14;
	v9 =	vld.idx.msk [tilespmem:v2+s31+$0x0], vm1  }
0x396: {  	_ = 	snop  }
0x397: {  	v3 =	vmul.f32 v4, v5;
	v2 =	vadd.f32 v11, v10;
	_ =	sdelay $0x1  }
0x398: {  	s7 =	sadd.s32 $0x1, s7;
	v2 =	vadd.f32 v3, v2;
	v3 =	vmul.f32 v7, v6  }
0x399: {  	p2 =	sne.s32 s7, s23  }
.Ltmp13:
0x39a: {  	v2 =	vadd.f32 v3, v2;
	v3 =	vmul.f32 v9, v8;
	(pc) =	sbr.rel @p2 .LBB2_19-.Ltmp13, $3  }
0x39b: {  	_ = 	snop  }
0x39c: {  	v2 =	vadd.f32 v3, v2;
	_ =	sdelay $0x1  }
0x39d: {  	v7 =	vpsel p6, v2, v1  }
0x39e: {  	s7 =	sld [smem:$0x7FC];
	_ =	sdelay $0x2  }
0x39f: {  	p2 =	seq.s32 s7, $0x1  }
.Ltmp14:
0x3a0: {  	_ = 	snop;
	(pc) =	sbr.rel @p2 .LBB2_28-.Ltmp14, $1  }
0x3a1: {  	_ =	sdelay $0x3  }
0x3a2: {  	s7 =	rddreg [dreg:$0x7]  }
0x3a3: {  	[tilespmem:s28], [sflag:$0x1] =	stream.strided.gather [hbm4b:s7+s25], $0x1400, s26, s25, $0x38;
	[tilespmem:$0x1FF80] =	vst v63  }
0x3a4: {  	s20 =	rddreg [dreg:$0x8]  }
0x3a5: {  	[tilespmem:s29], [sflag:$0x3] =	stream.strided.gather [hbm4b:s20+s25], $0x1400, s26, s25, $0x38;
	[tilespmem:$0x1FF80] =	vst v63  }
0x3a6: {  	_ =	swait.ge [sflag:s0], $0x1400  }
0x3a7: {  	[sflag:s0] =	ssyncset.done $0x0  }
0x3a8: {  	[sflag:s0] =	ssyncadd.s32 $0xFFFFEC00  }
0x3a9: {  	_ =	swait.ge [sflag:s2], $0x1400  }
0x3aa: {  	[sflag:s2] =	ssyncset.done $0x0  }
0x3ab: {  	s8 =	simm.s32 $0x18780;
	[sflag:s2] =	ssyncadd.s32 $0xFFFFEC00  }
0x3ac: {  	s7 =	simm.s32 $0x1C380;
	v2 =	vld [tilespmem:s8+$0x70]  }
0x3ad: {  	v1 =	vld [tilespmem:s7+$0x70]  }
0x3ae: {  	v4 =	vld [tilespmem:s8+$0x60]  }
0x3af: {  	v3 =	vld [tilespmem:s7+$0x60]  }
0x3b0: {  	v6 =	vld [tilespmem:s8+$0x50]  }
0x3b1: {  	v5 =	vld [tilespmem:s7+$0x50]  }
0x3b2: {  	v8 =	vld [tilespmem:s8+$0x40]  }
0x3b3: {  	v9 =	vld [tilespmem:s7+$0x40]  }
0x3b4: {  	v10 =	vld [tilespmem:s8+$0x30]  }
0x3b5: {  	v11 =	vld [tilespmem:s7+$0x30]  }
0x3b6: {  	v12 =	vld [tilespmem:s8+$0x20]  }
0x3b7: {  	v13 =	vld [tilespmem:s7+$0x20]  }
0x3b8: {  	v14 =	vld [tilespmem:s8+$0x10]  }
0x3b9: {  	v15 =	vld [tilespmem:s7+$0x10]  }
0x3ba: {  	v16 =	vld [tilespmem:s8+$0x0]  }
0x3bb: {  	v17 =	vld [tilespmem:s7+$0x0]  }
0x3bc: {  	v18 =	vld [tilespmem:s8+$0xFFFFFFF0]  }
0x3bd: {  	v19 =	vld [tilespmem:s7+$0xFFFFFFF0]  }
0x3be: {  	v20 =	vld [tilespmem:s8+$0xFFFFFFE0]  }
0x3bf: {  	v21 =	vld [tilespmem:s7+$0xFFFFFFE0]  }
0x3c0: {  	v22 =	vld [tilespmem:s8+$0xFFFFFFD0]  }
0x3c1: {  	v23 =	vld [tilespmem:s7+$0xFFFFFFD0]  }
0x3c2: {  	v24 =	vld [tilespmem:s8+$0xFFFFFFC0]  }
0x3c3: {  	v25 =	vld [tilespmem:s7+$0xFFFFFFC0]  }
0x3c4: {  	v26 =	vld [tilespmem:s8+$0xFFFFFF80]  }
0x3c5: {  	v27 =	vld [tilespmem:s7+$0xFFFFFF80]  }
0x3c6: {  	v28 =	vld [tilespmem:s8+$0xFFFFFFB0]  }
0x3c7: {  	v29 =	vld [tilespmem:s7+$0xFFFFFFB0]  }
0x3c8: {  	v30 =	vld [tilespmem:s8+$0xFFFFFF90]  }
0x3c9: {  	v31 =	vld [tilespmem:s7+$0xFFFFFF90]  }
0x3ca: {  	v32 =	vld [tilespmem:s8+$0xFFFFFFA0]  }
0x3cb: {  	v33 =	vld [tilespmem:s7+$0xFFFFFFA0]  }
0x3cc: {  	v34 =	vld.idx.msk [tilespmem:v26+s3+$0x0], $0xffff  }
0x3cd: {  	v35 =	vld.idx.msk [tilespmem:v27+s3+$0x0], $0xffff  }
0x3ce: {  	v26 =	vld.idx.msk [tilespmem:v26+s31+$0x0], $0xffff  }
0x3cf: {  	v27 =	vld.idx.msk [tilespmem:v27+s31+$0x0], $0xffff  }
0x3d0: {  	v36 =	vld.idx.msk [tilespmem:v30+s3+$0x0], $0xffff  }
0x3d1: {  	v37 =	vld.idx.msk [tilespmem:v31+s3+$0x0], $0xffff  }
0x3d2: {  	v30 =	vld.idx.msk [tilespmem:v30+s31+$0x0], $0xffff  }
0x3d3: {  	v31 =	vld.idx.msk [tilespmem:v31+s31+$0x0], $0xffff;
	v34 =	vmul.f32 v35, v34  }
0x3d4: {  	v54 =	vld.idx.msk [tilespmem:v32+s3+$0x0], $0xffff  }
0x3d5: {  	v55 =	vld.idx.msk [tilespmem:v33+s3+$0x0], $0xffff;
	v26 =	vmul.f32 v27, v26;
	v7 =	vadd.f32 v34, v7  }
0x3d6: {  	v32 =	vld.idx.msk [tilespmem:v32+s31+$0x0], $0xffff  }
0x3d7: {  	v33 =	vld.idx.msk [tilespmem:v33+s31+$0x0], $0xffff;
	v56 =	vmul.f32 v37, v36;
	v7 =	vadd.f32 v26, v7  }
0x3d8: {  	v57 =	vld.idx.msk [tilespmem:v28+s3+$0x0], $0xffff  }
0x3d9: {  	v59 =	vld.idx.msk [tilespmem:v29+s3+$0x0], $0xffff;
	v58 =	vmul.f32 v31, v30;
	v7 =	vadd.f32 v56, v7  }
0x3da: {  	v28 =	vld.idx.msk [tilespmem:v28+s31+$0x0], $0xffff  }
0x3db: {  	v61 =	vld.idx.msk [tilespmem:v29+s31+$0x0], $0xffff;
	v60 =	vmul.f32 v55, v54;
	v7 =	vadd.f32 v58, v7  }
0x3dc: {  	v62 =	vld.idx.msk [tilespmem:v24+s3+$0x0], $0xffff  }
0x3dd: {  	v24 =	vld.idx.msk [tilespmem:v24+s31+$0x0], $0xffff;
	v63 =	vmul.f32 v33, v32;
	v7 =	vadd.f32 v60, v7  }
0x3de: {  	v33 =	vld.idx.msk [tilespmem:v25+s3+$0x0], $0xffff  }
0x3df: {  	v38 =	vld.idx.msk [tilespmem:v23+s3+$0x0], $0xffff;
	v35 =	vmul.f32 v59, v57;
	v7 =	vadd.f32 v63, v7  }
0x3e0: {  	v25 =	vld.idx.msk [tilespmem:v25+s31+$0x0], $0xffff  }
0x3e1: {  	v23 =	vld.idx.msk [tilespmem:v23+s31+$0x0], $0xffff;
	v37 =	vmul.f32 v61, v28;
	v7 =	vadd.f32 v35, v7  }
0x3e2: {  	v36 =	vld.idx.msk [tilespmem:v22+s3+$0x0], $0xffff  }
0x3e3: {  	v40 =	vld.idx.msk [tilespmem:v20+s3+$0x0], $0xffff;
	v39 =	vmul.f32 v33, v62;
	v7 =	vadd.f32 v37, v7  }
0x3e4: {  	v22 =	vld.idx.msk [tilespmem:v22+s31+$0x0], $0xffff  }
0x3e5: {  	v41 =	vld.idx.msk [tilespmem:v21+s3+$0x0], $0xffff;
	v24 =	vmul.f32 v25, v24;
	v7 =	vadd.f32 v39, v7  }
0x3e6: {  	v20 =	vld.idx.msk [tilespmem:v20+s31+$0x0], $0xffff  }
0x3e7: {  	v21 =	vld.idx.msk [tilespmem:v21+s31+$0x0], $0xffff;
	v42 =	vmul.f32 v38, v36;
	v7 =	vadd.f32 v24, v7  }
0x3e8: {  	v43 =	vld.idx.msk [tilespmem:v18+s3+$0x0], $0xffff  }
0x3e9: {  	v44 =	vld.idx.msk [tilespmem:v19+s3+$0x0], $0xffff;
	v22 =	vmul.f32 v23, v22;
	v7 =	vadd.f32 v42, v7  }
0x3ea: {  	v18 =	vld.idx.msk [tilespmem:v18+s31+$0x0], $0xffff  }
0x3eb: {  	v19 =	vld.idx.msk [tilespmem:v19+s31+$0x0], $0xffff;
	v45 =	vmul.f32 v41, v40;
	v7 =	vadd.f32 v22, v7  }
0x3ec: {  	v46 =	vld.idx.msk [tilespmem:v16+s3+$0x0], $0xffff  }
0x3ed: {  	v47 =	vld.idx.msk [tilespmem:v17+s3+$0x0], $0xffff;
	v20 =	vmul.f32 v21, v20;
	v7 =	vadd.f32 v45, v7  }
0x3ee: {  	v16 =	vld.idx.msk [tilespmem:v16+s31+$0x0], $0xffff  }
0x3ef: {  	v17 =	vld.idx.msk [tilespmem:v17+s31+$0x0], $0xffff;
	v48 =	vmul.f32 v44, v43;
	v7 =	vadd.f32 v20, v7  }
0x3f0: {  	v49 =	vld.idx.msk [tilespmem:v14+s3+$0x0], $0xffff  }
0x3f1: {  	v50 =	vld.idx.msk [tilespmem:v15+s3+$0x0], $0xffff;
	v18 =	vmul.f32 v19, v18;
	v7 =	vadd.f32 v48, v7  }
0x3f2: {  	v14 =	vld.idx.msk [tilespmem:v14+s31+$0x0], $0xffff  }
0x3f3: {  	v15 =	vld.idx.msk [tilespmem:v15+s31+$0x0], $0xffff;
	v51 =	vmul.f32 v47, v46;
	v7 =	vadd.f32 v18, v7  }
0x3f4: {  	v52 =	vld.idx.msk [tilespmem:v12+s3+$0x0], $0xffff  }
0x3f5: {  	v53 =	vld.idx.msk [tilespmem:v13+s3+$0x0], $0xffff;
	v16 =	vmul.f32 v17, v16;
	v7 =	vadd.f32 v51, v7  }
0x3f6: {  	v12 =	vld.idx.msk [tilespmem:v12+s31+$0x0], $0xffff  }
0x3f7: {  	v13 =	vld.idx.msk [tilespmem:v13+s31+$0x0], $0xffff;
	v54 =	vmul.f32 v50, v49;
	v7 =	vadd.f32 v16, v7  }
0x3f8: {  	v55 =	vld.idx.msk [tilespmem:v10+s3+$0x0], $0xffff  }
0x3f9: {  	v14 =	vmul.f32 v15, v14;
	v10 =	vld.idx.msk [tilespmem:v10+s31+$0x0], $0xffff;
	v7 =	vadd.f32 v54, v7  }
0x3fa: {  	v56 =	vld.idx.msk [tilespmem:v11+s3+$0x0], $0xffff  }
0x3fb: {  	v57 =	vmul.f32 v53, v52;
	v59 =	vld.idx.msk [tilespmem:v9+s3+$0x0], $0xffff;
	v7 =	vadd.f32 v14, v7  }
0x3fc: {  	v11 =	vld.idx.msk [tilespmem:v11+s31+$0x0], $0xffff  }
0x3fd: {  	v12 =	vmul.f32 v13, v12;
	v9 =	vld.idx.msk [tilespmem:v9+s31+$0x0], $0xffff;
	v7 =	vadd.f32 v57, v7  }
0x3fe: {  	v58 =	vld.idx.msk [tilespmem:v8+s3+$0x0], $0xffff  }
0x3ff: {  	v61 =	vld.idx.msk [tilespmem:v6+s3+$0x0], $0xffff;
	v60 =	vmul.f32 v56, v55;
	v7 =	vadd.f32 v12, v7  }
0x400: {  	v8 =	vld.idx.msk [tilespmem:v8+s31+$0x0], $0xffff  }
0x401: {  	v6 =	vld.idx.msk [tilespmem:v6+s31+$0x0], $0xffff;
	v10 =	vmul.f32 v11, v10;
	v7 =	vadd.f32 v60, v7  }
0x402: {  	v11 =	vld.idx.msk [tilespmem:v5+s3+$0x0], $0xffff  }
0x403: {  	v62 =	vld.idx.msk [tilespmem:v5+s31+$0x0], $0xffff;
	v7 =	vadd.f32 v10, v7;
	v10 =	vmul.f32 v59, v58  }
0x404: {  	v63 =	vld.idx.msk [tilespmem:v4+s3+$0x0], $0xffff  }
0x405: {  	v4 =	vld.idx.msk [tilespmem:v4+s31+$0x0], $0xffff;
	v5 =	vadd.f32 v10, v7;
	v7 =	vmul.f32 v9, v8  }
0x406: {  	v8 =	vld.idx.msk [tilespmem:v3+s3+$0x0], $0xffff  }
0x407: {  	v9 =	vmul.f32 v11, v61;
	v3 =	vld.idx.msk [tilespmem:v3+s31+$0x0], $0xffff;
	v7 =	vadd.f32 v7, v5  }
0x408: {  	v10 =	vmul.f32 v62, v6;
	v6 =	vld.idx.msk [tilespmem:v1+s3+$0x0], $0xffff  }
0x409: {  	v5 =	vld.idx.msk [tilespmem:v2+s3+$0x0], $0xffff;
	v9 =	vadd.f32 v9, v7  }
0x40a: {  	v7 =	vld.idx.msk [tilespmem:v2+s31+$0x0], $0xffff  }
0x40b: {  	s9 =	simm.s32 $0x18880;
	s8 =	simm.s32 $0x0;
	v9 =	vadd.f32 v10, v9;
	v10 =	vmul.f32 v8, v63;
	v8 =	vld.idx.msk [tilespmem:v1+s31+$0x0], $0xffff  }
.LBB2_26:
0x40c: {  	v2 =	vld [tilespmem:s9+$0x70];
	s7 =	sadd.s32 $0x100, s7  }
0x40d: {  	v1 =	vld [tilespmem:s7+$0x70];
	v9 =	vadd.f32 v10, v9;
	v10 =	vmul.f32 v3, v4  }
0x40e: {  	v4 =	vld [tilespmem:s9+$0x60]  }
0x40f: {  	v3 =	vld [tilespmem:s7+$0x60];
	v9 =	vadd.f32 v10, v9;
	v10 =	vmul.f32 v6, v5  }
0x410: {  	v6 =	vld [tilespmem:s9+$0x50]  }
0x411: {  	v5 =	vld [tilespmem:s7+$0x50];
	v9 =	vadd.f32 v10, v9;
	v10 =	vmul.f32 v8, v7  }
0x412: {  	v8 =	vld [tilespmem:s9+$0x40]  }
0x413: {  	v7 =	vld [tilespmem:s7+$0x40];
	v17 =	vadd.f32 v10, v9  }
0x414: {  	v10 =	vld [tilespmem:s9+$0x30]  }
0x415: {  	v9 =	vld [tilespmem:s7+$0x30]  }
0x416: {  	v12 =	vld [tilespmem:s9+$0x20]  }
0x417: {  	v11 =	vld [tilespmem:s7+$0x20]  }
0x418: {  	v14 =	vld [tilespmem:s9+$0x10]  }
0x419: {  	v13 =	vld [tilespmem:s7+$0x10]  }
0x41a: {  	v16 =	vld [tilespmem:s9+$0x0]  }
0x41b: {  	v15 =	vld [tilespmem:s7+$0x0]  }
0x41c: {  	v18 =	vld [tilespmem:s9+$0xFFFFFFF0]  }
0x41d: {  	v19 =	vld [tilespmem:s7+$0xFFFFFFF0]  }
0x41e: {  	v20 =	vld [tilespmem:s9+$0xFFFFFFE0]  }
0x41f: {  	v21 =	vld [tilespmem:s7+$0xFFFFFFE0]  }
0x420: {  	v22 =	vld [tilespmem:s9+$0xFFFFFFD0]  }
0x421: {  	v23 =	vld [tilespmem:s7+$0xFFFFFFD0]  }
0x422: {  	v24 =	vld [tilespmem:s9+$0xFFFFFFC0]  }
0x423: {  	v25 =	vld [tilespmem:s7+$0xFFFFFFC0]  }
0x424: {  	v26 =	vld [tilespmem:s9+$0xFFFFFF80]  }
0x425: {  	s8 =	sadd.s32 $0x100, s8;
	v27 =	vld [tilespmem:s7+$0xFFFFFF80]  }
0x426: {  	p2 =	slt.u32 s8, $0x1300;
	v28 =	vld [tilespmem:s9+$0xFFFFFFB0]  }
0x427: {  	v29 =	vld [tilespmem:s7+$0xFFFFFFB0]  }
0x428: {  	v30 =	vld [tilespmem:s9+$0xFFFFFF90]  }
0x429: {  	v31 =	vld [tilespmem:s7+$0xFFFFFF90]  }
0x42a: {  	v32 =	vld [tilespmem:s9+$0xFFFFFFA0]  }
0x42b: {  	v33 =	vld [tilespmem:s7+$0xFFFFFFA0]  }
0x42c: {  	v34 =	vld.idx.msk [tilespmem:v26+s3+$0x0], $0xffff  }
0x42d: {  	v35 =	vld.idx.msk [tilespmem:v27+s3+$0x0], $0xffff  }
0x42e: {  	v26 =	vld.idx.msk [tilespmem:v26+s31+$0x0], $0xffff  }
0x42f: {  	v27 =	vld.idx.msk [tilespmem:v27+s31+$0x0], $0xffff  }
0x430: {  	v36 =	vld.idx.msk [tilespmem:v30+s3+$0x0], $0xffff  }
0x431: {  	v37 =	vld.idx.msk [tilespmem:v31+s3+$0x0], $0xffff  }
0x432: {  	v30 =	vld.idx.msk [tilespmem:v30+s31+$0x0], $0xffff  }
0x433: {  	v34 =	vmul.f32 v35, v34;
	v31 =	vld.idx.msk [tilespmem:v31+s31+$0x0], $0xffff  }
0x434: {  	v35 =	vld.idx.msk [tilespmem:v32+s3+$0x0], $0xffff  }
0x435: {  	v17 =	vadd.f32 v34, v17;
	v26 =	vmul.f32 v27, v26;
	v27 =	vld.idx.msk [tilespmem:v33+s3+$0x0], $0xffff  }
0x436: {  	v32 =	vld.idx.msk [tilespmem:v32+s31+$0x0], $0xffff  }
0x437: {  	v17 =	vadd.f32 v26, v17;
	v26 =	vmul.f32 v37, v36;
	v33 =	vld.idx.msk [tilespmem:v33+s31+$0x0], $0xffff  }
0x438: {  	v34 =	vld.idx.msk [tilespmem:v28+s3+$0x0], $0xffff  }
0x439: {  	v17 =	vadd.f32 v26, v17;
	v26 =	vmul.f32 v31, v30;
	v30 =	vld.idx.msk [tilespmem:v29+s3+$0x0], $0xffff  }
0x43a: {  	v28 =	vld.idx.msk [tilespmem:v28+s31+$0x0], $0xffff  }
0x43b: {  	v17 =	vadd.f32 v26, v17;
	v26 =	vmul.f32 v27, v35;
	v27 =	vld.idx.msk [tilespmem:v29+s31+$0x0], $0xffff  }
0x43c: {  	v29 =	vld.idx.msk [tilespmem:v24+s3+$0x0], $0xffff  }
0x43d: {  	v17 =	vadd.f32 v26, v17;
	v26 =	vmul.f32 v33, v32;
	v31 =	vld.idx.msk [tilespmem:v25+s3+$0x0], $0xffff  }
0x43e: {  	v24 =	vld.idx.msk [tilespmem:v24+s31+$0x0], $0xffff  }
0x43f: {  	v17 =	vadd.f32 v26, v17;
	v26 =	vmul.f32 v30, v34;
	v25 =	vld.idx.msk [tilespmem:v25+s31+$0x0], $0xffff  }
0x440: {  	v30 =	vld.idx.msk [tilespmem:v22+s3+$0x0], $0xffff  }
0x441: {  	v17 =	vadd.f32 v26, v17;
	v26 =	vmul.f32 v27, v28;
	v27 =	vld.idx.msk [tilespmem:v23+s3+$0x0], $0xffff  }
0x442: {  	v22 =	vld.idx.msk [tilespmem:v22+s31+$0x0], $0xffff  }
0x443: {  	v17 =	vadd.f32 v26, v17;
	v26 =	vmul.f32 v31, v29;
	v23 =	vld.idx.msk [tilespmem:v23+s31+$0x0], $0xffff  }
0x444: {  	v28 =	vld.idx.msk [tilespmem:v20+s3+$0x0], $0xffff  }
0x445: {  	v17 =	vadd.f32 v26, v17;
	v24 =	vmul.f32 v25, v24;
	v25 =	vld.idx.msk [tilespmem:v21+s3+$0x0], $0xffff  }
0x446: {  	v20 =	vld.idx.msk [tilespmem:v20+s31+$0x0], $0xffff  }
0x447: {  	v17 =	vadd.f32 v24, v17;
	v24 =	vmul.f32 v27, v30;
	v21 =	vld.idx.msk [tilespmem:v21+s31+$0x0], $0xffff  }
0x448: {  	v26 =	vld.idx.msk [tilespmem:v18+s3+$0x0], $0xffff  }
0x449: {  	v17 =	vadd.f32 v24, v17;
	v22 =	vmul.f32 v23, v22;
	v23 =	vld.idx.msk [tilespmem:v19+s3+$0x0], $0xffff  }
0x44a: {  	v18 =	vld.idx.msk [tilespmem:v18+s31+$0x0], $0xffff  }
0x44b: {  	v17 =	vadd.f32 v22, v17;
	v22 =	vmul.f32 v25, v28;
	v19 =	vld.idx.msk [tilespmem:v19+s31+$0x0], $0xffff  }
0x44c: {  	v24 =	vld.idx.msk [tilespmem:v16+s3+$0x0], $0xffff  }
0x44d: {  	v17 =	vadd.f32 v22, v17;
	v20 =	vmul.f32 v21, v20;
	v21 =	vld.idx.msk [tilespmem:v15+s3+$0x0], $0xffff  }
0x44e: {  	v16 =	vld.idx.msk [tilespmem:v16+s31+$0x0], $0xffff  }
0x44f: {  	v17 =	vadd.f32 v20, v17;
	v20 =	vmul.f32 v23, v26;
	v15 =	vld.idx.msk [tilespmem:v15+s31+$0x0], $0xffff  }
0x450: {  	v22 =	vld.idx.msk [tilespmem:v14+s3+$0x0], $0xffff  }
0x451: {  	v17 =	vadd.f32 v20, v17;
	v18 =	vmul.f32 v19, v18;
	v19 =	vld.idx.msk [tilespmem:v13+s3+$0x0], $0xffff  }
0x452: {  	v14 =	vld.idx.msk [tilespmem:v14+s31+$0x0], $0xffff  }
0x453: {  	v17 =	vadd.f32 v18, v17;
	v18 =	vmul.f32 v21, v24;
	v13 =	vld.idx.msk [tilespmem:v13+s31+$0x0], $0xffff  }
0x454: {  	v20 =	vld.idx.msk [tilespmem:v12+s3+$0x0], $0xffff  }
0x455: {  	v17 =	vadd.f32 v18, v17;
	v15 =	vmul.f32 v15, v16;
	v16 =	vld.idx.msk [tilespmem:v11+s3+$0x0], $0xffff  }
0x456: {  	v12 =	vld.idx.msk [tilespmem:v12+s31+$0x0], $0xffff  }
0x457: {  	v15 =	vadd.f32 v15, v17;
	v17 =	vmul.f32 v19, v22;
	v11 =	vld.idx.msk [tilespmem:v11+s31+$0x0], $0xffff  }
0x458: {  	v18 =	vld.idx.msk [tilespmem:v10+s3+$0x0], $0xffff  }
0x459: {  	v15 =	vadd.f32 v17, v15;
	v13 =	vmul.f32 v13, v14;
	v14 =	vld.idx.msk [tilespmem:v9+s3+$0x0], $0xffff  }
0x45a: {  	v10 =	vld.idx.msk [tilespmem:v10+s31+$0x0], $0xffff  }
0x45b: {  	v13 =	vadd.f32 v13, v15;
	v15 =	vmul.f32 v16, v20;
	v9 =	vld.idx.msk [tilespmem:v9+s31+$0x0], $0xffff  }
0x45c: {  	v16 =	vld.idx.msk [tilespmem:v8+s3+$0x0], $0xffff  }
0x45d: {  	v13 =	vadd.f32 v15, v13;
	v11 =	vmul.f32 v11, v12;
	v12 =	vld.idx.msk [tilespmem:v7+s3+$0x0], $0xffff  }
0x45e: {  	v8 =	vld.idx.msk [tilespmem:v8+s31+$0x0], $0xffff  }
0x45f: {  	v11 =	vadd.f32 v11, v13;
	v13 =	vmul.f32 v14, v18;
	v7 =	vld.idx.msk [tilespmem:v7+s31+$0x0], $0xffff  }
0x460: {  	v14 =	vld.idx.msk [tilespmem:v6+s3+$0x0], $0xffff  }
0x461: {  	v11 =	vadd.f32 v13, v11;
	v9 =	vmul.f32 v9, v10;
	v10 =	vld.idx.msk [tilespmem:v5+s3+$0x0], $0xffff  }
0x462: {  	v6 =	vld.idx.msk [tilespmem:v6+s31+$0x0], $0xffff  }
0x463: {  	v9 =	vadd.f32 v9, v11;
	v11 =	vmul.f32 v12, v16;
	v12 =	vld.idx.msk [tilespmem:v5+s31+$0x0], $0xffff  }
0x464: {  	v13 =	vld.idx.msk [tilespmem:v4+s3+$0x0], $0xffff  }
0x465: {  	v5 =	vadd.f32 v11, v9;
	v7 =	vmul.f32 v7, v8;
	v8 =	vld.idx.msk [tilespmem:v3+s3+$0x0], $0xffff  }
0x466: {  	v4 =	vld.idx.msk [tilespmem:v4+s31+$0x0], $0xffff  }
.Ltmp15:
0x467: {  	v7 =	vadd.f32 v7, v5;
	v9 =	vmul.f32 v10, v14;
	v3 =	vld.idx.msk [tilespmem:v3+s31+$0x0], $0xffff;
	(pc) =	sbr.rel @p2 .LBB2_26-.Ltmp15, $4  }
0x468: {  	v5 =	vld.idx.msk [tilespmem:v2+s3+$0x0], $0xffff  }
0x469: {  	v9 =	vadd.f32 v9, v7;
	v10 =	vmul.f32 v12, v6;
	v6 =	vld.idx.msk [tilespmem:v1+s3+$0x0], $0xffff  }
0x46a: {  	v7 =	vld.idx.msk [tilespmem:v2+s31+$0x0], $0xffff  }
0x46b: {  	s9 =	sadd.s32 $0x100, s9;
	v9 =	vadd.f32 v10, v9;
	v10 =	vmul.f32 v8, v13;
	v8 =	vld.idx.msk [tilespmem:v1+s31+$0x0], $0xffff  }
0x46c: {  	_ = 	snop  }
0x46d: {  	v2 =	vmul.f32 v3, v4;
	v1 =	vadd.f32 v10, v9;
	_ =	sdelay $0x1  }
.Ltmp16:
0x46e: {  	v1 =	vadd.f32 v2, v1;
	v2 =	vmul.f32 v6, v5;
	(pc) =	sbr.rel .LBB2_28-.Ltmp16, $3  }
0x46f: {  	_ = 	snop  }
0x470: {  	v1 =	vadd.f32 v2, v1;
	v2 =	vmul.f32 v8, v7;
	_ =	sdelay $0x1  }
0x471: {  	v7 =	vadd.f32 v2, v1  }
.LBB2_13:
0x472: {  	s7 =	rddreg [dreg:$0x7]  }
0x473: {  	[tilespmem:s28], [sflag:$0x1] =	stream.strided.gather [hbm4b:s7+s25], $0x1400, s26, s25, $0x38;
	[tilespmem:$0x1FF80] =	vst v63  }
0x474: {  	s20 =	rddreg [dreg:$0x8]  }
0x475: {  	[tilespmem:s29], [sflag:$0x3] =	stream.strided.gather [hbm4b:s20+s25], $0x1400, s26, s25, $0x38;
	[tilespmem:$0x1FF80] =	vst v63  }
0x476: {  	_ =	swait.ge [sflag:s0], $0x1400  }
0x477: {  	[sflag:s0] =	ssyncset.done $0x0  }
0x478: {  	[sflag:s0] =	ssyncadd.s32 $0xFFFFEC00  }
0x479: {  	_ =	swait.ge [sflag:s2], $0x1400  }
0x47a: {  	[sflag:s2] =	ssyncset.done $0x0  }
0x47b: {  	s8 =	simm.s32 $0x18780;
	[sflag:s2] =	ssyncadd.s32 $0xFFFFEC00  }
0x47c: {  	s7 =	simm.s32 $0x1C380;
	v2 =	vld [tilespmem:s8+$0x70]  }
0x47d: {  	v1 =	vld [tilespmem:s7+$0x70]  }
0x47e: {  	v4 =	vld [tilespmem:s8+$0x60]  }
0x47f: {  	v3 =	vld [tilespmem:s7+$0x60]  }
0x480: {  	v6 =	vld [tilespmem:s8+$0x50]  }
0x481: {  	v5 =	vld [tilespmem:s7+$0x50]  }
0x482: {  	v8 =	vld [tilespmem:s8+$0x40]  }
0x483: {  	v9 =	vld [tilespmem:s7+$0x40]  }
0x484: {  	v10 =	vld [tilespmem:s8+$0x30]  }
0x485: {  	v11 =	vld [tilespmem:s7+$0x30]  }
0x486: {  	v12 =	vld [tilespmem:s8+$0x20]  }
0x487: {  	v13 =	vld [tilespmem:s7+$0x20]  }
0x488: {  	v14 =	vld [tilespmem:s8+$0x10]  }
0x489: {  	v15 =	vld [tilespmem:s7+$0x10]  }
0x48a: {  	v16 =	vld [tilespmem:s8+$0x0]  }
0x48b: {  	v17 =	vld [tilespmem:s7+$0x0]  }
0x48c: {  	v18 =	vld [tilespmem:s8+$0xFFFFFFF0]  }
0x48d: {  	v19 =	vld [tilespmem:s7+$0xFFFFFFF0]  }
0x48e: {  	v20 =	vld [tilespmem:s8+$0xFFFFFFE0]  }
0x48f: {  	v21 =	vld [tilespmem:s7+$0xFFFFFFE0]  }
0x490: {  	v22 =	vld [tilespmem:s8+$0xFFFFFFD0]  }
0x491: {  	v23 =	vld [tilespmem:s7+$0xFFFFFFD0]  }
0x492: {  	v24 =	vld [tilespmem:s8+$0xFFFFFFC0]  }
0x493: {  	v25 =	vld [tilespmem:s7+$0xFFFFFFC0]  }
0x494: {  	v26 =	vld [tilespmem:s8+$0xFFFFFF80]  }
0x495: {  	v27 =	vld [tilespmem:s7+$0xFFFFFF80]  }
0x496: {  	v28 =	vld [tilespmem:s8+$0xFFFFFFB0]  }
0x497: {  	v29 =	vld [tilespmem:s7+$0xFFFFFFB0]  }
0x498: {  	v30 =	vld [tilespmem:s8+$0xFFFFFF90]  }
0x499: {  	v31 =	vld [tilespmem:s7+$0xFFFFFF90]  }
0x49a: {  	v32 =	vld [tilespmem:s8+$0xFFFFFFA0]  }
0x49b: {  	v33 =	vld [tilespmem:s7+$0xFFFFFFA0]  }
0x49c: {  	v34 =	vld.idx.msk [tilespmem:v26+s3+$0x0], $0xffff  }
0x49d: {  	v35 =	vld.idx.msk [tilespmem:v27+s3+$0x0], $0xffff  }
0x49e: {  	v26 =	vld.idx.msk [tilespmem:v26+s31+$0x0], $0xffff  }
0x49f: {  	v27 =	vld.idx.msk [tilespmem:v27+s31+$0x0], $0xffff  }
0x4a0: {  	v36 =	vld.idx.msk [tilespmem:v30+s3+$0x0], $0xffff  }
0x4a1: {  	v37 =	vld.idx.msk [tilespmem:v31+s3+$0x0], $0xffff  }
0x4a2: {  	v30 =	vld.idx.msk [tilespmem:v30+s31+$0x0], $0xffff  }
0x4a3: {  	v31 =	vld.idx.msk [tilespmem:v31+s31+$0x0], $0xffff;
	v34 =	vmul.f32 v35, v34  }
0x4a4: {  	v54 =	vld.idx.msk [tilespmem:v32+s3+$0x0], $0xffff  }
0x4a5: {  	v55 =	vld.idx.msk [tilespmem:v33+s3+$0x0], $0xffff;
	v26 =	vmul.f32 v27, v26;
	v7 =	vadd.f32 v34, v7  }
0x4a6: {  	v32 =	vld.idx.msk [tilespmem:v32+s31+$0x0], $0xffff  }
0x4a7: {  	v33 =	vld.idx.msk [tilespmem:v33+s31+$0x0], $0xffff;
	v56 =	vmul.f32 v37, v36;
	v7 =	vadd.f32 v26, v7  }
0x4a8: {  	v57 =	vld.idx.msk [tilespmem:v28+s3+$0x0], $0xffff  }
0x4a9: {  	v59 =	vld.idx.msk [tilespmem:v29+s3+$0x0], $0xffff;
	v58 =	vmul.f32 v31, v30;
	v7 =	vadd.f32 v56, v7  }
0x4aa: {  	v28 =	vld.idx.msk [tilespmem:v28+s31+$0x0], $0xffff  }
0x4ab: {  	v61 =	vld.idx.msk [tilespmem:v29+s31+$0x0], $0xffff;
	v60 =	vmul.f32 v55, v54;
	v7 =	vadd.f32 v58, v7  }
0x4ac: {  	v62 =	vld.idx.msk [tilespmem:v24+s3+$0x0], $0xffff  }
0x4ad: {  	v24 =	vld.idx.msk [tilespmem:v24+s31+$0x0], $0xffff;
	v63 =	vmul.f32 v33, v32;
	v7 =	vadd.f32 v60, v7  }
0x4ae: {  	v33 =	vld.idx.msk [tilespmem:v25+s3+$0x0], $0xffff  }
0x4af: {  	v38 =	vld.idx.msk [tilespmem:v23+s3+$0x0], $0xffff;
	v35 =	vmul.f32 v59, v57;
	v7 =	vadd.f32 v63, v7  }
0x4b0: {  	v25 =	vld.idx.msk [tilespmem:v25+s31+$0x0], $0xffff  }
0x4b1: {  	v23 =	vld.idx.msk [tilespmem:v23+s31+$0x0], $0xffff;
	v37 =	vmul.f32 v61, v28;
	v7 =	vadd.f32 v35, v7  }
0x4b2: {  	v36 =	vld.idx.msk [tilespmem:v22+s3+$0x0], $0xffff  }
0x4b3: {  	v40 =	vld.idx.msk [tilespmem:v20+s3+$0x0], $0xffff;
	v39 =	vmul.f32 v33, v62;
	v7 =	vadd.f32 v37, v7  }
0x4b4: {  	v22 =	vld.idx.msk [tilespmem:v22+s31+$0x0], $0xffff  }
0x4b5: {  	v41 =	vld.idx.msk [tilespmem:v21+s3+$0x0], $0xffff;
	v24 =	vmul.f32 v25, v24;
	v7 =	vadd.f32 v39, v7  }
0x4b6: {  	v20 =	vld.idx.msk [tilespmem:v20+s31+$0x0], $0xffff  }
0x4b7: {  	v21 =	vld.idx.msk [tilespmem:v21+s31+$0x0], $0xffff;
	v42 =	vmul.f32 v38, v36;
	v7 =	vadd.f32 v24, v7  }
0x4b8: {  	v43 =	vld.idx.msk [tilespmem:v18+s3+$0x0], $0xffff  }
0x4b9: {  	v44 =	vld.idx.msk [tilespmem:v19+s3+$0x0], $0xffff;
	v22 =	vmul.f32 v23, v22;
	v7 =	vadd.f32 v42, v7  }
0x4ba: {  	v18 =	vld.idx.msk [tilespmem:v18+s31+$0x0], $0xffff  }
0x4bb: {  	v19 =	vld.idx.msk [tilespmem:v19+s31+$0x0], $0xffff;
	v45 =	vmul.f32 v41, v40;
	v7 =	vadd.f32 v22, v7  }
0x4bc: {  	v46 =	vld.idx.msk [tilespmem:v16+s3+$0x0], $0xffff  }
0x4bd: {  	v47 =	vld.idx.msk [tilespmem:v17+s3+$0x0], $0xffff;
	v20 =	vmul.f32 v21, v20;
	v7 =	vadd.f32 v45, v7  }
0x4be: {  	v16 =	vld.idx.msk [tilespmem:v16+s31+$0x0], $0xffff  }
0x4bf: {  	v17 =	vld.idx.msk [tilespmem:v17+s31+$0x0], $0xffff;
	v48 =	vmul.f32 v44, v43;
	v7 =	vadd.f32 v20, v7  }
0x4c0: {  	v49 =	vld.idx.msk [tilespmem:v14+s3+$0x0], $0xffff  }
0x4c1: {  	v50 =	vld.idx.msk [tilespmem:v15+s3+$0x0], $0xffff;
	v18 =	vmul.f32 v19, v18;
	v7 =	vadd.f32 v48, v7  }
0x4c2: {  	v14 =	vld.idx.msk [tilespmem:v14+s31+$0x0], $0xffff  }
0x4c3: {  	v15 =	vld.idx.msk [tilespmem:v15+s31+$0x0], $0xffff;
	v51 =	vmul.f32 v47, v46;
	v7 =	vadd.f32 v18, v7  }
0x4c4: {  	v52 =	vld.idx.msk [tilespmem:v12+s3+$0x0], $0xffff  }
0x4c5: {  	v53 =	vld.idx.msk [tilespmem:v13+s3+$0x0], $0xffff;
	v16 =	vmul.f32 v17, v16;
	v7 =	vadd.f32 v51, v7  }
0x4c6: {  	v12 =	vld.idx.msk [tilespmem:v12+s31+$0x0], $0xffff  }
0x4c7: {  	v13 =	vld.idx.msk [tilespmem:v13+s31+$0x0], $0xffff;
	v54 =	vmul.f32 v50, v49;
	v7 =	vadd.f32 v16, v7  }
0x4c8: {  	v55 =	vld.idx.msk [tilespmem:v10+s3+$0x0], $0xffff  }
0x4c9: {  	v14 =	vmul.f32 v15, v14;
	v10 =	vld.idx.msk [tilespmem:v10+s31+$0x0], $0xffff;
	v7 =	vadd.f32 v54, v7  }
0x4ca: {  	v56 =	vld.idx.msk [tilespmem:v11+s3+$0x0], $0xffff  }
0x4cb: {  	v57 =	vmul.f32 v53, v52;
	v59 =	vld.idx.msk [tilespmem:v9+s3+$0x0], $0xffff;
	v7 =	vadd.f32 v14, v7  }
0x4cc: {  	v11 =	vld.idx.msk [tilespmem:v11+s31+$0x0], $0xffff  }
0x4cd: {  	v12 =	vmul.f32 v13, v12;
	v9 =	vld.idx.msk [tilespmem:v9+s31+$0x0], $0xffff;
	v7 =	vadd.f32 v57, v7  }
0x4ce: {  	v58 =	vld.idx.msk [tilespmem:v8+s3+$0x0], $0xffff  }
0x4cf: {  	v61 =	vld.idx.msk [tilespmem:v6+s3+$0x0], $0xffff;
	v60 =	vmul.f32 v56, v55;
	v7 =	vadd.f32 v12, v7  }
0x4d0: {  	v8 =	vld.idx.msk [tilespmem:v8+s31+$0x0], $0xffff  }
0x4d1: {  	v6 =	vld.idx.msk [tilespmem:v6+s31+$0x0], $0xffff;
	v10 =	vmul.f32 v11, v10;
	v7 =	vadd.f32 v60, v7  }
0x4d2: {  	v11 =	vld.idx.msk [tilespmem:v5+s3+$0x0], $0xffff  }
0x4d3: {  	v62 =	vld.idx.msk [tilespmem:v5+s31+$0x0], $0xffff;
	v7 =	vadd.f32 v10, v7;
	v10 =	vmul.f32 v59, v58  }
0x4d4: {  	v63 =	vld.idx.msk [tilespmem:v4+s3+$0x0], $0xffff  }
0x4d5: {  	v4 =	vld.idx.msk [tilespmem:v4+s31+$0x0], $0xffff;
	v5 =	vadd.f32 v10, v7;
	v7 =	vmul.f32 v9, v8  }
0x4d6: {  	v8 =	vld.idx.msk [tilespmem:v3+s3+$0x0], $0xffff  }
0x4d7: {  	v9 =	vmul.f32 v11, v61;
	v3 =	vld.idx.msk [tilespmem:v3+s31+$0x0], $0xffff;
	v7 =	vadd.f32 v7, v5  }
0x4d8: {  	v10 =	vmul.f32 v62, v6;
	v6 =	vld.idx.msk [tilespmem:v1+s3+$0x0], $0xffff  }
0x4d9: {  	v5 =	vld.idx.msk [tilespmem:v2+s3+$0x0], $0xffff;
	v9 =	vadd.f32 v9, v7  }
0x4da: {  	v7 =	vld.idx.msk [tilespmem:v2+s31+$0x0], $0xffff  }
0x4db: {  	s9 =	simm.s32 $0x18880;
	s8 =	simm.s32 $0x0;
	v9 =	vadd.f32 v10, v9;
	v10 =	vmul.f32 v8, v63;
	v8 =	vld.idx.msk [tilespmem:v1+s31+$0x0], $0xffff  }
.LBB2_14:
0x4dc: {  	v2 =	vld [tilespmem:s9+$0x70];
	s7 =	sadd.s32 $0x100, s7  }
0x4dd: {  	v1 =	vld [tilespmem:s7+$0x70];
	v9 =	vadd.f32 v10, v9;
	v10 =	vmul.f32 v3, v4  }
0x4de: {  	v4 =	vld [tilespmem:s9+$0x60]  }
0x4df: {  	v3 =	vld [tilespmem:s7+$0x60];
	v9 =	vadd.f32 v10, v9;
	v10 =	vmul.f32 v6, v5  }
0x4e0: {  	v6 =	vld [tilespmem:s9+$0x50]  }
0x4e1: {  	v5 =	vld [tilespmem:s7+$0x50];
	v9 =	vadd.f32 v10, v9;
	v10 =	vmul.f32 v8, v7  }
0x4e2: {  	v8 =	vld [tilespmem:s9+$0x40]  }
0x4e3: {  	v7 =	vld [tilespmem:s7+$0x40];
	v17 =	vadd.f32 v10, v9  }
0x4e4: {  	v10 =	vld [tilespmem:s9+$0x30]  }
0x4e5: {  	v9 =	vld [tilespmem:s7+$0x30]  }
0x4e6: {  	v12 =	vld [tilespmem:s9+$0x20]  }
0x4e7: {  	v11 =	vld [tilespmem:s7+$0x20]  }
0x4e8: {  	v14 =	vld [tilespmem:s9+$0x10]  }
0x4e9: {  	v13 =	vld [tilespmem:s7+$0x10]  }
0x4ea: {  	v16 =	vld [tilespmem:s9+$0x0]  }
0x4eb: {  	v15 =	vld [tilespmem:s7+$0x0]  }
0x4ec: {  	v18 =	vld [tilespmem:s9+$0xFFFFFFF0]  }
0x4ed: {  	v19 =	vld [tilespmem:s7+$0xFFFFFFF0]  }
0x4ee: {  	v20 =	vld [tilespmem:s9+$0xFFFFFFE0]  }
0x4ef: {  	v21 =	vld [tilespmem:s7+$0xFFFFFFE0]  }
0x4f0: {  	v22 =	vld [tilespmem:s9+$0xFFFFFFD0]  }
0x4f1: {  	v23 =	vld [tilespmem:s7+$0xFFFFFFD0]  }
0x4f2: {  	v24 =	vld [tilespmem:s9+$0xFFFFFFC0]  }
0x4f3: {  	v25 =	vld [tilespmem:s7+$0xFFFFFFC0]  }
0x4f4: {  	v26 =	vld [tilespmem:s9+$0xFFFFFF80]  }
0x4f5: {  	s8 =	sadd.s32 $0x100, s8;
	v27 =	vld [tilespmem:s7+$0xFFFFFF80]  }
0x4f6: {  	p2 =	slt.u32 s8, $0x1300;
	v28 =	vld [tilespmem:s9+$0xFFFFFFB0]  }
0x4f7: {  	v29 =	vld [tilespmem:s7+$0xFFFFFFB0]  }
0x4f8: {  	v30 =	vld [tilespmem:s9+$0xFFFFFF90]  }
0x4f9: {  	v31 =	vld [tilespmem:s7+$0xFFFFFF90]  }
0x4fa: {  	v32 =	vld [tilespmem:s9+$0xFFFFFFA0]  }
0x4fb: {  	v33 =	vld [tilespmem:s7+$0xFFFFFFA0]  }
0x4fc: {  	v34 =	vld.idx.msk [tilespmem:v26+s3+$0x0], $0xffff  }
0x4fd: {  	v35 =	vld.idx.msk [tilespmem:v27+s3+$0x0], $0xffff  }
0x4fe: {  	v26 =	vld.idx.msk [tilespmem:v26+s31+$0x0], $0xffff  }
0x4ff: {  	v27 =	vld.idx.msk [tilespmem:v27+s31+$0x0], $0xffff  }
0x500: {  	v36 =	vld.idx.msk [tilespmem:v30+s3+$0x0], $0xffff  }
0x501: {  	v37 =	vld.idx.msk [tilespmem:v31+s3+$0x0], $0xffff  }
0x502: {  	v30 =	vld.idx.msk [tilespmem:v30+s31+$0x0], $0xffff  }
0x503: {  	v34 =	vmul.f32 v35, v34;
	v31 =	vld.idx.msk [tilespmem:v31+s31+$0x0], $0xffff  }
0x504: {  	v35 =	vld.idx.msk [tilespmem:v32+s3+$0x0], $0xffff  }
0x505: {  	v17 =	vadd.f32 v34, v17;
	v26 =	vmul.f32 v27, v26;
	v27 =	vld.idx.msk [tilespmem:v33+s3+$0x0], $0xffff  }
0x506: {  	v32 =	vld.idx.msk [tilespmem:v32+s31+$0x0], $0xffff  }
0x507: {  	v17 =	vadd.f32 v26, v17;
	v26 =	vmul.f32 v37, v36;
	v33 =	vld.idx.msk [tilespmem:v33+s31+$0x0], $0xffff  }
0x508: {  	v34 =	vld.idx.msk [tilespmem:v28+s3+$0x0], $0xffff  }
0x509: {  	v17 =	vadd.f32 v26, v17;
	v26 =	vmul.f32 v31, v30;
	v30 =	vld.idx.msk [tilespmem:v29+s3+$0x0], $0xffff  }
0x50a: {  	v28 =	vld.idx.msk [tilespmem:v28+s31+$0x0], $0xffff  }
0x50b: {  	v17 =	vadd.f32 v26, v17;
	v26 =	vmul.f32 v27, v35;
	v27 =	vld.idx.msk [tilespmem:v29+s31+$0x0], $0xffff  }
0x50c: {  	v29 =	vld.idx.msk [tilespmem:v24+s3+$0x0], $0xffff  }
0x50d: {  	v17 =	vadd.f32 v26, v17;
	v26 =	vmul.f32 v33, v32;
	v31 =	vld.idx.msk [tilespmem:v25+s3+$0x0], $0xffff  }
0x50e: {  	v24 =	vld.idx.msk [tilespmem:v24+s31+$0x0], $0xffff  }
0x50f: {  	v17 =	vadd.f32 v26, v17;
	v26 =	vmul.f32 v30, v34;
	v25 =	vld.idx.msk [tilespmem:v25+s31+$0x0], $0xffff  }
0x510: {  	v30 =	vld.idx.msk [tilespmem:v22+s3+$0x0], $0xffff  }
0x511: {  	v17 =	vadd.f32 v26, v17;
	v26 =	vmul.f32 v27, v28;
	v27 =	vld.idx.msk [tilespmem:v23+s3+$0x0], $0xffff  }
0x512: {  	v22 =	vld.idx.msk [tilespmem:v22+s31+$0x0], $0xffff  }
0x513: {  	v17 =	vadd.f32 v26, v17;
	v26 =	vmul.f32 v31, v29;
	v23 =	vld.idx.msk [tilespmem:v23+s31+$0x0], $0xffff  }
0x514: {  	v28 =	vld.idx.msk [tilespmem:v20+s3+$0x0], $0xffff  }
0x515: {  	v17 =	vadd.f32 v26, v17;
	v24 =	vmul.f32 v25, v24;
	v25 =	vld.idx.msk [tilespmem:v21+s3+$0x0], $0xffff  }
0x516: {  	v20 =	vld.idx.msk [tilespmem:v20+s31+$0x0], $0xffff  }
0x517: {  	v17 =	vadd.f32 v24, v17;
	v24 =	vmul.f32 v27, v30;
	v21 =	vld.idx.msk [tilespmem:v21+s31+$0x0], $0xffff  }
0x518: {  	v26 =	vld.idx.msk [tilespmem:v18+s3+$0x0], $0xffff  }
0x519: {  	v17 =	vadd.f32 v24, v17;
	v22 =	vmul.f32 v23, v22;
	v23 =	vld.idx.msk [tilespmem:v19+s3+$0x0], $0xffff  }
0x51a: {  	v18 =	vld.idx.msk [tilespmem:v18+s31+$0x0], $0xffff  }
0x51b: {  	v17 =	vadd.f32 v22, v17;
	v22 =	vmul.f32 v25, v28;
	v19 =	vld.idx.msk [tilespmem:v19+s31+$0x0], $0xffff  }
0x51c: {  	v24 =	vld.idx.msk [tilespmem:v16+s3+$0x0], $0xffff  }
0x51d: {  	v17 =	vadd.f32 v22, v17;
	v20 =	vmul.f32 v21, v20;
	v21 =	vld.idx.msk [tilespmem:v15+s3+$0x0], $0xffff  }
0x51e: {  	v16 =	vld.idx.msk [tilespmem:v16+s31+$0x0], $0xffff  }
0x51f: {  	v17 =	vadd.f32 v20, v17;
	v20 =	vmul.f32 v23, v26;
	v15 =	vld.idx.msk [tilespmem:v15+s31+$0x0], $0xffff  }
0x520: {  	v22 =	vld.idx.msk [tilespmem:v14+s3+$0x0], $0xffff  }
0x521: {  	v17 =	vadd.f32 v20, v17;
	v18 =	vmul.f32 v19, v18;
	v19 =	vld.idx.msk [tilespmem:v13+s3+$0x0], $0xffff  }
0x522: {  	v14 =	vld.idx.msk [tilespmem:v14+s31+$0x0], $0xffff  }
0x523: {  	v17 =	vadd.f32 v18, v17;
	v18 =	vmul.f32 v21, v24;
	v13 =	vld.idx.msk [tilespmem:v13+s31+$0x0], $0xffff  }
0x524: {  	v20 =	vld.idx.msk [tilespmem:v12+s3+$0x0], $0xffff  }
0x525: {  	v17 =	vadd.f32 v18, v17;
	v15 =	vmul.f32 v15, v16;
	v16 =	vld.idx.msk [tilespmem:v11+s3+$0x0], $0xffff  }
0x526: {  	v12 =	vld.idx.msk [tilespmem:v12+s31+$0x0], $0xffff  }
0x527: {  	v15 =	vadd.f32 v15, v17;
	v17 =	vmul.f32 v19, v22;
	v11 =	vld.idx.msk [tilespmem:v11+s31+$0x0], $0xffff  }
0x528: {  	v18 =	vld.idx.msk [tilespmem:v10+s3+$0x0], $0xffff  }
0x529: {  	v15 =	vadd.f32 v17, v15;
	v13 =	vmul.f32 v13, v14;
	v14 =	vld.idx.msk [tilespmem:v9+s3+$0x0], $0xffff  }
0x52a: {  	v10 =	vld.idx.msk [tilespmem:v10+s31+$0x0], $0xffff  }
0x52b: {  	v13 =	vadd.f32 v13, v15;
	v15 =	vmul.f32 v16, v20;
	v9 =	vld.idx.msk [tilespmem:v9+s31+$0x0], $0xffff  }
0x52c: {  	v16 =	vld.idx.msk [tilespmem:v8+s3+$0x0], $0xffff  }
0x52d: {  	v13 =	vadd.f32 v15, v13;
	v11 =	vmul.f32 v11, v12;
	v12 =	vld.idx.msk [tilespmem:v7+s3+$0x0], $0xffff  }
0x52e: {  	v8 =	vld.idx.msk [tilespmem:v8+s31+$0x0], $0xffff  }
0x52f: {  	v11 =	vadd.f32 v11, v13;
	v13 =	vmul.f32 v14, v18;
	v7 =	vld.idx.msk [tilespmem:v7+s31+$0x0], $0xffff  }
0x530: {  	v14 =	vld.idx.msk [tilespmem:v6+s3+$0x0], $0xffff  }
0x531: {  	v11 =	vadd.f32 v13, v11;
	v9 =	vmul.f32 v9, v10;
	v10 =	vld.idx.msk [tilespmem:v5+s3+$0x0], $0xffff  }
0x532: {  	v6 =	vld.idx.msk [tilespmem:v6+s31+$0x0], $0xffff  }
0x533: {  	v9 =	vadd.f32 v9, v11;
	v11 =	vmul.f32 v12, v16;
	v12 =	vld.idx.msk [tilespmem:v5+s31+$0x0], $0xffff  }
0x534: {  	v13 =	vld.idx.msk [tilespmem:v4+s3+$0x0], $0xffff  }
0x535: {  	v5 =	vadd.f32 v11, v9;
	v7 =	vmul.f32 v7, v8;
	v8 =	vld.idx.msk [tilespmem:v3+s3+$0x0], $0xffff  }
0x536: {  	v4 =	vld.idx.msk [tilespmem:v4+s31+$0x0], $0xffff  }
.Ltmp17:
0x537: {  	v7 =	vadd.f32 v7, v5;
	v9 =	vmul.f32 v10, v14;
	v3 =	vld.idx.msk [tilespmem:v3+s31+$0x0], $0xffff;
	(pc) =	sbr.rel @p2 .LBB2_14-.Ltmp17, $4  }
0x538: {  	v5 =	vld.idx.msk [tilespmem:v2+s3+$0x0], $0xffff  }
0x539: {  	v9 =	vadd.f32 v9, v7;
	v10 =	vmul.f32 v12, v6;
	v6 =	vld.idx.msk [tilespmem:v1+s3+$0x0], $0xffff  }
0x53a: {  	v7 =	vld.idx.msk [tilespmem:v2+s31+$0x0], $0xffff  }
0x53b: {  	s9 =	sadd.s32 $0x100, s9;
	v9 =	vadd.f32 v10, v9;
	v10 =	vmul.f32 v8, v13;
	v8 =	vld.idx.msk [tilespmem:v1+s31+$0x0], $0xffff  }
0x53c: {  	_ = 	snop  }
0x53d: {  	v2 =	vmul.f32 v3, v4;
	v1 =	vadd.f32 v10, v9;
	_ =	sdelay $0x1  }
0x53e: {  	v1 =	vadd.f32 v2, v1;
	v2 =	vmul.f32 v6, v5;
	_ =	sdelay $0x1  }
0x53f: {  	v1 =	vadd.f32 v2, v1;
	v2 =	vmul.f32 v8, v7;
	_ =	sdelay $0x1  }
0x540: {  	v7 =	vadd.f32 v2, v1  }
.LBB2_28:
0x541: {  	_ = 	snop  }
0x542: {  	[tilespmem:$0x1FF00] =	vst v7  }
.LBB2_29:
.Ltmp18:
0x543: {  	(pc) =	sbr.rel @p4 .LBB2_41-.Ltmp18, $1  }
0x544: {  	_ =	sdelay $0x3  }
0x545: {  	s7 =	rddreg [dreg:$0xd]  }
0x546: {  	[tilespmem:s28], [sflag:$0x1] =	stream.strided.gather [hbm4b:s7+s25], $0x1E00, s26, s25, $0x38;
	[tilespmem:$0x1FF80] =	vst v63  }
0x547: {  	s20 =	rddreg [dreg:$0xe]  }
0x548: {  	[tilespmem:s29], [sflag:$0x3] =	stream.strided.gather [hbm4b:s20+s25], $0x1E00, s26, s25, $0x38;
	[tilespmem:$0x1FF80] =	vst v63  }
0x549: {  	s8 =	rddreg [dreg:$0xf];
	s7 =	simm.s32 $0x0  }
0x54a: {  	[tilespmem:s7], [sflag:$0x5] =	stream.linear.gather [hbm4b:s8+s7], $0xC350, $0x38;
	[tilespmem:$0x1FF80] =	vst v63  }
0x54b: {  	_ =	swait.ge [sflag:s30], $0xC350  }
0x54c: {  	[sflag:s30] =	ssyncset.done $0x0  }
0x54d: {  	v1 =	vimm.f32 $0.0e+00;
	[sflag:s30] =	ssyncadd.s32 $0xFFFF3CB0  }
.LBB2_31:
0x54e: {  	s8 =	sshll.u32 s7, $0x4  }
0x54f: {  	s8 =	sadd.s32 s17, s8  }
0x550: {  	s9 =	smul.u32 $0x3C00, s8;
	_ =	sdelay $0x1  }
0x551: {  	s10 =	sadd.s32 $0x1E000, s9  }
0x552: {  	s10 =	sshrl.u32 s10, $0x3  }
0x553: {  	s11 =	sadd.s32 s1, s10  }
0x554: {  	[tilespmem:s14], [sflag:$0x2] =	stream.strided.gather [hbm4b:s11+s25], $0x1E00, s26, s25, $0x38;
	[tilespmem:$0x1FF80] =	vst v63  }
0x555: {  	s10 =	sadd.s32 s10, s6  }
0x556: {  	[tilespmem:s15], [sflag:$0x4] =	stream.strided.gather [hbm4b:s10+s25], $0x1E00, s26, s25, $0x38;
	[tilespmem:$0x1FF80] =	vst v63  }
0x557: {  	_ =	swait.ge [sflag:s0], $0x1E00  }
0x558: {  	[sflag:s0] =	ssyncset.done $0x0  }
0x559: {  	[sflag:s0] =	ssyncadd.s32 $0xFFFFE200  }
0x55a: {  	_ =	swait.ge [sflag:s2], $0x1E00  }
0x55b: {  	[sflag:s2] =	ssyncset.done $0x0  }
0x55c: {  	s20 =	simm.s32 $0x18780;
	[sflag:s2] =	ssyncadd.s32 $0xFFFFE200  }
0x55d: {  	s18 =	simm.s32 $0x1C380;
	v2 =	vld [tilespmem:s20+$0x70]  }
0x55e: {  	v10 =	vld [tilespmem:s18+$0x70]  }
0x55f: {  	v3 =	vld [tilespmem:s20+$0x60]  }
0x560: {  	v4 =	vld [tilespmem:s18+$0x60]  }
0x561: {  	v5 =	vld [tilespmem:s20+$0x50]  }
0x562: {  	v7 =	vld [tilespmem:s18+$0x50]  }
0x563: {  	v6 =	vld [tilespmem:s20+$0x40]  }
0x564: {  	v8 =	vld [tilespmem:s18+$0x40]  }
0x565: {  	v9 =	vld [tilespmem:s20+$0x30]  }
0x566: {  	v11 =	vld [tilespmem:s18+$0x30]  }
0x567: {  	v12 =	vld [tilespmem:s20+$0x20]  }
0x568: {  	v13 =	vld [tilespmem:s18+$0x20]  }
0x569: {  	v14 =	vld [tilespmem:s20+$0x10]  }
0x56a: {  	v15 =	vld [tilespmem:s18+$0x10]  }
0x56b: {  	v16 =	vld [tilespmem:s20+$0x0]  }
0x56c: {  	v17 =	vld [tilespmem:s18+$0x0]  }
0x56d: {  	v18 =	vld [tilespmem:s20+$0xFFFFFFF0]  }
0x56e: {  	v19 =	vld [tilespmem:s18+$0xFFFFFFF0]  }
0x56f: {  	v20 =	vld [tilespmem:s20+$0xFFFFFFE0]  }
0x570: {  	v21 =	vld [tilespmem:s18+$0xFFFFFFE0]  }
0x571: {  	v22 =	vld [tilespmem:s20+$0xFFFFFFD0]  }
0x572: {  	v23 =	vld [tilespmem:s18+$0xFFFFFFD0]  }
0x573: {  	v24 =	vld [tilespmem:s20+$0xFFFFFFC0]  }
0x574: {  	v25 =	vld [tilespmem:s18+$0xFFFFFFC0]  }
0x575: {  	v26 =	vld [tilespmem:s20+$0xFFFFFF80]  }
0x576: {  	v27 =	vld [tilespmem:s18+$0xFFFFFF80]  }
0x577: {  	v28 =	vld [tilespmem:s20+$0xFFFFFF90]  }
0x578: {  	v29 =	vld [tilespmem:s18+$0xFFFFFF90]  }
0x579: {  	v30 =	vld [tilespmem:s20+$0xFFFFFFA0]  }
0x57a: {  	v31 =	vld [tilespmem:s18+$0xFFFFFFA0]  }
0x57b: {  	v32 =	vld [tilespmem:s20+$0xFFFFFFB0]  }
0x57c: {  	v33 =	vld [tilespmem:s18+$0xFFFFFFB0]  }
0x57d: {  	v26 =	vld.idx.msk [tilespmem:v26+s3+$0x0], $0xffff  }
0x57e: {  	v27 =	vld.idx.msk [tilespmem:v27+s3+$0x0], $0xffff  }
0x57f: {  	v28 =	vld.idx.msk [tilespmem:v28+s3+$0x0], $0xffff  }
0x580: {  	v29 =	vld.idx.msk [tilespmem:v29+s3+$0x0], $0xffff  }
0x581: {  	v30 =	vld.idx.msk [tilespmem:v30+s3+$0x0], $0xffff  }
0x582: {  	v31 =	vld.idx.msk [tilespmem:v31+s3+$0x0], $0xffff  }
0x583: {  	v32 =	vld.idx.msk [tilespmem:v32+s3+$0x0], $0xffff  }
0x584: {  	v58 =	vld.idx.msk [tilespmem:v33+s3+$0x0], $0xffff;
	v26 =	vmul.f32 v27, v26  }
0x585: {  	v24 =	vld.idx.msk [tilespmem:v24+s3+$0x0], $0xffff  }
0x586: {  	v25 =	vld.idx.msk [tilespmem:v25+s3+$0x0], $0xffff;
	v59 =	vmul.f32 v29, v28;
	v1 =	vadd.f32 v26, v1  }
0x587: {  	v22 =	vld.idx.msk [tilespmem:v22+s3+$0x0], $0xffff  }
0x588: {  	v23 =	vld.idx.msk [tilespmem:v23+s3+$0x0], $0xffff;
	v60 =	vmul.f32 v31, v30;
	v1 =	vadd.f32 v59, v1  }
0x589: {  	v20 =	vld.idx.msk [tilespmem:v20+s3+$0x0], $0xffff  }
0x58a: {  	v21 =	vld.idx.msk [tilespmem:v21+s3+$0x0], $0xffff;
	v61 =	vmul.f32 v58, v32;
	v1 =	vadd.f32 v60, v1  }
0x58b: {  	v18 =	vld.idx.msk [tilespmem:v18+s3+$0x0], $0xffff  }
0x58c: {  	v19 =	vld.idx.msk [tilespmem:v19+s3+$0x0], $0xffff;
	v24 =	vmul.f32 v25, v24;
	v1 =	vadd.f32 v61, v1  }
0x58d: {  	v16 =	vld.idx.msk [tilespmem:v16+s3+$0x0], $0xffff  }
0x58e: {  	v17 =	vld.idx.msk [tilespmem:v17+s3+$0x0], $0xffff;
	v22 =	vmul.f32 v23, v22;
	v1 =	vadd.f32 v24, v1  }
0x58f: {  	v14 =	vld.idx.msk [tilespmem:v14+s3+$0x0], $0xffff  }
0x590: {  	v15 =	vld.idx.msk [tilespmem:v15+s3+$0x0], $0xffff;
	v20 =	vmul.f32 v21, v20;
	v1 =	vadd.f32 v22, v1  }
0x591: {  	v12 =	vld.idx.msk [tilespmem:v12+s3+$0x0], $0xffff  }
0x592: {  	v13 =	vld.idx.msk [tilespmem:v13+s3+$0x0], $0xffff;
	v18 =	vmul.f32 v19, v18;
	v1 =	vadd.f32 v20, v1  }
0x593: {  	v9 =	vld.idx.msk [tilespmem:v9+s3+$0x0], $0xffff  }
0x594: {  	v11 =	vld.idx.msk [tilespmem:v11+s3+$0x0], $0xffff;
	v16 =	vmul.f32 v17, v16;
	v1 =	vadd.f32 v18, v1  }
0x595: {  	v62 =	vld.idx.msk [tilespmem:v6+s3+$0x0], $0xffff  }
0x596: {  	v63 =	vld.idx.msk [tilespmem:v8+s3+$0x0], $0xffff;
	v14 =	vmul.f32 v15, v14;
	v1 =	vadd.f32 v16, v1  }
0x597: {  	v6 =	vld.idx.msk [tilespmem:v5+s3+$0x0], $0xffff  }
0x598: {  	v8 =	vld.idx.msk [tilespmem:v7+s3+$0x0], $0xffff;
	v12 =	vmul.f32 v13, v12;
	v1 =	vadd.f32 v14, v1  }
0x599: {  	v5 =	vld.idx.msk [tilespmem:v3+s3+$0x0], $0xffff  }
0x59a: {  	v7 =	vld.idx.msk [tilespmem:v2+s3+$0x0], $0xffff;
	v3 =	vmul.f32 v11, v9;
	v1 =	vadd.f32 v12, v1  }
0x59b: {  	v9 =	vld.idx.msk [tilespmem:v4+s3+$0x0], $0xffff  }
0x59c: {  	s19 =	simm.s32 $0x0;
	s20 =	simm.s32 $0x18880;
	v10 =	vld.idx.msk [tilespmem:v10+s3+$0x0], $0xffff;
	v4 =	vmul.f32 v63, v62;
	v3 =	vadd.f32 v3, v1  }
.LBB2_32:
0x59d: {  	v2 =	vld [tilespmem:s20+$0x70];
	s18 =	sadd.s32 $0x100, s18  }
0x59e: {  	v6 =	vmul.f32 v8, v6;
	v1 =	vld [tilespmem:s18+$0x70];
	v11 =	vadd.f32 v4, v3  }
0x59f: {  	v4 =	vld [tilespmem:s20+$0x60]  }
0x5a0: {  	v9 =	vmul.f32 v9, v5;
	v3 =	vld [tilespmem:s18+$0x60];
	v8 =	vadd.f32 v6, v11  }
0x5a1: {  	v6 =	vld [tilespmem:s20+$0x50]  }
0x5a2: {  	v7 =	vmul.f32 v10, v7;
	v5 =	vld [tilespmem:s18+$0x50];
	v8 =	vadd.f32 v9, v8  }
0x5a3: {  	v9 =	vld [tilespmem:s20+$0x40]  }
0x5a4: {  	v10 =	vld [tilespmem:s18+$0x40];
	v7 =	vadd.f32 v7, v8  }
0x5a5: {  	v8 =	vld [tilespmem:s20+$0x30]  }
0x5a6: {  	v11 =	vld [tilespmem:s18+$0x30]  }
0x5a7: {  	v12 =	vld [tilespmem:s20+$0x20]  }
0x5a8: {  	v13 =	vld [tilespmem:s18+$0x20]  }
0x5a9: {  	v14 =	vld [tilespmem:s20+$0x10]  }
0x5aa: {  	v15 =	vld [tilespmem:s18+$0x10]  }
0x5ab: {  	v16 =	vld [tilespmem:s20+$0x0]  }
0x5ac: {  	v17 =	vld [tilespmem:s18+$0x0]  }
0x5ad: {  	v18 =	vld [tilespmem:s20+$0xFFFFFFF0]  }
0x5ae: {  	v19 =	vld [tilespmem:s18+$0xFFFFFFF0]  }
0x5af: {  	v20 =	vld [tilespmem:s20+$0xFFFFFFE0]  }
0x5b0: {  	v21 =	vld [tilespmem:s18+$0xFFFFFFE0]  }
0x5b1: {  	v22 =	vld [tilespmem:s20+$0xFFFFFFD0]  }
0x5b2: {  	v23 =	vld [tilespmem:s18+$0xFFFFFFD0]  }
0x5b3: {  	v24 =	vld [tilespmem:s20+$0xFFFFFFC0]  }
0x5b4: {  	v25 =	vld [tilespmem:s18+$0xFFFFFFC0]  }
0x5b5: {  	v26 =	vld [tilespmem:s20+$0xFFFFFF80]  }
0x5b6: {  	s19 =	sadd.s32 $0x100, s19;
	v27 =	vld [tilespmem:s18+$0xFFFFFF80]  }
0x5b7: {  	p2 =	slt.u32 s19, $0x1D00;
	v28 =	vld [tilespmem:s20+$0xFFFFFF90]  }
0x5b8: {  	v29 =	vld [tilespmem:s18+$0xFFFFFF90]  }
0x5b9: {  	v30 =	vld [tilespmem:s20+$0xFFFFFFA0]  }
0x5ba: {  	v31 =	vld [tilespmem:s18+$0xFFFFFFA0]  }
0x5bb: {  	v32 =	vld [tilespmem:s20+$0xFFFFFFB0]  }
0x5bc: {  	v33 =	vld [tilespmem:s18+$0xFFFFFFB0]  }
0x5bd: {  	v26 =	vld.idx.msk [tilespmem:v26+s3+$0x0], $0xffff  }
0x5be: {  	v27 =	vld.idx.msk [tilespmem:v27+s3+$0x0], $0xffff  }
0x5bf: {  	v28 =	vld.idx.msk [tilespmem:v28+s3+$0x0], $0xffff  }
0x5c0: {  	v29 =	vld.idx.msk [tilespmem:v29+s3+$0x0], $0xffff  }
0x5c1: {  	v30 =	vld.idx.msk [tilespmem:v30+s3+$0x0], $0xffff  }
0x5c2: {  	v31 =	vld.idx.msk [tilespmem:v31+s3+$0x0], $0xffff  }
0x5c3: {  	v32 =	vld.idx.msk [tilespmem:v32+s3+$0x0], $0xffff  }
0x5c4: {  	v26 =	vmul.f32 v27, v26;
	v27 =	vld.idx.msk [tilespmem:v33+s3+$0x0], $0xffff  }
0x5c5: {  	v24 =	vld.idx.msk [tilespmem:v24+s3+$0x0], $0xffff  }
0x5c6: {  	v7 =	vadd.f32 v26, v7;
	v26 =	vmul.f32 v29, v28;
	v25 =	vld.idx.msk [tilespmem:v25+s3+$0x0], $0xffff  }
0x5c7: {  	v22 =	vld.idx.msk [tilespmem:v22+s3+$0x0], $0xffff  }
0x5c8: {  	v7 =	vadd.f32 v26, v7;
	v26 =	vmul.f32 v31, v30;
	v23 =	vld.idx.msk [tilespmem:v23+s3+$0x0], $0xffff  }
0x5c9: {  	v20 =	vld.idx.msk [tilespmem:v20+s3+$0x0], $0xffff  }
0x5ca: {  	v7 =	vadd.f32 v26, v7;
	v26 =	vmul.f32 v27, v32;
	v21 =	vld.idx.msk [tilespmem:v21+s3+$0x0], $0xffff  }
0x5cb: {  	v18 =	vld.idx.msk [tilespmem:v18+s3+$0x0], $0xffff  }
0x5cc: {  	v7 =	vadd.f32 v26, v7;
	v24 =	vmul.f32 v25, v24;
	v19 =	vld.idx.msk [tilespmem:v19+s3+$0x0], $0xffff  }
0x5cd: {  	v16 =	vld.idx.msk [tilespmem:v16+s3+$0x0], $0xffff  }
0x5ce: {  	v7 =	vadd.f32 v24, v7;
	v22 =	vmul.f32 v23, v22;
	v17 =	vld.idx.msk [tilespmem:v17+s3+$0x0], $0xffff  }
0x5cf: {  	v14 =	vld.idx.msk [tilespmem:v14+s3+$0x0], $0xffff  }
0x5d0: {  	v7 =	vadd.f32 v22, v7;
	v20 =	vmul.f32 v21, v20;
	v15 =	vld.idx.msk [tilespmem:v15+s3+$0x0], $0xffff  }
0x5d1: {  	v12 =	vld.idx.msk [tilespmem:v12+s3+$0x0], $0xffff  }
0x5d2: {  	v7 =	vadd.f32 v20, v7;
	v18 =	vmul.f32 v19, v18;
	v13 =	vld.idx.msk [tilespmem:v13+s3+$0x0], $0xffff  }
0x5d3: {  	v19 =	vld.idx.msk [tilespmem:v8+s3+$0x0], $0xffff  }
0x5d4: {  	v7 =	vadd.f32 v18, v7;
	v8 =	vmul.f32 v17, v16;
	v11 =	vld.idx.msk [tilespmem:v11+s3+$0x0], $0xffff  }
0x5d5: {  	v16 =	vld.idx.msk [tilespmem:v9+s3+$0x0], $0xffff  }
0x5d6: {  	v7 =	vadd.f32 v8, v7;
	v8 =	vmul.f32 v15, v14;
	v10 =	vld.idx.msk [tilespmem:v10+s3+$0x0], $0xffff  }
0x5d7: {  	v6 =	vld.idx.msk [tilespmem:v6+s3+$0x0], $0xffff  }
.Ltmp19:
0x5d8: {  	v7 =	vadd.f32 v8, v7;
	v9 =	vmul.f32 v13, v12;
	v8 =	vld.idx.msk [tilespmem:v5+s3+$0x0], $0xffff;
	(pc) =	sbr.rel @p2 .LBB2_32-.Ltmp19, $4  }
0x5d9: {  	v5 =	vld.idx.msk [tilespmem:v4+s3+$0x0], $0xffff  }
0x5da: {  	v4 =	vadd.f32 v9, v7;
	v11 =	vmul.f32 v11, v19;
	v9 =	vld.idx.msk [tilespmem:v3+s3+$0x0], $0xffff  }
0x5db: {  	v7 =	vld.idx.msk [tilespmem:v2+s3+$0x0], $0xffff  }
0x5dc: {  	s20 =	sadd.s32 $0x100, s20;
	v3 =	vadd.f32 v11, v4;
	v4 =	vmul.f32 v10, v16;
	v10 =	vld.idx.msk [tilespmem:v1+s3+$0x0], $0xffff  }
0x5dd: {  	p2 =	sgt.s32 s8, $0x18F  }
0x5de: {  	s8 =	sadd.s32 @!p2 $0x3C000, s9  }
0x5df: {  	s10 =	simm.s32 @!p2 $0x80;
	s8 =	sshrl.u32 @!p2 s8, $0x3  }
0x5e0: {  	s11 =	simm.s32 @!p2 $0x100;
	s18 =	simm.s32 @!p2 $0x18700;
	s9 =	sadd.s32 @!p2 s1, s8  }
0x5e1: {  	[tilespmem:s18], [sflag:$0x1] =	stream.strided.gather @!p2 [hbm4b:s9+s10], $0x1E00, s11, s10, $0x38;
	[tilespmem:$0x1FF80] =	vst v63  }
0x5e2: {  	s8 =	sadd.s32 @!p2 s8, s6;
	s9 =	simm.s32 @!p2 $0x1C300  }
0x5e3: {  	[tilespmem:s9], [sflag:$0x3] =	stream.strided.gather @!p2 [hbm4b:s8+s10], $0x1E00, s11, s10, $0x38;
	[tilespmem:$0x1FF80] =	vst v63  }
0x5e4: {  	_ =	swait.ge [sflag:s12], $0x1E00  }
0x5e5: {  	[sflag:s12] =	ssyncset.done $0x0  }
0x5e6: {  	[sflag:s12] =	ssyncadd.s32 $0xFFFFE200  }
0x5e7: {  	_ =	swait.ge [sflag:s13], $0x1E00  }
0x5e8: {  	[sflag:s13] =	ssyncset.done $0x0  }
0x5e9: {  	s20 =	simm.s32 $0x1A580;
	[sflag:s13] =	ssyncadd.s32 $0xFFFFE200  }
0x5ea: {  	s8 =	simm.s32 $0x1E180;
	v1 =	vld [tilespmem:s20+$0x70]  }
0x5eb: {  	v2 =	vld [tilespmem:s8+$0x70]  }
0x5ec: {  	v11 =	vld [tilespmem:s20+$0x60]  }
0x5ed: {  	v12 =	vld [tilespmem:s8+$0x60]  }
0x5ee: {  	v13 =	vld [tilespmem:s20+$0x50]  }
0x5ef: {  	v14 =	vld [tilespmem:s8+$0x50]  }
0x5f0: {  	v15 =	vld [tilespmem:s20+$0x40]  }
0x5f1: {  	v16 =	vld [tilespmem:s8+$0x40]  }
0x5f2: {  	v17 =	vld [tilespmem:s20+$0x30]  }
0x5f3: {  	v18 =	vld [tilespmem:s8+$0x30]  }
0x5f4: {  	v19 =	vld [tilespmem:s20+$0x20]  }
0x5f5: {  	v20 =	vld [tilespmem:s8+$0x20]  }
0x5f6: {  	v21 =	vld [tilespmem:s20+$0x10]  }
0x5f7: {  	v22 =	vld [tilespmem:s8+$0x10]  }
0x5f8: {  	v23 =	vld [tilespmem:s20+$0x0]  }
0x5f9: {  	v24 =	vld [tilespmem:s8+$0x0]  }
0x5fa: {  	v25 =	vld [tilespmem:s20+$0xFFFFFFF0]  }
0x5fb: {  	v26 =	vld [tilespmem:s8+$0xFFFFFFF0]  }
0x5fc: {  	v27 =	vld [tilespmem:s20+$0xFFFFFFE0]  }
0x5fd: {  	v28 =	vld [tilespmem:s8+$0xFFFFFFE0]  }
0x5fe: {  	v29 =	vld [tilespmem:s20+$0xFFFFFFD0]  }
0x5ff: {  	v30 =	vld [tilespmem:s8+$0xFFFFFFD0]  }
0x600: {  	v31 =	vld [tilespmem:s20+$0xFFFFFFC0]  }
0x601: {  	v32 =	vld [tilespmem:s8+$0xFFFFFFC0]  }
0x602: {  	v33 =	vld [tilespmem:s20+$0xFFFFFF80]  }
0x603: {  	v34 =	vld [tilespmem:s8+$0xFFFFFF80]  }
0x604: {  	v35 =	vld [tilespmem:s20+$0xFFFFFF90]  }
0x605: {  	v36 =	vld [tilespmem:s8+$0xFFFFFF90]  }
0x606: {  	v37 =	vld [tilespmem:s20+$0xFFFFFFA0]  }
0x607: {  	v38 =	vld [tilespmem:s8+$0xFFFFFFA0]  }
0x608: {  	v39 =	vld [tilespmem:s20+$0xFFFFFFB0]  }
0x609: {  	v40 =	vld [tilespmem:s8+$0xFFFFFFB0]  }
0x60a: {  	v33 =	vld.idx.msk [tilespmem:v33+s3+$0x0], $0xffff  }
0x60b: {  	v3 =	vadd.f32 v4, v3;
	v4 =	vmul.f32 v8, v6;
	v6 =	vld.idx.msk [tilespmem:v34+s3+$0x0], $0xffff  }
0x60c: {  	v8 =	vld.idx.msk [tilespmem:v35+s3+$0x0], $0xffff  }
0x60d: {  	v3 =	vadd.f32 v4, v3;
	v4 =	vmul.f32 v9, v5;
	v5 =	vld.idx.msk [tilespmem:v36+s3+$0x0], $0xffff  }
0x60e: {  	v9 =	vld.idx.msk [tilespmem:v37+s3+$0x0], $0xffff  }
0x60f: {  	v3 =	vadd.f32 v4, v3;
	v4 =	vmul.f32 v10, v7;
	v7 =	vld.idx.msk [tilespmem:v38+s3+$0x0], $0xffff  }
0x610: {  	v10 =	vld.idx.msk [tilespmem:v39+s3+$0x0], $0xffff  }
0x611: {  	v3 =	vadd.f32 v4, v3;
	v31 =	vld.idx.msk [tilespmem:v31+s3+$0x0], $0xffff;
	v4 =	vmul.f32 v6, v33  }
0x612: {  	v6 =	vld.idx.msk [tilespmem:v40+s3+$0x0], $0xffff  }
0x613: {  	v23 =	vld.idx.msk [tilespmem:v23+s3+$0x0], $0xffff;
	v3 =	vadd.f32 v4, v3;
	v4 =	vmul.f32 v5, v8  }
0x614: {  	v5 =	vld.idx.msk [tilespmem:v32+s3+$0x0], $0xffff  }
0x615: {  	v8 =	vld.idx.msk [tilespmem:v29+s3+$0x0], $0xffff;
	v3 =	vadd.f32 v4, v3;
	v4 =	vmul.f32 v7, v9  }
0x616: {  	v7 =	vld.idx.msk [tilespmem:v30+s3+$0x0], $0xffff  }
0x617: {  	v9 =	vld.idx.msk [tilespmem:v27+s3+$0x0], $0xffff;
	v3 =	vadd.f32 v4, v3;
	v4 =	vmul.f32 v6, v10  }
0x618: {  	v6 =	vld.idx.msk [tilespmem:v28+s3+$0x0], $0xffff  }
0x619: {  	v10 =	vld.idx.msk [tilespmem:v25+s3+$0x0], $0xffff;
	v3 =	vadd.f32 v4, v3;
	v4 =	vmul.f32 v5, v31  }
0x61a: {  	v5 =	vld.idx.msk [tilespmem:v26+s3+$0x0], $0xffff  }
0x61b: {  	v15 =	vld.idx.msk [tilespmem:v15+s3+$0x0], $0xffff;
	v3 =	vadd.f32 v4, v3;
	v4 =	vmul.f32 v7, v8  }
0x61c: {  	v7 =	vld.idx.msk [tilespmem:v24+s3+$0x0], $0xffff  }
0x61d: {  	v8 =	vld.idx.msk [tilespmem:v21+s3+$0x0], $0xffff;
	v3 =	vadd.f32 v4, v3;
	v4 =	vmul.f32 v6, v9  }
0x61e: {  	v6 =	vld.idx.msk [tilespmem:v22+s3+$0x0], $0xffff  }
0x61f: {  	v9 =	vld.idx.msk [tilespmem:v19+s3+$0x0], $0xffff;
	v3 =	vadd.f32 v4, v3;
	v4 =	vmul.f32 v5, v10  }
0x620: {  	v5 =	vld.idx.msk [tilespmem:v20+s3+$0x0], $0xffff  }
0x621: {  	v10 =	vld.idx.msk [tilespmem:v17+s3+$0x0], $0xffff;
	v3 =	vadd.f32 v4, v3;
	v4 =	vmul.f32 v7, v23  }
0x622: {  	v7 =	vld.idx.msk [tilespmem:v18+s3+$0x0], $0xffff  }
0x623: {  	v16 =	vld.idx.msk [tilespmem:v16+s3+$0x0], $0xffff;
	v3 =	vadd.f32 v4, v3;
	v4 =	vmul.f32 v6, v8  }
0x624: {  	v6 =	vld.idx.msk [tilespmem:v13+s3+$0x0], $0xffff  }
0x625: {  	v8 =	vld.idx.msk [tilespmem:v14+s3+$0x0], $0xffff;
	v3 =	vadd.f32 v4, v3;
	v4 =	vmul.f32 v5, v9  }
0x626: {  	v5 =	vld.idx.msk [tilespmem:v11+s3+$0x0], $0xffff  }
0x627: {  	v9 =	vld.idx.msk [tilespmem:v12+s3+$0x0], $0xffff;
	v3 =	vadd.f32 v4, v3;
	v4 =	vmul.f32 v7, v10  }
0x628: {  	v7 =	vld.idx.msk [tilespmem:v1+s3+$0x0], $0xffff  }
0x629: {  	s18 =	simm.s32 $0x1A680;
	s9 =	simm.s32 $0x0;
	v10 =	vld.idx.msk [tilespmem:v2+s3+$0x0], $0xffff;
	v3 =	vadd.f32 v4, v3;
	v4 =	vmul.f32 v16, v15  }
.LBB2_34:
0x62a: {  	v2 =	vld [tilespmem:s18+$0x70];
	s8 =	sadd.s32 $0x100, s8  }
0x62b: {  	v6 =	vmul.f32 v8, v6;
	v1 =	vld [tilespmem:s8+$0x70];
	v11 =	vadd.f32 v4, v3  }
0x62c: {  	v4 =	vld [tilespmem:s18+$0x60]  }
0x62d: {  	v9 =	vmul.f32 v9, v5;
	v3 =	vld [tilespmem:s8+$0x60];
	v8 =	vadd.f32 v6, v11  }
0x62e: {  	v6 =	vld [tilespmem:s18+$0x50]  }
0x62f: {  	v7 =	vmul.f32 v10, v7;
	v5 =	vld [tilespmem:s8+$0x50];
	v8 =	vadd.f32 v9, v8  }
0x630: {  	v9 =	vld [tilespmem:s18+$0x40]  }
0x631: {  	v10 =	vld [tilespmem:s8+$0x40];
	v7 =	vadd.f32 v7, v8  }
0x632: {  	v8 =	vld [tilespmem:s18+$0x30]  }
0x633: {  	v11 =	vld [tilespmem:s8+$0x30]  }
0x634: {  	v12 =	vld [tilespmem:s18+$0x20]  }
0x635: {  	v13 =	vld [tilespmem:s8+$0x20]  }
0x636: {  	v14 =	vld [tilespmem:s18+$0x10]  }
0x637: {  	v15 =	vld [tilespmem:s8+$0x10]  }
0x638: {  	v16 =	vld [tilespmem:s18+$0x0]  }
0x639: {  	v17 =	vld [tilespmem:s8+$0x0]  }
0x63a: {  	v18 =	vld [tilespmem:s18+$0xFFFFFFF0]  }
0x63b: {  	v19 =	vld [tilespmem:s8+$0xFFFFFFF0]  }
0x63c: {  	v20 =	vld [tilespmem:s18+$0xFFFFFFE0]  }
0x63d: {  	v21 =	vld [tilespmem:s8+$0xFFFFFFE0]  }
0x63e: {  	v22 =	vld [tilespmem:s18+$0xFFFFFFD0]  }
0x63f: {  	v23 =	vld [tilespmem:s8+$0xFFFFFFD0]  }
0x640: {  	v24 =	vld [tilespmem:s18+$0xFFFFFFC0]  }
0x641: {  	v25 =	vld [tilespmem:s8+$0xFFFFFFC0]  }
0x642: {  	v26 =	vld [tilespmem:s18+$0xFFFFFF80]  }
0x643: {  	s9 =	sadd.s32 $0x100, s9;
	v27 =	vld [tilespmem:s8+$0xFFFFFF80]  }
0x644: {  	p2 =	slt.u32 s9, $0x1D00;
	v28 =	vld [tilespmem:s18+$0xFFFFFF90]  }
0x645: {  	v29 =	vld [tilespmem:s8+$0xFFFFFF90]  }
0x646: {  	v30 =	vld [tilespmem:s18+$0xFFFFFFA0]  }
0x647: {  	v31 =	vld [tilespmem:s8+$0xFFFFFFA0]  }
0x648: {  	v32 =	vld [tilespmem:s18+$0xFFFFFFB0]  }
0x649: {  	v33 =	vld [tilespmem:s8+$0xFFFFFFB0]  }
0x64a: {  	v26 =	vld.idx.msk [tilespmem:v26+s3+$0x0], $0xffff  }
0x64b: {  	v27 =	vld.idx.msk [tilespmem:v27+s3+$0x0], $0xffff  }
0x64c: {  	v28 =	vld.idx.msk [tilespmem:v28+s3+$0x0], $0xffff  }
0x64d: {  	v29 =	vld.idx.msk [tilespmem:v29+s3+$0x0], $0xffff  }
0x64e: {  	v30 =	vld.idx.msk [tilespmem:v30+s3+$0x0], $0xffff  }
0x64f: {  	v31 =	vld.idx.msk [tilespmem:v31+s3+$0x0], $0xffff  }
0x650: {  	v32 =	vld.idx.msk [tilespmem:v32+s3+$0x0], $0xffff  }
0x651: {  	v26 =	vmul.f32 v27, v26;
	v27 =	vld.idx.msk [tilespmem:v33+s3+$0x0], $0xffff  }
0x652: {  	v24 =	vld.idx.msk [tilespmem:v24+s3+$0x0], $0xffff  }
0x653: {  	v7 =	vadd.f32 v26, v7;
	v26 =	vmul.f32 v29, v28;
	v25 =	vld.idx.msk [tilespmem:v25+s3+$0x0], $0xffff  }
0x654: {  	v22 =	vld.idx.msk [tilespmem:v22+s3+$0x0], $0xffff  }
0x655: {  	v7 =	vadd.f32 v26, v7;
	v26 =	vmul.f32 v31, v30;
	v23 =	vld.idx.msk [tilespmem:v23+s3+$0x0], $0xffff  }
0x656: {  	v20 =	vld.idx.msk [tilespmem:v20+s3+$0x0], $0xffff  }
0x657: {  	v7 =	vadd.f32 v26, v7;
	v26 =	vmul.f32 v27, v32;
	v21 =	vld.idx.msk [tilespmem:v21+s3+$0x0], $0xffff  }
0x658: {  	v18 =	vld.idx.msk [tilespmem:v18+s3+$0x0], $0xffff  }
0x659: {  	v7 =	vadd.f32 v26, v7;
	v24 =	vmul.f32 v25, v24;
	v19 =	vld.idx.msk [tilespmem:v19+s3+$0x0], $0xffff  }
0x65a: {  	v16 =	vld.idx.msk [tilespmem:v16+s3+$0x0], $0xffff  }
0x65b: {  	v7 =	vadd.f32 v24, v7;
	v22 =	vmul.f32 v23, v22;
	v17 =	vld.idx.msk [tilespmem:v17+s3+$0x0], $0xffff  }
0x65c: {  	v14 =	vld.idx.msk [tilespmem:v14+s3+$0x0], $0xffff  }
0x65d: {  	v7 =	vadd.f32 v22, v7;
	v20 =	vmul.f32 v21, v20;
	v15 =	vld.idx.msk [tilespmem:v15+s3+$0x0], $0xffff  }
0x65e: {  	v12 =	vld.idx.msk [tilespmem:v12+s3+$0x0], $0xffff  }
0x65f: {  	v7 =	vadd.f32 v20, v7;
	v18 =	vmul.f32 v19, v18;
	v13 =	vld.idx.msk [tilespmem:v13+s3+$0x0], $0xffff  }
0x660: {  	v19 =	vld.idx.msk [tilespmem:v8+s3+$0x0], $0xffff  }
0x661: {  	v7 =	vadd.f32 v18, v7;
	v8 =	vmul.f32 v17, v16;
	v11 =	vld.idx.msk [tilespmem:v11+s3+$0x0], $0xffff  }
0x662: {  	v16 =	vld.idx.msk [tilespmem:v9+s3+$0x0], $0xffff  }
0x663: {  	v7 =	vadd.f32 v8, v7;
	v8 =	vmul.f32 v15, v14;
	v10 =	vld.idx.msk [tilespmem:v10+s3+$0x0], $0xffff  }
0x664: {  	v6 =	vld.idx.msk [tilespmem:v6+s3+$0x0], $0xffff  }
.Ltmp20:
0x665: {  	v7 =	vadd.f32 v8, v7;
	v9 =	vmul.f32 v13, v12;
	v8 =	vld.idx.msk [tilespmem:v5+s3+$0x0], $0xffff;
	(pc) =	sbr.rel @p2 .LBB2_34-.Ltmp20, $4  }
0x666: {  	v5 =	vld.idx.msk [tilespmem:v4+s3+$0x0], $0xffff  }
0x667: {  	v4 =	vadd.f32 v9, v7;
	v11 =	vmul.f32 v11, v19;
	v9 =	vld.idx.msk [tilespmem:v3+s3+$0x0], $0xffff  }
0x668: {  	v7 =	vld.idx.msk [tilespmem:v2+s3+$0x0], $0xffff  }
0x669: {  	s18 =	sadd.s32 $0x100, s18;
	v3 =	vadd.f32 v11, v4;
	v4 =	vmul.f32 v10, v16;
	v10 =	vld.idx.msk [tilespmem:v1+s3+$0x0], $0xffff  }
0x66a: {  	_ = 	snop  }
0x66b: {  	v2 =	vmul.f32 v8, v6;
	v1 =	vadd.f32 v4, v3  }
0x66c: {  	s7 =	sadd.s32 $0x1, s7  }
0x66d: {  	p2 =	sne.s32 s7, $0x1A;
	v1 =	vadd.f32 v2, v1;
	v2 =	vmul.f32 v9, v5  }
.Ltmp21:
0x66e: {  	_ = 	snop;
	(pc) =	sbr.rel @p2 .LBB2_31-.Ltmp21, $2  }
0x66f: {  	v1 =	vadd.f32 v2, v1;
	v2 =	vmul.f32 v10, v7;
	_ =	sdelay $0x1  }
0x670: {  	v1 =	vadd.f32 v2, v1;
	_ =	sdelay $0x1  }
.Ltmp22:
0x671: {  	(pc) =	sbr.rel @p5 .LBB2_40-.Ltmp22, $1  }
0x672: {  	_ =	sdelay $0x3  }
0x673: {  	s7 =	rddreg [dreg:$0x7]  }
0x674: {  	[tilespmem:s28], [sflag:$0x1] =	stream.strided.gather [hbm4b:s7+s25], $0x1400, s26, s25, $0x38;
	[tilespmem:$0x1FF80] =	vst v63  }
0x675: {  	s20 =	rddreg [dreg:$0x8]  }
0x676: {  	[tilespmem:s29], [sflag:$0x3] =	stream.strided.gather [hbm4b:s20+s25], $0x1400, s26, s25, $0x38;
	[tilespmem:$0x1FF80] =	vst v63  }
0x677: {  	_ =	swait.ge [sflag:s0], $0x1400  }
0x678: {  	[sflag:s0] =	ssyncset.done $0x0  }
0x679: {  	[sflag:s0] =	ssyncadd.s32 $0xFFFFEC00  }
0x67a: {  	_ =	swait.ge [sflag:s2], $0x1400  }
0x67b: {  	[sflag:s2] =	ssyncset.done $0x0  }
0x67c: {  	s8 =	simm.s32 $0x18780;
	[sflag:s2] =	ssyncadd.s32 $0xFFFFEC00  }
0x67d: {  	s7 =	simm.s32 $0x1C380;
	v2 =	vld [tilespmem:s8+$0x70]  }
0x67e: {  	v10 =	vld [tilespmem:s7+$0x70]  }
0x67f: {  	v3 =	vld [tilespmem:s8+$0x60]  }
0x680: {  	v4 =	vld [tilespmem:s7+$0x60]  }
0x681: {  	v5 =	vld [tilespmem:s8+$0x50]  }
0x682: {  	v7 =	vld [tilespmem:s7+$0x50]  }
0x683: {  	v6 =	vld [tilespmem:s8+$0x40]  }
0x684: {  	v8 =	vld [tilespmem:s7+$0x40]  }
0x685: {  	v9 =	vld [tilespmem:s8+$0x30]  }
0x686: {  	v11 =	vld [tilespmem:s7+$0x30]  }
0x687: {  	v12 =	vld [tilespmem:s8+$0x20]  }
0x688: {  	v13 =	vld [tilespmem:s7+$0x20]  }
0x689: {  	v14 =	vld [tilespmem:s8+$0x10]  }
0x68a: {  	v15 =	vld [tilespmem:s7+$0x10]  }
0x68b: {  	v16 =	vld [tilespmem:s8+$0x0]  }
0x68c: {  	v17 =	vld [tilespmem:s7+$0x0]  }
0x68d: {  	v18 =	vld [tilespmem:s8+$0xFFFFFFF0]  }
0x68e: {  	v19 =	vld [tilespmem:s7+$0xFFFFFFF0]  }
0x68f: {  	v20 =	vld [tilespmem:s8+$0xFFFFFFE0]  }
0x690: {  	v21 =	vld [tilespmem:s7+$0xFFFFFFE0]  }
0x691: {  	v22 =	vld [tilespmem:s8+$0xFFFFFFD0]  }
0x692: {  	v23 =	vld [tilespmem:s7+$0xFFFFFFD0]  }
0x693: {  	v24 =	vld [tilespmem:s8+$0xFFFFFFC0]  }
0x694: {  	v25 =	vld [tilespmem:s7+$0xFFFFFFC0]  }
0x695: {  	v26 =	vld [tilespmem:s8+$0xFFFFFF80]  }
0x696: {  	v27 =	vld [tilespmem:s7+$0xFFFFFF80]  }
0x697: {  	v28 =	vld [tilespmem:s8+$0xFFFFFF90]  }
0x698: {  	v29 =	vld [tilespmem:s7+$0xFFFFFF90]  }
0x699: {  	v30 =	vld [tilespmem:s8+$0xFFFFFFA0]  }
0x69a: {  	v31 =	vld [tilespmem:s7+$0xFFFFFFA0]  }
0x69b: {  	v32 =	vld [tilespmem:s8+$0xFFFFFFB0]  }
0x69c: {  	v33 =	vld [tilespmem:s7+$0xFFFFFFB0]  }
0x69d: {  	v26 =	vld.idx.msk [tilespmem:v26+s3+$0x0], $0xffff  }
0x69e: {  	v27 =	vld.idx.msk [tilespmem:v27+s3+$0x0], $0xffff  }
0x69f: {  	v28 =	vld.idx.msk [tilespmem:v28+s3+$0x0], $0xffff  }
0x6a0: {  	v29 =	vld.idx.msk [tilespmem:v29+s3+$0x0], $0xffff  }
0x6a1: {  	v30 =	vld.idx.msk [tilespmem:v30+s3+$0x0], $0xffff  }
0x6a2: {  	v31 =	vld.idx.msk [tilespmem:v31+s3+$0x0], $0xffff  }
0x6a3: {  	v32 =	vld.idx.msk [tilespmem:v32+s3+$0x0], $0xffff  }
0x6a4: {  	v58 =	vld.idx.msk [tilespmem:v33+s3+$0x0], $0xffff;
	v26 =	vmul.f32 v27, v26  }
0x6a5: {  	v24 =	vld.idx.msk [tilespmem:v24+s3+$0x0], $0xffff  }
0x6a6: {  	v25 =	vld.idx.msk [tilespmem:v25+s3+$0x0], $0xffff;
	v59 =	vmul.f32 v29, v28;
	v1 =	vadd.f32 v26, v1  }
0x6a7: {  	v22 =	vld.idx.msk [tilespmem:v22+s3+$0x0], $0xffff  }
0x6a8: {  	v23 =	vld.idx.msk [tilespmem:v23+s3+$0x0], $0xffff;
	v60 =	vmul.f32 v31, v30;
	v1 =	vadd.f32 v59, v1  }
0x6a9: {  	v20 =	vld.idx.msk [tilespmem:v20+s3+$0x0], $0xffff  }
0x6aa: {  	v21 =	vld.idx.msk [tilespmem:v21+s3+$0x0], $0xffff;
	v61 =	vmul.f32 v58, v32;
	v1 =	vadd.f32 v60, v1  }
0x6ab: {  	v18 =	vld.idx.msk [tilespmem:v18+s3+$0x0], $0xffff  }
0x6ac: {  	v19 =	vld.idx.msk [tilespmem:v19+s3+$0x0], $0xffff;
	v24 =	vmul.f32 v25, v24;
	v1 =	vadd.f32 v61, v1  }
0x6ad: {  	v16 =	vld.idx.msk [tilespmem:v16+s3+$0x0], $0xffff  }
0x6ae: {  	v17 =	vld.idx.msk [tilespmem:v17+s3+$0x0], $0xffff;
	v22 =	vmul.f32 v23, v22;
	v1 =	vadd.f32 v24, v1  }
0x6af: {  	v14 =	vld.idx.msk [tilespmem:v14+s3+$0x0], $0xffff  }
0x6b0: {  	v15 =	vld.idx.msk [tilespmem:v15+s3+$0x0], $0xffff;
	v20 =	vmul.f32 v21, v20;
	v1 =	vadd.f32 v22, v1  }
0x6b1: {  	v12 =	vld.idx.msk [tilespmem:v12+s3+$0x0], $0xffff  }
0x6b2: {  	v13 =	vld.idx.msk [tilespmem:v13+s3+$0x0], $0xffff;
	v18 =	vmul.f32 v19, v18;
	v1 =	vadd.f32 v20, v1  }
0x6b3: {  	v9 =	vld.idx.msk [tilespmem:v9+s3+$0x0], $0xffff  }
0x6b4: {  	v11 =	vld.idx.msk [tilespmem:v11+s3+$0x0], $0xffff;
	v16 =	vmul.f32 v17, v16;
	v1 =	vadd.f32 v18, v1  }
0x6b5: {  	v62 =	vld.idx.msk [tilespmem:v6+s3+$0x0], $0xffff  }
0x6b6: {  	v63 =	vld.idx.msk [tilespmem:v8+s3+$0x0], $0xffff;
	v14 =	vmul.f32 v15, v14;
	v1 =	vadd.f32 v16, v1  }
0x6b7: {  	v6 =	vld.idx.msk [tilespmem:v5+s3+$0x0], $0xffff  }
0x6b8: {  	v8 =	vld.idx.msk [tilespmem:v7+s3+$0x0], $0xffff;
	v12 =	vmul.f32 v13, v12;
	v1 =	vadd.f32 v14, v1  }
0x6b9: {  	v5 =	vld.idx.msk [tilespmem:v3+s3+$0x0], $0xffff  }
0x6ba: {  	v7 =	vld.idx.msk [tilespmem:v2+s3+$0x0], $0xffff;
	v3 =	vmul.f32 v11, v9;
	v1 =	vadd.f32 v12, v1  }
0x6bb: {  	v9 =	vld.idx.msk [tilespmem:v4+s3+$0x0], $0xffff  }
0x6bc: {  	s9 =	simm.s32 $0x18880;
	s8 =	simm.s32 $0x0;
	v10 =	vld.idx.msk [tilespmem:v10+s3+$0x0], $0xffff;
	v4 =	vmul.f32 v63, v62;
	v3 =	vadd.f32 v3, v1  }
.LBB2_38:
0x6bd: {  	v2 =	vld [tilespmem:s9+$0x70];
	s7 =	sadd.s32 $0x100, s7  }
0x6be: {  	v6 =	vmul.f32 v8, v6;
	v1 =	vld [tilespmem:s7+$0x70];
	v11 =	vadd.f32 v4, v3  }
0x6bf: {  	v4 =	vld [tilespmem:s9+$0x60]  }
0x6c0: {  	v9 =	vmul.f32 v9, v5;
	v3 =	vld [tilespmem:s7+$0x60];
	v8 =	vadd.f32 v6, v11  }
0x6c1: {  	v6 =	vld [tilespmem:s9+$0x50]  }
0x6c2: {  	v7 =	vmul.f32 v10, v7;
	v5 =	vld [tilespmem:s7+$0x50];
	v8 =	vadd.f32 v9, v8  }
0x6c3: {  	v9 =	vld [tilespmem:s9+$0x40]  }
0x6c4: {  	v10 =	vld [tilespmem:s7+$0x40];
	v7 =	vadd.f32 v7, v8  }
0x6c5: {  	v8 =	vld [tilespmem:s9+$0x30]  }
0x6c6: {  	v11 =	vld [tilespmem:s7+$0x30]  }
0x6c7: {  	v12 =	vld [tilespmem:s9+$0x20]  }
0x6c8: {  	v13 =	vld [tilespmem:s7+$0x20]  }
0x6c9: {  	v14 =	vld [tilespmem:s9+$0x10]  }
0x6ca: {  	v15 =	vld [tilespmem:s7+$0x10]  }
0x6cb: {  	v16 =	vld [tilespmem:s9+$0x0]  }
0x6cc: {  	v17 =	vld [tilespmem:s7+$0x0]  }
0x6cd: {  	v18 =	vld [tilespmem:s9+$0xFFFFFFF0]  }
0x6ce: {  	v19 =	vld [tilespmem:s7+$0xFFFFFFF0]  }
0x6cf: {  	v20 =	vld [tilespmem:s9+$0xFFFFFFE0]  }
0x6d0: {  	v21 =	vld [tilespmem:s7+$0xFFFFFFE0]  }
0x6d1: {  	v22 =	vld [tilespmem:s9+$0xFFFFFFD0]  }
0x6d2: {  	v23 =	vld [tilespmem:s7+$0xFFFFFFD0]  }
0x6d3: {  	v24 =	vld [tilespmem:s9+$0xFFFFFFC0]  }
0x6d4: {  	v25 =	vld [tilespmem:s7+$0xFFFFFFC0]  }
0x6d5: {  	v26 =	vld [tilespmem:s9+$0xFFFFFF80]  }
0x6d6: {  	s8 =	sadd.s32 $0x100, s8;
	v27 =	vld [tilespmem:s7+$0xFFFFFF80]  }
0x6d7: {  	p2 =	slt.u32 s8, $0x1300;
	v28 =	vld [tilespmem:s9+$0xFFFFFF90]  }
0x6d8: {  	v29 =	vld [tilespmem:s7+$0xFFFFFF90]  }
0x6d9: {  	v30 =	vld [tilespmem:s9+$0xFFFFFFA0]  }
0x6da: {  	v31 =	vld [tilespmem:s7+$0xFFFFFFA0]  }
0x6db: {  	v32 =	vld [tilespmem:s9+$0xFFFFFFB0]  }
0x6dc: {  	v33 =	vld [tilespmem:s7+$0xFFFFFFB0]  }
0x6dd: {  	v26 =	vld.idx.msk [tilespmem:v26+s3+$0x0], $0xffff  }
0x6de: {  	v27 =	vld.idx.msk [tilespmem:v27+s3+$0x0], $0xffff  }
0x6df: {  	v28 =	vld.idx.msk [tilespmem:v28+s3+$0x0], $0xffff  }
0x6e0: {  	v29 =	vld.idx.msk [tilespmem:v29+s3+$0x0], $0xffff  }
0x6e1: {  	v30 =	vld.idx.msk [tilespmem:v30+s3+$0x0], $0xffff  }
0x6e2: {  	v31 =	vld.idx.msk [tilespmem:v31+s3+$0x0], $0xffff  }
0x6e3: {  	v32 =	vld.idx.msk [tilespmem:v32+s3+$0x0], $0xffff  }
0x6e4: {  	v26 =	vmul.f32 v27, v26;
	v27 =	vld.idx.msk [tilespmem:v33+s3+$0x0], $0xffff  }
0x6e5: {  	v24 =	vld.idx.msk [tilespmem:v24+s3+$0x0], $0xffff  }
0x6e6: {  	v7 =	vadd.f32 v26, v7;
	v26 =	vmul.f32 v29, v28;
	v25 =	vld.idx.msk [tilespmem:v25+s3+$0x0], $0xffff  }
0x6e7: {  	v22 =	vld.idx.msk [tilespmem:v22+s3+$0x0], $0xffff  }
0x6e8: {  	v7 =	vadd.f32 v26, v7;
	v26 =	vmul.f32 v31, v30;
	v23 =	vld.idx.msk [tilespmem:v23+s3+$0x0], $0xffff  }
0x6e9: {  	v20 =	vld.idx.msk [tilespmem:v20+s3+$0x0], $0xffff  }
0x6ea: {  	v7 =	vadd.f32 v26, v7;
	v26 =	vmul.f32 v27, v32;
	v21 =	vld.idx.msk [tilespmem:v21+s3+$0x0], $0xffff  }
0x6eb: {  	v18 =	vld.idx.msk [tilespmem:v18+s3+$0x0], $0xffff  }
0x6ec: {  	v7 =	vadd.f32 v26, v7;
	v24 =	vmul.f32 v25, v24;
	v19 =	vld.idx.msk [tilespmem:v19+s3+$0x0], $0xffff  }
0x6ed: {  	v16 =	vld.idx.msk [tilespmem:v16+s3+$0x0], $0xffff  }
0x6ee: {  	v7 =	vadd.f32 v24, v7;
	v22 =	vmul.f32 v23, v22;
	v17 =	vld.idx.msk [tilespmem:v17+s3+$0x0], $0xffff  }
0x6ef: {  	v14 =	vld.idx.msk [tilespmem:v14+s3+$0x0], $0xffff  }
0x6f0: {  	v7 =	vadd.f32 v22, v7;
	v20 =	vmul.f32 v21, v20;
	v15 =	vld.idx.msk [tilespmem:v15+s3+$0x0], $0xffff  }
0x6f1: {  	v12 =	vld.idx.msk [tilespmem:v12+s3+$0x0], $0xffff  }
0x6f2: {  	v7 =	vadd.f32 v20, v7;
	v18 =	vmul.f32 v19, v18;
	v13 =	vld.idx.msk [tilespmem:v13+s3+$0x0], $0xffff  }
0x6f3: {  	v19 =	vld.idx.msk [tilespmem:v8+s3+$0x0], $0xffff  }
0x6f4: {  	v7 =	vadd.f32 v18, v7;
	v8 =	vmul.f32 v17, v16;
	v11 =	vld.idx.msk [tilespmem:v11+s3+$0x0], $0xffff  }
0x6f5: {  	v16 =	vld.idx.msk [tilespmem:v9+s3+$0x0], $0xffff  }
0x6f6: {  	v7 =	vadd.f32 v8, v7;
	v8 =	vmul.f32 v15, v14;
	v10 =	vld.idx.msk [tilespmem:v10+s3+$0x0], $0xffff  }
0x6f7: {  	v6 =	vld.idx.msk [tilespmem:v6+s3+$0x0], $0xffff  }
.Ltmp23:
0x6f8: {  	v7 =	vadd.f32 v8, v7;
	v9 =	vmul.f32 v13, v12;
	v8 =	vld.idx.msk [tilespmem:v5+s3+$0x0], $0xffff;
	(pc) =	sbr.rel @p2 .LBB2_38-.Ltmp23, $4  }
0x6f9: {  	v5 =	vld.idx.msk [tilespmem:v4+s3+$0x0], $0xffff  }
0x6fa: {  	v4 =	vadd.f32 v9, v7;
	v11 =	vmul.f32 v11, v19;
	v9 =	vld.idx.msk [tilespmem:v3+s3+$0x0], $0xffff  }
0x6fb: {  	v7 =	vld.idx.msk [tilespmem:v2+s3+$0x0], $0xffff  }
0x6fc: {  	s9 =	sadd.s32 $0x100, s9;
	v3 =	vadd.f32 v11, v4;
	v4 =	vmul.f32 v10, v16;
	v10 =	vld.idx.msk [tilespmem:v1+s3+$0x0], $0xffff  }
0x6fd: {  	_ = 	snop  }
0x6fe: {  	v2 =	vmul.f32 v8, v6;
	v1 =	vadd.f32 v4, v3;
	_ =	sdelay $0x1  }
0x6ff: {  	v1 =	vadd.f32 v2, v1;
	v2 =	vmul.f32 v9, v5  }
.Ltmp24:
0x700: {  	_ = 	snop;
	(pc) =	sbr.rel .LBB2_40-.Ltmp24, $2  }
0x701: {  	v1 =	vadd.f32 v2, v1;
	v2 =	vmul.f32 v10, v7;
	_ =	sdelay $0x1  }
0x702: {  	v1 =	vadd.f32 v2, v1;
	_ =	sdelay $0x1  }
.LBB2_42:
0x703: {  	_ =	sfence.sel $0x180000  }
0x704: {  	[bflag:$0x0] =	sbarrier.arrive $0xFFFF  }
0x705: {  	_ =	strace $0x90000047  }
0x706: {  	s0 =	stileid.u32;
	[bflag:$0x2] =	sbarrier.arrive $0xFFFF  }
0x707: {  	p0 =	sne.s32 s0, $0x0;
	s0 =	rddreg [dreg:$0x2]  }
0x708: {  	s0 =	sadd.s32 @!p0 $0x100000, s0  }
0x709: {  	[sflag:s0] =	ssyncadd.tile.s32 @!p0 $0x1;
	_ =	shalt  }
.Lfunc_end2:
_tile_overlayer_lowered:
.L_overlay_start_2:
0x70a: {  	(tag) =	ssettag $0x2  }
0x70b: {  	s0 =	rddreg [dreg:$0x0];
	s2 =	stileid.u32  }
0x70c: {  	s1 =	rddreg [dreg:$0x1];
	p0 =	sne.s32 s2, $0x0  }
0x70d: {  	s3 =	rddreg [dreg:$0x2];
	[bflag:$0x3] =	sbarrier.arrive $0xFFFF;
	s2 =	simm.s32 @!p0 $0x1C05  }
0x70e: {  	[timem:s3], [sflag:s2] =	dma.local @!p0 [hbm:s0], s1  }
0x70f: {  	s0 =	simm.s32 @!p0 $0x5  }
0x710: {  	_ =	swait.ge @!p0 [sflag:s0], s1  }
0x711: {  	s1 =	ssub.s32 @!p0 $0x0, s1;
	[sflag:s0] =	ssyncset.done @!p0 $0x0  }
0x712: {  	[sflag:s0] =	ssyncadd.s32 @!p0 s1  }
0x713: {  	[bflag:$0x3] =	sbarrier.arrive $0xFFFF  }
0x714: {  	_ =	shalt  }

</sc_bundles>
